<compile_context>
chip_gen: v7x
topology: tpu7x:2x2x1
jax: 0.10.2.dev20260603
libtpu: 0.0.44.dev20260713+nightly
codegen_flags: <defaults>
</compile_context>

<pallas_src>
import functools

import jax
import jax.numpy as jnp
from jax import lax
from jax.experimental import pallas as pl
from jax.experimental.pallas import tpu as pltpu
from jax.experimental.pallas import tpu_sc as plsc

NUM_SEG = 33
F = 128
NV = F // 16
N = 100000
NC, NS, L = 1, 16, 16
NW = NC * NS

N_SC = 36000
BR = 2000
NB_TC = (N - N_SC) // BR
TC_OFF = N_SC // BR

NSML = (N_SC // NW) & ~7
BIGW = (N_SC - NW * NSML) // 8
NBIG = NSML + 8
CH = 448
NCH = -(-NBIG // CH)
ACC = NUM_SEG * F


def _sc_body(emb_hbm, dep_hbm, sums_hbm, maxs_hbm, cnts_hbm,
             dep_v, buf0, buf1, sum_v, max_v, cnt_v, bnd_s, sem0, sem1):
    wid = lax.axis_index("s") * NC + lax.axis_index("c")
    is_big = wid < BIGW
    n_loc = jnp.where(is_big, NBIG, NSML)
    start = jnp.where(is_big, wid * NBIG, BIGW * NBIG + (wid - BIGW) * NSML)

    @pl.when(is_big)
    def _():
        pltpu.sync_copy(dep_hbm.at[pl.ds(start, NBIG)], dep_v.at[pl.ds(0, NBIG)])

    @pl.when(jnp.logical_not(is_big))
    def _():
        pltpu.sync_copy(dep_hbm.at[pl.ds(start, NSML)], dep_v.at[pl.ds(0, NSML)])

    zeros = jnp.zeros((L,), jnp.float32)
    ninf = jnp.full((L,), -jnp.inf, jnp.float32)

    def _bnd(d, c):
        def _step(_, lohi):
            lo, hi = lohi
            mid = lax.shift_right_logical(lo + hi, 1)
            v = dep_v[pl.ds(mid, L)][0]
            act = lo < hi
            p = act & (v < d)
            return (jnp.where(p, mid + 1, lo),
                    jnp.where(act & jnp.logical_not(p), mid, hi))
        lo, _ = lax.fori_loop(0, 12, _step, (0, n_loc))
        bnd_s[d] = lo
        return c

    lax.fori_loop(0, NUM_SEG + 1, _bnd, 0)

    def _cnt(d, c):
        cw = (bnd_s[d + 1] - bnd_s[d]).astype(jnp.float32)
        cnt_v[pl.ds(d * L, L)] = jnp.full((L,), cw, jnp.float32)
        return c

    lax.fori_loop(0, NUM_SEG, _cnt, 0)

    def _init(i, c):
        sum_v[pl.ds(i * L, L)] = zeros
        max_v[pl.ds(i * L, L)] = ninf
        return c

    lax.fori_loop(0, ACC // L, _init, 0)

    bufs = (buf0, buf1)
    sems = (sem0, sem1)

    def _mk_copy(k):
        o_k = start + (k * CH if k < NCH - 1 else n_loc - CH)
        return pltpu.make_async_copy(
            emb_hbm.at[pl.ds(o_k, CH)], bufs[k % 2], sems[k % 2])

    _mk_copy(0).start()
    for k in range(NCH):
        if k + 1 < NCH:
            _mk_copy(k + 1).start()
        _mk_copy(k).wait()
        buf = bufs[k % 2]

        if k < NCH - 1:
            base_l = k * CH
            p_lo = k * CH
            p_hi = (k + 1) * CH
        else:
            base_l = n_loc - CH
            p_lo = (NCH - 1) * CH
            p_hi = n_loc

        d_first = dep_v[pl.ds(p_lo, L)][0]
        d_last = dep_v[pl.ds(p_hi - 1, L)][0]

        def _seg(d, c, base_l=base_l, p_lo=p_lo, p_hi=p_hi, buf=buf):
            lo = jnp.maximum(bnd_s[d], p_lo) - base_l
            hi = jnp.minimum(bnd_s[d + 1], p_hi) - base_l

            def _row(r, carry):
                vs = [buf[r, pl.ds(j * L, L)] for j in range(NV)]
                return tuple(
                    [carry[j] + vs[j] for j in range(NV)]
                    + [jnp.maximum(carry[NV + j], vs[j]) for j in range(NV)])

            carry = lax.fori_loop(lo, hi, _row, (zeros,) * NV + (ninf,) * NV)

            @pl.when(hi > lo)
            def _merge():
                a = d * F
                for j in range(NV):
                    off = a + j * L
                    sum_v[pl.ds(off, L)] = sum_v[pl.ds(off, L)] + carry[j]
                    max_v[pl.ds(off, L)] = jnp.maximum(
                        max_v[pl.ds(off, L)], carry[NV + j])
            return c

        lax.fori_loop(d_first, d_last + 1, _seg, 0)

    c1 = pltpu.make_async_copy(sum_v, sums_hbm.at[wid], sem0)
    c2 = pltpu.make_async_copy(max_v, maxs_hbm.at[wid], sem0)
    c3 = pltpu.make_async_copy(cnt_v, cnts_hbm.at[wid], sem0)
    c1.start()
    c2.start()
    c3.start()
    c1.wait()
    c2.wait()
    c3.wait()


def _tc_body(depths_ref, emb_ref, sum_o, max_o, cnt_o, sum_s, max_s, cnt_s,
             *, num_blocks):
    i = pl.program_id(0)

    @pl.when(i == 0)
    def _init():
        sum_s[...] = jnp.zeros_like(sum_s)
        cnt_s[...] = jnp.zeros_like(cnt_s)
        max_s[...] = jnp.full_like(max_s, -jnp.inf)

    d = depths_ref[0, 0, :]
    emb = emb_ref[...]

    seg_ids = lax.broadcasted_iota(jnp.int32, (BR, NUM_SEG), 1)
    oh = (d[:, None] == seg_ids).astype(jnp.float32)

    dims = (((0,), (0,)), ((), ()))
    sum_s[...] += lax.dot_general(oh, emb, dims,
                                  preferred_element_type=jnp.float32)
    cnt_s[...] += jnp.sum(oh, axis=0)[:, None]

    dmin = jnp.min(d)
    dmax = jnp.max(d)
    for s in range(NUM_SEG):
        @pl.when((dmin <= s) & (s <= dmax))
        def _seg_max():
            mask = jnp.where(d == s, 0.0, -jnp.inf)[:, None]
            blk = jnp.max(emb + mask, axis=0)
            max_s[s, :] = jnp.maximum(max_s[s, :], blk)

    @pl.when(i == num_blocks - 1)
    def _finish():
        sum_o[...] = sum_s[...]
        max_o[...] = max_s[...]
        cnt_o[...] = cnt_s[...]


def _merge_body(sums_ref, maxs_ref, cnts_ref, tsum_ref, tmax_ref, tcnt_ref,
                out_ref):
    s = jnp.sum(sums_ref[...], axis=0) + tsum_ref[...]
    m = jnp.maximum(jnp.max(maxs_ref[...], axis=0), tmax_ref[...])
    c = jnp.sum(cnts_ref[...], axis=0)[:, :1] + tcnt_ref[...]
    mean = s / jnp.maximum(c, 1.0)
    ne = c > 0.0
    out_ref[:, :F] = jnp.where(ne, mean, 0.0)
    out_ref[:, F:] = jnp.where(ne, m, 0.0)


def kernel(node_embeddings, node_depths, max_depth):
    dep = jnp.minimum(node_depths, max_depth).astype(jnp.int32)

    mesh = plsc.VectorSubcoreMesh(core_axis_name="c", subcore_axis_name="s",
                                  num_cores=NC)
    sums, maxs, cnts = pl.kernel(
        _sc_body,
        out_type=(
            jax.ShapeDtypeStruct((NW, ACC), jnp.float32),
            jax.ShapeDtypeStruct((NW, ACC), jnp.float32),
            jax.ShapeDtypeStruct((NW, NUM_SEG * L), jnp.float32),
        ),
        mesh=mesh,
        scratch_types=[
            pltpu.VMEM((NBIG + L,), jnp.int32),
            pltpu.VMEM((CH, F), jnp.float32),
            pltpu.VMEM((CH, F), jnp.float32),
            pltpu.VMEM((ACC,), jnp.float32),
            pltpu.VMEM((ACC,), jnp.float32),
            pltpu.VMEM((NUM_SEG * L,), jnp.float32),
            pltpu.SMEM((NUM_SEG + 1,), jnp.int32),
            pltpu.SemaphoreType.DMA,
            pltpu.SemaphoreType.DMA,
        ],
    )(node_embeddings, dep)

    dep3 = dep.reshape(N // BR, 1, BR)
    tsum, tmax, tcnt = pl.pallas_call(
        functools.partial(_tc_body, num_blocks=NB_TC),
        grid=(NB_TC,),
        in_specs=[
            pl.BlockSpec((1, 1, BR), lambda i: (i + TC_OFF, 0, 0)),
            pl.BlockSpec((BR, F), lambda i: (i + TC_OFF, 0)),
        ],
        out_specs=[
            pl.BlockSpec((NUM_SEG, F), lambda i: (0, 0)),
            pl.BlockSpec((NUM_SEG, F), lambda i: (0, 0)),
            pl.BlockSpec((NUM_SEG, 1), lambda i: (0, 0)),
        ],
        out_shape=[
            jax.ShapeDtypeStruct((NUM_SEG, F), jnp.float32),
            jax.ShapeDtypeStruct((NUM_SEG, F), jnp.float32),
            jax.ShapeDtypeStruct((NUM_SEG, 1), jnp.float32),
        ],
        scratch_shapes=[
            pltpu.VMEM((NUM_SEG, F), jnp.float32),
            pltpu.VMEM((NUM_SEG, F), jnp.float32),
            pltpu.VMEM((NUM_SEG, 1), jnp.float32),
        ],
    )(dep3, node_embeddings)

    out = pl.pallas_call(
        _merge_body,
        out_shape=jax.ShapeDtypeStruct((NUM_SEG, 2 * F), jnp.float32),
    )(
        sums.reshape(NW, NUM_SEG, F),
        maxs.reshape(NW, NUM_SEG, F),
        cnts.reshape(NW, NUM_SEG, L),
        tsum, tmax, tcnt,
    )
    return out

# --- scband reference (transcript-rebuilt; emitter-appended) ---
"""Pipeline reference for scband-level-wise-node-pooling-86672440033784 (READ-ONLY COPY).

The authoritative reference and input builder live on the scoring server;
editing this copy changes nothing except your own understanding.
"""

import jax, jax.numpy as jnp
import numpy as np


def setup_inputs(seed: int = 0) -> dict:
    key = jax.random.key(seed)
    k1, k2 = jax.random.split(key)
    node_embeddings = jax.random.normal(k1, (100000, 128), dtype=jnp.float32)
    node_depths = jnp.sort(jax.random.randint(k2, (100000,), 0, 33, dtype=jnp.int64))
    max_depth = 32
    return {"node_embeddings": node_embeddings, "node_depths": node_depths, "max_depth": max_depth}


def reference(node_embeddings, node_depths, max_depth):
    num_segments = 33
    node_depths = jnp.minimum(node_depths, max_depth)
    ones = jnp.ones((node_embeddings.shape[0],), dtype=node_embeddings.dtype)
    counts = jax.ops.segment_sum(ones, node_depths, num_segments=num_segments)
    sums = jax.ops.segment_sum(node_embeddings, node_depths, num_segments=num_segments)
    safe_counts = jnp.maximum(counts, 1.0)
    mean_pool = sums / safe_counts[:, None]
    max_pool = jax.ops.segment_max(node_embeddings, node_depths, num_segments=num_segments)
    nonempty = (counts > 0)[:, None]
    mean_pool = jnp.where(nonempty, mean_pool, 0.0)
    max_pool = jnp.where(nonempty, max_pool, 0.0)
    level_embeddings = jnp.concatenate([mean_pool, max_pool], axis=1)
    return level_embeddings

if __name__ == "__main__":
    import jax
    _d = setup_inputs()
    print(jax.jit(kernel)(*tuple(_d.values())))

</pallas_src>

<mosaic_0001>
#map = affine_map<(d0, d1) -> (0, 0)>
#map1 = affine_map<(d0, d1) -> (0)>
module attributes {stable_mosaic.version = 14 : i64} {
  func.func @_sc_body(%arg0: i32, %arg1: i32, %arg2: memref<100000x128xf32, #tpu.memory_space<hbm>>, %arg3: memref<100000xi32, #tpu.memory_space<hbm>>, %arg4: memref<16x4224xf32, #tpu.memory_space<hbm>>, %arg5: memref<16x4224xf32, #tpu.memory_space<hbm>>, %arg6: memref<16x528xf32, #tpu.memory_space<hbm>>, %arg7: memref<2272xi32, #tpu.memory_space<vmem>>, %arg8: memref<448x128xf32, #tpu.memory_space<vmem>>, %arg9: memref<448x128xf32, #tpu.memory_space<vmem>>, %arg10: memref<4224xf32, #tpu.memory_space<vmem>>, %arg11: memref<4224xf32, #tpu.memory_space<vmem>>, %arg12: memref<528xf32, #tpu.memory_space<vmem>>, %arg13: memref<34xi32, #tpu.memory_space<smem>>, %arg14: memref<!tpu.dma_semaphore, #tpu.memory_space<semaphore_mem>>, %arg15: memref<!tpu.dma_semaphore, #tpu.memory_space<semaphore_mem>>) attributes {dimension_semantics = [#tpu.dimension_semantics<core_parallel>, #tpu.dimension_semantics<subcore_parallel>], iteration_bounds = array<i64: 1, 16>, scalar_prefetch = 0 : i64, scratch_operands = 9 : i64, tpu.core_type = #tpu.core_type<sc_vector_subcore>, window_params = [{transform_indices = #map}, {transform_indices = #map1}, {transform_indices = #map}, {transform_indices = #map}, {transform_indices = #map}]} {
    %mul3A = arith.constant 1 : i32
    %mul3A_0 = arith.muli %arg1, %mul3A : i32
    %add3A = arith.addi %mul3A_0, %arg0 : i32
    %lt3A = arith.constant 4 : i32
    %lt3A_1 = arith.cmpi slt, %add3A, %lt3A : i32
    %jit3A = arith.constant 2256 : i32
    %jit3A_2 = arith.constant 2248 : i32
    %select_n3A = arith.select %lt3A_1, %jit3A, %jit3A_2 : i32
    %mul3A_3 = arith.constant 2256 : i32
    %mul3A_4 = arith.muli %add3A, %mul3A_3 : i32
    %sub3A = arith.constant 4 : i32
    %sub3A_5 = arith.subi %add3A, %sub3A : i32
    %mul3A_6 = arith.constant 2248 : i32
    %mul3A_7 = arith.muli %sub3A_5, %mul3A_6 : i32
    %add3A_8 = arith.constant 9024 : i32
    %add3A_9 = arith.addi %add3A_8, %mul3A_7 : i32
    %select_n3A_10 = arith.select %lt3A_1, %mul3A_4, %add3A_9 : i32
    %convert_element_type3A = arith.extui %lt3A_1 : i1 to i32
    %cond3A = arith.constant 0 : i32
    %cond3A_11 = arith.cmpi ne, %convert_element_type3A, %cond3A : i32
    scf.if %cond3A_11 {
      "tpu.region"() ({
        %run_scoped3A = tpu.sem_alloc : memref<!tpu.dma_semaphore, #tpu.memory_space<semaphore_mem>>
        %dma_start3A_270 = arith.constant 0 : i32
        %dma_start3A_271 = tpu.memref_slice %arg7[%dma_start3A_270] : memref<2272xi32, #tpu.memory_space<vmem>> -> memref<2256xi32, #tpu.memory_space<vmem>>
        %dma_start3A_272 = tpu.memref_slice %arg3[%select_n3A_10] : memref<100000xi32, #tpu.memory_space<hbm>> -> memref<2256xi32, #tpu.memory_space<hbm>>
        %dma_start3A_273 = arith.constant 0 : i32
        %dma_start3A_274 = tpu.memref_slice %arg7[%dma_start3A_273] : memref<2272xi32, #tpu.memory_space<vmem>> -> memref<2256xi32, #tpu.memory_space<vmem>>
        %dma_start3A_275 = tpu.memref_slice %arg3[%select_n3A_10] : memref<100000xi32, #tpu.memory_space<hbm>> -> memref<2256xi32, #tpu.memory_space<hbm>>
        tpu.enqueue_dma source(%dma_start3A_275 : memref<2256xi32, #tpu.memory_space<hbm>>) target(%dma_start3A_274 : memref<2256xi32, #tpu.memory_space<vmem>>) target_semaphore(%run_scoped3A : memref<!tpu.dma_semaphore, #tpu.memory_space<semaphore_mem>>)
        %dma_wait3A_276 = arith.constant 0 : i32
        %dma_wait3A_277 = tpu.memref_slice %arg7[%dma_wait3A_276] : memref<2272xi32, #tpu.memory_space<vmem>> -> memref<2256xi32, #tpu.memory_space<vmem>>
        %dma_wait3A_278 = tpu.memref_slice %arg3[%select_n3A_10] : memref<100000xi32, #tpu.memory_space<hbm>> -> memref<2256xi32, #tpu.memory_space<hbm>>
        %dma_wait3A_279 = arith.constant 0 : i32
        %dma_wait3A_280 = tpu.memref_slice %arg7[%dma_wait3A_279] : memref<2272xi32, #tpu.memory_space<vmem>> -> memref<2256xi32, #tpu.memory_space<vmem>>
        %dma_wait3A_281 = tpu.memref_slice %arg3[%select_n3A_10] : memref<100000xi32, #tpu.memory_space<hbm>> -> memref<2256xi32, #tpu.memory_space<hbm>>
        tpu.wait_dma2 semaphore(%run_scoped3A : memref<!tpu.dma_semaphore, #tpu.memory_space<semaphore_mem>>) src(%dma_wait3A_281 : memref<2256xi32, #tpu.memory_space<hbm>>) dst(%dma_wait3A_280 : memref<2256xi32, #tpu.memory_space<vmem>>)
        tpu.yield
      }) : () -> ()
    } else {
    }
    %not3A = arith.constant true
    %not3A_12 = arith.xori %lt3A_1, %not3A : i1
    %convert_element_type3A_13 = arith.extui %not3A_12 : i1 to i32
    %cond3A_14 = arith.constant 0 : i32
    %cond3A_15 = arith.cmpi ne, %convert_element_type3A_13, %cond3A_14 : i32
    scf.if %cond3A_15 {
      "tpu.region"() ({
        %run_scoped3A = tpu.sem_alloc : memref<!tpu.dma_semaphore, #tpu.memory_space<semaphore_mem>>
        %dma_start3A_270 = arith.constant 0 : i32
        %dma_start3A_271 = tpu.memref_slice %arg7[%dma_start3A_270] : memref<2272xi32, #tpu.memory_space<vmem>> -> memref<2248xi32, #tpu.memory_space<vmem>>
        %dma_start3A_272 = tpu.memref_slice %arg3[%select_n3A_10] : memref<100000xi32, #tpu.memory_space<hbm>> -> memref<2248xi32, #tpu.memory_space<hbm>>
        %dma_start3A_273 = arith.constant 0 : i32
        %dma_start3A_274 = tpu.memref_slice %arg7[%dma_start3A_273] : memref<2272xi32, #tpu.memory_space<vmem>> -> memref<2248xi32, #tpu.memory_space<vmem>>
        %dma_start3A_275 = tpu.memref_slice %arg3[%select_n3A_10] : memref<100000xi32, #tpu.memory_space<hbm>> -> memref<2248xi32, #tpu.memory_space<hbm>>
        tpu.enqueue_dma source(%dma_start3A_275 : memref<2248xi32, #tpu.memory_space<hbm>>) target(%dma_start3A_274 : memref<2248xi32, #tpu.memory_space<vmem>>) target_semaphore(%run_scoped3A : memref<!tpu.dma_semaphore, #tpu.memory_space<semaphore_mem>>)
        %dma_wait3A_276 = arith.constant 0 : i32
        %dma_wait3A_277 = tpu.memref_slice %arg7[%dma_wait3A_276] : memref<2272xi32, #tpu.memory_space<vmem>> -> memref<2248xi32, #tpu.memory_space<vmem>>
        %dma_wait3A_278 = tpu.memref_slice %arg3[%select_n3A_10] : memref<100000xi32, #tpu.memory_space<hbm>> -> memref<2248xi32, #tpu.memory_space<hbm>>
        %dma_wait3A_279 = arith.constant 0 : i32
        %dma_wait3A_280 = tpu.memref_slice %arg7[%dma_wait3A_279] : memref<2272xi32, #tpu.memory_space<vmem>> -> memref<2248xi32, #tpu.memory_space<vmem>>
        %dma_wait3A_281 = tpu.memref_slice %arg3[%select_n3A_10] : memref<100000xi32, #tpu.memory_space<hbm>> -> memref<2248xi32, #tpu.memory_space<hbm>>
        tpu.wait_dma2 semaphore(%run_scoped3A : memref<!tpu.dma_semaphore, #tpu.memory_space<semaphore_mem>>) src(%dma_wait3A_281 : memref<2248xi32, #tpu.memory_space<hbm>>) dst(%dma_wait3A_280 : memref<2248xi32, #tpu.memory_space<vmem>>)
        tpu.yield
      }) : () -> ()
    } else {
    }
    %broadcast_in_dim3A = arith.constant 0.000000e+00 : f32
    %broadcast_in_dim3A_16 = vector.broadcast %broadcast_in_dim3A : f32 to vector<16xf32>
    %broadcast_in_dim3A_17 = arith.constant 0xFF800000 : f32
    %broadcast_in_dim3A_18 = vector.broadcast %broadcast_in_dim3A_17 : f32 to vector<16xf32>
    %scan3A = arith.constant 0 : i32
    %scan3A_19 = arith.constant 0 : i32
    %scan3A_20 = arith.constant 34 : i32
    %scan3A_21 = arith.addi %scan3A_19, %scan3A_20 : i32
    %scan3A_22 = arith.constant 1 : i32
    scf.for %scan3A_270 = %scan3A_19 to %scan3A_21 step %scan3A_22  : i32 {
      %scan3A_271 = arith.constant 0 : i32
      %scan3A_272 = arith.constant 0 : i32
      %scan3A_273 = arith.constant 12 : i32
      %scan3A_274 = arith.addi %scan3A_272, %scan3A_273 : i32
      %scan3A_275 = arith.constant 1 : i32
      %scan3A_276:2 = scf.for %scan3A_279 = %scan3A_272 to %scan3A_274 step %scan3A_275 iter_args(%scan3A_280 = %scan3A_271, %scan3A_281 = %select_n3A) -> (i32, i32)  : i32 {
        %add3A_282 = arith.addi %scan3A_280, %scan3A_281 : i32
        %shift_right_logical3A = arith.constant 1 : i32
        %shift_right_logical3A_283 = arith.shrui %add3A_282, %shift_right_logical3A : i32
        %get3A_284 = arith.index_cast %shift_right_logical3A_283 : i32 to index
        %get3A_285 = tpu.vector_load %arg7[%get3A_284] {strides = array<i32>} : memref<2272xi32, #tpu.memory_space<vmem>>, vector<16xi32>,
        %get3A_286 = vector.shape_cast %get3A_285 : vector<16xi32> to vector<16xi32>
        %slice3A_287 = vector.extract_strided_slice %get3A_286 {offsets = [0], sizes = [1], strides = [1]} : vector<16xi32> to vector<1xi32>
        %squeeze3A_288 = vector.extract %slice3A_287[0] : i32 from vector<1xi32>
        %lt3A_289 = arith.cmpi slt, %scan3A_280, %scan3A_281 : i32
        %lt3A_290 = arith.cmpi slt, %squeeze3A_288, %scan3A_270 : i32
        %and3A = arith.andi %lt3A_289, %lt3A_290 : i1
        %add3A_291 = arith.constant 1 : i32
        %add3A_292 = arith.addi %shift_right_logical3A_283, %add3A_291 : i32
        %select_n3A_293 = arith.select %and3A, %add3A_292, %scan3A_280 : i32
        %not3A_294 = arith.constant true
        %not3A_295 = arith.xori %and3A, %not3A_294 : i1
        %and3A_296 = arith.andi %lt3A_289, %not3A_295 : i1
        %select_n3A_297 = arith.select %and3A_296, %shift_right_logical3A_283, %scan3A_281 : i32
        scf.yield %select_n3A_293, %select_n3A_297 : i32, i32
      }
      %scan3A_277 = arith.constant 12 : i32
      %swap3A = arith.index_cast %scan3A_270 : i32 to index
      %swap3A_278 = memref.load %arg13[%swap3A] : memref<34xi32, #tpu.memory_space<smem>>
      memref.store %scan3A_276#0, %arg13[%swap3A] : memref<34xi32, #tpu.memory_space<smem>>
    }
    %scan3A_23 = arith.constant 34 : i32
    %scan3A_24 = arith.constant 0 : i32
    %scan3A_25 = arith.constant 0 : i32
    %scan3A_26 = arith.constant 33 : i32
    %scan3A_27 = arith.addi %scan3A_25, %scan3A_26 : i32
    %scan3A_28 = arith.constant 1 : i32
    scf.for %scan3A_270 = %scan3A_25 to %scan3A_27 step %scan3A_28  : i32 {
      %add3A_271 = arith.constant 1 : i32
      %add3A_272 = arith.addi %scan3A_270, %add3A_271 : i32
      %get3A_273 = arith.index_cast %add3A_272 : i32 to index
      %get3A_274 = memref.load %arg13[%get3A_273] : memref<34xi32, #tpu.memory_space<smem>>
      %get3A_275 = arith.index_cast %scan3A_270 : i32 to index
      %get3A_276 = memref.load %arg13[%get3A_275] : memref<34xi32, #tpu.memory_space<smem>>
      %sub3A_277 = arith.subi %get3A_274, %get3A_276 : i32
      %convert_element_type3A_278 = arith.sitofp %sub3A_277 : i32 to f32
      %broadcast_in_dim3A_279 = vector.broadcast %convert_element_type3A_278 : f32 to vector<16xf32>
      %mul3A_280 = arith.constant 16 : i32
      %mul3A_281 = arith.muli %scan3A_270, %mul3A_280 : i32
      %swap3A = arith.index_cast %mul3A_281 : i32 to index
      %swap3A_282 = tpu.vector_load %arg12[%swap3A] {strides = array<i32>} : memref<528xf32, #tpu.memory_space<vmem>>, vector<16xf32>,
      %swap3A_283 = vector.shape_cast %swap3A_282 : vector<16xf32> to vector<16xf32>
      %swap3A_284 = vector.shape_cast %broadcast_in_dim3A_279 : vector<16xf32> to vector<16xf32>
      tpu.vector_store %arg12[%swap3A], %swap3A_284 {strides = array<i32>} : memref<528xf32, #tpu.memory_space<vmem>>, vector<16xf32>,
    }
    %scan3A_29 = arith.constant 33 : i32
    %scan3A_30 = arith.constant 0 : i32
    %scan3A_31 = arith.constant 0 : i32
    %scan3A_32 = arith.constant 264 : i32
    %scan3A_33 = arith.addi %scan3A_31, %scan3A_32 : i32
    %scan3A_34 = arith.constant 1 : i32
    scf.for %scan3A_270 = %scan3A_31 to %scan3A_33 step %scan3A_34  : i32 {
      %mul3A_271 = arith.constant 16 : i32
      %mul3A_272 = arith.muli %scan3A_270, %mul3A_271 : i32
      %swap3A = arith.index_cast %mul3A_272 : i32 to index
      %swap3A_273 = tpu.vector_load %arg10[%swap3A] {strides = array<i32>} : memref<4224xf32, #tpu.memory_space<vmem>>, vector<16xf32>,
      %swap3A_274 = vector.shape_cast %swap3A_273 : vector<16xf32> to vector<16xf32>
      %swap3A_275 = vector.shape_cast %broadcast_in_dim3A_16 : vector<16xf32> to vector<16xf32>
      tpu.vector_store %arg10[%swap3A], %swap3A_275 {strides = array<i32>} : memref<4224xf32, #tpu.memory_space<vmem>>, vector<16xf32>,
      %mul3A_276 = arith.constant 16 : i32
      %mul3A_277 = arith.muli %scan3A_270, %mul3A_276 : i32
      %swap3A_278 = arith.index_cast %mul3A_277 : i32 to index
      %swap3A_279 = tpu.vector_load %arg11[%swap3A_278] {strides = array<i32>} : memref<4224xf32, #tpu.memory_space<vmem>>, vector<16xf32>,
      %swap3A_280 = vector.shape_cast %swap3A_279 : vector<16xf32> to vector<16xf32>
      %swap3A_281 = vector.shape_cast %broadcast_in_dim3A_18 : vector<16xf32> to vector<16xf32>
      tpu.vector_store %arg11[%swap3A_278], %swap3A_281 {strides = array<i32>} : memref<4224xf32, #tpu.memory_space<vmem>>, vector<16xf32>,
    }
    %scan3A_35 = arith.constant 264 : i32
    %add3A_36 = arith.constant 0 : i32
    %add3A_37 = arith.addi %select_n3A_10, %add3A_36 : i32
    %dma_start3A = arith.constant 0 : i32
    %dma_start3A_38 = tpu.memref_slice %arg2[%add3A_37, %dma_start3A] : memref<100000x128xf32, #tpu.memory_space<hbm>> -> memref<448x128xf32, #tpu.memory_space<hbm>>
    %dma_start3A_39 = arith.constant 0 : i32
    %dma_start3A_40 = tpu.memref_slice %arg2[%add3A_37, %dma_start3A_39] : memref<100000x128xf32, #tpu.memory_space<hbm>> -> memref<448x128xf32, #tpu.memory_space<hbm>>
    tpu.enqueue_dma source(%dma_start3A_40 : memref<448x128xf32, #tpu.memory_space<hbm>>) target(%arg8 : memref<448x128xf32, #tpu.memory_space<vmem>>) target_semaphore(%arg14 : memref<!tpu.dma_semaphore, #tpu.memory_space<semaphore_mem>>)
    %add3A_41 = arith.constant 448 : i32
    %add3A_42 = arith.addi %select_n3A_10, %add3A_41 : i32
    %dma_start3A_43 = arith.constant 0 : i32
    %dma_start3A_44 = tpu.memref_slice %arg2[%add3A_42, %dma_start3A_43] : memref<100000x128xf32, #tpu.memory_space<hbm>> -> memref<448x128xf32, #tpu.memory_space<hbm>>
    %dma_start3A_45 = arith.constant 0 : i32
    %dma_start3A_46 = tpu.memref_slice %arg2[%add3A_42, %dma_start3A_45] : memref<100000x128xf32, #tpu.memory_space<hbm>> -> memref<448x128xf32, #tpu.memory_space<hbm>>
    tpu.enqueue_dma source(%dma_start3A_46 : memref<448x128xf32, #tpu.memory_space<hbm>>) target(%arg9 : memref<448x128xf32, #tpu.memory_space<vmem>>) target_semaphore(%arg15 : memref<!tpu.dma_semaphore, #tpu.memory_space<semaphore_mem>>)
    %add3A_47 = arith.constant 0 : i32
    %add3A_48 = arith.addi %select_n3A_10, %add3A_47 : i32
    %dma_wait3A = arith.constant 0 : i32
    %dma_wait3A_49 = tpu.memref_slice %arg2[%add3A_48, %dma_wait3A] : memref<100000x128xf32, #tpu.memory_space<hbm>> -> memref<448x128xf32, #tpu.memory_space<hbm>>
    %dma_wait3A_50 = arith.constant 0 : i32
    %dma_wait3A_51 = tpu.memref_slice %arg2[%add3A_48, %dma_wait3A_50] : memref<100000x128xf32, #tpu.memory_space<hbm>> -> memref<448x128xf32, #tpu.memory_space<hbm>>
    tpu.wait_dma2 semaphore(%arg14 : memref<!tpu.dma_semaphore, #tpu.memory_space<semaphore_mem>>) src(%dma_wait3A_51 : memref<448x128xf32, #tpu.memory_space<hbm>>) dst(%arg8 : memref<448x128xf32, #tpu.memory_space<vmem>>)
    %get3A = arith.constant 0 : index
    %get3A_52 = tpu.vector_load %arg7[%get3A] {strides = array<i32>} : memref<2272xi32, #tpu.memory_space<vmem>>, vector<16xi32>,
    %get3A_53 = vector.shape_cast %get3A_52 : vector<16xi32> to vector<16xi32>
    %slice3A = vector.extract_strided_slice %get3A_53 {offsets = [0], sizes = [1], strides = [1]} : vector<16xi32> to vector<1xi32>
    %squeeze3A = vector.extract %slice3A[0] : i32 from vector<1xi32>
    %get3A_54 = arith.constant 447 : index
    %get3A_55 = tpu.vector_load %arg7[%get3A_54] {strides = array<i32>} : memref<2272xi32, #tpu.memory_space<vmem>>, vector<16xi32>,
    %get3A_56 = vector.shape_cast %get3A_55 : vector<16xi32> to vector<16xi32>
    %slice3A_57 = vector.extract_strided_slice %get3A_56 {offsets = [0], sizes = [1], strides = [1]} : vector<16xi32> to vector<1xi32>
    %squeeze3A_58 = vector.extract %slice3A_57[0] : i32 from vector<1xi32>
    %add3A_59 = arith.constant 1 : i32
    %add3A_60 = arith.addi %squeeze3A_58, %add3A_59 : i32
    %while3A = arith.constant 0 : i32
    %while3A_61 = arith.subi %add3A_60, %squeeze3A : i32
    %while3A_62 = arith.addi %squeeze3A, %while3A_61 : i32
    %while3A_63 = arith.constant 1 : i32
    %while3A_64 = arith.divsi %while3A_61, %while3A_63 : i32
    %while3A_65 = arith.muli %while3A_64, %while3A_63 : i32
    %while3A_66 = arith.addi %squeeze3A, %while3A_65 : i32
    %while3A_67 = arith.constant 1 : i32
    scf.for %while3A_270 = %squeeze3A to %while3A_66 step %while3A_67  : i32 {
      %get3A_271 = arith.index_cast %while3A_270 : i32 to index
      %get3A_272 = memref.load %arg13[%get3A_271] : memref<34xi32, #tpu.memory_space<smem>>
      %max3A = arith.constant 0 : i32
      %max3A_273 = arith.maxsi %get3A_272, %max3A : i32
      %sub3A_274 = arith.constant 0 : i32
      %sub3A_275 = arith.subi %max3A_273, %sub3A_274 : i32
      %add3A_276 = arith.constant 1 : i32
      %add3A_277 = arith.addi %while3A_270, %add3A_276 : i32
      %get3A_278 = arith.index_cast %add3A_277 : i32 to index
      %get3A_279 = memref.load %arg13[%get3A_278] : memref<34xi32, #tpu.memory_space<smem>>
      %min3A = arith.constant 448 : i32
      %min3A_280 = arith.minsi %get3A_279, %min3A : i32
      %sub3A_281 = arith.constant 0 : i32
      %sub3A_282 = arith.subi %min3A_280, %sub3A_281 : i32
      %while3A_283 = arith.subi %sub3A_282, %sub3A_275 : i32
      %while3A_284 = arith.addi %sub3A_275, %while3A_283 : i32
      %while3A_285 = arith.constant 1 : i32
      %while3A_286 = arith.divsi %while3A_283, %while3A_285 : i32
      %while3A_287 = arith.muli %while3A_286, %while3A_285 : i32
      %while3A_288 = arith.addi %sub3A_275, %while3A_287 : i32
      %while3A_289 = arith.constant 1 : i32
      %while3A_290:16 = scf.for %while3A_296 = %sub3A_275 to %while3A_288 step %while3A_289 iter_args(%while3A_297 = %broadcast_in_dim3A_16, %while3A_298 = %broadcast_in_dim3A_16, %while3A_299 = %broadcast_in_dim3A_16, %while3A_300 = %broadcast_in_dim3A_16, %while3A_301 = %broadcast_in_dim3A_16, %while3A_302 = %broadcast_in_dim3A_16, %while3A_303 = %broadcast_in_dim3A_16, %while3A_304 = %broadcast_in_dim3A_16, %while3A_305 = %broadcast_in_dim3A_18, %while3A_306 = %broadcast_in_dim3A_18, %while3A_307 = %broadcast_in_dim3A_18, %while3A_308 = %broadcast_in_dim3A_18, %while3A_309 = %broadcast_in_dim3A_18, %while3A_310 = %broadcast_in_dim3A_18, %while3A_311 = %broadcast_in_dim3A_18, %while3A_312 = %broadcast_in_dim3A_18) -> (vector<16xf32>, vector<16xf32>, vector<16xf32>, vector<16xf32>, vector<16xf32>, vector<16xf32>, vector<16xf32>, vector<16xf32>, vector<16xf32>, vector<16xf32>, vector<16xf32>, vector<16xf32>, vector<16xf32>, vector<16xf32>, vector<16xf32>, vector<16xf32>)  : i32 {
        %get3A_313 = arith.index_cast %while3A_296 : i32 to index
        %get3A_314 = arith.constant 0 : index
        %get3A_315 = tpu.vector_load %arg8[%get3A_313, %get3A_314] {strides = array<i32>} : memref<448x128xf32, #tpu.memory_space<vmem>>, vector<1x16xf32>,
        %get3A_316 = vector.shape_cast %get3A_315 : vector<1x16xf32> to vector<16xf32>
        %get3A_317 = arith.index_cast %while3A_296 : i32 to index
        %get3A_318 = arith.constant 16 : index
        %get3A_319 = tpu.vector_load %arg8[%get3A_317, %get3A_318] {strides = array<i32>} : memref<448x128xf32, #tpu.memory_space<vmem>>, vector<1x16xf32>,
        %get3A_320 = vector.shape_cast %get3A_319 : vector<1x16xf32> to vector<16xf32>
        %get3A_321 = arith.index_cast %while3A_296 : i32 to index
        %get3A_322 = arith.constant 32 : index
        %get3A_323 = tpu.vector_load %arg8[%get3A_321, %get3A_322] {strides = array<i32>} : memref<448x128xf32, #tpu.memory_space<vmem>>, vector<1x16xf32>,
        %get3A_324 = vector.shape_cast %get3A_323 : vector<1x16xf32> to vector<16xf32>
        %get3A_325 = arith.index_cast %while3A_296 : i32 to index
        %get3A_326 = arith.constant 48 : index
        %get3A_327 = tpu.vector_load %arg8[%get3A_325, %get3A_326] {strides = array<i32>} : memref<448x128xf32, #tpu.memory_space<vmem>>, vector<1x16xf32>,
        %get3A_328 = vector.shape_cast %get3A_327 : vector<1x16xf32> to vector<16xf32>
        %get3A_329 = arith.index_cast %while3A_296 : i32 to index
        %get3A_330 = arith.constant 64 : index
        %get3A_331 = tpu.vector_load %arg8[%get3A_329, %get3A_330] {strides = array<i32>} : memref<448x128xf32, #tpu.memory_space<vmem>>, vector<1x16xf32>,
        %get3A_332 = vector.shape_cast %get3A_331 : vector<1x16xf32> to vector<16xf32>
        %get3A_333 = arith.index_cast %while3A_296 : i32 to index
        %get3A_334 = arith.constant 80 : index
        %get3A_335 = tpu.vector_load %arg8[%get3A_333, %get3A_334] {strides = array<i32>} : memref<448x128xf32, #tpu.memory_space<vmem>>, vector<1x16xf32>,
        %get3A_336 = vector.shape_cast %get3A_335 : vector<1x16xf32> to vector<16xf32>
        %get3A_337 = arith.index_cast %while3A_296 : i32 to index
        %get3A_338 = arith.constant 96 : index
        %get3A_339 = tpu.vector_load %arg8[%get3A_337, %get3A_338] {strides = array<i32>} : memref<448x128xf32, #tpu.memory_space<vmem>>, vector<1x16xf32>,
        %get3A_340 = vector.shape_cast %get3A_339 : vector<1x16xf32> to vector<16xf32>
        %get3A_341 = arith.index_cast %while3A_296 : i32 to index
        %get3A_342 = arith.constant 112 : index
        %get3A_343 = tpu.vector_load %arg8[%get3A_341, %get3A_342] {strides = array<i32>} : memref<448x128xf32, #tpu.memory_space<vmem>>, vector<1x16xf32>,
        %get3A_344 = vector.shape_cast %get3A_343 : vector<1x16xf32> to vector<16xf32>
        %add3A_345 = arith.addf %while3A_297, %get3A_316 : vector<16xf32>
        %add3A_346 = arith.addf %while3A_298, %get3A_320 : vector<16xf32>
        %add3A_347 = arith.addf %while3A_299, %get3A_324 : vector<16xf32>
        %add3A_348 = arith.addf %while3A_300, %get3A_328 : vector<16xf32>
        %add3A_349 = arith.addf %while3A_301, %get3A_332 : vector<16xf32>
        %add3A_350 = arith.addf %while3A_302, %get3A_336 : vector<16xf32>
        %add3A_351 = arith.addf %while3A_303, %get3A_340 : vector<16xf32>
        %add3A_352 = arith.addf %while3A_304, %get3A_344 : vector<16xf32>
        %max3A_353 = arith.maximumf %while3A_305, %get3A_316 : vector<16xf32>
        %max3A_354 = arith.maximumf %while3A_306, %get3A_320 : vector<16xf32>
        %max3A_355 = arith.maximumf %while3A_307, %get3A_324 : vector<16xf32>
        %max3A_356 = arith.maximumf %while3A_308, %get3A_328 : vector<16xf32>
        %max3A_357 = arith.maximumf %while3A_309, %get3A_332 : vector<16xf32>
        %max3A_358 = arith.maximumf %while3A_310, %get3A_336 : vector<16xf32>
        %max3A_359 = arith.maximumf %while3A_311, %get3A_340 : vector<16xf32>
        %max3A_360 = arith.maximumf %while3A_312, %get3A_344 : vector<16xf32>
        scf.yield %add3A_345, %add3A_346, %add3A_347, %add3A_348, %add3A_349, %add3A_350, %add3A_351, %add3A_352, %max3A_353, %max3A_354, %max3A_355, %max3A_356, %max3A_357, %max3A_358, %max3A_359, %max3A_360 : vector<16xf32>, vector<16xf32>, vector<16xf32>, vector<16xf32>, vector<16xf32>, vector<16xf32>, vector<16xf32>, vector<16xf32>, vector<16xf32>, vector<16xf32>, vector<16xf32>, vector<16xf32>, vector<16xf32>, vector<16xf32>, vector<16xf32>, vector<16xf32>
      }
      %while3A_291 = arith.constant 1 : i32
      %while3A_292:16 = scf.for %while3A_296 = %while3A_288 to %while3A_284 step %while3A_291 iter_args(%while3A_297 = %while3A_290#0, %while3A_298 = %while3A_290#1, %while3A_299 = %while3A_290#2, %while3A_300 = %while3A_290#3, %while3A_301 = %while3A_290#4, %while3A_302 = %while3A_290#5, %while3A_303 = %while3A_290#6, %while3A_304 = %while3A_290#7, %while3A_305 = %while3A_290#8, %while3A_306 = %while3A_290#9, %while3A_307 = %while3A_290#10, %while3A_308 = %while3A_290#11, %while3A_309 = %while3A_290#12, %while3A_310 = %while3A_290#13, %while3A_311 = %while3A_290#14, %while3A_312 = %while3A_290#15) -> (vector<16xf32>, vector<16xf32>, vector<16xf32>, vector<16xf32>, vector<16xf32>, vector<16xf32>, vector<16xf32>, vector<16xf32>, vector<16xf32>, vector<16xf32>, vector<16xf32>, vector<16xf32>, vector<16xf32>, vector<16xf32>, vector<16xf32>, vector<16xf32>)  : i32 {
        %get3A_313 = arith.index_cast %while3A_296 : i32 to index
        %get3A_314 = arith.constant 0 : index
        %get3A_315 = tpu.vector_load %arg8[%get3A_313, %get3A_314] {strides = array<i32>} : memref<448x128xf32, #tpu.memory_space<vmem>>, vector<1x16xf32>,
        %get3A_316 = vector.shape_cast %get3A_315 : vector<1x16xf32> to vector<16xf32>
        %get3A_317 = arith.index_cast %while3A_296 : i32 to index
        %get3A_318 = arith.constant 16 : index
        %get3A_319 = tpu.vector_load %arg8[%get3A_317, %get3A_318] {strides = array<i32>} : memref<448x128xf32, #tpu.memory_space<vmem>>, vector<1x16xf32>,
        %get3A_320 = vector.shape_cast %get3A_319 : vector<1x16xf32> to vector<16xf32>
        %get3A_321 = arith.index_cast %while3A_296 : i32 to index
        %get3A_322 = arith.constant 32 : index
        %get3A_323 = tpu.vector_load %arg8[%get3A_321, %get3A_322] {strides = array<i32>} : memref<448x128xf32, #tpu.memory_space<vmem>>, vector<1x16xf32>,
        %get3A_324 = vector.shape_cast %get3A_323 : vector<1x16xf32> to vector<16xf32>
        %get3A_325 = arith.index_cast %while3A_296 : i32 to index
        %get3A_326 = arith.constant 48 : index
        %get3A_327 = tpu.vector_load %arg8[%get3A_325, %get3A_326] {strides = array<i32>} : memref<448x128xf32, #tpu.memory_space<vmem>>, vector<1x16xf32>,
        %get3A_328 = vector.shape_cast %get3A_327 : vector<1x16xf32> to vector<16xf32>
        %get3A_329 = arith.index_cast %while3A_296 : i32 to index
        %get3A_330 = arith.constant 64 : index
        %get3A_331 = tpu.vector_load %arg8[%get3A_329, %get3A_330] {strides = array<i32>} : memref<448x128xf32, #tpu.memory_space<vmem>>, vector<1x16xf32>,
        %get3A_332 = vector.shape_cast %get3A_331 : vector<1x16xf32> to vector<16xf32>
        %get3A_333 = arith.index_cast %while3A_296 : i32 to index
        %get3A_334 = arith.constant 80 : index
        %get3A_335 = tpu.vector_load %arg8[%get3A_333, %get3A_334] {strides = array<i32>} : memref<448x128xf32, #tpu.memory_space<vmem>>, vector<1x16xf32>,
        %get3A_336 = vector.shape_cast %get3A_335 : vector<1x16xf32> to vector<16xf32>
        %get3A_337 = arith.index_cast %while3A_296 : i32 to index
        %get3A_338 = arith.constant 96 : index
        %get3A_339 = tpu.vector_load %arg8[%get3A_337, %get3A_338] {strides = array<i32>} : memref<448x128xf32, #tpu.memory_space<vmem>>, vector<1x16xf32>,
        %get3A_340 = vector.shape_cast %get3A_339 : vector<1x16xf32> to vector<16xf32>
        %get3A_341 = arith.index_cast %while3A_296 : i32 to index
        %get3A_342 = arith.constant 112 : index
        %get3A_343 = tpu.vector_load %arg8[%get3A_341, %get3A_342] {strides = array<i32>} : memref<448x128xf32, #tpu.memory_space<vmem>>, vector<1x16xf32>,
        %get3A_344 = vector.shape_cast %get3A_343 : vector<1x16xf32> to vector<16xf32>
        %add3A_345 = arith.addf %while3A_297, %get3A_316 : vector<16xf32>
        %add3A_346 = arith.addf %while3A_298, %get3A_320 : vector<16xf32>
        %add3A_347 = arith.addf %while3A_299, %get3A_324 : vector<16xf32>
        %add3A_348 = arith.addf %while3A_300, %get3A_328 : vector<16xf32>
        %add3A_349 = arith.addf %while3A_301, %get3A_332 : vector<16xf32>
        %add3A_350 = arith.addf %while3A_302, %get3A_336 : vector<16xf32>
        %add3A_351 = arith.addf %while3A_303, %get3A_340 : vector<16xf32>
        %add3A_352 = arith.addf %while3A_304, %get3A_344 : vector<16xf32>
        %max3A_353 = arith.maximumf %while3A_305, %get3A_316 : vector<16xf32>
        %max3A_354 = arith.maximumf %while3A_306, %get3A_320 : vector<16xf32>
        %max3A_355 = arith.maximumf %while3A_307, %get3A_324 : vector<16xf32>
        %max3A_356 = arith.maximumf %while3A_308, %get3A_328 : vector<16xf32>
        %max3A_357 = arith.maximumf %while3A_309, %get3A_332 : vector<16xf32>
        %max3A_358 = arith.maximumf %while3A_310, %get3A_336 : vector<16xf32>
        %max3A_359 = arith.maximumf %while3A_311, %get3A_340 : vector<16xf32>
        %max3A_360 = arith.maximumf %while3A_312, %get3A_344 : vector<16xf32>
        scf.yield %add3A_345, %add3A_346, %add3A_347, %add3A_348, %add3A_349, %add3A_350, %add3A_351, %add3A_352, %max3A_353, %max3A_354, %max3A_355, %max3A_356, %max3A_357, %max3A_358, %max3A_359, %max3A_360 : vector<16xf32>, vector<16xf32>, vector<16xf32>, vector<16xf32>, vector<16xf32>, vector<16xf32>, vector<16xf32>, vector<16xf32>, vector<16xf32>, vector<16xf32>, vector<16xf32>, vector<16xf32>, vector<16xf32>, vector<16xf32>, vector<16xf32>, vector<16xf32>
      }
      %gt3A = arith.cmpi sgt, %sub3A_282, %sub3A_275 : i32
      %convert_element_type3A_293 = arith.extui %gt3A : i1 to i32
      %cond3A_294 = arith.constant 0 : i32
      %cond3A_295 = arith.cmpi ne, %convert_element_type3A_293, %cond3A_294 : i32
      scf.if %cond3A_295 {
        %mul3A_296 = arith.constant 128 : i32
        %mul3A_297 = arith.muli %while3A_270, %mul3A_296 : i32
        %add3A_298 = arith.constant 0 : i32
        %add3A_299 = arith.addi %mul3A_297, %add3A_298 : i32
        %get3A_300 = arith.index_cast %add3A_299 : i32 to index
        %get3A_301 = tpu.vector_load %arg10[%get3A_300] {strides = array<i32>} : memref<4224xf32, #tpu.memory_space<vmem>>, vector<16xf32>,
        %get3A_302 = vector.shape_cast %get3A_301 : vector<16xf32> to vector<16xf32>
        %add3A_303 = arith.addf %get3A_302, %while3A_292#0 : vector<16xf32>
        %swap3A = arith.index_cast %add3A_299 : i32 to index
        %swap3A_304 = tpu.vector_load %arg10[%swap3A] {strides = array<i32>} : memref<4224xf32, #tpu.memory_space<vmem>>, vector<16xf32>,
        %swap3A_305 = vector.shape_cast %swap3A_304 : vector<16xf32> to vector<16xf32>
        %swap3A_306 = vector.shape_cast %add3A_303 : vector<16xf32> to vector<16xf32>
        tpu.vector_store %arg10[%swap3A], %swap3A_306 {strides = array<i32>} : memref<4224xf32, #tpu.memory_space<vmem>>, vector<16xf32>,
        %get3A_307 = arith.index_cast %add3A_299 : i32 to index
        %get3A_308 = tpu.vector_load %arg11[%get3A_307] {strides = array<i32>} : memref<4224xf32, #tpu.memory_space<vmem>>, vector<16xf32>,
        %get3A_309 = vector.shape_cast %get3A_308 : vector<16xf32> to vector<16xf32>
        %max3A_310 = arith.maximumf %get3A_309, %while3A_292#8 : vector<16xf32>
        %swap3A_311 = arith.index_cast %add3A_299 : i32 to index
        %swap3A_312 = tpu.vector_load %arg11[%swap3A_311] {strides = array<i32>} : memref<4224xf32, #tpu.memory_space<vmem>>, vector<16xf32>,
        %swap3A_313 = vector.shape_cast %swap3A_312 : vector<16xf32> to vector<16xf32>
        %swap3A_314 = vector.shape_cast %max3A_310 : vector<16xf32> to vector<16xf32>
        tpu.vector_store %arg11[%swap3A_311], %swap3A_314 {strides = array<i32>} : memref<4224xf32, #tpu.memory_space<vmem>>, vector<16xf32>,
        %add3A_315 = arith.constant 16 : i32
        %add3A_316 = arith.addi %mul3A_297, %add3A_315 : i32
        %get3A_317 = arith.index_cast %add3A_316 : i32 to index
        %get3A_318 = tpu.vector_load %arg10[%get3A_317] {strides = array<i32>} : memref<4224xf32, #tpu.memory_space<vmem>>, vector<16xf32>,
        %get3A_319 = vector.shape_cast %get3A_318 : vector<16xf32> to vector<16xf32>
        %add3A_320 = arith.addf %get3A_319, %while3A_292#1 : vector<16xf32>
        %swap3A_321 = arith.index_cast %add3A_316 : i32 to index
        %swap3A_322 = tpu.vector_load %arg10[%swap3A_321] {strides = array<i32>} : memref<4224xf32, #tpu.memory_space<vmem>>, vector<16xf32>,
        %swap3A_323 = vector.shape_cast %swap3A_322 : vector<16xf32> to vector<16xf32>
        %swap3A_324 = vector.shape_cast %add3A_320 : vector<16xf32> to vector<16xf32>
        tpu.vector_store %arg10[%swap3A_321], %swap3A_324 {strides = array<i32>} : memref<4224xf32, #tpu.memory_space<vmem>>, vector<16xf32>,
        %get3A_325 = arith.index_cast %add3A_316 : i32 to index
        %get3A_326 = tpu.vector_load %arg11[%get3A_325] {strides = array<i32>} : memref<4224xf32, #tpu.memory_space<vmem>>, vector<16xf32>,
        %get3A_327 = vector.shape_cast %get3A_326 : vector<16xf32> to vector<16xf32>
        %max3A_328 = arith.maximumf %get3A_327, %while3A_292#9 : vector<16xf32>
        %swap3A_329 = arith.index_cast %add3A_316 : i32 to index
        %swap3A_330 = tpu.vector_load %arg11[%swap3A_329] {strides = array<i32>} : memref<4224xf32, #tpu.memory_space<vmem>>, vector<16xf32>,
        %swap3A_331 = vector.shape_cast %swap3A_330 : vector<16xf32> to vector<16xf32>
        %swap3A_332 = vector.shape_cast %max3A_328 : vector<16xf32> to vector<16xf32>
        tpu.vector_store %arg11[%swap3A_329], %swap3A_332 {strides = array<i32>} : memref<4224xf32, #tpu.memory_space<vmem>>, vector<16xf32>,
        %add3A_333 = arith.constant 32 : i32
        %add3A_334 = arith.addi %mul3A_297, %add3A_333 : i32
        %get3A_335 = arith.index_cast %add3A_334 : i32 to index
        %get3A_336 = tpu.vector_load %arg10[%get3A_335] {strides = array<i32>} : memref<4224xf32, #tpu.memory_space<vmem>>, vector<16xf32>,
        %get3A_337 = vector.shape_cast %get3A_336 : vector<16xf32> to vector<16xf32>
        %add3A_338 = arith.addf %get3A_337, %while3A_292#2 : vector<16xf32>
        %swap3A_339 = arith.index_cast %add3A_334 : i32 to index
        %swap3A_340 = tpu.vector_load %arg10[%swap3A_339] {strides = array<i32>} : memref<4224xf32, #tpu.memory_space<vmem>>, vector<16xf32>,
        %swap3A_341 = vector.shape_cast %swap3A_340 : vector<16xf32> to vector<16xf32>
        %swap3A_342 = vector.shape_cast %add3A_338 : vector<16xf32> to vector<16xf32>
        tpu.vector_store %arg10[%swap3A_339], %swap3A_342 {strides = array<i32>} : memref<4224xf32, #tpu.memory_space<vmem>>, vector<16xf32>,
        %get3A_343 = arith.index_cast %add3A_334 : i32 to index
        %get3A_344 = tpu.vector_load %arg11[%get3A_343] {strides = array<i32>} : memref<4224xf32, #tpu.memory_space<vmem>>, vector<16xf32>,
        %get3A_345 = vector.shape_cast %get3A_344 : vector<16xf32> to vector<16xf32>
        %max3A_346 = arith.maximumf %get3A_345, %while3A_292#10 : vector<16xf32>
        %swap3A_347 = arith.index_cast %add3A_334 : i32 to index
        %swap3A_348 = tpu.vector_load %arg11[%swap3A_347] {strides = array<i32>} : memref<4224xf32, #tpu.memory_space<vmem>>, vector<16xf32>,
        %swap3A_349 = vector.shape_cast %swap3A_348 : vector<16xf32> to vector<16xf32>
        %swap3A_350 = vector.shape_cast %max3A_346 : vector<16xf32> to vector<16xf32>
        tpu.vector_store %arg11[%swap3A_347], %swap3A_350 {strides = array<i32>} : memref<4224xf32, #tpu.memory_space<vmem>>, vector<16xf32>,
        %add3A_351 = arith.constant 48 : i32
        %add3A_352 = arith.addi %mul3A_297, %add3A_351 : i32
        %get3A_353 = arith.index_cast %add3A_352 : i32 to index
        %get3A_354 = tpu.vector_load %arg10[%get3A_353] {strides = array<i32>} : memref<4224xf32, #tpu.memory_space<vmem>>, vector<16xf32>,
        %get3A_355 = vector.shape_cast %get3A_354 : vector<16xf32> to vector<16xf32>
        %add3A_356 = arith.addf %get3A_355, %while3A_292#3 : vector<16xf32>
        %swap3A_357 = arith.index_cast %add3A_352 : i32 to index
        %swap3A_358 = tpu.vector_load %arg10[%swap3A_357] {strides = array<i32>} : memref<4224xf32, #tpu.memory_space<vmem>>, vector<16xf32>,
        %swap3A_359 = vector.shape_cast %swap3A_358 : vector<16xf32> to vector<16xf32>
        %swap3A_360 = vector.shape_cast %add3A_356 : vector<16xf32> to vector<16xf32>
        tpu.vector_store %arg10[%swap3A_357], %swap3A_360 {strides = array<i32>} : memref<4224xf32, #tpu.memory_space<vmem>>, vector<16xf32>,
        %get3A_361 = arith.index_cast %add3A_352 : i32 to index
        %get3A_362 = tpu.vector_load %arg11[%get3A_361] {strides = array<i32>} : memref<4224xf32, #tpu.memory_space<vmem>>, vector<16xf32>,
        %get3A_363 = vector.shape_cast %get3A_362 : vector<16xf32> to vector<16xf32>
        %max3A_364 = arith.maximumf %get3A_363, %while3A_292#11 : vector<16xf32>
        %swap3A_365 = arith.index_cast %add3A_352 : i32 to index
        %swap3A_366 = tpu.vector_load %arg11[%swap3A_365] {strides = array<i32>} : memref<4224xf32, #tpu.memory_space<vmem>>, vector<16xf32>,
        %swap3A_367 = vector.shape_cast %swap3A_366 : vector<16xf32> to vector<16xf32>
        %swap3A_368 = vector.shape_cast %max3A_364 : vector<16xf32> to vector<16xf32>
        tpu.vector_store %arg11[%swap3A_365], %swap3A_368 {strides = array<i32>} : memref<4224xf32, #tpu.memory_space<vmem>>, vector<16xf32>,
        %add3A_369 = arith.constant 64 : i32
        %add3A_370 = arith.addi %mul3A_297, %add3A_369 : i32
        %get3A_371 = arith.index_cast %add3A_370 : i32 to index
        %get3A_372 = tpu.vector_load %arg10[%get3A_371] {strides = array<i32>} : memref<4224xf32, #tpu.memory_space<vmem>>, vector<16xf32>,
        %get3A_373 = vector.shape_cast %get3A_372 : vector<16xf32> to vector<16xf32>
        %add3A_374 = arith.addf %get3A_373, %while3A_292#4 : vector<16xf32>
        %swap3A_375 = arith.index_cast %add3A_370 : i32 to index
        %swap3A_376 = tpu.vector_load %arg10[%swap3A_375] {strides = array<i32>} : memref<4224xf32, #tpu.memory_space<vmem>>, vector<16xf32>,
        %swap3A_377 = vector.shape_cast %swap3A_376 : vector<16xf32> to vector<16xf32>
        %swap3A_378 = vector.shape_cast %add3A_374 : vector<16xf32> to vector<16xf32>
        tpu.vector_store %arg10[%swap3A_375], %swap3A_378 {strides = array<i32>} : memref<4224xf32, #tpu.memory_space<vmem>>, vector<16xf32>,
        %get3A_379 = arith.index_cast %add3A_370 : i32 to index
        %get3A_380 = tpu.vector_load %arg11[%get3A_379] {strides = array<i32>} : memref<4224xf32, #tpu.memory_space<vmem>>, vector<16xf32>,
        %get3A_381 = vector.shape_cast %get3A_380 : vector<16xf32> to vector<16xf32>
        %max3A_382 = arith.maximumf %get3A_381, %while3A_292#12 : vector<16xf32>
        %swap3A_383 = arith.index_cast %add3A_370 : i32 to index
        %swap3A_384 = tpu.vector_load %arg11[%swap3A_383] {strides = array<i32>} : memref<4224xf32, #tpu.memory_space<vmem>>, vector<16xf32>,
        %swap3A_385 = vector.shape_cast %swap3A_384 : vector<16xf32> to vector<16xf32>
        %swap3A_386 = vector.shape_cast %max3A_382 : vector<16xf32> to vector<16xf32>
        tpu.vector_store %arg11[%swap3A_383], %swap3A_386 {strides = array<i32>} : memref<4224xf32, #tpu.memory_space<vmem>>, vector<16xf32>,
        %add3A_387 = arith.constant 80 : i32
        %add3A_388 = arith.addi %mul3A_297, %add3A_387 : i32
        %get3A_389 = arith.index_cast %add3A_388 : i32 to index
        %get3A_390 = tpu.vector_load %arg10[%get3A_389] {strides = array<i32>} : memref<4224xf32, #tpu.memory_space<vmem>>, vector<16xf32>,
        %get3A_391 = vector.shape_cast %get3A_390 : vector<16xf32> to vector<16xf32>
        %add3A_392 = arith.addf %get3A_391, %while3A_292#5 : vector<16xf32>
        %swap3A_393 = arith.index_cast %add3A_388 : i32 to index
        %swap3A_394 = tpu.vector_load %arg10[%swap3A_393] {strides = array<i32>} : memref<4224xf32, #tpu.memory_space<vmem>>, vector<16xf32>,
        %swap3A_395 = vector.shape_cast %swap3A_394 : vector<16xf32> to vector<16xf32>
        %swap3A_396 = vector.shape_cast %add3A_392 : vector<16xf32> to vector<16xf32>
        tpu.vector_store %arg10[%swap3A_393], %swap3A_396 {strides = array<i32>} : memref<4224xf32, #tpu.memory_space<vmem>>, vector<16xf32>,
        %get3A_397 = arith.index_cast %add3A_388 : i32 to index
        %get3A_398 = tpu.vector_load %arg11[%get3A_397] {strides = array<i32>} : memref<4224xf32, #tpu.memory_space<vmem>>, vector<16xf32>,
        %get3A_399 = vector.shape_cast %get3A_398 : vector<16xf32> to vector<16xf32>
        %max3A_400 = arith.maximumf %get3A_399, %while3A_292#13 : vector<16xf32>
        %swap3A_401 = arith.index_cast %add3A_388 : i32 to index
        %swap3A_402 = tpu.vector_load %arg11[%swap3A_401] {strides = array<i32>} : memref<4224xf32, #tpu.memory_space<vmem>>, vector<16xf32>,
        %swap3A_403 = vector.shape_cast %swap3A_402 : vector<16xf32> to vector<16xf32>
        %swap3A_404 = vector.shape_cast %max3A_400 : vector<16xf32> to vector<16xf32>
        tpu.vector_store %arg11[%swap3A_401], %swap3A_404 {strides = array<i32>} : memref<4224xf32, #tpu.memory_space<vmem>>, vector<16xf32>,
        %add3A_405 = arith.constant 96 : i32
        %add3A_406 = arith.addi %mul3A_297, %add3A_405 : i32
        %get3A_407 = arith.index_cast %add3A_406 : i32 to index
        %get3A_408 = tpu.vector_load %arg10[%get3A_407] {strides = array<i32>} : memref<4224xf32, #tpu.memory_space<vmem>>, vector<16xf32>,
        %get3A_409 = vector.shape_cast %get3A_408 : vector<16xf32> to vector<16xf32>
        %add3A_410 = arith.addf %get3A_409, %while3A_292#6 : vector<16xf32>
        %swap3A_411 = arith.index_cast %add3A_406 : i32 to index
        %swap3A_412 = tpu.vector_load %arg10[%swap3A_411] {strides = array<i32>} : memref<4224xf32, #tpu.memory_space<vmem>>, vector<16xf32>,
        %swap3A_413 = vector.shape_cast %swap3A_412 : vector<16xf32> to vector<16xf32>
        %swap3A_414 = vector.shape_cast %add3A_410 : vector<16xf32> to vector<16xf32>
        tpu.vector_store %arg10[%swap3A_411], %swap3A_414 {strides = array<i32>} : memref<4224xf32, #tpu.memory_space<vmem>>, vector<16xf32>,
        %get3A_415 = arith.index_cast %add3A_406 : i32 to index
        %get3A_416 = tpu.vector_load %arg11[%get3A_415] {strides = array<i32>} : memref<4224xf32, #tpu.memory_space<vmem>>, vector<16xf32>,
        %get3A_417 = vector.shape_cast %get3A_416 : vector<16xf32> to vector<16xf32>
        %max3A_418 = arith.maximumf %get3A_417, %while3A_292#14 : vector<16xf32>
        %swap3A_419 = arith.index_cast %add3A_406 : i32 to index
        %swap3A_420 = tpu.vector_load %arg11[%swap3A_419] {strides = array<i32>} : memref<4224xf32, #tpu.memory_space<vmem>>, vector<16xf32>,
        %swap3A_421 = vector.shape_cast %swap3A_420 : vector<16xf32> to vector<16xf32>
        %swap3A_422 = vector.shape_cast %max3A_418 : vector<16xf32> to vector<16xf32>
        tpu.vector_store %arg11[%swap3A_419], %swap3A_422 {strides = array<i32>} : memref<4224xf32, #tpu.memory_space<vmem>>, vector<16xf32>,
        %add3A_423 = arith.constant 112 : i32
        %add3A_424 = arith.addi %mul3A_297, %add3A_423 : i32
        %get3A_425 = arith.index_cast %add3A_424 : i32 to index
        %get3A_426 = tpu.vector_load %arg10[%get3A_425] {strides = array<i32>} : memref<4224xf32, #tpu.memory_space<vmem>>, vector<16xf32>,
        %get3A_427 = vector.shape_cast %get3A_426 : vector<16xf32> to vector<16xf32>
        %add3A_428 = arith.addf %get3A_427, %while3A_292#7 : vector<16xf32>
        %swap3A_429 = arith.index_cast %add3A_424 : i32 to index
        %swap3A_430 = tpu.vector_load %arg10[%swap3A_429] {strides = array<i32>} : memref<4224xf32, #tpu.memory_space<vmem>>, vector<16xf32>,
        %swap3A_431 = vector.shape_cast %swap3A_430 : vector<16xf32> to vector<16xf32>
        %swap3A_432 = vector.shape_cast %add3A_428 : vector<16xf32> to vector<16xf32>
        tpu.vector_store %arg10[%swap3A_429], %swap3A_432 {strides = array<i32>} : memref<4224xf32, #tpu.memory_space<vmem>>, vector<16xf32>,
        %get3A_433 = arith.index_cast %add3A_424 : i32 to index
        %get3A_434 = tpu.vector_load %arg11[%get3A_433] {strides = array<i32>} : memref<4224xf32, #tpu.memory_space<vmem>>, vector<16xf32>,
        %get3A_435 = vector.shape_cast %get3A_434 : vector<16xf32> to vector<16xf32>
        %max3A_436 = arith.maximumf %get3A_435, %while3A_292#15 : vector<16xf32>
        %swap3A_437 = arith.index_cast %add3A_424 : i32 to index
        %swap3A_438 = tpu.vector_load %arg11[%swap3A_437] {strides = array<i32>} : memref<4224xf32, #tpu.memory_space<vmem>>, vector<16xf32>,
        %swap3A_439 = vector.shape_cast %swap3A_438 : vector<16xf32> to vector<16xf32>
        %swap3A_440 = vector.shape_cast %max3A_436 : vector<16xf32> to vector<16xf32>
        tpu.vector_store %arg11[%swap3A_437], %swap3A_440 {strides = array<i32>} : memref<4224xf32, #tpu.memory_space<vmem>>, vector<16xf32>,
      } else {
      }
    }
    %while3A_68 = arith.constant 1 : i32
    scf.for %while3A_270 = %while3A_66 to %while3A_62 step %while3A_68  : i32 {
      %get3A_271 = arith.index_cast %while3A_270 : i32 to index
      %get3A_272 = memref.load %arg13[%get3A_271] : memref<34xi32, #tpu.memory_space<smem>>
      %max3A = arith.constant 0 : i32
      %max3A_273 = arith.maxsi %get3A_272, %max3A : i32
      %sub3A_274 = arith.constant 0 : i32
      %sub3A_275 = arith.subi %max3A_273, %sub3A_274 : i32
      %add3A_276 = arith.constant 1 : i32
      %add3A_277 = arith.addi %while3A_270, %add3A_276 : i32
      %get3A_278 = arith.index_cast %add3A_277 : i32 to index
      %get3A_279 = memref.load %arg13[%get3A_278] : memref<34xi32, #tpu.memory_space<smem>>
      %min3A = arith.constant 448 : i32
      %min3A_280 = arith.minsi %get3A_279, %min3A : i32
      %sub3A_281 = arith.constant 0 : i32
      %sub3A_282 = arith.subi %min3A_280, %sub3A_281 : i32
      %while3A_283 = arith.subi %sub3A_282, %sub3A_275 : i32
      %while3A_284 = arith.addi %sub3A_275, %while3A_283 : i32
      %while3A_285 = arith.constant 1 : i32
      %while3A_286 = arith.divsi %while3A_283, %while3A_285 : i32
      %while3A_287 = arith.muli %while3A_286, %while3A_285 : i32
      %while3A_288 = arith.addi %sub3A_275, %while3A_287 : i32
      %while3A_289 = arith.constant 1 : i32
      %while3A_290:16 = scf.for %while3A_296 = %sub3A_275 to %while3A_288 step %while3A_289 iter_args(%while3A_297 = %broadcast_in_dim3A_16, %while3A_298 = %broadcast_in_dim3A_16, %while3A_299 = %broadcast_in_dim3A_16, %while3A_300 = %broadcast_in_dim3A_16, %while3A_301 = %broadcast_in_dim3A_16, %while3A_302 = %broadcast_in_dim3A_16, %while3A_303 = %broadcast_in_dim3A_16, %while3A_304 = %broadcast_in_dim3A_16, %while3A_305 = %broadcast_in_dim3A_18, %while3A_306 = %broadcast_in_dim3A_18, %while3A_307 = %broadcast_in_dim3A_18, %while3A_308 = %broadcast_in_dim3A_18, %while3A_309 = %broadcast_in_dim3A_18, %while3A_310 = %broadcast_in_dim3A_18, %while3A_311 = %broadcast_in_dim3A_18, %while3A_312 = %broadcast_in_dim3A_18) -> (vector<16xf32>, vector<16xf32>, vector<16xf32>, vector<16xf32>, vector<16xf32>, vector<16xf32>, vector<16xf32>, vector<16xf32>, vector<16xf32>, vector<16xf32>, vector<16xf32>, vector<16xf32>, vector<16xf32>, vector<16xf32>, vector<16xf32>, vector<16xf32>)  : i32 {
        %get3A_313 = arith.index_cast %while3A_296 : i32 to index
        %get3A_314 = arith.constant 0 : index
        %get3A_315 = tpu.vector_load %arg8[%get3A_313, %get3A_314] {strides = array<i32>} : memref<448x128xf32, #tpu.memory_space<vmem>>, vector<1x16xf32>,
        %get3A_316 = vector.shape_cast %get3A_315 : vector<1x16xf32> to vector<16xf32>
        %get3A_317 = arith.index_cast %while3A_296 : i32 to index
        %get3A_318 = arith.constant 16 : index
        %get3A_319 = tpu.vector_load %arg8[%get3A_317, %get3A_318] {strides = array<i32>} : memref<448x128xf32, #tpu.memory_space<vmem>>, vector<1x16xf32>,
        %get3A_320 = vector.shape_cast %get3A_319 : vector<1x16xf32> to vector<16xf32>
        %get3A_321 = arith.index_cast %while3A_296 : i32 to index
        %get3A_322 = arith.constant 32 : index
        %get3A_323 = tpu.vector_load %arg8[%get3A_321, %get3A_322] {strides = array<i32>} : memref<448x128xf32, #tpu.memory_space<vmem>>, vector<1x16xf32>,
        %get3A_324 = vector.shape_cast %get3A_323 : vector<1x16xf32> to vector<16xf32>
        %get3A_325 = arith.index_cast %while3A_296 : i32 to index
        %get3A_326 = arith.constant 48 : index
        %get3A_327 = tpu.vector_load %arg8[%get3A_325, %get3A_326] {strides = array<i32>} : memref<448x128xf32, #tpu.memory_space<vmem>>, vector<1x16xf32>,
        %get3A_328 = vector.shape_cast %get3A_327 : vector<1x16xf32> to vector<16xf32>
        %get3A_329 = arith.index_cast %while3A_296 : i32 to index
        %get3A_330 = arith.constant 64 : index
        %get3A_331 = tpu.vector_load %arg8[%get3A_329, %get3A_330] {strides = array<i32>} : memref<448x128xf32, #tpu.memory_space<vmem>>, vector<1x16xf32>,
        %get3A_332 = vector.shape_cast %get3A_331 : vector<1x16xf32> to vector<16xf32>
        %get3A_333 = arith.index_cast %while3A_296 : i32 to index
        %get3A_334 = arith.constant 80 : index
        %get3A_335 = tpu.vector_load %arg8[%get3A_333, %get3A_334] {strides = array<i32>} : memref<448x128xf32, #tpu.memory_space<vmem>>, vector<1x16xf32>,
        %get3A_336 = vector.shape_cast %get3A_335 : vector<1x16xf32> to vector<16xf32>
        %get3A_337 = arith.index_cast %while3A_296 : i32 to index
        %get3A_338 = arith.constant 96 : index
        %get3A_339 = tpu.vector_load %arg8[%get3A_337, %get3A_338] {strides = array<i32>} : memref<448x128xf32, #tpu.memory_space<vmem>>, vector<1x16xf32>,
        %get3A_340 = vector.shape_cast %get3A_339 : vector<1x16xf32> to vector<16xf32>
        %get3A_341 = arith.index_cast %while3A_296 : i32 to index
        %get3A_342 = arith.constant 112 : index
        %get3A_343 = tpu.vector_load %arg8[%get3A_341, %get3A_342] {strides = array<i32>} : memref<448x128xf32, #tpu.memory_space<vmem>>, vector<1x16xf32>,
        %get3A_344 = vector.shape_cast %get3A_343 : vector<1x16xf32> to vector<16xf32>
        %add3A_345 = arith.addf %while3A_297, %get3A_316 : vector<16xf32>
        %add3A_346 = arith.addf %while3A_298, %get3A_320 : vector<16xf32>
        %add3A_347 = arith.addf %while3A_299, %get3A_324 : vector<16xf32>
        %add3A_348 = arith.addf %while3A_300, %get3A_328 : vector<16xf32>
        %add3A_349 = arith.addf %while3A_301, %get3A_332 : vector<16xf32>
        %add3A_350 = arith.addf %while3A_302, %get3A_336 : vector<16xf32>
        %add3A_351 = arith.addf %while3A_303, %get3A_340 : vector<16xf32>
        %add3A_352 = arith.addf %while3A_304, %get3A_344 : vector<16xf32>
        %max3A_353 = arith.maximumf %while3A_305, %get3A_316 : vector<16xf32>
        %max3A_354 = arith.maximumf %while3A_306, %get3A_320 : vector<16xf32>
        %max3A_355 = arith.maximumf %while3A_307, %get3A_324 : vector<16xf32>
        %max3A_356 = arith.maximumf %while3A_308, %get3A_328 : vector<16xf32>
        %max3A_357 = arith.maximumf %while3A_309, %get3A_332 : vector<16xf32>
        %max3A_358 = arith.maximumf %while3A_310, %get3A_336 : vector<16xf32>
        %max3A_359 = arith.maximumf %while3A_311, %get3A_340 : vector<16xf32>
        %max3A_360 = arith.maximumf %while3A_312, %get3A_344 : vector<16xf32>
        scf.yield %add3A_345, %add3A_346, %add3A_347, %add3A_348, %add3A_349, %add3A_350, %add3A_351, %add3A_352, %max3A_353, %max3A_354, %max3A_355, %max3A_356, %max3A_357, %max3A_358, %max3A_359, %max3A_360 : vector<16xf32>, vector<16xf32>, vector<16xf32>, vector<16xf32>, vector<16xf32>, vector<16xf32>, vector<16xf32>, vector<16xf32>, vector<16xf32>, vector<16xf32>, vector<16xf32>, vector<16xf32>, vector<16xf32>, vector<16xf32>, vector<16xf32>, vector<16xf32>
      }
      %while3A_291 = arith.constant 1 : i32
      %while3A_292:16 = scf.for %while3A_296 = %while3A_288 to %while3A_284 step %while3A_291 iter_args(%while3A_297 = %while3A_290#0, %while3A_298 = %while3A_290#1, %while3A_299 = %while3A_290#2, %while3A_300 = %while3A_290#3, %while3A_301 = %while3A_290#4, %while3A_302 = %while3A_290#5, %while3A_303 = %while3A_290#6, %while3A_304 = %while3A_290#7, %while3A_305 = %while3A_290#8, %while3A_306 = %while3A_290#9, %while3A_307 = %while3A_290#10, %while3A_308 = %while3A_290#11, %while3A_309 = %while3A_290#12, %while3A_310 = %while3A_290#13, %while3A_311 = %while3A_290#14, %while3A_312 = %while3A_290#15) -> (vector<16xf32>, vector<16xf32>, vector<16xf32>, vector<16xf32>, vector<16xf32>, vector<16xf32>, vector<16xf32>, vector<16xf32>, vector<16xf32>, vector<16xf32>, vector<16xf32>, vector<16xf32>, vector<16xf32>, vector<16xf32>, vector<16xf32>, vector<16xf32>)  : i32 {
        %get3A_313 = arith.index_cast %while3A_296 : i32 to index
        %get3A_314 = arith.constant 0 : index
        %get3A_315 = tpu.vector_load %arg8[%get3A_313, %get3A_314] {strides = array<i32>} : memref<448x128xf32, #tpu.memory_space<vmem>>, vector<1x16xf32>,
        %get3A_316 = vector.shape_cast %get3A_315 : vector<1x16xf32> to vector<16xf32>
        %get3A_317 = arith.index_cast %while3A_296 : i32 to index
        %get3A_318 = arith.constant 16 : index
        %get3A_319 = tpu.vector_load %arg8[%get3A_317, %get3A_318] {strides = array<i32>} : memref<448x128xf32, #tpu.memory_space<vmem>>, vector<1x16xf32>,
        %get3A_320 = vector.shape_cast %get3A_319 : vector<1x16xf32> to vector<16xf32>
        %get3A_321 = arith.index_cast %while3A_296 : i32 to index
        %get3A_322 = arith.constant 32 : index
        %get3A_323 = tpu.vector_load %arg8[%get3A_321, %get3A_322] {strides = array<i32>} : memref<448x128xf32, #tpu.memory_space<vmem>>, vector<1x16xf32>,
        %get3A_324 = vector.shape_cast %get3A_323 : vector<1x16xf32> to vector<16xf32>
        %get3A_325 = arith.index_cast %while3A_296 : i32 to index
        %get3A_326 = arith.constant 48 : index
        %get3A_327 = tpu.vector_load %arg8[%get3A_325, %get3A_326] {strides = array<i32>} : memref<448x128xf32, #tpu.memory_space<vmem>>, vector<1x16xf32>,
        %get3A_328 = vector.shape_cast %get3A_327 : vector<1x16xf32> to vector<16xf32>
        %get3A_329 = arith.index_cast %while3A_296 : i32 to index
        %get3A_330 = arith.constant 64 : index
        %get3A_331 = tpu.vector_load %arg8[%get3A_329, %get3A_330] {strides = array<i32>} : memref<448x128xf32, #tpu.memory_space<vmem>>, vector<1x16xf32>,
        %get3A_332 = vector.shape_cast %get3A_331 : vector<1x16xf32> to vector<16xf32>
        %get3A_333 = arith.index_cast %while3A_296 : i32 to index
        %get3A_334 = arith.constant 80 : index
        %get3A_335 = tpu.vector_load %arg8[%get3A_333, %get3A_334] {strides = array<i32>} : memref<448x128xf32, #tpu.memory_space<vmem>>, vector<1x16xf32>,
        %get3A_336 = vector.shape_cast %get3A_335 : vector<1x16xf32> to vector<16xf32>
        %get3A_337 = arith.index_cast %while3A_296 : i32 to index
        %get3A_338 = arith.constant 96 : index
        %get3A_339 = tpu.vector_load %arg8[%get3A_337, %get3A_338] {strides = array<i32>} : memref<448x128xf32, #tpu.memory_space<vmem>>, vector<1x16xf32>,
        %get3A_340 = vector.shape_cast %get3A_339 : vector<1x16xf32> to vector<16xf32>
        %get3A_341 = arith.index_cast %while3A_296 : i32 to index
        %get3A_342 = arith.constant 112 : index
        %get3A_343 = tpu.vector_load %arg8[%get3A_341, %get3A_342] {strides = array<i32>} : memref<448x128xf32, #tpu.memory_space<vmem>>, vector<1x16xf32>,
        %get3A_344 = vector.shape_cast %get3A_343 : vector<1x16xf32> to vector<16xf32>
        %add3A_345 = arith.addf %while3A_297, %get3A_316 : vector<16xf32>
        %add3A_346 = arith.addf %while3A_298, %get3A_320 : vector<16xf32>
        %add3A_347 = arith.addf %while3A_299, %get3A_324 : vector<16xf32>
        %add3A_348 = arith.addf %while3A_300, %get3A_328 : vector<16xf32>
        %add3A_349 = arith.addf %while3A_301, %get3A_332 : vector<16xf32>
        %add3A_350 = arith.addf %while3A_302, %get3A_336 : vector<16xf32>
        %add3A_351 = arith.addf %while3A_303, %get3A_340 : vector<16xf32>
        %add3A_352 = arith.addf %while3A_304, %get3A_344 : vector<16xf32>
        %max3A_353 = arith.maximumf %while3A_305, %get3A_316 : vector<16xf32>
        %max3A_354 = arith.maximumf %while3A_306, %get3A_320 : vector<16xf32>
        %max3A_355 = arith.maximumf %while3A_307, %get3A_324 : vector<16xf32>
        %max3A_356 = arith.maximumf %while3A_308, %get3A_328 : vector<16xf32>
        %max3A_357 = arith.maximumf %while3A_309, %get3A_332 : vector<16xf32>
        %max3A_358 = arith.maximumf %while3A_310, %get3A_336 : vector<16xf32>
        %max3A_359 = arith.maximumf %while3A_311, %get3A_340 : vector<16xf32>
        %max3A_360 = arith.maximumf %while3A_312, %get3A_344 : vector<16xf32>
        scf.yield %add3A_345, %add3A_346, %add3A_347, %add3A_348, %add3A_349, %add3A_350, %add3A_351, %add3A_352, %max3A_353, %max3A_354, %max3A_355, %max3A_356, %max3A_357, %max3A_358, %max3A_359, %max3A_360 : vector<16xf32>, vector<16xf32>, vector<16xf32>, vector<16xf32>, vector<16xf32>, vector<16xf32>, vector<16xf32>, vector<16xf32>, vector<16xf32>, vector<16xf32>, vector<16xf32>, vector<16xf32>, vector<16xf32>, vector<16xf32>, vector<16xf32>, vector<16xf32>
      }
      %gt3A = arith.cmpi sgt, %sub3A_282, %sub3A_275 : i32
      %convert_element_type3A_293 = arith.extui %gt3A : i1 to i32
      %cond3A_294 = arith.constant 0 : i32
      %cond3A_295 = arith.cmpi ne, %convert_element_type3A_293, %cond3A_294 : i32
      scf.if %cond3A_295 {
        %mul3A_296 = arith.constant 128 : i32
        %mul3A_297 = arith.muli %while3A_270, %mul3A_296 : i32
        %add3A_298 = arith.constant 0 : i32
        %add3A_299 = arith.addi %mul3A_297, %add3A_298 : i32
        %get3A_300 = arith.index_cast %add3A_299 : i32 to index
        %get3A_301 = tpu.vector_load %arg10[%get3A_300] {strides = array<i32>} : memref<4224xf32, #tpu.memory_space<vmem>>, vector<16xf32>,
        %get3A_302 = vector.shape_cast %get3A_301 : vector<16xf32> to vector<16xf32>
        %add3A_303 = arith.addf %get3A_302, %while3A_292#0 : vector<16xf32>
        %swap3A = arith.index_cast %add3A_299 : i32 to index
        %swap3A_304 = tpu.vector_load %arg10[%swap3A] {strides = array<i32>} : memref<4224xf32, #tpu.memory_space<vmem>>, vector<16xf32>,
        %swap3A_305 = vector.shape_cast %swap3A_304 : vector<16xf32> to vector<16xf32>
        %swap3A_306 = vector.shape_cast %add3A_303 : vector<16xf32> to vector<16xf32>
        tpu.vector_store %arg10[%swap3A], %swap3A_306 {strides = array<i32>} : memref<4224xf32, #tpu.memory_space<vmem>>, vector<16xf32>,
        %get3A_307 = arith.index_cast %add3A_299 : i32 to index
        %get3A_308 = tpu.vector_load %arg11[%get3A_307] {strides = array<i32>} : memref<4224xf32, #tpu.memory_space<vmem>>, vector<16xf32>,
        %get3A_309 = vector.shape_cast %get3A_308 : vector<16xf32> to vector<16xf32>
        %max3A_310 = arith.maximumf %get3A_309, %while3A_292#8 : vector<16xf32>
        %swap3A_311 = arith.index_cast %add3A_299 : i32 to index
        %swap3A_312 = tpu.vector_load %arg11[%swap3A_311] {strides = array<i32>} : memref<4224xf32, #tpu.memory_space<vmem>>, vector<16xf32>,
        %swap3A_313 = vector.shape_cast %swap3A_312 : vector<16xf32> to vector<16xf32>
        %swap3A_314 = vector.shape_cast %max3A_310 : vector<16xf32> to vector<16xf32>
        tpu.vector_store %arg11[%swap3A_311], %swap3A_314 {strides = array<i32>} : memref<4224xf32, #tpu.memory_space<vmem>>, vector<16xf32>,
        %add3A_315 = arith.constant 16 : i32
        %add3A_316 = arith.addi %mul3A_297, %add3A_315 : i32
        %get3A_317 = arith.index_cast %add3A_316 : i32 to index
        %get3A_318 = tpu.vector_load %arg10[%get3A_317] {strides = array<i32>} : memref<4224xf32, #tpu.memory_space<vmem>>, vector<16xf32>,
        %get3A_319 = vector.shape_cast %get3A_318 : vector<16xf32> to vector<16xf32>
        %add3A_320 = arith.addf %get3A_319, %while3A_292#1 : vector<16xf32>
        %swap3A_321 = arith.index_cast %add3A_316 : i32 to index
        %swap3A_322 = tpu.vector_load %arg10[%swap3A_321] {strides = array<i32>} : memref<4224xf32, #tpu.memory_space<vmem>>, vector<16xf32>,
        %swap3A_323 = vector.shape_cast %swap3A_322 : vector<16xf32> to vector<16xf32>
        %swap3A_324 = vector.shape_cast %add3A_320 : vector<16xf32> to vector<16xf32>
        tpu.vector_store %arg10[%swap3A_321], %swap3A_324 {strides = array<i32>} : memref<4224xf32, #tpu.memory_space<vmem>>, vector<16xf32>,
        %get3A_325 = arith.index_cast %add3A_316 : i32 to index
        %get3A_326 = tpu.vector_load %arg11[%get3A_325] {strides = array<i32>} : memref<4224xf32, #tpu.memory_space<vmem>>, vector<16xf32>,
        %get3A_327 = vector.shape_cast %get3A_326 : vector<16xf32> to vector<16xf32>
        %max3A_328 = arith.maximumf %get3A_327, %while3A_292#9 : vector<16xf32>
        %swap3A_329 = arith.index_cast %add3A_316 : i32 to index
        %swap3A_330 = tpu.vector_load %arg11[%swap3A_329] {strides = array<i32>} : memref<4224xf32, #tpu.memory_space<vmem>>, vector<16xf32>,
        %swap3A_331 = vector.shape_cast %swap3A_330 : vector<16xf32> to vector<16xf32>
        %swap3A_332 = vector.shape_cast %max3A_328 : vector<16xf32> to vector<16xf32>
        tpu.vector_store %arg11[%swap3A_329], %swap3A_332 {strides = array<i32>} : memref<4224xf32, #tpu.memory_space<vmem>>, vector<16xf32>,
        %add3A_333 = arith.constant 32 : i32
        %add3A_334 = arith.addi %mul3A_297, %add3A_333 : i32
        %get3A_335 = arith.index_cast %add3A_334 : i32 to index
        %get3A_336 = tpu.vector_load %arg10[%get3A_335] {strides = array<i32>} : memref<4224xf32, #tpu.memory_space<vmem>>, vector<16xf32>,
        %get3A_337 = vector.shape_cast %get3A_336 : vector<16xf32> to vector<16xf32>
        %add3A_338 = arith.addf %get3A_337, %while3A_292#2 : vector<16xf32>
        %swap3A_339 = arith.index_cast %add3A_334 : i32 to index
        %swap3A_340 = tpu.vector_load %arg10[%swap3A_339] {strides = array<i32>} : memref<4224xf32, #tpu.memory_space<vmem>>, vector<16xf32>,
        %swap3A_341 = vector.shape_cast %swap3A_340 : vector<16xf32> to vector<16xf32>
        %swap3A_342 = vector.shape_cast %add3A_338 : vector<16xf32> to vector<16xf32>
        tpu.vector_store %arg10[%swap3A_339], %swap3A_342 {strides = array<i32>} : memref<4224xf32, #tpu.memory_space<vmem>>, vector<16xf32>,
        %get3A_343 = arith.index_cast %add3A_334 : i32 to index
        %get3A_344 = tpu.vector_load %arg11[%get3A_343] {strides = array<i32>} : memref<4224xf32, #tpu.memory_space<vmem>>, vector<16xf32>,
        %get3A_345 = vector.shape_cast %get3A_344 : vector<16xf32> to vector<16xf32>
        %max3A_346 = arith.maximumf %get3A_345, %while3A_292#10 : vector<16xf32>
        %swap3A_347 = arith.index_cast %add3A_334 : i32 to index
        %swap3A_348 = tpu.vector_load %arg11[%swap3A_347] {strides = array<i32>} : memref<4224xf32, #tpu.memory_space<vmem>>, vector<16xf32>,
        %swap3A_349 = vector.shape_cast %swap3A_348 : vector<16xf32> to vector<16xf32>
        %swap3A_350 = vector.shape_cast %max3A_346 : vector<16xf32> to vector<16xf32>
        tpu.vector_store %arg11[%swap3A_347], %swap3A_350 {strides = array<i32>} : memref<4224xf32, #tpu.memory_space<vmem>>, vector<16xf32>,
        %add3A_351 = arith.constant 48 : i32
        %add3A_352 = arith.addi %mul3A_297, %add3A_351 : i32
        %get3A_353 = arith.index_cast %add3A_352 : i32 to index
        %get3A_354 = tpu.vector_load %arg10[%get3A_353] {strides = array<i32>} : memref<4224xf32, #tpu.memory_space<vmem>>, vector<16xf32>,
        %get3A_355 = vector.shape_cast %get3A_354 : vector<16xf32> to vector<16xf32>
        %add3A_356 = arith.addf %get3A_355, %while3A_292#3 : vector<16xf32>
        %swap3A_357 = arith.index_cast %add3A_352 : i32 to index
        %swap3A_358 = tpu.vector_load %arg10[%swap3A_357] {strides = array<i32>} : memref<4224xf32, #tpu.memory_space<vmem>>, vector<16xf32>,
        %swap3A_359 = vector.shape_cast %swap3A_358 : vector<16xf32> to vector<16xf32>
        %swap3A_360 = vector.shape_cast %add3A_356 : vector<16xf32> to vector<16xf32>
        tpu.vector_store %arg10[%swap3A_357], %swap3A_360 {strides = array<i32>} : memref<4224xf32, #tpu.memory_space<vmem>>, vector<16xf32>,
        %get3A_361 = arith.index_cast %add3A_352 : i32 to index
        %get3A_362 = tpu.vector_load %arg11[%get3A_361] {strides = array<i32>} : memref<4224xf32, #tpu.memory_space<vmem>>, vector<16xf32>,
        %get3A_363 = vector.shape_cast %get3A_362 : vector<16xf32> to vector<16xf32>
        %max3A_364 = arith.maximumf %get3A_363, %while3A_292#11 : vector<16xf32>
        %swap3A_365 = arith.index_cast %add3A_352 : i32 to index
        %swap3A_366 = tpu.vector_load %arg11[%swap3A_365] {strides = array<i32>} : memref<4224xf32, #tpu.memory_space<vmem>>, vector<16xf32>,
        %swap3A_367 = vector.shape_cast %swap3A_366 : vector<16xf32> to vector<16xf32>
        %swap3A_368 = vector.shape_cast %max3A_364 : vector<16xf32> to vector<16xf32>
        tpu.vector_store %arg11[%swap3A_365], %swap3A_368 {strides = array<i32>} : memref<4224xf32, #tpu.memory_space<vmem>>, vector<16xf32>,
        %add3A_369 = arith.constant 64 : i32
        %add3A_370 = arith.addi %mul3A_297, %add3A_369 : i32
        %get3A_371 = arith.index_cast %add3A_370 : i32 to index
        %get3A_372 = tpu.vector_load %arg10[%get3A_371] {strides = array<i32>} : memref<4224xf32, #tpu.memory_space<vmem>>, vector<16xf32>,
        %get3A_373 = vector.shape_cast %get3A_372 : vector<16xf32> to vector<16xf32>
        %add3A_374 = arith.addf %get3A_373, %while3A_292#4 : vector<16xf32>
        %swap3A_375 = arith.index_cast %add3A_370 : i32 to index
        %swap3A_376 = tpu.vector_load %arg10[%swap3A_375] {strides = array<i32>} : memref<4224xf32, #tpu.memory_space<vmem>>, vector<16xf32>,
        %swap3A_377 = vector.shape_cast %swap3A_376 : vector<16xf32> to vector<16xf32>
        %swap3A_378 = vector.shape_cast %add3A_374 : vector<16xf32> to vector<16xf32>
        tpu.vector_store %arg10[%swap3A_375], %swap3A_378 {strides = array<i32>} : memref<4224xf32, #tpu.memory_space<vmem>>, vector<16xf32>,
        %get3A_379 = arith.index_cast %add3A_370 : i32 to index
        %get3A_380 = tpu.vector_load %arg11[%get3A_379] {strides = array<i32>} : memref<4224xf32, #tpu.memory_space<vmem>>, vector<16xf32>,
        %get3A_381 = vector.shape_cast %get3A_380 : vector<16xf32> to vector<16xf32>
        %max3A_382 = arith.maximumf %get3A_381, %while3A_292#12 : vector<16xf32>
        %swap3A_383 = arith.index_cast %add3A_370 : i32 to index
        %swap3A_384 = tpu.vector_load %arg11[%swap3A_383] {strides = array<i32>} : memref<4224xf32, #tpu.memory_space<vmem>>, vector<16xf32>,
        %swap3A_385 = vector.shape_cast %swap3A_384 : vector<16xf32> to vector<16xf32>
        %swap3A_386 = vector.shape_cast %max3A_382 : vector<16xf32> to vector<16xf32>
        tpu.vector_store %arg11[%swap3A_383], %swap3A_386 {strides = array<i32>} : memref<4224xf32, #tpu.memory_space<vmem>>, vector<16xf32>,
        %add3A_387 = arith.constant 80 : i32
        %add3A_388 = arith.addi %mul3A_297, %add3A_387 : i32
        %get3A_389 = arith.index_cast %add3A_388 : i32 to index
        %get3A_390 = tpu.vector_load %arg10[%get3A_389] {strides = array<i32>} : memref<4224xf32, #tpu.memory_space<vmem>>, vector<16xf32>,
        %get3A_391 = vector.shape_cast %get3A_390 : vector<16xf32> to vector<16xf32>
        %add3A_392 = arith.addf %get3A_391, %while3A_292#5 : vector<16xf32>
        %swap3A_393 = arith.index_cast %add3A_388 : i32 to index
        %swap3A_394 = tpu.vector_load %arg10[%swap3A_393] {strides = array<i32>} : memref<4224xf32, #tpu.memory_space<vmem>>, vector<16xf32>,
        %swap3A_395 = vector.shape_cast %swap3A_394 : vector<16xf32> to vector<16xf32>
        %swap3A_396 = vector.shape_cast %add3A_392 : vector<16xf32> to vector<16xf32>
        tpu.vector_store %arg10[%swap3A_393], %swap3A_396 {strides = array<i32>} : memref<4224xf32, #tpu.memory_space<vmem>>, vector<16xf32>,
        %get3A_397 = arith.index_cast %add3A_388 : i32 to index
        %get3A_398 = tpu.vector_load %arg11[%get3A_397] {strides = array<i32>} : memref<4224xf32, #tpu.memory_space<vmem>>, vector<16xf32>,
        %get3A_399 = vector.shape_cast %get3A_398 : vector<16xf32> to vector<16xf32>
        %max3A_400 = arith.maximumf %get3A_399, %while3A_292#13 : vector<16xf32>
        %swap3A_401 = arith.index_cast %add3A_388 : i32 to index
        %swap3A_402 = tpu.vector_load %arg11[%swap3A_401] {strides = array<i32>} : memref<4224xf32, #tpu.memory_space<vmem>>, vector<16xf32>,
        %swap3A_403 = vector.shape_cast %swap3A_402 : vector<16xf32> to vector<16xf32>
        %swap3A_404 = vector.shape_cast %max3A_400 : vector<16xf32> to vector<16xf32>
        tpu.vector_store %arg11[%swap3A_401], %swap3A_404 {strides = array<i32>} : memref<4224xf32, #tpu.memory_space<vmem>>, vector<16xf32>,
        %add3A_405 = arith.constant 96 : i32
        %add3A_406 = arith.addi %mul3A_297, %add3A_405 : i32
        %get3A_407 = arith.index_cast %add3A_406 : i32 to index
        %get3A_408 = tpu.vector_load %arg10[%get3A_407] {strides = array<i32>} : memref<4224xf32, #tpu.memory_space<vmem>>, vector<16xf32>,
        %get3A_409 = vector.shape_cast %get3A_408 : vector<16xf32> to vector<16xf32>
        %add3A_410 = arith.addf %get3A_409, %while3A_292#6 : vector<16xf32>
        %swap3A_411 = arith.index_cast %add3A_406 : i32 to index
        %swap3A_412 = tpu.vector_load %arg10[%swap3A_411] {strides = array<i32>} : memref<4224xf32, #tpu.memory_space<vmem>>, vector<16xf32>,
        %swap3A_413 = vector.shape_cast %swap3A_412 : vector<16xf32> to vector<16xf32>
        %swap3A_414 = vector.shape_cast %add3A_410 : vector<16xf32> to vector<16xf32>
        tpu.vector_store %arg10[%swap3A_411], %swap3A_414 {strides = array<i32>} : memref<4224xf32, #tpu.memory_space<vmem>>, vector<16xf32>,
        %get3A_415 = arith.index_cast %add3A_406 : i32 to index
        %get3A_416 = tpu.vector_load %arg11[%get3A_415] {strides = array<i32>} : memref<4224xf32, #tpu.memory_space<vmem>>, vector<16xf32>,
        %get3A_417 = vector.shape_cast %get3A_416 : vector<16xf32> to vector<16xf32>
        %max3A_418 = arith.maximumf %get3A_417, %while3A_292#14 : vector<16xf32>
        %swap3A_419 = arith.index_cast %add3A_406 : i32 to index
        %swap3A_420 = tpu.vector_load %arg11[%swap3A_419] {strides = array<i32>} : memref<4224xf32, #tpu.memory_space<vmem>>, vector<16xf32>,
        %swap3A_421 = vector.shape_cast %swap3A_420 : vector<16xf32> to vector<16xf32>
        %swap3A_422 = vector.shape_cast %max3A_418 : vector<16xf32> to vector<16xf32>
        tpu.vector_store %arg11[%swap3A_419], %swap3A_422 {strides = array<i32>} : memref<4224xf32, #tpu.memory_space<vmem>>, vector<16xf32>,
        %add3A_423 = arith.constant 112 : i32
        %add3A_424 = arith.addi %mul3A_297, %add3A_423 : i32
        %get3A_425 = arith.index_cast %add3A_424 : i32 to index
        %get3A_426 = tpu.vector_load %arg10[%get3A_425] {strides = array<i32>} : memref<4224xf32, #tpu.memory_space<vmem>>, vector<16xf32>,
        %get3A_427 = vector.shape_cast %get3A_426 : vector<16xf32> to vector<16xf32>
        %add3A_428 = arith.addf %get3A_427, %while3A_292#7 : vector<16xf32>
        %swap3A_429 = arith.index_cast %add3A_424 : i32 to index
        %swap3A_430 = tpu.vector_load %arg10[%swap3A_429] {strides = array<i32>} : memref<4224xf32, #tpu.memory_space<vmem>>, vector<16xf32>,
        %swap3A_431 = vector.shape_cast %swap3A_430 : vector<16xf32> to vector<16xf32>
        %swap3A_432 = vector.shape_cast %add3A_428 : vector<16xf32> to vector<16xf32>
        tpu.vector_store %arg10[%swap3A_429], %swap3A_432 {strides = array<i32>} : memref<4224xf32, #tpu.memory_space<vmem>>, vector<16xf32>,
        %get3A_433 = arith.index_cast %add3A_424 : i32 to index
        %get3A_434 = tpu.vector_load %arg11[%get3A_433] {strides = array<i32>} : memref<4224xf32, #tpu.memory_space<vmem>>, vector<16xf32>,
        %get3A_435 = vector.shape_cast %get3A_434 : vector<16xf32> to vector<16xf32>
        %max3A_436 = arith.maximumf %get3A_435, %while3A_292#15 : vector<16xf32>
        %swap3A_437 = arith.index_cast %add3A_424 : i32 to index
        %swap3A_438 = tpu.vector_load %arg11[%swap3A_437] {strides = array<i32>} : memref<4224xf32, #tpu.memory_space<vmem>>, vector<16xf32>,
        %swap3A_439 = vector.shape_cast %swap3A_438 : vector<16xf32> to vector<16xf32>
        %swap3A_440 = vector.shape_cast %max3A_436 : vector<16xf32> to vector<16xf32>
        tpu.vector_store %arg11[%swap3A_437], %swap3A_440 {strides = array<i32>} : memref<4224xf32, #tpu.memory_space<vmem>>, vector<16xf32>,
      } else {
      }
    }
    %add3A_69 = arith.constant 896 : i32
    %add3A_70 = arith.addi %select_n3A_10, %add3A_69 : i32
    %dma_start3A_71 = arith.constant 0 : i32
    %dma_start3A_72 = tpu.memref_slice %arg2[%add3A_70, %dma_start3A_71] : memref<100000x128xf32, #tpu.memory_space<hbm>> -> memref<448x128xf32, #tpu.memory_space<hbm>>
    %dma_start3A_73 = arith.constant 0 : i32
    %dma_start3A_74 = tpu.memref_slice %arg2[%add3A_70, %dma_start3A_73] : memref<100000x128xf32, #tpu.memory_space<hbm>> -> memref<448x128xf32, #tpu.memory_space<hbm>>
    tpu.enqueue_dma source(%dma_start3A_74 : memref<448x128xf32, #tpu.memory_space<hbm>>) target(%arg8 : memref<448x128xf32, #tpu.memory_space<vmem>>) target_semaphore(%arg14 : memref<!tpu.dma_semaphore, #tpu.memory_space<semaphore_mem>>)
    %add3A_75 = arith.constant 448 : i32
    %add3A_76 = arith.addi %select_n3A_10, %add3A_75 : i32
    %dma_wait3A_77 = arith.constant 0 : i32
    %dma_wait3A_78 = tpu.memref_slice %arg2[%add3A_76, %dma_wait3A_77] : memref<100000x128xf32, #tpu.memory_space<hbm>> -> memref<448x128xf32, #tpu.memory_space<hbm>>
    %dma_wait3A_79 = arith.constant 0 : i32
    %dma_wait3A_80 = tpu.memref_slice %arg2[%add3A_76, %dma_wait3A_79] : memref<100000x128xf32, #tpu.memory_space<hbm>> -> memref<448x128xf32, #tpu.memory_space<hbm>>
    tpu.wait_dma2 semaphore(%arg15 : memref<!tpu.dma_semaphore, #tpu.memory_space<semaphore_mem>>) src(%dma_wait3A_80 : memref<448x128xf32, #tpu.memory_space<hbm>>) dst(%arg9 : memref<448x128xf32, #tpu.memory_space<vmem>>)
    %get3A_81 = arith.constant 448 : index
    %get3A_82 = tpu.vector_load %arg7[%get3A_81] {strides = array<i32>} : memref<2272xi32, #tpu.memory_space<vmem>>, vector<16xi32>,
    %get3A_83 = vector.shape_cast %get3A_82 : vector<16xi32> to vector<16xi32>
    %slice3A_84 = vector.extract_strided_slice %get3A_83 {offsets = [0], sizes = [1], strides = [1]} : vector<16xi32> to vector<1xi32>
    %squeeze3A_85 = vector.extract %slice3A_84[0] : i32 from vector<1xi32>
    %get3A_86 = arith.constant 895 : index
    %get3A_87 = tpu.vector_load %arg7[%get3A_86] {strides = array<i32>} : memref<2272xi32, #tpu.memory_space<vmem>>, vector<16xi32>,
    %get3A_88 = vector.shape_cast %get3A_87 : vector<16xi32> to vector<16xi32>
    %slice3A_89 = vector.extract_strided_slice %get3A_88 {offsets = [0], sizes = [1], strides = [1]} : vector<16xi32> to vector<1xi32>
    %squeeze3A_90 = vector.extract %slice3A_89[0] : i32 from vector<1xi32>
    %add3A_91 = arith.constant 1 : i32
    %add3A_92 = arith.addi %squeeze3A_90, %add3A_91 : i32
    %while3A_93 = arith.constant 0 : i32
    %while3A_94 = arith.subi %add3A_92, %squeeze3A_85 : i32
    %while3A_95 = arith.addi %squeeze3A_85, %while3A_94 : i32
    %while3A_96 = arith.constant 1 : i32
    %while3A_97 = arith.divsi %while3A_94, %while3A_96 : i32
    %while3A_98 = arith.muli %while3A_97, %while3A_96 : i32
    %while3A_99 = arith.addi %squeeze3A_85, %while3A_98 : i32
    %while3A_100 = arith.constant 1 : i32
    scf.for %while3A_270 = %squeeze3A_85 to %while3A_99 step %while3A_100  : i32 {
      %get3A_271 = arith.index_cast %while3A_270 : i32 to index
      %get3A_272 = memref.load %arg13[%get3A_271] : memref<34xi32, #tpu.memory_space<smem>>
      %max3A = arith.constant 448 : i32
      %max3A_273 = arith.maxsi %get3A_272, %max3A : i32
      %sub3A_274 = arith.constant 448 : i32
      %sub3A_275 = arith.subi %max3A_273, %sub3A_274 : i32
      %add3A_276 = arith.constant 1 : i32
      %add3A_277 = arith.addi %while3A_270, %add3A_276 : i32
      %get3A_278 = arith.index_cast %add3A_277 : i32 to index
      %get3A_279 = memref.load %arg13[%get3A_278] : memref<34xi32, #tpu.memory_space<smem>>
      %min3A = arith.constant 896 : i32
      %min3A_280 = arith.minsi %get3A_279, %min3A : i32
      %sub3A_281 = arith.constant 448 : i32
      %sub3A_282 = arith.subi %min3A_280, %sub3A_281 : i32
      %while3A_283 = arith.subi %sub3A_282, %sub3A_275 : i32
      %while3A_284 = arith.addi %sub3A_275, %while3A_283 : i32
      %while3A_285 = arith.constant 1 : i32
      %while3A_286 = arith.divsi %while3A_283, %while3A_285 : i32
      %while3A_287 = arith.muli %while3A_286, %while3A_285 : i32
      %while3A_288 = arith.addi %sub3A_275, %while3A_287 : i32
      %while3A_289 = arith.constant 1 : i32
      %while3A_290:16 = scf.for %while3A_296 = %sub3A_275 to %while3A_288 step %while3A_289 iter_args(%while3A_297 = %broadcast_in_dim3A_16, %while3A_298 = %broadcast_in_dim3A_16, %while3A_299 = %broadcast_in_dim3A_16, %while3A_300 = %broadcast_in_dim3A_16, %while3A_301 = %broadcast_in_dim3A_16, %while3A_302 = %broadcast_in_dim3A_16, %while3A_303 = %broadcast_in_dim3A_16, %while3A_304 = %broadcast_in_dim3A_16, %while3A_305 = %broadcast_in_dim3A_18, %while3A_306 = %broadcast_in_dim3A_18, %while3A_307 = %broadcast_in_dim3A_18, %while3A_308 = %broadcast_in_dim3A_18, %while3A_309 = %broadcast_in_dim3A_18, %while3A_310 = %broadcast_in_dim3A_18, %while3A_311 = %broadcast_in_dim3A_18, %while3A_312 = %broadcast_in_dim3A_18) -> (vector<16xf32>, vector<16xf32>, vector<16xf32>, vector<16xf32>, vector<16xf32>, vector<16xf32>, vector<16xf32>, vector<16xf32>, vector<16xf32>, vector<16xf32>, vector<16xf32>, vector<16xf32>, vector<16xf32>, vector<16xf32>, vector<16xf32>, vector<16xf32>)  : i32 {
        %get3A_313 = arith.index_cast %while3A_296 : i32 to index
        %get3A_314 = arith.constant 0 : index
        %get3A_315 = tpu.vector_load %arg9[%get3A_313, %get3A_314] {strides = array<i32>} : memref<448x128xf32, #tpu.memory_space<vmem>>, vector<1x16xf32>,
        %get3A_316 = vector.shape_cast %get3A_315 : vector<1x16xf32> to vector<16xf32>
        %get3A_317 = arith.index_cast %while3A_296 : i32 to index
        %get3A_318 = arith.constant 16 : index
        %get3A_319 = tpu.vector_load %arg9[%get3A_317, %get3A_318] {strides = array<i32>} : memref<448x128xf32, #tpu.memory_space<vmem>>, vector<1x16xf32>,
        %get3A_320 = vector.shape_cast %get3A_319 : vector<1x16xf32> to vector<16xf32>
        %get3A_321 = arith.index_cast %while3A_296 : i32 to index
        %get3A_322 = arith.constant 32 : index
        %get3A_323 = tpu.vector_load %arg9[%get3A_321, %get3A_322] {strides = array<i32>} : memref<448x128xf32, #tpu.memory_space<vmem>>, vector<1x16xf32>,
        %get3A_324 = vector.shape_cast %get3A_323 : vector<1x16xf32> to vector<16xf32>
        %get3A_325 = arith.index_cast %while3A_296 : i32 to index
        %get3A_326 = arith.constant 48 : index
        %get3A_327 = tpu.vector_load %arg9[%get3A_325, %get3A_326] {strides = array<i32>} : memref<448x128xf32, #tpu.memory_space<vmem>>, vector<1x16xf32>,
        %get3A_328 = vector.shape_cast %get3A_327 : vector<1x16xf32> to vector<16xf32>
        %get3A_329 = arith.index_cast %while3A_296 : i32 to index
        %get3A_330 = arith.constant 64 : index
        %get3A_331 = tpu.vector_load %arg9[%get3A_329, %get3A_330] {strides = array<i32>} : memref<448x128xf32, #tpu.memory_space<vmem>>, vector<1x16xf32>,
        %get3A_332 = vector.shape_cast %get3A_331 : vector<1x16xf32> to vector<16xf32>
        %get3A_333 = arith.index_cast %while3A_296 : i32 to index
        %get3A_334 = arith.constant 80 : index
        %get3A_335 = tpu.vector_load %arg9[%get3A_333, %get3A_334] {strides = array<i32>} : memref<448x128xf32, #tpu.memory_space<vmem>>, vector<1x16xf32>,
        %get3A_336 = vector.shape_cast %get3A_335 : vector<1x16xf32> to vector<16xf32>
        %get3A_337 = arith.index_cast %while3A_296 : i32 to index
        %get3A_338 = arith.constant 96 : index
        %get3A_339 = tpu.vector_load %arg9[%get3A_337, %get3A_338] {strides = array<i32>} : memref<448x128xf32, #tpu.memory_space<vmem>>, vector<1x16xf32>,
        %get3A_340 = vector.shape_cast %get3A_339 : vector<1x16xf32> to vector<16xf32>
        %get3A_341 = arith.index_cast %while3A_296 : i32 to index
        %get3A_342 = arith.constant 112 : index
        %get3A_343 = tpu.vector_load %arg9[%get3A_341, %get3A_342] {strides = array<i32>} : memref<448x128xf32, #tpu.memory_space<vmem>>, vector<1x16xf32>,
        %get3A_344 = vector.shape_cast %get3A_343 : vector<1x16xf32> to vector<16xf32>
        %add3A_345 = arith.addf %while3A_297, %get3A_316 : vector<16xf32>
        %add3A_346 = arith.addf %while3A_298, %get3A_320 : vector<16xf32>
        %add3A_347 = arith.addf %while3A_299, %get3A_324 : vector<16xf32>
        %add3A_348 = arith.addf %while3A_300, %get3A_328 : vector<16xf32>
        %add3A_349 = arith.addf %while3A_301, %get3A_332 : vector<16xf32>
        %add3A_350 = arith.addf %while3A_302, %get3A_336 : vector<16xf32>
        %add3A_351 = arith.addf %while3A_303, %get3A_340 : vector<16xf32>
        %add3A_352 = arith.addf %while3A_304, %get3A_344 : vector<16xf32>
        %max3A_353 = arith.maximumf %while3A_305, %get3A_316 : vector<16xf32>
        %max3A_354 = arith.maximumf %while3A_306, %get3A_320 : vector<16xf32>
        %max3A_355 = arith.maximumf %while3A_307, %get3A_324 : vector<16xf32>
        %max3A_356 = arith.maximumf %while3A_308, %get3A_328 : vector<16xf32>
        %max3A_357 = arith.maximumf %while3A_309, %get3A_332 : vector<16xf32>
        %max3A_358 = arith.maximumf %while3A_310, %get3A_336 : vector<16xf32>
        %max3A_359 = arith.maximumf %while3A_311, %get3A_340 : vector<16xf32>
        %max3A_360 = arith.maximumf %while3A_312, %get3A_344 : vector<16xf32>
        scf.yield %add3A_345, %add3A_346, %add3A_347, %add3A_348, %add3A_349, %add3A_350, %add3A_351, %add3A_352, %max3A_353, %max3A_354, %max3A_355, %max3A_356, %max3A_357, %max3A_358, %max3A_359, %max3A_360 : vector<16xf32>, vector<16xf32>, vector<16xf32>, vector<16xf32>, vector<16xf32>, vector<16xf32>, vector<16xf32>, vector<16xf32>, vector<16xf32>, vector<16xf32>, vector<16xf32>, vector<16xf32>, vector<16xf32>, vector<16xf32>, vector<16xf32>, vector<16xf32>
      }
      %while3A_291 = arith.constant 1 : i32
      %while3A_292:16 = scf.for %while3A_296 = %while3A_288 to %while3A_284 step %while3A_291 iter_args(%while3A_297 = %while3A_290#0, %while3A_298 = %while3A_290#1, %while3A_299 = %while3A_290#2, %while3A_300 = %while3A_290#3, %while3A_301 = %while3A_290#4, %while3A_302 = %while3A_290#5, %while3A_303 = %while3A_290#6, %while3A_304 = %while3A_290#7, %while3A_305 = %while3A_290#8, %while3A_306 = %while3A_290#9, %while3A_307 = %while3A_290#10, %while3A_308 = %while3A_290#11, %while3A_309 = %while3A_290#12, %while3A_310 = %while3A_290#13, %while3A_311 = %while3A_290#14, %while3A_312 = %while3A_290#15) -> (vector<16xf32>, vector<16xf32>, vector<16xf32>, vector<16xf32>, vector<16xf32>, vector<16xf32>, vector<16xf32>, vector<16xf32>, vector<16xf32>, vector<16xf32>, vector<16xf32>, vector<16xf32>, vector<16xf32>, vector<16xf32>, vector<16xf32>, vector<16xf32>)  : i32 {
        %get3A_313 = arith.index_cast %while3A_296 : i32 to index
        %get3A_314 = arith.constant 0 : index
        %get3A_315 = tpu.vector_load %arg9[%get3A_313, %get3A_314] {strides = array<i32>} : memref<448x128xf32, #tpu.memory_space<vmem>>, vector<1x16xf32>,
        %get3A_316 = vector.shape_cast %get3A_315 : vector<1x16xf32> to vector<16xf32>
        %get3A_317 = arith.index_cast %while3A_296 : i32 to index
        %get3A_318 = arith.constant 16 : index
        %get3A_319 = tpu.vector_load %arg9[%get3A_317, %get3A_318] {strides = array<i32>} : memref<448x128xf32, #tpu.memory_space<vmem>>, vector<1x16xf32>,
        %get3A_320 = vector.shape_cast %get3A_319 : vector<1x16xf32> to vector<16xf32>
        %get3A_321 = arith.index_cast %while3A_296 : i32 to index
        %get3A_322 = arith.constant 32 : index
        %get3A_323 = tpu.vector_load %arg9[%get3A_321, %get3A_322] {strides = array<i32>} : memref<448x128xf32, #tpu.memory_space<vmem>>, vector<1x16xf32>,
        %get3A_324 = vector.shape_cast %get3A_323 : vector<1x16xf32> to vector<16xf32>
        %get3A_325 = arith.index_cast %while3A_296 : i32 to index
        %get3A_326 = arith.constant 48 : index
        %get3A_327 = tpu.vector_load %arg9[%get3A_325, %get3A_326] {strides = array<i32>} : memref<448x128xf32, #tpu.memory_space<vmem>>, vector<1x16xf32>,
        %get3A_328 = vector.shape_cast %get3A_327 : vector<1x16xf32> to vector<16xf32>
        %get3A_329 = arith.index_cast %while3A_296 : i32 to index
        %get3A_330 = arith.constant 64 : index
        %get3A_331 = tpu.vector_load %arg9[%get3A_329, %get3A_330] {strides = array<i32>} : memref<448x128xf32, #tpu.memory_space<vmem>>, vector<1x16xf32>,
        %get3A_332 = vector.shape_cast %get3A_331 : vector<1x16xf32> to vector<16xf32>
        %get3A_333 = arith.index_cast %while3A_296 : i32 to index
        %get3A_334 = arith.constant 80 : index
        %get3A_335 = tpu.vector_load %arg9[%get3A_333, %get3A_334] {strides = array<i32>} : memref<448x128xf32, #tpu.memory_space<vmem>>, vector<1x16xf32>,
        %get3A_336 = vector.shape_cast %get3A_335 : vector<1x16xf32> to vector<16xf32>
        %get3A_337 = arith.index_cast %while3A_296 : i32 to index
        %get3A_338 = arith.constant 96 : index
        %get3A_339 = tpu.vector_load %arg9[%get3A_337, %get3A_338] {strides = array<i32>} : memref<448x128xf32, #tpu.memory_space<vmem>>, vector<1x16xf32>,
        %get3A_340 = vector.shape_cast %get3A_339 : vector<1x16xf32> to vector<16xf32>
        %get3A_341 = arith.index_cast %while3A_296 : i32 to index
        %get3A_342 = arith.constant 112 : index
        %get3A_343 = tpu.vector_load %arg9[%get3A_341, %get3A_342] {strides = array<i32>} : memref<448x128xf32, #tpu.memory_space<vmem>>, vector<1x16xf32>,
        %get3A_344 = vector.shape_cast %get3A_343 : vector<1x16xf32> to vector<16xf32>
        %add3A_345 = arith.addf %while3A_297, %get3A_316 : vector<16xf32>
        %add3A_346 = arith.addf %while3A_298, %get3A_320 : vector<16xf32>
        %add3A_347 = arith.addf %while3A_299, %get3A_324 : vector<16xf32>
        %add3A_348 = arith.addf %while3A_300, %get3A_328 : vector<16xf32>
        %add3A_349 = arith.addf %while3A_301, %get3A_332 : vector<16xf32>
        %add3A_350 = arith.addf %while3A_302, %get3A_336 : vector<16xf32>
        %add3A_351 = arith.addf %while3A_303, %get3A_340 : vector<16xf32>
        %add3A_352 = arith.addf %while3A_304, %get3A_344 : vector<16xf32>
        %max3A_353 = arith.maximumf %while3A_305, %get3A_316 : vector<16xf32>
        %max3A_354 = arith.maximumf %while3A_306, %get3A_320 : vector<16xf32>
        %max3A_355 = arith.maximumf %while3A_307, %get3A_324 : vector<16xf32>
        %max3A_356 = arith.maximumf %while3A_308, %get3A_328 : vector<16xf32>
        %max3A_357 = arith.maximumf %while3A_309, %get3A_332 : vector<16xf32>
        %max3A_358 = arith.maximumf %while3A_310, %get3A_336 : vector<16xf32>
        %max3A_359 = arith.maximumf %while3A_311, %get3A_340 : vector<16xf32>
        %max3A_360 = arith.maximumf %while3A_312, %get3A_344 : vector<16xf32>
        scf.yield %add3A_345, %add3A_346, %add3A_347, %add3A_348, %add3A_349, %add3A_350, %add3A_351, %add3A_352, %max3A_353, %max3A_354, %max3A_355, %max3A_356, %max3A_357, %max3A_358, %max3A_359, %max3A_360 : vector<16xf32>, vector<16xf32>, vector<16xf32>, vector<16xf32>, vector<16xf32>, vector<16xf32>, vector<16xf32>, vector<16xf32>, vector<16xf32>, vector<16xf32>, vector<16xf32>, vector<16xf32>, vector<16xf32>, vector<16xf32>, vector<16xf32>, vector<16xf32>
      }
      %gt3A = arith.cmpi sgt, %sub3A_282, %sub3A_275 : i32
      %convert_element_type3A_293 = arith.extui %gt3A : i1 to i32
      %cond3A_294 = arith.constant 0 : i32
      %cond3A_295 = arith.cmpi ne, %convert_element_type3A_293, %cond3A_294 : i32
      scf.if %cond3A_295 {
        %mul3A_296 = arith.constant 128 : i32
        %mul3A_297 = arith.muli %while3A_270, %mul3A_296 : i32
        %add3A_298 = arith.constant 0 : i32
        %add3A_299 = arith.addi %mul3A_297, %add3A_298 : i32
        %get3A_300 = arith.index_cast %add3A_299 : i32 to index
        %get3A_301 = tpu.vector_load %arg10[%get3A_300] {strides = array<i32>} : memref<4224xf32, #tpu.memory_space<vmem>>, vector<16xf32>,
        %get3A_302 = vector.shape_cast %get3A_301 : vector<16xf32> to vector<16xf32>
        %add3A_303 = arith.addf %get3A_302, %while3A_292#0 : vector<16xf32>
        %swap3A = arith.index_cast %add3A_299 : i32 to index
        %swap3A_304 = tpu.vector_load %arg10[%swap3A] {strides = array<i32>} : memref<4224xf32, #tpu.memory_space<vmem>>, vector<16xf32>,
        %swap3A_305 = vector.shape_cast %swap3A_304 : vector<16xf32> to vector<16xf32>
        %swap3A_306 = vector.shape_cast %add3A_303 : vector<16xf32> to vector<16xf32>
        tpu.vector_store %arg10[%swap3A], %swap3A_306 {strides = array<i32>} : memref<4224xf32, #tpu.memory_space<vmem>>, vector<16xf32>,
        %get3A_307 = arith.index_cast %add3A_299 : i32 to index
        %get3A_308 = tpu.vector_load %arg11[%get3A_307] {strides = array<i32>} : memref<4224xf32, #tpu.memory_space<vmem>>, vector<16xf32>,
        %get3A_309 = vector.shape_cast %get3A_308 : vector<16xf32> to vector<16xf32>
        %max3A_310 = arith.maximumf %get3A_309, %while3A_292#8 : vector<16xf32>
        %swap3A_311 = arith.index_cast %add3A_299 : i32 to index
        %swap3A_312 = tpu.vector_load %arg11[%swap3A_311] {strides = array<i32>} : memref<4224xf32, #tpu.memory_space<vmem>>, vector<16xf32>,
        %swap3A_313 = vector.shape_cast %swap3A_312 : vector<16xf32> to vector<16xf32>
        %swap3A_314 = vector.shape_cast %max3A_310 : vector<16xf32> to vector<16xf32>
        tpu.vector_store %arg11[%swap3A_311], %swap3A_314 {strides = array<i32>} : memref<4224xf32, #tpu.memory_space<vmem>>, vector<16xf32>,
        %add3A_315 = arith.constant 16 : i32
        %add3A_316 = arith.addi %mul3A_297, %add3A_315 : i32
        %get3A_317 = arith.index_cast %add3A_316 : i32 to index
        %get3A_318 = tpu.vector_load %arg10[%get3A_317] {strides = array<i32>} : memref<4224xf32, #tpu.memory_space<vmem>>, vector<16xf32>,
        %get3A_319 = vector.shape_cast %get3A_318 : vector<16xf32> to vector<16xf32>
        %add3A_320 = arith.addf %get3A_319, %while3A_292#1 : vector<16xf32>
        %swap3A_321 = arith.index_cast %add3A_316 : i32 to index
        %swap3A_322 = tpu.vector_load %arg10[%swap3A_321] {strides = array<i32>} : memref<4224xf32, #tpu.memory_space<vmem>>, vector<16xf32>,
        %swap3A_323 = vector.shape_cast %swap3A_322 : vector<16xf32> to vector<16xf32>
        %swap3A_324 = vector.shape_cast %add3A_320 : vector<16xf32> to vector<16xf32>
        tpu.vector_store %arg10[%swap3A_321], %swap3A_324 {strides = array<i32>} : memref<4224xf32, #tpu.memory_space<vmem>>, vector<16xf32>,
        %get3A_325 = arith.index_cast %add3A_316 : i32 to index
        %get3A_326 = tpu.vector_load %arg11[%get3A_325] {strides = array<i32>} : memref<4224xf32, #tpu.memory_space<vmem>>, vector<16xf32>,
        %get3A_327 = vector.shape_cast %get3A_326 : vector<16xf32> to vector<16xf32>
        %max3A_328 = arith.maximumf %get3A_327, %while3A_292#9 : vector<16xf32>
        %swap3A_329 = arith.index_cast %add3A_316 : i32 to index
        %swap3A_330 = tpu.vector_load %arg11[%swap3A_329] {strides = array<i32>} : memref<4224xf32, #tpu.memory_space<vmem>>, vector<16xf32>,
        %swap3A_331 = vector.shape_cast %swap3A_330 : vector<16xf32> to vector<16xf32>
        %swap3A_332 = vector.shape_cast %max3A_328 : vector<16xf32> to vector<16xf32>
        tpu.vector_store %arg11[%swap3A_329], %swap3A_332 {strides = array<i32>} : memref<4224xf32, #tpu.memory_space<vmem>>, vector<16xf32>,
        %add3A_333 = arith.constant 32 : i32
        %add3A_334 = arith.addi %mul3A_297, %add3A_333 : i32
        %get3A_335 = arith.index_cast %add3A_334 : i32 to index
        %get3A_336 = tpu.vector_load %arg10[%get3A_335] {strides = array<i32>} : memref<4224xf32, #tpu.memory_space<vmem>>, vector<16xf32>,
        %get3A_337 = vector.shape_cast %get3A_336 : vector<16xf32> to vector<16xf32>
        %add3A_338 = arith.addf %get3A_337, %while3A_292#2 : vector<16xf32>
        %swap3A_339 = arith.index_cast %add3A_334 : i32 to index
        %swap3A_340 = tpu.vector_load %arg10[%swap3A_339] {strides = array<i32>} : memref<4224xf32, #tpu.memory_space<vmem>>, vector<16xf32>,
        %swap3A_341 = vector.shape_cast %swap3A_340 : vector<16xf32> to vector<16xf32>
        %swap3A_342 = vector.shape_cast %add3A_338 : vector<16xf32> to vector<16xf32>
        tpu.vector_store %arg10[%swap3A_339], %swap3A_342 {strides = array<i32>} : memref<4224xf32, #tpu.memory_space<vmem>>, vector<16xf32>,
        %get3A_343 = arith.index_cast %add3A_334 : i32 to index
        %get3A_344 = tpu.vector_load %arg11[%get3A_343] {strides = array<i32>} : memref<4224xf32, #tpu.memory_space<vmem>>, vector<16xf32>,
        %get3A_345 = vector.shape_cast %get3A_344 : vector<16xf32> to vector<16xf32>
        %max3A_346 = arith.maximumf %get3A_345, %while3A_292#10 : vector<16xf32>
        %swap3A_347 = arith.index_cast %add3A_334 : i32 to index
        %swap3A_348 = tpu.vector_load %arg11[%swap3A_347] {strides = array<i32>} : memref<4224xf32, #tpu.memory_space<vmem>>, vector<16xf32>,
        %swap3A_349 = vector.shape_cast %swap3A_348 : vector<16xf32> to vector<16xf32>
        %swap3A_350 = vector.shape_cast %max3A_346 : vector<16xf32> to vector<16xf32>
        tpu.vector_store %arg11[%swap3A_347], %swap3A_350 {strides = array<i32>} : memref<4224xf32, #tpu.memory_space<vmem>>, vector<16xf32>,
        %add3A_351 = arith.constant 48 : i32
        %add3A_352 = arith.addi %mul3A_297, %add3A_351 : i32
        %get3A_353 = arith.index_cast %add3A_352 : i32 to index
        %get3A_354 = tpu.vector_load %arg10[%get3A_353] {strides = array<i32>} : memref<4224xf32, #tpu.memory_space<vmem>>, vector<16xf32>,
        %get3A_355 = vector.shape_cast %get3A_354 : vector<16xf32> to vector<16xf32>
        %add3A_356 = arith.addf %get3A_355, %while3A_292#3 : vector<16xf32>
        %swap3A_357 = arith.index_cast %add3A_352 : i32 to index
        %swap3A_358 = tpu.vector_load %arg10[%swap3A_357] {strides = array<i32>} : memref<4224xf32, #tpu.memory_space<vmem>>, vector<16xf32>,
        %swap3A_359 = vector.shape_cast %swap3A_358 : vector<16xf32> to vector<16xf32>
        %swap3A_360 = vector.shape_cast %add3A_356 : vector<16xf32> to vector<16xf32>
        tpu.vector_store %arg10[%swap3A_357], %swap3A_360 {strides = array<i32>} : memref<4224xf32, #tpu.memory_space<vmem>>, vector<16xf32>,
        %get3A_361 = arith.index_cast %add3A_352 : i32 to index
        %get3A_362 = tpu.vector_load %arg11[%get3A_361] {strides = array<i32>} : memref<4224xf32, #tpu.memory_space<vmem>>, vector<16xf32>,
        %get3A_363 = vector.shape_cast %get3A_362 : vector<16xf32> to vector<16xf32>
        %max3A_364 = arith.maximumf %get3A_363, %while3A_292#11 : vector<16xf32>
        %swap3A_365 = arith.index_cast %add3A_352 : i32 to index
        %swap3A_366 = tpu.vector_load %arg11[%swap3A_365] {strides = array<i32>} : memref<4224xf32, #tpu.memory_space<vmem>>, vector<16xf32>,
        %swap3A_367 = vector.shape_cast %swap3A_366 : vector<16xf32> to vector<16xf32>
        %swap3A_368 = vector.shape_cast %max3A_364 : vector<16xf32> to vector<16xf32>
        tpu.vector_store %arg11[%swap3A_365], %swap3A_368 {strides = array<i32>} : memref<4224xf32, #tpu.memory_space<vmem>>, vector<16xf32>,
        %add3A_369 = arith.constant 64 : i32
        %add3A_370 = arith.addi %mul3A_297, %add3A_369 : i32
        %get3A_371 = arith.index_cast %add3A_370 : i32 to index
        %get3A_372 = tpu.vector_load %arg10[%get3A_371] {strides = array<i32>} : memref<4224xf32, #tpu.memory_space<vmem>>, vector<16xf32>,
        %get3A_373 = vector.shape_cast %get3A_372 : vector<16xf32> to vector<16xf32>
        %add3A_374 = arith.addf %get3A_373, %while3A_292#4 : vector<16xf32>
        %swap3A_375 = arith.index_cast %add3A_370 : i32 to index
        %swap3A_376 = tpu.vector_load %arg10[%swap3A_375] {strides = array<i32>} : memref<4224xf32, #tpu.memory_space<vmem>>, vector<16xf32>,
        %swap3A_377 = vector.shape_cast %swap3A_376 : vector<16xf32> to vector<16xf32>
        %swap3A_378 = vector.shape_cast %add3A_374 : vector<16xf32> to vector<16xf32>
        tpu.vector_store %arg10[%swap3A_375], %swap3A_378 {strides = array<i32>} : memref<4224xf32, #tpu.memory_space<vmem>>, vector<16xf32>,
        %get3A_379 = arith.index_cast %add3A_370 : i32 to index
        %get3A_380 = tpu.vector_load %arg11[%get3A_379] {strides = array<i32>} : memref<4224xf32, #tpu.memory_space<vmem>>, vector<16xf32>,
        %get3A_381 = vector.shape_cast %get3A_380 : vector<16xf32> to vector<16xf32>
        %max3A_382 = arith.maximumf %get3A_381, %while3A_292#12 : vector<16xf32>
        %swap3A_383 = arith.index_cast %add3A_370 : i32 to index
        %swap3A_384 = tpu.vector_load %arg11[%swap3A_383] {strides = array<i32>} : memref<4224xf32, #tpu.memory_space<vmem>>, vector<16xf32>,
        %swap3A_385 = vector.shape_cast %swap3A_384 : vector<16xf32> to vector<16xf32>
        %swap3A_386 = vector.shape_cast %max3A_382 : vector<16xf32> to vector<16xf32>
        tpu.vector_store %arg11[%swap3A_383], %swap3A_386 {strides = array<i32>} : memref<4224xf32, #tpu.memory_space<vmem>>, vector<16xf32>,
        %add3A_387 = arith.constant 80 : i32
        %add3A_388 = arith.addi %mul3A_297, %add3A_387 : i32
        %get3A_389 = arith.index_cast %add3A_388 : i32 to index
        %get3A_390 = tpu.vector_load %arg10[%get3A_389] {strides = array<i32>} : memref<4224xf32, #tpu.memory_space<vmem>>, vector<16xf32>,
        %get3A_391 = vector.shape_cast %get3A_390 : vector<16xf32> to vector<16xf32>
        %add3A_392 = arith.addf %get3A_391, %while3A_292#5 : vector<16xf32>
        %swap3A_393 = arith.index_cast %add3A_388 : i32 to index
        %swap3A_394 = tpu.vector_load %arg10[%swap3A_393] {strides = array<i32>} : memref<4224xf32, #tpu.memory_space<vmem>>, vector<16xf32>,
        %swap3A_395 = vector.shape_cast %swap3A_394 : vector<16xf32> to vector<16xf32>
        %swap3A_396 = vector.shape_cast %add3A_392 : vector<16xf32> to vector<16xf32>
        tpu.vector_store %arg10[%swap3A_393], %swap3A_396 {strides = array<i32>} : memref<4224xf32, #tpu.memory_space<vmem>>, vector<16xf32>,
        %get3A_397 = arith.index_cast %add3A_388 : i32 to index
        %get3A_398 = tpu.vector_load %arg11[%get3A_397] {strides = array<i32>} : memref<4224xf32, #tpu.memory_space<vmem>>, vector<16xf32>,
        %get3A_399 = vector.shape_cast %get3A_398 : vector<16xf32> to vector<16xf32>
        %max3A_400 = arith.maximumf %get3A_399, %while3A_292#13 : vector<16xf32>
        %swap3A_401 = arith.index_cast %add3A_388 : i32 to index
        %swap3A_402 = tpu.vector_load %arg11[%swap3A_401] {strides = array<i32>} : memref<4224xf32, #tpu.memory_space<vmem>>, vector<16xf32>,
        %swap3A_403 = vector.shape_cast %swap3A_402 : vector<16xf32> to vector<16xf32>
        %swap3A_404 = vector.shape_cast %max3A_400 : vector<16xf32> to vector<16xf32>
        tpu.vector_store %arg11[%swap3A_401], %swap3A_404 {strides = array<i32>} : memref<4224xf32, #tpu.memory_space<vmem>>, vector<16xf32>,
        %add3A_405 = arith.constant 96 : i32
        %add3A_406 = arith.addi %mul3A_297, %add3A_405 : i32
        %get3A_407 = arith.index_cast %add3A_406 : i32 to index
        %get3A_408 = tpu.vector_load %arg10[%get3A_407] {strides = array<i32>} : memref<4224xf32, #tpu.memory_space<vmem>>, vector<16xf32>,
        %get3A_409 = vector.shape_cast %get3A_408 : vector<16xf32> to vector<16xf32>
        %add3A_410 = arith.addf %get3A_409, %while3A_292#6 : vector<16xf32>
        %swap3A_411 = arith.index_cast %add3A_406 : i32 to index
        %swap3A_412 = tpu.vector_load %arg10[%swap3A_411] {strides = array<i32>} : memref<4224xf32, #tpu.memory_space<vmem>>, vector<16xf32>,
        %swap3A_413 = vector.shape_cast %swap3A_412 : vector<16xf32> to vector<16xf32>
        %swap3A_414 = vector.shape_cast %add3A_410 : vector<16xf32> to vector<16xf32>
        tpu.vector_store %arg10[%swap3A_411], %swap3A_414 {strides = array<i32>} : memref<4224xf32, #tpu.memory_space<vmem>>, vector<16xf32>,
        %get3A_415 = arith.index_cast %add3A_406 : i32 to index
        %get3A_416 = tpu.vector_load %arg11[%get3A_415] {strides = array<i32>} : memref<4224xf32, #tpu.memory_space<vmem>>, vector<16xf32>,
        %get3A_417 = vector.shape_cast %get3A_416 : vector<16xf32> to vector<16xf32>
        %max3A_418 = arith.maximumf %get3A_417, %while3A_292#14 : vector<16xf32>
        %swap3A_419 = arith.index_cast %add3A_406 : i32 to index
        %swap3A_420 = tpu.vector_load %arg11[%swap3A_419] {strides = array<i32>} : memref<4224xf32, #tpu.memory_space<vmem>>, vector<16xf32>,
        %swap3A_421 = vector.shape_cast %swap3A_420 : vector<16xf32> to vector<16xf32>
        %swap3A_422 = vector.shape_cast %max3A_418 : vector<16xf32> to vector<16xf32>
        tpu.vector_store %arg11[%swap3A_419], %swap3A_422 {strides = array<i32>} : memref<4224xf32, #tpu.memory_space<vmem>>, vector<16xf32>,
        %add3A_423 = arith.constant 112 : i32
        %add3A_424 = arith.addi %mul3A_297, %add3A_423 : i32
        %get3A_425 = arith.index_cast %add3A_424 : i32 to index
        %get3A_426 = tpu.vector_load %arg10[%get3A_425] {strides = array<i32>} : memref<4224xf32, #tpu.memory_space<vmem>>, vector<16xf32>,
        %get3A_427 = vector.shape_cast %get3A_426 : vector<16xf32> to vector<16xf32>
        %add3A_428 = arith.addf %get3A_427, %while3A_292#7 : vector<16xf32>
        %swap3A_429 = arith.index_cast %add3A_424 : i32 to index
        %swap3A_430 = tpu.vector_load %arg10[%swap3A_429] {strides = array<i32>} : memref<4224xf32, #tpu.memory_space<vmem>>, vector<16xf32>,
        %swap3A_431 = vector.shape_cast %swap3A_430 : vector<16xf32> to vector<16xf32>
        %swap3A_432 = vector.shape_cast %add3A_428 : vector<16xf32> to vector<16xf32>
        tpu.vector_store %arg10[%swap3A_429], %swap3A_432 {strides = array<i32>} : memref<4224xf32, #tpu.memory_space<vmem>>, vector<16xf32>,
        %get3A_433 = arith.index_cast %add3A_424 : i32 to index
        %get3A_434 = tpu.vector_load %arg11[%get3A_433] {strides = array<i32>} : memref<4224xf32, #tpu.memory_space<vmem>>, vector<16xf32>,
        %get3A_435 = vector.shape_cast %get3A_434 : vector<16xf32> to vector<16xf32>
        %max3A_436 = arith.maximumf %get3A_435, %while3A_292#15 : vector<16xf32>
        %swap3A_437 = arith.index_cast %add3A_424 : i32 to index
        %swap3A_438 = tpu.vector_load %arg11[%swap3A_437] {strides = array<i32>} : memref<4224xf32, #tpu.memory_space<vmem>>, vector<16xf32>,
        %swap3A_439 = vector.shape_cast %swap3A_438 : vector<16xf32> to vector<16xf32>
        %swap3A_440 = vector.shape_cast %max3A_436 : vector<16xf32> to vector<16xf32>
        tpu.vector_store %arg11[%swap3A_437], %swap3A_440 {strides = array<i32>} : memref<4224xf32, #tpu.memory_space<vmem>>, vector<16xf32>,
      } else {
      }
    }
    %while3A_101 = arith.constant 1 : i32
    scf.for %while3A_270 = %while3A_99 to %while3A_95 step %while3A_101  : i32 {
      %get3A_271 = arith.index_cast %while3A_270 : i32 to index
      %get3A_272 = memref.load %arg13[%get3A_271] : memref<34xi32, #tpu.memory_space<smem>>
      %max3A = arith.constant 448 : i32
      %max3A_273 = arith.maxsi %get3A_272, %max3A : i32
      %sub3A_274 = arith.constant 448 : i32
      %sub3A_275 = arith.subi %max3A_273, %sub3A_274 : i32
      %add3A_276 = arith.constant 1 : i32
      %add3A_277 = arith.addi %while3A_270, %add3A_276 : i32
      %get3A_278 = arith.index_cast %add3A_277 : i32 to index
      %get3A_279 = memref.load %arg13[%get3A_278] : memref<34xi32, #tpu.memory_space<smem>>
      %min3A = arith.constant 896 : i32
      %min3A_280 = arith.minsi %get3A_279, %min3A : i32
      %sub3A_281 = arith.constant 448 : i32
      %sub3A_282 = arith.subi %min3A_280, %sub3A_281 : i32
      %while3A_283 = arith.subi %sub3A_282, %sub3A_275 : i32
      %while3A_284 = arith.addi %sub3A_275, %while3A_283 : i32
      %while3A_285 = arith.constant 1 : i32
      %while3A_286 = arith.divsi %while3A_283, %while3A_285 : i32
      %while3A_287 = arith.muli %while3A_286, %while3A_285 : i32
      %while3A_288 = arith.addi %sub3A_275, %while3A_287 : i32
      %while3A_289 = arith.constant 1 : i32
      %while3A_290:16 = scf.for %while3A_296 = %sub3A_275 to %while3A_288 step %while3A_289 iter_args(%while3A_297 = %broadcast_in_dim3A_16, %while3A_298 = %broadcast_in_dim3A_16, %while3A_299 = %broadcast_in_dim3A_16, %while3A_300 = %broadcast_in_dim3A_16, %while3A_301 = %broadcast_in_dim3A_16, %while3A_302 = %broadcast_in_dim3A_16, %while3A_303 = %broadcast_in_dim3A_16, %while3A_304 = %broadcast_in_dim3A_16, %while3A_305 = %broadcast_in_dim3A_18, %while3A_306 = %broadcast_in_dim3A_18, %while3A_307 = %broadcast_in_dim3A_18, %while3A_308 = %broadcast_in_dim3A_18, %while3A_309 = %broadcast_in_dim3A_18, %while3A_310 = %broadcast_in_dim3A_18, %while3A_311 = %broadcast_in_dim3A_18, %while3A_312 = %broadcast_in_dim3A_18) -> (vector<16xf32>, vector<16xf32>, vector<16xf32>, vector<16xf32>, vector<16xf32>, vector<16xf32>, vector<16xf32>, vector<16xf32>, vector<16xf32>, vector<16xf32>, vector<16xf32>, vector<16xf32>, vector<16xf32>, vector<16xf32>, vector<16xf32>, vector<16xf32>)  : i32 {
        %get3A_313 = arith.index_cast %while3A_296 : i32 to index
        %get3A_314 = arith.constant 0 : index
        %get3A_315 = tpu.vector_load %arg9[%get3A_313, %get3A_314] {strides = array<i32>} : memref<448x128xf32, #tpu.memory_space<vmem>>, vector<1x16xf32>,
        %get3A_316 = vector.shape_cast %get3A_315 : vector<1x16xf32> to vector<16xf32>
        %get3A_317 = arith.index_cast %while3A_296 : i32 to index
        %get3A_318 = arith.constant 16 : index
        %get3A_319 = tpu.vector_load %arg9[%get3A_317, %get3A_318] {strides = array<i32>} : memref<448x128xf32, #tpu.memory_space<vmem>>, vector<1x16xf32>,
        %get3A_320 = vector.shape_cast %get3A_319 : vector<1x16xf32> to vector<16xf32>
        %get3A_321 = arith.index_cast %while3A_296 : i32 to index
        %get3A_322 = arith.constant 32 : index
        %get3A_323 = tpu.vector_load %arg9[%get3A_321, %get3A_322] {strides = array<i32>} : memref<448x128xf32, #tpu.memory_space<vmem>>, vector<1x16xf32>,
        %get3A_324 = vector.shape_cast %get3A_323 : vector<1x16xf32> to vector<16xf32>
        %get3A_325 = arith.index_cast %while3A_296 : i32 to index
        %get3A_326 = arith.constant 48 : index
        %get3A_327 = tpu.vector_load %arg9[%get3A_325, %get3A_326] {strides = array<i32>} : memref<448x128xf32, #tpu.memory_space<vmem>>, vector<1x16xf32>,
        %get3A_328 = vector.shape_cast %get3A_327 : vector<1x16xf32> to vector<16xf32>
        %get3A_329 = arith.index_cast %while3A_296 : i32 to index
        %get3A_330 = arith.constant 64 : index
        %get3A_331 = tpu.vector_load %arg9[%get3A_329, %get3A_330] {strides = array<i32>} : memref<448x128xf32, #tpu.memory_space<vmem>>, vector<1x16xf32>,
        %get3A_332 = vector.shape_cast %get3A_331 : vector<1x16xf32> to vector<16xf32>
        %get3A_333 = arith.index_cast %while3A_296 : i32 to index
        %get3A_334 = arith.constant 80 : index
        %get3A_335 = tpu.vector_load %arg9[%get3A_333, %get3A_334] {strides = array<i32>} : memref<448x128xf32, #tpu.memory_space<vmem>>, vector<1x16xf32>,
        %get3A_336 = vector.shape_cast %get3A_335 : vector<1x16xf32> to vector<16xf32>
        %get3A_337 = arith.index_cast %while3A_296 : i32 to index
        %get3A_338 = arith.constant 96 : index
        %get3A_339 = tpu.vector_load %arg9[%get3A_337, %get3A_338] {strides = array<i32>} : memref<448x128xf32, #tpu.memory_space<vmem>>, vector<1x16xf32>,
        %get3A_340 = vector.shape_cast %get3A_339 : vector<1x16xf32> to vector<16xf32>
        %get3A_341 = arith.index_cast %while3A_296 : i32 to index
        %get3A_342 = arith.constant 112 : index
        %get3A_343 = tpu.vector_load %arg9[%get3A_341, %get3A_342] {strides = array<i32>} : memref<448x128xf32, #tpu.memory_space<vmem>>, vector<1x16xf32>,
        %get3A_344 = vector.shape_cast %get3A_343 : vector<1x16xf32> to vector<16xf32>
        %add3A_345 = arith.addf %while3A_297, %get3A_316 : vector<16xf32>
        %add3A_346 = arith.addf %while3A_298, %get3A_320 : vector<16xf32>
        %add3A_347 = arith.addf %while3A_299, %get3A_324 : vector<16xf32>
        %add3A_348 = arith.addf %while3A_300, %get3A_328 : vector<16xf32>
        %add3A_349 = arith.addf %while3A_301, %get3A_332 : vector<16xf32>
        %add3A_350 = arith.addf %while3A_302, %get3A_336 : vector<16xf32>
        %add3A_351 = arith.addf %while3A_303, %get3A_340 : vector<16xf32>
        %add3A_352 = arith.addf %while3A_304, %get3A_344 : vector<16xf32>
        %max3A_353 = arith.maximumf %while3A_305, %get3A_316 : vector<16xf32>
        %max3A_354 = arith.maximumf %while3A_306, %get3A_320 : vector<16xf32>
        %max3A_355 = arith.maximumf %while3A_307, %get3A_324 : vector<16xf32>
        %max3A_356 = arith.maximumf %while3A_308, %get3A_328 : vector<16xf32>
        %max3A_357 = arith.maximumf %while3A_309, %get3A_332 : vector<16xf32>
        %max3A_358 = arith.maximumf %while3A_310, %get3A_336 : vector<16xf32>
        %max3A_359 = arith.maximumf %while3A_311, %get3A_340 : vector<16xf32>
        %max3A_360 = arith.maximumf %while3A_312, %get3A_344 : vector<16xf32>
        scf.yield %add3A_345, %add3A_346, %add3A_347, %add3A_348, %add3A_349, %add3A_350, %add3A_351, %add3A_352, %max3A_353, %max3A_354, %max3A_355, %max3A_356, %max3A_357, %max3A_358, %max3A_359, %max3A_360 : vector<16xf32>, vector<16xf32>, vector<16xf32>, vector<16xf32>, vector<16xf32>, vector<16xf32>, vector<16xf32>, vector<16xf32>, vector<16xf32>, vector<16xf32>, vector<16xf32>, vector<16xf32>, vector<16xf32>, vector<16xf32>, vector<16xf32>, vector<16xf32>
      }
      %while3A_291 = arith.constant 1 : i32
      %while3A_292:16 = scf.for %while3A_296 = %while3A_288 to %while3A_284 step %while3A_291 iter_args(%while3A_297 = %while3A_290#0, %while3A_298 = %while3A_290#1, %while3A_299 = %while3A_290#2, %while3A_300 = %while3A_290#3, %while3A_301 = %while3A_290#4, %while3A_302 = %while3A_290#5, %while3A_303 = %while3A_290#6, %while3A_304 = %while3A_290#7, %while3A_305 = %while3A_290#8, %while3A_306 = %while3A_290#9, %while3A_307 = %while3A_290#10, %while3A_308 = %while3A_290#11, %while3A_309 = %while3A_290#12, %while3A_310 = %while3A_290#13, %while3A_311 = %while3A_290#14, %while3A_312 = %while3A_290#15) -> (vector<16xf32>, vector<16xf32>, vector<16xf32>, vector<16xf32>, vector<16xf32>, vector<16xf32>, vector<16xf32>, vector<16xf32>, vector<16xf32>, vector<16xf32>, vector<16xf32>, vector<16xf32>, vector<16xf32>, vector<16xf32>, vector<16xf32>, vector<16xf32>)  : i32 {
        %get3A_313 = arith.index_cast %while3A_296 : i32 to index
        %get3A_314 = arith.constant 0 : index
        %get3A_315 = tpu.vector_load %arg9[%get3A_313, %get3A_314] {strides = array<i32>} : memref<448x128xf32, #tpu.memory_space<vmem>>, vector<1x16xf32>,
        %get3A_316 = vector.shape_cast %get3A_315 : vector<1x16xf32> to vector<16xf32>
        %get3A_317 = arith.index_cast %while3A_296 : i32 to index
        %get3A_318 = arith.constant 16 : index
        %get3A_319 = tpu.vector_load %arg9[%get3A_317, %get3A_318] {strides = array<i32>} : memref<448x128xf32, #tpu.memory_space<vmem>>, vector<1x16xf32>,
        %get3A_320 = vector.shape_cast %get3A_319 : vector<1x16xf32> to vector<16xf32>
        %get3A_321 = arith.index_cast %while3A_296 : i32 to index
        %get3A_322 = arith.constant 32 : index
        %get3A_323 = tpu.vector_load %arg9[%get3A_321, %get3A_322] {strides = array<i32>} : memref<448x128xf32, #tpu.memory_space<vmem>>, vector<1x16xf32>,
        %get3A_324 = vector.shape_cast %get3A_323 : vector<1x16xf32> to vector<16xf32>
        %get3A_325 = arith.index_cast %while3A_296 : i32 to index
        %get3A_326 = arith.constant 48 : index
        %get3A_327 = tpu.vector_load %arg9[%get3A_325, %get3A_326] {strides = array<i32>} : memref<448x128xf32, #tpu.memory_space<vmem>>, vector<1x16xf32>,
        %get3A_328 = vector.shape_cast %get3A_327 : vector<1x16xf32> to vector<16xf32>
        %get3A_329 = arith.index_cast %while3A_296 : i32 to index
        %get3A_330 = arith.constant 64 : index
        %get3A_331 = tpu.vector_load %arg9[%get3A_329, %get3A_330] {strides = array<i32>} : memref<448x128xf32, #tpu.memory_space<vmem>>, vector<1x16xf32>,
        %get3A_332 = vector.shape_cast %get3A_331 : vector<1x16xf32> to vector<16xf32>
        %get3A_333 = arith.index_cast %while3A_296 : i32 to index
        %get3A_334 = arith.constant 80 : index
        %get3A_335 = tpu.vector_load %arg9[%get3A_333, %get3A_334] {strides = array<i32>} : memref<448x128xf32, #tpu.memory_space<vmem>>, vector<1x16xf32>,
        %get3A_336 = vector.shape_cast %get3A_335 : vector<1x16xf32> to vector<16xf32>
        %get3A_337 = arith.index_cast %while3A_296 : i32 to index
        %get3A_338 = arith.constant 96 : index
        %get3A_339 = tpu.vector_load %arg9[%get3A_337, %get3A_338] {strides = array<i32>} : memref<448x128xf32, #tpu.memory_space<vmem>>, vector<1x16xf32>,
        %get3A_340 = vector.shape_cast %get3A_339 : vector<1x16xf32> to vector<16xf32>
        %get3A_341 = arith.index_cast %while3A_296 : i32 to index
        %get3A_342 = arith.constant 112 : index
        %get3A_343 = tpu.vector_load %arg9[%get3A_341, %get3A_342] {strides = array<i32>} : memref<448x128xf32, #tpu.memory_space<vmem>>, vector<1x16xf32>,
        %get3A_344 = vector.shape_cast %get3A_343 : vector<1x16xf32> to vector<16xf32>
        %add3A_345 = arith.addf %while3A_297, %get3A_316 : vector<16xf32>
        %add3A_346 = arith.addf %while3A_298, %get3A_320 : vector<16xf32>
        %add3A_347 = arith.addf %while3A_299, %get3A_324 : vector<16xf32>
        %add3A_348 = arith.addf %while3A_300, %get3A_328 : vector<16xf32>
        %add3A_349 = arith.addf %while3A_301, %get3A_332 : vector<16xf32>
        %add3A_350 = arith.addf %while3A_302, %get3A_336 : vector<16xf32>
        %add3A_351 = arith.addf %while3A_303, %get3A_340 : vector<16xf32>
        %add3A_352 = arith.addf %while3A_304, %get3A_344 : vector<16xf32>
        %max3A_353 = arith.maximumf %while3A_305, %get3A_316 : vector<16xf32>
        %max3A_354 = arith.maximumf %while3A_306, %get3A_320 : vector<16xf32>
        %max3A_355 = arith.maximumf %while3A_307, %get3A_324 : vector<16xf32>
        %max3A_356 = arith.maximumf %while3A_308, %get3A_328 : vector<16xf32>
        %max3A_357 = arith.maximumf %while3A_309, %get3A_332 : vector<16xf32>
        %max3A_358 = arith.maximumf %while3A_310, %get3A_336 : vector<16xf32>
        %max3A_359 = arith.maximumf %while3A_311, %get3A_340 : vector<16xf32>
        %max3A_360 = arith.maximumf %while3A_312, %get3A_344 : vector<16xf32>
        scf.yield %add3A_345, %add3A_346, %add3A_347, %add3A_348, %add3A_349, %add3A_350, %add3A_351, %add3A_352, %max3A_353, %max3A_354, %max3A_355, %max3A_356, %max3A_357, %max3A_358, %max3A_359, %max3A_360 : vector<16xf32>, vector<16xf32>, vector<16xf32>, vector<16xf32>, vector<16xf32>, vector<16xf32>, vector<16xf32>, vector<16xf32>, vector<16xf32>, vector<16xf32>, vector<16xf32>, vector<16xf32>, vector<16xf32>, vector<16xf32>, vector<16xf32>, vector<16xf32>
      }
      %gt3A = arith.cmpi sgt, %sub3A_282, %sub3A_275 : i32
      %convert_element_type3A_293 = arith.extui %gt3A : i1 to i32
      %cond3A_294 = arith.constant 0 : i32
      %cond3A_295 = arith.cmpi ne, %convert_element_type3A_293, %cond3A_294 : i32
      scf.if %cond3A_295 {
        %mul3A_296 = arith.constant 128 : i32
        %mul3A_297 = arith.muli %while3A_270, %mul3A_296 : i32
        %add3A_298 = arith.constant 0 : i32
        %add3A_299 = arith.addi %mul3A_297, %add3A_298 : i32
        %get3A_300 = arith.index_cast %add3A_299 : i32 to index
        %get3A_301 = tpu.vector_load %arg10[%get3A_300] {strides = array<i32>} : memref<4224xf32, #tpu.memory_space<vmem>>, vector<16xf32>,
        %get3A_302 = vector.shape_cast %get3A_301 : vector<16xf32> to vector<16xf32>
        %add3A_303 = arith.addf %get3A_302, %while3A_292#0 : vector<16xf32>
        %swap3A = arith.index_cast %add3A_299 : i32 to index
        %swap3A_304 = tpu.vector_load %arg10[%swap3A] {strides = array<i32>} : memref<4224xf32, #tpu.memory_space<vmem>>, vector<16xf32>,
        %swap3A_305 = vector.shape_cast %swap3A_304 : vector<16xf32> to vector<16xf32>
        %swap3A_306 = vector.shape_cast %add3A_303 : vector<16xf32> to vector<16xf32>
        tpu.vector_store %arg10[%swap3A], %swap3A_306 {strides = array<i32>} : memref<4224xf32, #tpu.memory_space<vmem>>, vector<16xf32>,
        %get3A_307 = arith.index_cast %add3A_299 : i32 to index
        %get3A_308 = tpu.vector_load %arg11[%get3A_307] {strides = array<i32>} : memref<4224xf32, #tpu.memory_space<vmem>>, vector<16xf32>,
        %get3A_309 = vector.shape_cast %get3A_308 : vector<16xf32> to vector<16xf32>
        %max3A_310 = arith.maximumf %get3A_309, %while3A_292#8 : vector<16xf32>
        %swap3A_311 = arith.index_cast %add3A_299 : i32 to index
        %swap3A_312 = tpu.vector_load %arg11[%swap3A_311] {strides = array<i32>} : memref<4224xf32, #tpu.memory_space<vmem>>, vector<16xf32>,
        %swap3A_313 = vector.shape_cast %swap3A_312 : vector<16xf32> to vector<16xf32>
        %swap3A_314 = vector.shape_cast %max3A_310 : vector<16xf32> to vector<16xf32>
        tpu.vector_store %arg11[%swap3A_311], %swap3A_314 {strides = array<i32>} : memref<4224xf32, #tpu.memory_space<vmem>>, vector<16xf32>,
        %add3A_315 = arith.constant 16 : i32
        %add3A_316 = arith.addi %mul3A_297, %add3A_315 : i32
        %get3A_317 = arith.index_cast %add3A_316 : i32 to index
        %get3A_318 = tpu.vector_load %arg10[%get3A_317] {strides = array<i32>} : memref<4224xf32, #tpu.memory_space<vmem>>, vector<16xf32>,
        %get3A_319 = vector.shape_cast %get3A_318 : vector<16xf32> to vector<16xf32>
        %add3A_320 = arith.addf %get3A_319, %while3A_292#1 : vector<16xf32>
        %swap3A_321 = arith.index_cast %add3A_316 : i32 to index
        %swap3A_322 = tpu.vector_load %arg10[%swap3A_321] {strides = array<i32>} : memref<4224xf32, #tpu.memory_space<vmem>>, vector<16xf32>,
        %swap3A_323 = vector.shape_cast %swap3A_322 : vector<16xf32> to vector<16xf32>
        %swap3A_324 = vector.shape_cast %add3A_320 : vector<16xf32> to vector<16xf32>
        tpu.vector_store %arg10[%swap3A_321], %swap3A_324 {strides = array<i32>} : memref<4224xf32, #tpu.memory_space<vmem>>, vector<16xf32>,
        %get3A_325 = arith.index_cast %add3A_316 : i32 to index
        %get3A_326 = tpu.vector_load %arg11[%get3A_325] {strides = array<i32>} : memref<4224xf32, #tpu.memory_space<vmem>>, vector<16xf32>,
        %get3A_327 = vector.shape_cast %get3A_326 : vector<16xf32> to vector<16xf32>
        %max3A_328 = arith.maximumf %get3A_327, %while3A_292#9 : vector<16xf32>
        %swap3A_329 = arith.index_cast %add3A_316 : i32 to index
        %swap3A_330 = tpu.vector_load %arg11[%swap3A_329] {strides = array<i32>} : memref<4224xf32, #tpu.memory_space<vmem>>, vector<16xf32>,
        %swap3A_331 = vector.shape_cast %swap3A_330 : vector<16xf32> to vector<16xf32>
        %swap3A_332 = vector.shape_cast %max3A_328 : vector<16xf32> to vector<16xf32>
        tpu.vector_store %arg11[%swap3A_329], %swap3A_332 {strides = array<i32>} : memref<4224xf32, #tpu.memory_space<vmem>>, vector<16xf32>,
        %add3A_333 = arith.constant 32 : i32
        %add3A_334 = arith.addi %mul3A_297, %add3A_333 : i32
        %get3A_335 = arith.index_cast %add3A_334 : i32 to index
        %get3A_336 = tpu.vector_load %arg10[%get3A_335] {strides = array<i32>} : memref<4224xf32, #tpu.memory_space<vmem>>, vector<16xf32>,
        %get3A_337 = vector.shape_cast %get3A_336 : vector<16xf32> to vector<16xf32>
        %add3A_338 = arith.addf %get3A_337, %while3A_292#2 : vector<16xf32>
        %swap3A_339 = arith.index_cast %add3A_334 : i32 to index
        %swap3A_340 = tpu.vector_load %arg10[%swap3A_339] {strides = array<i32>} : memref<4224xf32, #tpu.memory_space<vmem>>, vector<16xf32>,
        %swap3A_341 = vector.shape_cast %swap3A_340 : vector<16xf32> to vector<16xf32>
        %swap3A_342 = vector.shape_cast %add3A_338 : vector<16xf32> to vector<16xf32>
        tpu.vector_store %arg10[%swap3A_339], %swap3A_342 {strides = array<i32>} : memref<4224xf32, #tpu.memory_space<vmem>>, vector<16xf32>,
        %get3A_343 = arith.index_cast %add3A_334 : i32 to index
        %get3A_344 = tpu.vector_load %arg11[%get3A_343] {strides = array<i32>} : memref<4224xf32, #tpu.memory_space<vmem>>, vector<16xf32>,
        %get3A_345 = vector.shape_cast %get3A_344 : vector<16xf32> to vector<16xf32>
        %max3A_346 = arith.maximumf %get3A_345, %while3A_292#10 : vector<16xf32>
        %swap3A_347 = arith.index_cast %add3A_334 : i32 to index
        %swap3A_348 = tpu.vector_load %arg11[%swap3A_347] {strides = array<i32>} : memref<4224xf32, #tpu.memory_space<vmem>>, vector<16xf32>,
        %swap3A_349 = vector.shape_cast %swap3A_348 : vector<16xf32> to vector<16xf32>
        %swap3A_350 = vector.shape_cast %max3A_346 : vector<16xf32> to vector<16xf32>
        tpu.vector_store %arg11[%swap3A_347], %swap3A_350 {strides = array<i32>} : memref<4224xf32, #tpu.memory_space<vmem>>, vector<16xf32>,
        %add3A_351 = arith.constant 48 : i32
        %add3A_352 = arith.addi %mul3A_297, %add3A_351 : i32
        %get3A_353 = arith.index_cast %add3A_352 : i32 to index
        %get3A_354 = tpu.vector_load %arg10[%get3A_353] {strides = array<i32>} : memref<4224xf32, #tpu.memory_space<vmem>>, vector<16xf32>,
        %get3A_355 = vector.shape_cast %get3A_354 : vector<16xf32> to vector<16xf32>
        %add3A_356 = arith.addf %get3A_355, %while3A_292#3 : vector<16xf32>
        %swap3A_357 = arith.index_cast %add3A_352 : i32 to index
        %swap3A_358 = tpu.vector_load %arg10[%swap3A_357] {strides = array<i32>} : memref<4224xf32, #tpu.memory_space<vmem>>, vector<16xf32>,
        %swap3A_359 = vector.shape_cast %swap3A_358 : vector<16xf32> to vector<16xf32>
        %swap3A_360 = vector.shape_cast %add3A_356 : vector<16xf32> to vector<16xf32>
        tpu.vector_store %arg10[%swap3A_357], %swap3A_360 {strides = array<i32>} : memref<4224xf32, #tpu.memory_space<vmem>>, vector<16xf32>,
        %get3A_361 = arith.index_cast %add3A_352 : i32 to index
        %get3A_362 = tpu.vector_load %arg11[%get3A_361] {strides = array<i32>} : memref<4224xf32, #tpu.memory_space<vmem>>, vector<16xf32>,
        %get3A_363 = vector.shape_cast %get3A_362 : vector<16xf32> to vector<16xf32>
        %max3A_364 = arith.maximumf %get3A_363, %while3A_292#11 : vector<16xf32>
        %swap3A_365 = arith.index_cast %add3A_352 : i32 to index
        %swap3A_366 = tpu.vector_load %arg11[%swap3A_365] {strides = array<i32>} : memref<4224xf32, #tpu.memory_space<vmem>>, vector<16xf32>,
        %swap3A_367 = vector.shape_cast %swap3A_366 : vector<16xf32> to vector<16xf32>
        %swap3A_368 = vector.shape_cast %max3A_364 : vector<16xf32> to vector<16xf32>
        tpu.vector_store %arg11[%swap3A_365], %swap3A_368 {strides = array<i32>} : memref<4224xf32, #tpu.memory_space<vmem>>, vector<16xf32>,
        %add3A_369 = arith.constant 64 : i32
        %add3A_370 = arith.addi %mul3A_297, %add3A_369 : i32
        %get3A_371 = arith.index_cast %add3A_370 : i32 to index
        %get3A_372 = tpu.vector_load %arg10[%get3A_371] {strides = array<i32>} : memref<4224xf32, #tpu.memory_space<vmem>>, vector<16xf32>,
        %get3A_373 = vector.shape_cast %get3A_372 : vector<16xf32> to vector<16xf32>
        %add3A_374 = arith.addf %get3A_373, %while3A_292#4 : vector<16xf32>
        %swap3A_375 = arith.index_cast %add3A_370 : i32 to index
        %swap3A_376 = tpu.vector_load %arg10[%swap3A_375] {strides = array<i32>} : memref<4224xf32, #tpu.memory_space<vmem>>, vector<16xf32>,
        %swap3A_377 = vector.shape_cast %swap3A_376 : vector<16xf32> to vector<16xf32>
        %swap3A_378 = vector.shape_cast %add3A_374 : vector<16xf32> to vector<16xf32>
        tpu.vector_store %arg10[%swap3A_375], %swap3A_378 {strides = array<i32>} : memref<4224xf32, #tpu.memory_space<vmem>>, vector<16xf32>,
        %get3A_379 = arith.index_cast %add3A_370 : i32 to index
        %get3A_380 = tpu.vector_load %arg11[%get3A_379] {strides = array<i32>} : memref<4224xf32, #tpu.memory_space<vmem>>, vector<16xf32>,
        %get3A_381 = vector.shape_cast %get3A_380 : vector<16xf32> to vector<16xf32>
        %max3A_382 = arith.maximumf %get3A_381, %while3A_292#12 : vector<16xf32>
        %swap3A_383 = arith.index_cast %add3A_370 : i32 to index
        %swap3A_384 = tpu.vector_load %arg11[%swap3A_383] {strides = array<i32>} : memref<4224xf32, #tpu.memory_space<vmem>>, vector<16xf32>,
        %swap3A_385 = vector.shape_cast %swap3A_384 : vector<16xf32> to vector<16xf32>
        %swap3A_386 = vector.shape_cast %max3A_382 : vector<16xf32> to vector<16xf32>
        tpu.vector_store %arg11[%swap3A_383], %swap3A_386 {strides = array<i32>} : memref<4224xf32, #tpu.memory_space<vmem>>, vector<16xf32>,
        %add3A_387 = arith.constant 80 : i32
        %add3A_388 = arith.addi %mul3A_297, %add3A_387 : i32
        %get3A_389 = arith.index_cast %add3A_388 : i32 to index
        %get3A_390 = tpu.vector_load %arg10[%get3A_389] {strides = array<i32>} : memref<4224xf32, #tpu.memory_space<vmem>>, vector<16xf32>,
        %get3A_391 = vector.shape_cast %get3A_390 : vector<16xf32> to vector<16xf32>
        %add3A_392 = arith.addf %get3A_391, %while3A_292#5 : vector<16xf32>
        %swap3A_393 = arith.index_cast %add3A_388 : i32 to index
        %swap3A_394 = tpu.vector_load %arg10[%swap3A_393] {strides = array<i32>} : memref<4224xf32, #tpu.memory_space<vmem>>, vector<16xf32>,
        %swap3A_395 = vector.shape_cast %swap3A_394 : vector<16xf32> to vector<16xf32>
        %swap3A_396 = vector.shape_cast %add3A_392 : vector<16xf32> to vector<16xf32>
        tpu.vector_store %arg10[%swap3A_393], %swap3A_396 {strides = array<i32>} : memref<4224xf32, #tpu.memory_space<vmem>>, vector<16xf32>,
        %get3A_397 = arith.index_cast %add3A_388 : i32 to index
        %get3A_398 = tpu.vector_load %arg11[%get3A_397] {strides = array<i32>} : memref<4224xf32, #tpu.memory_space<vmem>>, vector<16xf32>,
        %get3A_399 = vector.shape_cast %get3A_398 : vector<16xf32> to vector<16xf32>
        %max3A_400 = arith.maximumf %get3A_399, %while3A_292#13 : vector<16xf32>
        %swap3A_401 = arith.index_cast %add3A_388 : i32 to index
        %swap3A_402 = tpu.vector_load %arg11[%swap3A_401] {strides = array<i32>} : memref<4224xf32, #tpu.memory_space<vmem>>, vector<16xf32>,
        %swap3A_403 = vector.shape_cast %swap3A_402 : vector<16xf32> to vector<16xf32>
        %swap3A_404 = vector.shape_cast %max3A_400 : vector<16xf32> to vector<16xf32>
        tpu.vector_store %arg11[%swap3A_401], %swap3A_404 {strides = array<i32>} : memref<4224xf32, #tpu.memory_space<vmem>>, vector<16xf32>,
        %add3A_405 = arith.constant 96 : i32
        %add3A_406 = arith.addi %mul3A_297, %add3A_405 : i32
        %get3A_407 = arith.index_cast %add3A_406 : i32 to index
        %get3A_408 = tpu.vector_load %arg10[%get3A_407] {strides = array<i32>} : memref<4224xf32, #tpu.memory_space<vmem>>, vector<16xf32>,
        %get3A_409 = vector.shape_cast %get3A_408 : vector<16xf32> to vector<16xf32>
        %add3A_410 = arith.addf %get3A_409, %while3A_292#6 : vector<16xf32>
        %swap3A_411 = arith.index_cast %add3A_406 : i32 to index
        %swap3A_412 = tpu.vector_load %arg10[%swap3A_411] {strides = array<i32>} : memref<4224xf32, #tpu.memory_space<vmem>>, vector<16xf32>,
        %swap3A_413 = vector.shape_cast %swap3A_412 : vector<16xf32> to vector<16xf32>
        %swap3A_414 = vector.shape_cast %add3A_410 : vector<16xf32> to vector<16xf32>
        tpu.vector_store %arg10[%swap3A_411], %swap3A_414 {strides = array<i32>} : memref<4224xf32, #tpu.memory_space<vmem>>, vector<16xf32>,
        %get3A_415 = arith.index_cast %add3A_406 : i32 to index
        %get3A_416 = tpu.vector_load %arg11[%get3A_415] {strides = array<i32>} : memref<4224xf32, #tpu.memory_space<vmem>>, vector<16xf32>,
        %get3A_417 = vector.shape_cast %get3A_416 : vector<16xf32> to vector<16xf32>
        %max3A_418 = arith.maximumf %get3A_417, %while3A_292#14 : vector<16xf32>
        %swap3A_419 = arith.index_cast %add3A_406 : i32 to index
        %swap3A_420 = tpu.vector_load %arg11[%swap3A_419] {strides = array<i32>} : memref<4224xf32, #tpu.memory_space<vmem>>, vector<16xf32>,
        %swap3A_421 = vector.shape_cast %swap3A_420 : vector<16xf32> to vector<16xf32>
        %swap3A_422 = vector.shape_cast %max3A_418 : vector<16xf32> to vector<16xf32>
        tpu.vector_store %arg11[%swap3A_419], %swap3A_422 {strides = array<i32>} : memref<4224xf32, #tpu.memory_space<vmem>>, vector<16xf32>,
        %add3A_423 = arith.constant 112 : i32
        %add3A_424 = arith.addi %mul3A_297, %add3A_423 : i32
        %get3A_425 = arith.index_cast %add3A_424 : i32 to index
        %get3A_426 = tpu.vector_load %arg10[%get3A_425] {strides = array<i32>} : memref<4224xf32, #tpu.memory_space<vmem>>, vector<16xf32>,
        %get3A_427 = vector.shape_cast %get3A_426 : vector<16xf32> to vector<16xf32>
        %add3A_428 = arith.addf %get3A_427, %while3A_292#7 : vector<16xf32>
        %swap3A_429 = arith.index_cast %add3A_424 : i32 to index
        %swap3A_430 = tpu.vector_load %arg10[%swap3A_429] {strides = array<i32>} : memref<4224xf32, #tpu.memory_space<vmem>>, vector<16xf32>,
        %swap3A_431 = vector.shape_cast %swap3A_430 : vector<16xf32> to vector<16xf32>
        %swap3A_432 = vector.shape_cast %add3A_428 : vector<16xf32> to vector<16xf32>
        tpu.vector_store %arg10[%swap3A_429], %swap3A_432 {strides = array<i32>} : memref<4224xf32, #tpu.memory_space<vmem>>, vector<16xf32>,
        %get3A_433 = arith.index_cast %add3A_424 : i32 to index
        %get3A_434 = tpu.vector_load %arg11[%get3A_433] {strides = array<i32>} : memref<4224xf32, #tpu.memory_space<vmem>>, vector<16xf32>,
        %get3A_435 = vector.shape_cast %get3A_434 : vector<16xf32> to vector<16xf32>
        %max3A_436 = arith.maximumf %get3A_435, %while3A_292#15 : vector<16xf32>
        %swap3A_437 = arith.index_cast %add3A_424 : i32 to index
        %swap3A_438 = tpu.vector_load %arg11[%swap3A_437] {strides = array<i32>} : memref<4224xf32, #tpu.memory_space<vmem>>, vector<16xf32>,
        %swap3A_439 = vector.shape_cast %swap3A_438 : vector<16xf32> to vector<16xf32>
        %swap3A_440 = vector.shape_cast %max3A_436 : vector<16xf32> to vector<16xf32>
        tpu.vector_store %arg11[%swap3A_437], %swap3A_440 {strides = array<i32>} : memref<4224xf32, #tpu.memory_space<vmem>>, vector<16xf32>,
      } else {
      }
    }
    %add3A_102 = arith.constant 1344 : i32
    %add3A_103 = arith.addi %select_n3A_10, %add3A_102 : i32
    %dma_start3A_104 = arith.constant 0 : i32
    %dma_start3A_105 = tpu.memref_slice %arg2[%add3A_103, %dma_start3A_104] : memref<100000x128xf32, #tpu.memory_space<hbm>> -> memref<448x128xf32, #tpu.memory_space<hbm>>
    %dma_start3A_106 = arith.constant 0 : i32
    %dma_start3A_107 = tpu.memref_slice %arg2[%add3A_103, %dma_start3A_106] : memref<100000x128xf32, #tpu.memory_space<hbm>> -> memref<448x128xf32, #tpu.memory_space<hbm>>
    tpu.enqueue_dma source(%dma_start3A_107 : memref<448x128xf32, #tpu.memory_space<hbm>>) target(%arg9 : memref<448x128xf32, #tpu.memory_space<vmem>>) target_semaphore(%arg15 : memref<!tpu.dma_semaphore, #tpu.memory_space<semaphore_mem>>)
    %add3A_108 = arith.constant 896 : i32
    %add3A_109 = arith.addi %select_n3A_10, %add3A_108 : i32
    %dma_wait3A_110 = arith.constant 0 : i32
    %dma_wait3A_111 = tpu.memref_slice %arg2[%add3A_109, %dma_wait3A_110] : memref<100000x128xf32, #tpu.memory_space<hbm>> -> memref<448x128xf32, #tpu.memory_space<hbm>>
    %dma_wait3A_112 = arith.constant 0 : i32
    %dma_wait3A_113 = tpu.memref_slice %arg2[%add3A_109, %dma_wait3A_112] : memref<100000x128xf32, #tpu.memory_space<hbm>> -> memref<448x128xf32, #tpu.memory_space<hbm>>
    tpu.wait_dma2 semaphore(%arg14 : memref<!tpu.dma_semaphore, #tpu.memory_space<semaphore_mem>>) src(%dma_wait3A_113 : memref<448x128xf32, #tpu.memory_space<hbm>>) dst(%arg8 : memref<448x128xf32, #tpu.memory_space<vmem>>)
    %get3A_114 = arith.constant 896 : index
    %get3A_115 = tpu.vector_load %arg7[%get3A_114] {strides = array<i32>} : memref<2272xi32, #tpu.memory_space<vmem>>, vector<16xi32>,
    %get3A_116 = vector.shape_cast %get3A_115 : vector<16xi32> to vector<16xi32>
    %slice3A_117 = vector.extract_strided_slice %get3A_116 {offsets = [0], sizes = [1], strides = [1]} : vector<16xi32> to vector<1xi32>
    %squeeze3A_118 = vector.extract %slice3A_117[0] : i32 from vector<1xi32>
    %get3A_119 = arith.constant 1343 : index
    %get3A_120 = tpu.vector_load %arg7[%get3A_119] {strides = array<i32>} : memref<2272xi32, #tpu.memory_space<vmem>>, vector<16xi32>,
    %get3A_121 = vector.shape_cast %get3A_120 : vector<16xi32> to vector<16xi32>
    %slice3A_122 = vector.extract_strided_slice %get3A_121 {offsets = [0], sizes = [1], strides = [1]} : vector<16xi32> to vector<1xi32>
    %squeeze3A_123 = vector.extract %slice3A_122[0] : i32 from vector<1xi32>
    %add3A_124 = arith.constant 1 : i32
    %add3A_125 = arith.addi %squeeze3A_123, %add3A_124 : i32
    %while3A_126 = arith.constant 0 : i32
    %while3A_127 = arith.subi %add3A_125, %squeeze3A_118 : i32
    %while3A_128 = arith.addi %squeeze3A_118, %while3A_127 : i32
    %while3A_129 = arith.constant 1 : i32
    %while3A_130 = arith.divsi %while3A_127, %while3A_129 : i32
    %while3A_131 = arith.muli %while3A_130, %while3A_129 : i32
    %while3A_132 = arith.addi %squeeze3A_118, %while3A_131 : i32
    %while3A_133 = arith.constant 1 : i32
    scf.for %while3A_270 = %squeeze3A_118 to %while3A_132 step %while3A_133  : i32 {
      %get3A_271 = arith.index_cast %while3A_270 : i32 to index
      %get3A_272 = memref.load %arg13[%get3A_271] : memref<34xi32, #tpu.memory_space<smem>>
      %max3A = arith.constant 896 : i32
      %max3A_273 = arith.maxsi %get3A_272, %max3A : i32
      %sub3A_274 = arith.constant 896 : i32
      %sub3A_275 = arith.subi %max3A_273, %sub3A_274 : i32
      %add3A_276 = arith.constant 1 : i32
      %add3A_277 = arith.addi %while3A_270, %add3A_276 : i32
      %get3A_278 = arith.index_cast %add3A_277 : i32 to index
      %get3A_279 = memref.load %arg13[%get3A_278] : memref<34xi32, #tpu.memory_space<smem>>
      %min3A = arith.constant 1344 : i32
      %min3A_280 = arith.minsi %get3A_279, %min3A : i32
      %sub3A_281 = arith.constant 896 : i32
      %sub3A_282 = arith.subi %min3A_280, %sub3A_281 : i32
      %while3A_283 = arith.subi %sub3A_282, %sub3A_275 : i32
      %while3A_284 = arith.addi %sub3A_275, %while3A_283 : i32
      %while3A_285 = arith.constant 1 : i32
      %while3A_286 = arith.divsi %while3A_283, %while3A_285 : i32
      %while3A_287 = arith.muli %while3A_286, %while3A_285 : i32
      %while3A_288 = arith.addi %sub3A_275, %while3A_287 : i32
      %while3A_289 = arith.constant 1 : i32
      %while3A_290:16 = scf.for %while3A_296 = %sub3A_275 to %while3A_288 step %while3A_289 iter_args(%while3A_297 = %broadcast_in_dim3A_16, %while3A_298 = %broadcast_in_dim3A_16, %while3A_299 = %broadcast_in_dim3A_16, %while3A_300 = %broadcast_in_dim3A_16, %while3A_301 = %broadcast_in_dim3A_16, %while3A_302 = %broadcast_in_dim3A_16, %while3A_303 = %broadcast_in_dim3A_16, %while3A_304 = %broadcast_in_dim3A_16, %while3A_305 = %broadcast_in_dim3A_18, %while3A_306 = %broadcast_in_dim3A_18, %while3A_307 = %broadcast_in_dim3A_18, %while3A_308 = %broadcast_in_dim3A_18, %while3A_309 = %broadcast_in_dim3A_18, %while3A_310 = %broadcast_in_dim3A_18, %while3A_311 = %broadcast_in_dim3A_18, %while3A_312 = %broadcast_in_dim3A_18) -> (vector<16xf32>, vector<16xf32>, vector<16xf32>, vector<16xf32>, vector<16xf32>, vector<16xf32>, vector<16xf32>, vector<16xf32>, vector<16xf32>, vector<16xf32>, vector<16xf32>, vector<16xf32>, vector<16xf32>, vector<16xf32>, vector<16xf32>, vector<16xf32>)  : i32 {
        %get3A_313 = arith.index_cast %while3A_296 : i32 to index
        %get3A_314 = arith.constant 0 : index
        %get3A_315 = tpu.vector_load %arg8[%get3A_313, %get3A_314] {strides = array<i32>} : memref<448x128xf32, #tpu.memory_space<vmem>>, vector<1x16xf32>,
        %get3A_316 = vector.shape_cast %get3A_315 : vector<1x16xf32> to vector<16xf32>
        %get3A_317 = arith.index_cast %while3A_296 : i32 to index
        %get3A_318 = arith.constant 16 : index
        %get3A_319 = tpu.vector_load %arg8[%get3A_317, %get3A_318] {strides = array<i32>} : memref<448x128xf32, #tpu.memory_space<vmem>>, vector<1x16xf32>,
        %get3A_320 = vector.shape_cast %get3A_319 : vector<1x16xf32> to vector<16xf32>
        %get3A_321 = arith.index_cast %while3A_296 : i32 to index
        %get3A_322 = arith.constant 32 : index
        %get3A_323 = tpu.vector_load %arg8[%get3A_321, %get3A_322] {strides = array<i32>} : memref<448x128xf32, #tpu.memory_space<vmem>>, vector<1x16xf32>,
        %get3A_324 = vector.shape_cast %get3A_323 : vector<1x16xf32> to vector<16xf32>
        %get3A_325 = arith.index_cast %while3A_296 : i32 to index
        %get3A_326 = arith.constant 48 : index
        %get3A_327 = tpu.vector_load %arg8[%get3A_325, %get3A_326] {strides = array<i32>} : memref<448x128xf32, #tpu.memory_space<vmem>>, vector<1x16xf32>,
        %get3A_328 = vector.shape_cast %get3A_327 : vector<1x16xf32> to vector<16xf32>
        %get3A_329 = arith.index_cast %while3A_296 : i32 to index
        %get3A_330 = arith.constant 64 : index
        %get3A_331 = tpu.vector_load %arg8[%get3A_329, %get3A_330] {strides = array<i32>} : memref<448x128xf32, #tpu.memory_space<vmem>>, vector<1x16xf32>,
        %get3A_332 = vector.shape_cast %get3A_331 : vector<1x16xf32> to vector<16xf32>
        %get3A_333 = arith.index_cast %while3A_296 : i32 to index
        %get3A_334 = arith.constant 80 : index
        %get3A_335 = tpu.vector_load %arg8[%get3A_333, %get3A_334] {strides = array<i32>} : memref<448x128xf32, #tpu.memory_space<vmem>>, vector<1x16xf32>,
        %get3A_336 = vector.shape_cast %get3A_335 : vector<1x16xf32> to vector<16xf32>
        %get3A_337 = arith.index_cast %while3A_296 : i32 to index
        %get3A_338 = arith.constant 96 : index
        %get3A_339 = tpu.vector_load %arg8[%get3A_337, %get3A_338] {strides = array<i32>} : memref<448x128xf32, #tpu.memory_space<vmem>>, vector<1x16xf32>,
        %get3A_340 = vector.shape_cast %get3A_339 : vector<1x16xf32> to vector<16xf32>
        %get3A_341 = arith.index_cast %while3A_296 : i32 to index
        %get3A_342 = arith.constant 112 : index
        %get3A_343 = tpu.vector_load %arg8[%get3A_341, %get3A_342] {strides = array<i32>} : memref<448x128xf32, #tpu.memory_space<vmem>>, vector<1x16xf32>,
        %get3A_344 = vector.shape_cast %get3A_343 : vector<1x16xf32> to vector<16xf32>
        %add3A_345 = arith.addf %while3A_297, %get3A_316 : vector<16xf32>
        %add3A_346 = arith.addf %while3A_298, %get3A_320 : vector<16xf32>
        %add3A_347 = arith.addf %while3A_299, %get3A_324 : vector<16xf32>
        %add3A_348 = arith.addf %while3A_300, %get3A_328 : vector<16xf32>
        %add3A_349 = arith.addf %while3A_301, %get3A_332 : vector<16xf32>
        %add3A_350 = arith.addf %while3A_302, %get3A_336 : vector<16xf32>
        %add3A_351 = arith.addf %while3A_303, %get3A_340 : vector<16xf32>
        %add3A_352 = arith.addf %while3A_304, %get3A_344 : vector<16xf32>
        %max3A_353 = arith.maximumf %while3A_305, %get3A_316 : vector<16xf32>
        %max3A_354 = arith.maximumf %while3A_306, %get3A_320 : vector<16xf32>
        %max3A_355 = arith.maximumf %while3A_307, %get3A_324 : vector<16xf32>
        %max3A_356 = arith.maximumf %while3A_308, %get3A_328 : vector<16xf32>
        %max3A_357 = arith.maximumf %while3A_309, %get3A_332 : vector<16xf32>
        %max3A_358 = arith.maximumf %while3A_310, %get3A_336 : vector<16xf32>
        %max3A_359 = arith.maximumf %while3A_311, %get3A_340 : vector<16xf32>
        %max3A_360 = arith.maximumf %while3A_312, %get3A_344 : vector<16xf32>
        scf.yield %add3A_345, %add3A_346, %add3A_347, %add3A_348, %add3A_349, %add3A_350, %add3A_351, %add3A_352, %max3A_353, %max3A_354, %max3A_355, %max3A_356, %max3A_357, %max3A_358, %max3A_359, %max3A_360 : vector<16xf32>, vector<16xf32>, vector<16xf32>, vector<16xf32>, vector<16xf32>, vector<16xf32>, vector<16xf32>, vector<16xf32>, vector<16xf32>, vector<16xf32>, vector<16xf32>, vector<16xf32>, vector<16xf32>, vector<16xf32>, vector<16xf32>, vector<16xf32>
      }
      %while3A_291 = arith.constant 1 : i32
      %while3A_292:16 = scf.for %while3A_296 = %while3A_288 to %while3A_284 step %while3A_291 iter_args(%while3A_297 = %while3A_290#0, %while3A_298 = %while3A_290#1, %while3A_299 = %while3A_290#2, %while3A_300 = %while3A_290#3, %while3A_301 = %while3A_290#4, %while3A_302 = %while3A_290#5, %while3A_303 = %while3A_290#6, %while3A_304 = %while3A_290#7, %while3A_305 = %while3A_290#8, %while3A_306 = %while3A_290#9, %while3A_307 = %while3A_290#10, %while3A_308 = %while3A_290#11, %while3A_309 = %while3A_290#12, %while3A_310 = %while3A_290#13, %while3A_311 = %while3A_290#14, %while3A_312 = %while3A_290#15) -> (vector<16xf32>, vector<16xf32>, vector<16xf32>, vector<16xf32>, vector<16xf32>, vector<16xf32>, vector<16xf32>, vector<16xf32>, vector<16xf32>, vector<16xf32>, vector<16xf32>, vector<16xf32>, vector<16xf32>, vector<16xf32>, vector<16xf32>, vector<16xf32>)  : i32 {
        %get3A_313 = arith.index_cast %while3A_296 : i32 to index
        %get3A_314 = arith.constant 0 : index
        %get3A_315 = tpu.vector_load %arg8[%get3A_313, %get3A_314] {strides = array<i32>} : memref<448x128xf32, #tpu.memory_space<vmem>>, vector<1x16xf32>,
        %get3A_316 = vector.shape_cast %get3A_315 : vector<1x16xf32> to vector<16xf32>
        %get3A_317 = arith.index_cast %while3A_296 : i32 to index
        %get3A_318 = arith.constant 16 : index
        %get3A_319 = tpu.vector_load %arg8[%get3A_317, %get3A_318] {strides = array<i32>} : memref<448x128xf32, #tpu.memory_space<vmem>>, vector<1x16xf32>,
        %get3A_320 = vector.shape_cast %get3A_319 : vector<1x16xf32> to vector<16xf32>
        %get3A_321 = arith.index_cast %while3A_296 : i32 to index
        %get3A_322 = arith.constant 32 : index
        %get3A_323 = tpu.vector_load %arg8[%get3A_321, %get3A_322] {strides = array<i32>} : memref<448x128xf32, #tpu.memory_space<vmem>>, vector<1x16xf32>,
        %get3A_324 = vector.shape_cast %get3A_323 : vector<1x16xf32> to vector<16xf32>
        %get3A_325 = arith.index_cast %while3A_296 : i32 to index
        %get3A_326 = arith.constant 48 : index
        %get3A_327 = tpu.vector_load %arg8[%get3A_325, %get3A_326] {strides = array<i32>} : memref<448x128xf32, #tpu.memory_space<vmem>>, vector<1x16xf32>,
        %get3A_328 = vector.shape_cast %get3A_327 : vector<1x16xf32> to vector<16xf32>
        %get3A_329 = arith.index_cast %while3A_296 : i32 to index
        %get3A_330 = arith.constant 64 : index
        %get3A_331 = tpu.vector_load %arg8[%get3A_329, %get3A_330] {strides = array<i32>} : memref<448x128xf32, #tpu.memory_space<vmem>>, vector<1x16xf32>,
        %get3A_332 = vector.shape_cast %get3A_331 : vector<1x16xf32> to vector<16xf32>
        %get3A_333 = arith.index_cast %while3A_296 : i32 to index
        %get3A_334 = arith.constant 80 : index
        %get3A_335 = tpu.vector_load %arg8[%get3A_333, %get3A_334] {strides = array<i32>} : memref<448x128xf32, #tpu.memory_space<vmem>>, vector<1x16xf32>,
        %get3A_336 = vector.shape_cast %get3A_335 : vector<1x16xf32> to vector<16xf32>
        %get3A_337 = arith.index_cast %while3A_296 : i32 to index
        %get3A_338 = arith.constant 96 : index
        %get3A_339 = tpu.vector_load %arg8[%get3A_337, %get3A_338] {strides = array<i32>} : memref<448x128xf32, #tpu.memory_space<vmem>>, vector<1x16xf32>,
        %get3A_340 = vector.shape_cast %get3A_339 : vector<1x16xf32> to vector<16xf32>
        %get3A_341 = arith.index_cast %while3A_296 : i32 to index
        %get3A_342 = arith.constant 112 : index
        %get3A_343 = tpu.vector_load %arg8[%get3A_341, %get3A_342] {strides = array<i32>} : memref<448x128xf32, #tpu.memory_space<vmem>>, vector<1x16xf32>,
        %get3A_344 = vector.shape_cast %get3A_343 : vector<1x16xf32> to vector<16xf32>
        %add3A_345 = arith.addf %while3A_297, %get3A_316 : vector<16xf32>
        %add3A_346 = arith.addf %while3A_298, %get3A_320 : vector<16xf32>
        %add3A_347 = arith.addf %while3A_299, %get3A_324 : vector<16xf32>
        %add3A_348 = arith.addf %while3A_300, %get3A_328 : vector<16xf32>
        %add3A_349 = arith.addf %while3A_301, %get3A_332 : vector<16xf32>
        %add3A_350 = arith.addf %while3A_302, %get3A_336 : vector<16xf32>
        %add3A_351 = arith.addf %while3A_303, %get3A_340 : vector<16xf32>
        %add3A_352 = arith.addf %while3A_304, %get3A_344 : vector<16xf32>
        %max3A_353 = arith.maximumf %while3A_305, %get3A_316 : vector<16xf32>
        %max3A_354 = arith.maximumf %while3A_306, %get3A_320 : vector<16xf32>
        %max3A_355 = arith.maximumf %while3A_307, %get3A_324 : vector<16xf32>
        %max3A_356 = arith.maximumf %while3A_308, %get3A_328 : vector<16xf32>
        %max3A_357 = arith.maximumf %while3A_309, %get3A_332 : vector<16xf32>
        %max3A_358 = arith.maximumf %while3A_310, %get3A_336 : vector<16xf32>
        %max3A_359 = arith.maximumf %while3A_311, %get3A_340 : vector<16xf32>
        %max3A_360 = arith.maximumf %while3A_312, %get3A_344 : vector<16xf32>
        scf.yield %add3A_345, %add3A_346, %add3A_347, %add3A_348, %add3A_349, %add3A_350, %add3A_351, %add3A_352, %max3A_353, %max3A_354, %max3A_355, %max3A_356, %max3A_357, %max3A_358, %max3A_359, %max3A_360 : vector<16xf32>, vector<16xf32>, vector<16xf32>, vector<16xf32>, vector<16xf32>, vector<16xf32>, vector<16xf32>, vector<16xf32>, vector<16xf32>, vector<16xf32>, vector<16xf32>, vector<16xf32>, vector<16xf32>, vector<16xf32>, vector<16xf32>, vector<16xf32>
      }
      %gt3A = arith.cmpi sgt, %sub3A_282, %sub3A_275 : i32
      %convert_element_type3A_293 = arith.extui %gt3A : i1 to i32
      %cond3A_294 = arith.constant 0 : i32
      %cond3A_295 = arith.cmpi ne, %convert_element_type3A_293, %cond3A_294 : i32
      scf.if %cond3A_295 {
        %mul3A_296 = arith.constant 128 : i32
        %mul3A_297 = arith.muli %while3A_270, %mul3A_296 : i32
        %add3A_298 = arith.constant 0 : i32
        %add3A_299 = arith.addi %mul3A_297, %add3A_298 : i32
        %get3A_300 = arith.index_cast %add3A_299 : i32 to index
        %get3A_301 = tpu.vector_load %arg10[%get3A_300] {strides = array<i32>} : memref<4224xf32, #tpu.memory_space<vmem>>, vector<16xf32>,
        %get3A_302 = vector.shape_cast %get3A_301 : vector<16xf32> to vector<16xf32>
        %add3A_303 = arith.addf %get3A_302, %while3A_292#0 : vector<16xf32>
        %swap3A = arith.index_cast %add3A_299 : i32 to index
        %swap3A_304 = tpu.vector_load %arg10[%swap3A] {strides = array<i32>} : memref<4224xf32, #tpu.memory_space<vmem>>, vector<16xf32>,
        %swap3A_305 = vector.shape_cast %swap3A_304 : vector<16xf32> to vector<16xf32>
        %swap3A_306 = vector.shape_cast %add3A_303 : vector<16xf32> to vector<16xf32>
        tpu.vector_store %arg10[%swap3A], %swap3A_306 {strides = array<i32>} : memref<4224xf32, #tpu.memory_space<vmem>>, vector<16xf32>,
        %get3A_307 = arith.index_cast %add3A_299 : i32 to index
        %get3A_308 = tpu.vector_load %arg11[%get3A_307] {strides = array<i32>} : memref<4224xf32, #tpu.memory_space<vmem>>, vector<16xf32>,
        %get3A_309 = vector.shape_cast %get3A_308 : vector<16xf32> to vector<16xf32>
        %max3A_310 = arith.maximumf %get3A_309, %while3A_292#8 : vector<16xf32>
        %swap3A_311 = arith.index_cast %add3A_299 : i32 to index
        %swap3A_312 = tpu.vector_load %arg11[%swap3A_311] {strides = array<i32>} : memref<4224xf32, #tpu.memory_space<vmem>>, vector<16xf32>,
        %swap3A_313 = vector.shape_cast %swap3A_312 : vector<16xf32> to vector<16xf32>
        %swap3A_314 = vector.shape_cast %max3A_310 : vector<16xf32> to vector<16xf32>
        tpu.vector_store %arg11[%swap3A_311], %swap3A_314 {strides = array<i32>} : memref<4224xf32, #tpu.memory_space<vmem>>, vector<16xf32>,
        %add3A_315 = arith.constant 16 : i32
        %add3A_316 = arith.addi %mul3A_297, %add3A_315 : i32
        %get3A_317 = arith.index_cast %add3A_316 : i32 to index
        %get3A_318 = tpu.vector_load %arg10[%get3A_317] {strides = array<i32>} : memref<4224xf32, #tpu.memory_space<vmem>>, vector<16xf32>,
        %get3A_319 = vector.shape_cast %get3A_318 : vector<16xf32> to vector<16xf32>
        %add3A_320 = arith.addf %get3A_319, %while3A_292#1 : vector<16xf32>
        %swap3A_321 = arith.index_cast %add3A_316 : i32 to index
        %swap3A_322 = tpu.vector_load %arg10[%swap3A_321] {strides = array<i32>} : memref<4224xf32, #tpu.memory_space<vmem>>, vector<16xf32>,
        %swap3A_323 = vector.shape_cast %swap3A_322 : vector<16xf32> to vector<16xf32>
        %swap3A_324 = vector.shape_cast %add3A_320 : vector<16xf32> to vector<16xf32>
        tpu.vector_store %arg10[%swap3A_321], %swap3A_324 {strides = array<i32>} : memref<4224xf32, #tpu.memory_space<vmem>>, vector<16xf32>,
        %get3A_325 = arith.index_cast %add3A_316 : i32 to index
        %get3A_326 = tpu.vector_load %arg11[%get3A_325] {strides = array<i32>} : memref<4224xf32, #tpu.memory_space<vmem>>, vector<16xf32>,
        %get3A_327 = vector.shape_cast %get3A_326 : vector<16xf32> to vector<16xf32>
        %max3A_328 = arith.maximumf %get3A_327, %while3A_292#9 : vector<16xf32>
        %swap3A_329 = arith.index_cast %add3A_316 : i32 to index
        %swap3A_330 = tpu.vector_load %arg11[%swap3A_329] {strides = array<i32>} : memref<4224xf32, #tpu.memory_space<vmem>>, vector<16xf32>,
        %swap3A_331 = vector.shape_cast %swap3A_330 : vector<16xf32> to vector<16xf32>
        %swap3A_332 = vector.shape_cast %max3A_328 : vector<16xf32> to vector<16xf32>
        tpu.vector_store %arg11[%swap3A_329], %swap3A_332 {strides = array<i32>} : memref<4224xf32, #tpu.memory_space<vmem>>, vector<16xf32>,
        %add3A_333 = arith.constant 32 : i32
        %add3A_334 = arith.addi %mul3A_297, %add3A_333 : i32
        %get3A_335 = arith.index_cast %add3A_334 : i32 to index
        %get3A_336 = tpu.vector_load %arg10[%get3A_335] {strides = array<i32>} : memref<4224xf32, #tpu.memory_space<vmem>>, vector<16xf32>,
        %get3A_337 = vector.shape_cast %get3A_336 : vector<16xf32> to vector<16xf32>
        %add3A_338 = arith.addf %get3A_337, %while3A_292#2 : vector<16xf32>
        %swap3A_339 = arith.index_cast %add3A_334 : i32 to index
        %swap3A_340 = tpu.vector_load %arg10[%swap3A_339] {strides = array<i32>} : memref<4224xf32, #tpu.memory_space<vmem>>, vector<16xf32>,
        %swap3A_341 = vector.shape_cast %swap3A_340 : vector<16xf32> to vector<16xf32>
        %swap3A_342 = vector.shape_cast %add3A_338 : vector<16xf32> to vector<16xf32>
        tpu.vector_store %arg10[%swap3A_339], %swap3A_342 {strides = array<i32>} : memref<4224xf32, #tpu.memory_space<vmem>>, vector<16xf32>,
        %get3A_343 = arith.index_cast %add3A_334 : i32 to index
        %get3A_344 = tpu.vector_load %arg11[%get3A_343] {strides = array<i32>} : memref<4224xf32, #tpu.memory_space<vmem>>, vector<16xf32>,
        %get3A_345 = vector.shape_cast %get3A_344 : vector<16xf32> to vector<16xf32>
        %max3A_346 = arith.maximumf %get3A_345, %while3A_292#10 : vector<16xf32>
        %swap3A_347 = arith.index_cast %add3A_334 : i32 to index
        %swap3A_348 = tpu.vector_load %arg11[%swap3A_347] {strides = array<i32>} : memref<4224xf32, #tpu.memory_space<vmem>>, vector<16xf32>,
        %swap3A_349 = vector.shape_cast %swap3A_348 : vector<16xf32> to vector<16xf32>
        %swap3A_350 = vector.shape_cast %max3A_346 : vector<16xf32> to vector<16xf32>
        tpu.vector_store %arg11[%swap3A_347], %swap3A_350 {strides = array<i32>} : memref<4224xf32, #tpu.memory_space<vmem>>, vector<16xf32>,
        %add3A_351 = arith.constant 48 : i32
        %add3A_352 = arith.addi %mul3A_297, %add3A_351 : i32
        %get3A_353 = arith.index_cast %add3A_352 : i32 to index
        %get3A_354 = tpu.vector_load %arg10[%get3A_353] {strides = array<i32>} : memref<4224xf32, #tpu.memory_space<vmem>>, vector<16xf32>,
        %get3A_355 = vector.shape_cast %get3A_354 : vector<16xf32> to vector<16xf32>
        %add3A_356 = arith.addf %get3A_355, %while3A_292#3 : vector<16xf32>
        %swap3A_357 = arith.index_cast %add3A_352 : i32 to index
        %swap3A_358 = tpu.vector_load %arg10[%swap3A_357] {strides = array<i32>} : memref<4224xf32, #tpu.memory_space<vmem>>, vector<16xf32>,
        %swap3A_359 = vector.shape_cast %swap3A_358 : vector<16xf32> to vector<16xf32>
        %swap3A_360 = vector.shape_cast %add3A_356 : vector<16xf32> to vector<16xf32>
        tpu.vector_store %arg10[%swap3A_357], %swap3A_360 {strides = array<i32>} : memref<4224xf32, #tpu.memory_space<vmem>>, vector<16xf32>,
        %get3A_361 = arith.index_cast %add3A_352 : i32 to index
        %get3A_362 = tpu.vector_load %arg11[%get3A_361] {strides = array<i32>} : memref<4224xf32, #tpu.memory_space<vmem>>, vector<16xf32>,
        %get3A_363 = vector.shape_cast %get3A_362 : vector<16xf32> to vector<16xf32>
        %max3A_364 = arith.maximumf %get3A_363, %while3A_292#11 : vector<16xf32>
        %swap3A_365 = arith.index_cast %add3A_352 : i32 to index
        %swap3A_366 = tpu.vector_load %arg11[%swap3A_365] {strides = array<i32>} : memref<4224xf32, #tpu.memory_space<vmem>>, vector<16xf32>,
        %swap3A_367 = vector.shape_cast %swap3A_366 : vector<16xf32> to vector<16xf32>
        %swap3A_368 = vector.shape_cast %max3A_364 : vector<16xf32> to vector<16xf32>
        tpu.vector_store %arg11[%swap3A_365], %swap3A_368 {strides = array<i32>} : memref<4224xf32, #tpu.memory_space<vmem>>, vector<16xf32>,
        %add3A_369 = arith.constant 64 : i32
        %add3A_370 = arith.addi %mul3A_297, %add3A_369 : i32
        %get3A_371 = arith.index_cast %add3A_370 : i32 to index
        %get3A_372 = tpu.vector_load %arg10[%get3A_371] {strides = array<i32>} : memref<4224xf32, #tpu.memory_space<vmem>>, vector<16xf32>,
        %get3A_373 = vector.shape_cast %get3A_372 : vector<16xf32> to vector<16xf32>
        %add3A_374 = arith.addf %get3A_373, %while3A_292#4 : vector<16xf32>
        %swap3A_375 = arith.index_cast %add3A_370 : i32 to index
        %swap3A_376 = tpu.vector_load %arg10[%swap3A_375] {strides = array<i32>} : memref<4224xf32, #tpu.memory_space<vmem>>, vector<16xf32>,
        %swap3A_377 = vector.shape_cast %swap3A_376 : vector<16xf32> to vector<16xf32>
        %swap3A_378 = vector.shape_cast %add3A_374 : vector<16xf32> to vector<16xf32>
        tpu.vector_store %arg10[%swap3A_375], %swap3A_378 {strides = array<i32>} : memref<4224xf32, #tpu.memory_space<vmem>>, vector<16xf32>,
        %get3A_379 = arith.index_cast %add3A_370 : i32 to index
        %get3A_380 = tpu.vector_load %arg11[%get3A_379] {strides = array<i32>} : memref<4224xf32, #tpu.memory_space<vmem>>, vector<16xf32>,
        %get3A_381 = vector.shape_cast %get3A_380 : vector<16xf32> to vector<16xf32>
        %max3A_382 = arith.maximumf %get3A_381, %while3A_292#12 : vector<16xf32>
        %swap3A_383 = arith.index_cast %add3A_370 : i32 to index
        %swap3A_384 = tpu.vector_load %arg11[%swap3A_383] {strides = array<i32>} : memref<4224xf32, #tpu.memory_space<vmem>>, vector<16xf32>,
        %swap3A_385 = vector.shape_cast %swap3A_384 : vector<16xf32> to vector<16xf32>
        %swap3A_386 = vector.shape_cast %max3A_382 : vector<16xf32> to vector<16xf32>
        tpu.vector_store %arg11[%swap3A_383], %swap3A_386 {strides = array<i32>} : memref<4224xf32, #tpu.memory_space<vmem>>, vector<16xf32>,
        %add3A_387 = arith.constant 80 : i32
        %add3A_388 = arith.addi %mul3A_297, %add3A_387 : i32
        %get3A_389 = arith.index_cast %add3A_388 : i32 to index
        %get3A_390 = tpu.vector_load %arg10[%get3A_389] {strides = array<i32>} : memref<4224xf32, #tpu.memory_space<vmem>>, vector<16xf32>,
        %get3A_391 = vector.shape_cast %get3A_390 : vector<16xf32> to vector<16xf32>
        %add3A_392 = arith.addf %get3A_391, %while3A_292#5 : vector<16xf32>
        %swap3A_393 = arith.index_cast %add3A_388 : i32 to index
        %swap3A_394 = tpu.vector_load %arg10[%swap3A_393] {strides = array<i32>} : memref<4224xf32, #tpu.memory_space<vmem>>, vector<16xf32>,
        %swap3A_395 = vector.shape_cast %swap3A_394 : vector<16xf32> to vector<16xf32>
        %swap3A_396 = vector.shape_cast %add3A_392 : vector<16xf32> to vector<16xf32>
        tpu.vector_store %arg10[%swap3A_393], %swap3A_396 {strides = array<i32>} : memref<4224xf32, #tpu.memory_space<vmem>>, vector<16xf32>,
        %get3A_397 = arith.index_cast %add3A_388 : i32 to index
        %get3A_398 = tpu.vector_load %arg11[%get3A_397] {strides = array<i32>} : memref<4224xf32, #tpu.memory_space<vmem>>, vector<16xf32>,
        %get3A_399 = vector.shape_cast %get3A_398 : vector<16xf32> to vector<16xf32>
        %max3A_400 = arith.maximumf %get3A_399, %while3A_292#13 : vector<16xf32>
        %swap3A_401 = arith.index_cast %add3A_388 : i32 to index
        %swap3A_402 = tpu.vector_load %arg11[%swap3A_401] {strides = array<i32>} : memref<4224xf32, #tpu.memory_space<vmem>>, vector<16xf32>,
        %swap3A_403 = vector.shape_cast %swap3A_402 : vector<16xf32> to vector<16xf32>
        %swap3A_404 = vector.shape_cast %max3A_400 : vector<16xf32> to vector<16xf32>
        tpu.vector_store %arg11[%swap3A_401], %swap3A_404 {strides = array<i32>} : memref<4224xf32, #tpu.memory_space<vmem>>, vector<16xf32>,
        %add3A_405 = arith.constant 96 : i32
        %add3A_406 = arith.addi %mul3A_297, %add3A_405 : i32
        %get3A_407 = arith.index_cast %add3A_406 : i32 to index
        %get3A_408 = tpu.vector_load %arg10[%get3A_407] {strides = array<i32>} : memref<4224xf32, #tpu.memory_space<vmem>>, vector<16xf32>,
        %get3A_409 = vector.shape_cast %get3A_408 : vector<16xf32> to vector<16xf32>
        %add3A_410 = arith.addf %get3A_409, %while3A_292#6 : vector<16xf32>
        %swap3A_411 = arith.index_cast %add3A_406 : i32 to index
        %swap3A_412 = tpu.vector_load %arg10[%swap3A_411] {strides = array<i32>} : memref<4224xf32, #tpu.memory_space<vmem>>, vector<16xf32>,
        %swap3A_413 = vector.shape_cast %swap3A_412 : vector<16xf32> to vector<16xf32>
        %swap3A_414 = vector.shape_cast %add3A_410 : vector<16xf32> to vector<16xf32>
        tpu.vector_store %arg10[%swap3A_411], %swap3A_414 {strides = array<i32>} : memref<4224xf32, #tpu.memory_space<vmem>>, vector<16xf32>,
        %get3A_415 = arith.index_cast %add3A_406 : i32 to index
        %get3A_416 = tpu.vector_load %arg11[%get3A_415] {strides = array<i32>} : memref<4224xf32, #tpu.memory_space<vmem>>, vector<16xf32>,
        %get3A_417 = vector.shape_cast %get3A_416 : vector<16xf32> to vector<16xf32>
        %max3A_418 = arith.maximumf %get3A_417, %while3A_292#14 : vector<16xf32>
        %swap3A_419 = arith.index_cast %add3A_406 : i32 to index
        %swap3A_420 = tpu.vector_load %arg11[%swap3A_419] {strides = array<i32>} : memref<4224xf32, #tpu.memory_space<vmem>>, vector<16xf32>,
        %swap3A_421 = vector.shape_cast %swap3A_420 : vector<16xf32> to vector<16xf32>
        %swap3A_422 = vector.shape_cast %max3A_418 : vector<16xf32> to vector<16xf32>
        tpu.vector_store %arg11[%swap3A_419], %swap3A_422 {strides = array<i32>} : memref<4224xf32, #tpu.memory_space<vmem>>, vector<16xf32>,
        %add3A_423 = arith.constant 112 : i32
        %add3A_424 = arith.addi %mul3A_297, %add3A_423 : i32
        %get3A_425 = arith.index_cast %add3A_424 : i32 to index
        %get3A_426 = tpu.vector_load %arg10[%get3A_425] {strides = array<i32>} : memref<4224xf32, #tpu.memory_space<vmem>>, vector<16xf32>,
        %get3A_427 = vector.shape_cast %get3A_426 : vector<16xf32> to vector<16xf32>
        %add3A_428 = arith.addf %get3A_427, %while3A_292#7 : vector<16xf32>
        %swap3A_429 = arith.index_cast %add3A_424 : i32 to index
        %swap3A_430 = tpu.vector_load %arg10[%swap3A_429] {strides = array<i32>} : memref<4224xf32, #tpu.memory_space<vmem>>, vector<16xf32>,
        %swap3A_431 = vector.shape_cast %swap3A_430 : vector<16xf32> to vector<16xf32>
        %swap3A_432 = vector.shape_cast %add3A_428 : vector<16xf32> to vector<16xf32>
        tpu.vector_store %arg10[%swap3A_429], %swap3A_432 {strides = array<i32>} : memref<4224xf32, #tpu.memory_space<vmem>>, vector<16xf32>,
        %get3A_433 = arith.index_cast %add3A_424 : i32 to index
        %get3A_434 = tpu.vector_load %arg11[%get3A_433] {strides = array<i32>} : memref<4224xf32, #tpu.memory_space<vmem>>, vector<16xf32>,
        %get3A_435 = vector.shape_cast %get3A_434 : vector<16xf32> to vector<16xf32>
        %max3A_436 = arith.maximumf %get3A_435, %while3A_292#15 : vector<16xf32>
        %swap3A_437 = arith.index_cast %add3A_424 : i32 to index
        %swap3A_438 = tpu.vector_load %arg11[%swap3A_437] {strides = array<i32>} : memref<4224xf32, #tpu.memory_space<vmem>>, vector<16xf32>,
        %swap3A_439 = vector.shape_cast %swap3A_438 : vector<16xf32> to vector<16xf32>
        %swap3A_440 = vector.shape_cast %max3A_436 : vector<16xf32> to vector<16xf32>
        tpu.vector_store %arg11[%swap3A_437], %swap3A_440 {strides = array<i32>} : memref<4224xf32, #tpu.memory_space<vmem>>, vector<16xf32>,
      } else {
      }
    }
    %while3A_134 = arith.constant 1 : i32
    scf.for %while3A_270 = %while3A_132 to %while3A_128 step %while3A_134  : i32 {
      %get3A_271 = arith.index_cast %while3A_270 : i32 to index
      %get3A_272 = memref.load %arg13[%get3A_271] : memref<34xi32, #tpu.memory_space<smem>>
      %max3A = arith.constant 896 : i32
      %max3A_273 = arith.maxsi %get3A_272, %max3A : i32
      %sub3A_274 = arith.constant 896 : i32
      %sub3A_275 = arith.subi %max3A_273, %sub3A_274 : i32
      %add3A_276 = arith.constant 1 : i32
      %add3A_277 = arith.addi %while3A_270, %add3A_276 : i32
      %get3A_278 = arith.index_cast %add3A_277 : i32 to index
      %get3A_279 = memref.load %arg13[%get3A_278] : memref<34xi32, #tpu.memory_space<smem>>
      %min3A = arith.constant 1344 : i32
      %min3A_280 = arith.minsi %get3A_279, %min3A : i32
      %sub3A_281 = arith.constant 896 : i32
      %sub3A_282 = arith.subi %min3A_280, %sub3A_281 : i32
      %while3A_283 = arith.subi %sub3A_282, %sub3A_275 : i32
      %while3A_284 = arith.addi %sub3A_275, %while3A_283 : i32
      %while3A_285 = arith.constant 1 : i32
      %while3A_286 = arith.divsi %while3A_283, %while3A_285 : i32
      %while3A_287 = arith.muli %while3A_286, %while3A_285 : i32
      %while3A_288 = arith.addi %sub3A_275, %while3A_287 : i32
      %while3A_289 = arith.constant 1 : i32
      %while3A_290:16 = scf.for %while3A_296 = %sub3A_275 to %while3A_288 step %while3A_289 iter_args(%while3A_297 = %broadcast_in_dim3A_16, %while3A_298 = %broadcast_in_dim3A_16, %while3A_299 = %broadcast_in_dim3A_16, %while3A_300 = %broadcast_in_dim3A_16, %while3A_301 = %broadcast_in_dim3A_16, %while3A_302 = %broadcast_in_dim3A_16, %while3A_303 = %broadcast_in_dim3A_16, %while3A_304 = %broadcast_in_dim3A_16, %while3A_305 = %broadcast_in_dim3A_18, %while3A_306 = %broadcast_in_dim3A_18, %while3A_307 = %broadcast_in_dim3A_18, %while3A_308 = %broadcast_in_dim3A_18, %while3A_309 = %broadcast_in_dim3A_18, %while3A_310 = %broadcast_in_dim3A_18, %while3A_311 = %broadcast_in_dim3A_18, %while3A_312 = %broadcast_in_dim3A_18) -> (vector<16xf32>, vector<16xf32>, vector<16xf32>, vector<16xf32>, vector<16xf32>, vector<16xf32>, vector<16xf32>, vector<16xf32>, vector<16xf32>, vector<16xf32>, vector<16xf32>, vector<16xf32>, vector<16xf32>, vector<16xf32>, vector<16xf32>, vector<16xf32>)  : i32 {
        %get3A_313 = arith.index_cast %while3A_296 : i32 to index
        %get3A_314 = arith.constant 0 : index
        %get3A_315 = tpu.vector_load %arg8[%get3A_313, %get3A_314] {strides = array<i32>} : memref<448x128xf32, #tpu.memory_space<vmem>>, vector<1x16xf32>,
        %get3A_316 = vector.shape_cast %get3A_315 : vector<1x16xf32> to vector<16xf32>
        %get3A_317 = arith.index_cast %while3A_296 : i32 to index
        %get3A_318 = arith.constant 16 : index
        %get3A_319 = tpu.vector_load %arg8[%get3A_317, %get3A_318] {strides = array<i32>} : memref<448x128xf32, #tpu.memory_space<vmem>>, vector<1x16xf32>,
        %get3A_320 = vector.shape_cast %get3A_319 : vector<1x16xf32> to vector<16xf32>
        %get3A_321 = arith.index_cast %while3A_296 : i32 to index
        %get3A_322 = arith.constant 32 : index
        %get3A_323 = tpu.vector_load %arg8[%get3A_321, %get3A_322] {strides = array<i32>} : memref<448x128xf32, #tpu.memory_space<vmem>>, vector<1x16xf32>,
        %get3A_324 = vector.shape_cast %get3A_323 : vector<1x16xf32> to vector<16xf32>
        %get3A_325 = arith.index_cast %while3A_296 : i32 to index
        %get3A_326 = arith.constant 48 : index
        %get3A_327 = tpu.vector_load %arg8[%get3A_325, %get3A_326] {strides = array<i32>} : memref<448x128xf32, #tpu.memory_space<vmem>>, vector<1x16xf32>,
        %get3A_328 = vector.shape_cast %get3A_327 : vector<1x16xf32> to vector<16xf32>
        %get3A_329 = arith.index_cast %while3A_296 : i32 to index
        %get3A_330 = arith.constant 64 : index
        %get3A_331 = tpu.vector_load %arg8[%get3A_329, %get3A_330] {strides = array<i32>} : memref<448x128xf32, #tpu.memory_space<vmem>>, vector<1x16xf32>,
        %get3A_332 = vector.shape_cast %get3A_331 : vector<1x16xf32> to vector<16xf32>
        %get3A_333 = arith.index_cast %while3A_296 : i32 to index
        %get3A_334 = arith.constant 80 : index
        %get3A_335 = tpu.vector_load %arg8[%get3A_333, %get3A_334] {strides = array<i32>} : memref<448x128xf32, #tpu.memory_space<vmem>>, vector<1x16xf32>,
        %get3A_336 = vector.shape_cast %get3A_335 : vector<1x16xf32> to vector<16xf32>
        %get3A_337 = arith.index_cast %while3A_296 : i32 to index
        %get3A_338 = arith.constant 96 : index
        %get3A_339 = tpu.vector_load %arg8[%get3A_337, %get3A_338] {strides = array<i32>} : memref<448x128xf32, #tpu.memory_space<vmem>>, vector<1x16xf32>,
        %get3A_340 = vector.shape_cast %get3A_339 : vector<1x16xf32> to vector<16xf32>
        %get3A_341 = arith.index_cast %while3A_296 : i32 to index
        %get3A_342 = arith.constant 112 : index
        %get3A_343 = tpu.vector_load %arg8[%get3A_341, %get3A_342] {strides = array<i32>} : memref<448x128xf32, #tpu.memory_space<vmem>>, vector<1x16xf32>,
        %get3A_344 = vector.shape_cast %get3A_343 : vector<1x16xf32> to vector<16xf32>
        %add3A_345 = arith.addf %while3A_297, %get3A_316 : vector<16xf32>
        %add3A_346 = arith.addf %while3A_298, %get3A_320 : vector<16xf32>
        %add3A_347 = arith.addf %while3A_299, %get3A_324 : vector<16xf32>
        %add3A_348 = arith.addf %while3A_300, %get3A_328 : vector<16xf32>
        %add3A_349 = arith.addf %while3A_301, %get3A_332 : vector<16xf32>
        %add3A_350 = arith.addf %while3A_302, %get3A_336 : vector<16xf32>
        %add3A_351 = arith.addf %while3A_303, %get3A_340 : vector<16xf32>
        %add3A_352 = arith.addf %while3A_304, %get3A_344 : vector<16xf32>
        %max3A_353 = arith.maximumf %while3A_305, %get3A_316 : vector<16xf32>
        %max3A_354 = arith.maximumf %while3A_306, %get3A_320 : vector<16xf32>
        %max3A_355 = arith.maximumf %while3A_307, %get3A_324 : vector<16xf32>
        %max3A_356 = arith.maximumf %while3A_308, %get3A_328 : vector<16xf32>
        %max3A_357 = arith.maximumf %while3A_309, %get3A_332 : vector<16xf32>
        %max3A_358 = arith.maximumf %while3A_310, %get3A_336 : vector<16xf32>
        %max3A_359 = arith.maximumf %while3A_311, %get3A_340 : vector<16xf32>
        %max3A_360 = arith.maximumf %while3A_312, %get3A_344 : vector<16xf32>
        scf.yield %add3A_345, %add3A_346, %add3A_347, %add3A_348, %add3A_349, %add3A_350, %add3A_351, %add3A_352, %max3A_353, %max3A_354, %max3A_355, %max3A_356, %max3A_357, %max3A_358, %max3A_359, %max3A_360 : vector<16xf32>, vector<16xf32>, vector<16xf32>, vector<16xf32>, vector<16xf32>, vector<16xf32>, vector<16xf32>, vector<16xf32>, vector<16xf32>, vector<16xf32>, vector<16xf32>, vector<16xf32>, vector<16xf32>, vector<16xf32>, vector<16xf32>, vector<16xf32>
      }
      %while3A_291 = arith.constant 1 : i32
      %while3A_292:16 = scf.for %while3A_296 = %while3A_288 to %while3A_284 step %while3A_291 iter_args(%while3A_297 = %while3A_290#0, %while3A_298 = %while3A_290#1, %while3A_299 = %while3A_290#2, %while3A_300 = %while3A_290#3, %while3A_301 = %while3A_290#4, %while3A_302 = %while3A_290#5, %while3A_303 = %while3A_290#6, %while3A_304 = %while3A_290#7, %while3A_305 = %while3A_290#8, %while3A_306 = %while3A_290#9, %while3A_307 = %while3A_290#10, %while3A_308 = %while3A_290#11, %while3A_309 = %while3A_290#12, %while3A_310 = %while3A_290#13, %while3A_311 = %while3A_290#14, %while3A_312 = %while3A_290#15) -> (vector<16xf32>, vector<16xf32>, vector<16xf32>, vector<16xf32>, vector<16xf32>, vector<16xf32>, vector<16xf32>, vector<16xf32>, vector<16xf32>, vector<16xf32>, vector<16xf32>, vector<16xf32>, vector<16xf32>, vector<16xf32>, vector<16xf32>, vector<16xf32>)  : i32 {
        %get3A_313 = arith.index_cast %while3A_296 : i32 to index
        %get3A_314 = arith.constant 0 : index
        %get3A_315 = tpu.vector_load %arg8[%get3A_313, %get3A_314] {strides = array<i32>} : memref<448x128xf32, #tpu.memory_space<vmem>>, vector<1x16xf32>,
        %get3A_316 = vector.shape_cast %get3A_315 : vector<1x16xf32> to vector<16xf32>
        %get3A_317 = arith.index_cast %while3A_296 : i32 to index
        %get3A_318 = arith.constant 16 : index
        %get3A_319 = tpu.vector_load %arg8[%get3A_317, %get3A_318] {strides = array<i32>} : memref<448x128xf32, #tpu.memory_space<vmem>>, vector<1x16xf32>,
        %get3A_320 = vector.shape_cast %get3A_319 : vector<1x16xf32> to vector<16xf32>
        %get3A_321 = arith.index_cast %while3A_296 : i32 to index
        %get3A_322 = arith.constant 32 : index
        %get3A_323 = tpu.vector_load %arg8[%get3A_321, %get3A_322] {strides = array<i32>} : memref<448x128xf32, #tpu.memory_space<vmem>>, vector<1x16xf32>,
        %get3A_324 = vector.shape_cast %get3A_323 : vector<1x16xf32> to vector<16xf32>
        %get3A_325 = arith.index_cast %while3A_296 : i32 to index
        %get3A_326 = arith.constant 48 : index
        %get3A_327 = tpu.vector_load %arg8[%get3A_325, %get3A_326] {strides = array<i32>} : memref<448x128xf32, #tpu.memory_space<vmem>>, vector<1x16xf32>,
        %get3A_328 = vector.shape_cast %get3A_327 : vector<1x16xf32> to vector<16xf32>
        %get3A_329 = arith.index_cast %while3A_296 : i32 to index
        %get3A_330 = arith.constant 64 : index
        %get3A_331 = tpu.vector_load %arg8[%get3A_329, %get3A_330] {strides = array<i32>} : memref<448x128xf32, #tpu.memory_space<vmem>>, vector<1x16xf32>,
        %get3A_332 = vector.shape_cast %get3A_331 : vector<1x16xf32> to vector<16xf32>
        %get3A_333 = arith.index_cast %while3A_296 : i32 to index
        %get3A_334 = arith.constant 80 : index
        %get3A_335 = tpu.vector_load %arg8[%get3A_333, %get3A_334] {strides = array<i32>} : memref<448x128xf32, #tpu.memory_space<vmem>>, vector<1x16xf32>,
        %get3A_336 = vector.shape_cast %get3A_335 : vector<1x16xf32> to vector<16xf32>
        %get3A_337 = arith.index_cast %while3A_296 : i32 to index
        %get3A_338 = arith.constant 96 : index
        %get3A_339 = tpu.vector_load %arg8[%get3A_337, %get3A_338] {strides = array<i32>} : memref<448x128xf32, #tpu.memory_space<vmem>>, vector<1x16xf32>,
        %get3A_340 = vector.shape_cast %get3A_339 : vector<1x16xf32> to vector<16xf32>
        %get3A_341 = arith.index_cast %while3A_296 : i32 to index
        %get3A_342 = arith.constant 112 : index
        %get3A_343 = tpu.vector_load %arg8[%get3A_341, %get3A_342] {strides = array<i32>} : memref<448x128xf32, #tpu.memory_space<vmem>>, vector<1x16xf32>,
        %get3A_344 = vector.shape_cast %get3A_343 : vector<1x16xf32> to vector<16xf32>
        %add3A_345 = arith.addf %while3A_297, %get3A_316 : vector<16xf32>
        %add3A_346 = arith.addf %while3A_298, %get3A_320 : vector<16xf32>
        %add3A_347 = arith.addf %while3A_299, %get3A_324 : vector<16xf32>
        %add3A_348 = arith.addf %while3A_300, %get3A_328 : vector<16xf32>
        %add3A_349 = arith.addf %while3A_301, %get3A_332 : vector<16xf32>
        %add3A_350 = arith.addf %while3A_302, %get3A_336 : vector<16xf32>
        %add3A_351 = arith.addf %while3A_303, %get3A_340 : vector<16xf32>
        %add3A_352 = arith.addf %while3A_304, %get3A_344 : vector<16xf32>
        %max3A_353 = arith.maximumf %while3A_305, %get3A_316 : vector<16xf32>
        %max3A_354 = arith.maximumf %while3A_306, %get3A_320 : vector<16xf32>
        %max3A_355 = arith.maximumf %while3A_307, %get3A_324 : vector<16xf32>
        %max3A_356 = arith.maximumf %while3A_308, %get3A_328 : vector<16xf32>
        %max3A_357 = arith.maximumf %while3A_309, %get3A_332 : vector<16xf32>
        %max3A_358 = arith.maximumf %while3A_310, %get3A_336 : vector<16xf32>
        %max3A_359 = arith.maximumf %while3A_311, %get3A_340 : vector<16xf32>
        %max3A_360 = arith.maximumf %while3A_312, %get3A_344 : vector<16xf32>
        scf.yield %add3A_345, %add3A_346, %add3A_347, %add3A_348, %add3A_349, %add3A_350, %add3A_351, %add3A_352, %max3A_353, %max3A_354, %max3A_355, %max3A_356, %max3A_357, %max3A_358, %max3A_359, %max3A_360 : vector<16xf32>, vector<16xf32>, vector<16xf32>, vector<16xf32>, vector<16xf32>, vector<16xf32>, vector<16xf32>, vector<16xf32>, vector<16xf32>, vector<16xf32>, vector<16xf32>, vector<16xf32>, vector<16xf32>, vector<16xf32>, vector<16xf32>, vector<16xf32>
      }
      %gt3A = arith.cmpi sgt, %sub3A_282, %sub3A_275 : i32
      %convert_element_type3A_293 = arith.extui %gt3A : i1 to i32
      %cond3A_294 = arith.constant 0 : i32
      %cond3A_295 = arith.cmpi ne, %convert_element_type3A_293, %cond3A_294 : i32
      scf.if %cond3A_295 {
        %mul3A_296 = arith.constant 128 : i32
        %mul3A_297 = arith.muli %while3A_270, %mul3A_296 : i32
        %add3A_298 = arith.constant 0 : i32
        %add3A_299 = arith.addi %mul3A_297, %add3A_298 : i32
        %get3A_300 = arith.index_cast %add3A_299 : i32 to index
        %get3A_301 = tpu.vector_load %arg10[%get3A_300] {strides = array<i32>} : memref<4224xf32, #tpu.memory_space<vmem>>, vector<16xf32>,
        %get3A_302 = vector.shape_cast %get3A_301 : vector<16xf32> to vector<16xf32>
        %add3A_303 = arith.addf %get3A_302, %while3A_292#0 : vector<16xf32>
        %swap3A = arith.index_cast %add3A_299 : i32 to index
        %swap3A_304 = tpu.vector_load %arg10[%swap3A] {strides = array<i32>} : memref<4224xf32, #tpu.memory_space<vmem>>, vector<16xf32>,
        %swap3A_305 = vector.shape_cast %swap3A_304 : vector<16xf32> to vector<16xf32>
        %swap3A_306 = vector.shape_cast %add3A_303 : vector<16xf32> to vector<16xf32>
        tpu.vector_store %arg10[%swap3A], %swap3A_306 {strides = array<i32>} : memref<4224xf32, #tpu.memory_space<vmem>>, vector<16xf32>,
        %get3A_307 = arith.index_cast %add3A_299 : i32 to index
        %get3A_308 = tpu.vector_load %arg11[%get3A_307] {strides = array<i32>} : memref<4224xf32, #tpu.memory_space<vmem>>, vector<16xf32>,
        %get3A_309 = vector.shape_cast %get3A_308 : vector<16xf32> to vector<16xf32>
        %max3A_310 = arith.maximumf %get3A_309, %while3A_292#8 : vector<16xf32>
        %swap3A_311 = arith.index_cast %add3A_299 : i32 to index
        %swap3A_312 = tpu.vector_load %arg11[%swap3A_311] {strides = array<i32>} : memref<4224xf32, #tpu.memory_space<vmem>>, vector<16xf32>,
        %swap3A_313 = vector.shape_cast %swap3A_312 : vector<16xf32> to vector<16xf32>
        %swap3A_314 = vector.shape_cast %max3A_310 : vector<16xf32> to vector<16xf32>
        tpu.vector_store %arg11[%swap3A_311], %swap3A_314 {strides = array<i32>} : memref<4224xf32, #tpu.memory_space<vmem>>, vector<16xf32>,
        %add3A_315 = arith.constant 16 : i32
        %add3A_316 = arith.addi %mul3A_297, %add3A_315 : i32
        %get3A_317 = arith.index_cast %add3A_316 : i32 to index
        %get3A_318 = tpu.vector_load %arg10[%get3A_317] {strides = array<i32>} : memref<4224xf32, #tpu.memory_space<vmem>>, vector<16xf32>,
        %get3A_319 = vector.shape_cast %get3A_318 : vector<16xf32> to vector<16xf32>
        %add3A_320 = arith.addf %get3A_319, %while3A_292#1 : vector<16xf32>
        %swap3A_321 = arith.index_cast %add3A_316 : i32 to index
        %swap3A_322 = tpu.vector_load %arg10[%swap3A_321] {strides = array<i32>} : memref<4224xf32, #tpu.memory_space<vmem>>, vector<16xf32>,
        %swap3A_323 = vector.shape_cast %swap3A_322 : vector<16xf32> to vector<16xf32>
        %swap3A_324 = vector.shape_cast %add3A_320 : vector<16xf32> to vector<16xf32>
        tpu.vector_store %arg10[%swap3A_321], %swap3A_324 {strides = array<i32>} : memref<4224xf32, #tpu.memory_space<vmem>>, vector<16xf32>,
        %get3A_325 = arith.index_cast %add3A_316 : i32 to index
        %get3A_326 = tpu.vector_load %arg11[%get3A_325] {strides = array<i32>} : memref<4224xf32, #tpu.memory_space<vmem>>, vector<16xf32>,
        %get3A_327 = vector.shape_cast %get3A_326 : vector<16xf32> to vector<16xf32>
        %max3A_328 = arith.maximumf %get3A_327, %while3A_292#9 : vector<16xf32>
        %swap3A_329 = arith.index_cast %add3A_316 : i32 to index
        %swap3A_330 = tpu.vector_load %arg11[%swap3A_329] {strides = array<i32>} : memref<4224xf32, #tpu.memory_space<vmem>>, vector<16xf32>,
        %swap3A_331 = vector.shape_cast %swap3A_330 : vector<16xf32> to vector<16xf32>
        %swap3A_332 = vector.shape_cast %max3A_328 : vector<16xf32> to vector<16xf32>
        tpu.vector_store %arg11[%swap3A_329], %swap3A_332 {strides = array<i32>} : memref<4224xf32, #tpu.memory_space<vmem>>, vector<16xf32>,
        %add3A_333 = arith.constant 32 : i32
        %add3A_334 = arith.addi %mul3A_297, %add3A_333 : i32
        %get3A_335 = arith.index_cast %add3A_334 : i32 to index
        %get3A_336 = tpu.vector_load %arg10[%get3A_335] {strides = array<i32>} : memref<4224xf32, #tpu.memory_space<vmem>>, vector<16xf32>,
        %get3A_337 = vector.shape_cast %get3A_336 : vector<16xf32> to vector<16xf32>
        %add3A_338 = arith.addf %get3A_337, %while3A_292#2 : vector<16xf32>
        %swap3A_339 = arith.index_cast %add3A_334 : i32 to index
        %swap3A_340 = tpu.vector_load %arg10[%swap3A_339] {strides = array<i32>} : memref<4224xf32, #tpu.memory_space<vmem>>, vector<16xf32>,
        %swap3A_341 = vector.shape_cast %swap3A_340 : vector<16xf32> to vector<16xf32>
        %swap3A_342 = vector.shape_cast %add3A_338 : vector<16xf32> to vector<16xf32>
        tpu.vector_store %arg10[%swap3A_339], %swap3A_342 {strides = array<i32>} : memref<4224xf32, #tpu.memory_space<vmem>>, vector<16xf32>,
        %get3A_343 = arith.index_cast %add3A_334 : i32 to index
        %get3A_344 = tpu.vector_load %arg11[%get3A_343] {strides = array<i32>} : memref<4224xf32, #tpu.memory_space<vmem>>, vector<16xf32>,
        %get3A_345 = vector.shape_cast %get3A_344 : vector<16xf32> to vector<16xf32>
        %max3A_346 = arith.maximumf %get3A_345, %while3A_292#10 : vector<16xf32>
        %swap3A_347 = arith.index_cast %add3A_334 : i32 to index
        %swap3A_348 = tpu.vector_load %arg11[%swap3A_347] {strides = array<i32>} : memref<4224xf32, #tpu.memory_space<vmem>>, vector<16xf32>,
        %swap3A_349 = vector.shape_cast %swap3A_348 : vector<16xf32> to vector<16xf32>
        %swap3A_350 = vector.shape_cast %max3A_346 : vector<16xf32> to vector<16xf32>
        tpu.vector_store %arg11[%swap3A_347], %swap3A_350 {strides = array<i32>} : memref<4224xf32, #tpu.memory_space<vmem>>, vector<16xf32>,
        %add3A_351 = arith.constant 48 : i32
        %add3A_352 = arith.addi %mul3A_297, %add3A_351 : i32
        %get3A_353 = arith.index_cast %add3A_352 : i32 to index
        %get3A_354 = tpu.vector_load %arg10[%get3A_353] {strides = array<i32>} : memref<4224xf32, #tpu.memory_space<vmem>>, vector<16xf32>,
        %get3A_355 = vector.shape_cast %get3A_354 : vector<16xf32> to vector<16xf32>
        %add3A_356 = arith.addf %get3A_355, %while3A_292#3 : vector<16xf32>
        %swap3A_357 = arith.index_cast %add3A_352 : i32 to index
        %swap3A_358 = tpu.vector_load %arg10[%swap3A_357] {strides = array<i32>} : memref<4224xf32, #tpu.memory_space<vmem>>, vector<16xf32>,
        %swap3A_359 = vector.shape_cast %swap3A_358 : vector<16xf32> to vector<16xf32>
        %swap3A_360 = vector.shape_cast %add3A_356 : vector<16xf32> to vector<16xf32>
        tpu.vector_store %arg10[%swap3A_357], %swap3A_360 {strides = array<i32>} : memref<4224xf32, #tpu.memory_space<vmem>>, vector<16xf32>,
        %get3A_361 = arith.index_cast %add3A_352 : i32 to index
        %get3A_362 = tpu.vector_load %arg11[%get3A_361] {strides = array<i32>} : memref<4224xf32, #tpu.memory_space<vmem>>, vector<16xf32>,
        %get3A_363 = vector.shape_cast %get3A_362 : vector<16xf32> to vector<16xf32>
        %max3A_364 = arith.maximumf %get3A_363, %while3A_292#11 : vector<16xf32>
        %swap3A_365 = arith.index_cast %add3A_352 : i32 to index
        %swap3A_366 = tpu.vector_load %arg11[%swap3A_365] {strides = array<i32>} : memref<4224xf32, #tpu.memory_space<vmem>>, vector<16xf32>,
        %swap3A_367 = vector.shape_cast %swap3A_366 : vector<16xf32> to vector<16xf32>
        %swap3A_368 = vector.shape_cast %max3A_364 : vector<16xf32> to vector<16xf32>
        tpu.vector_store %arg11[%swap3A_365], %swap3A_368 {strides = array<i32>} : memref<4224xf32, #tpu.memory_space<vmem>>, vector<16xf32>,
        %add3A_369 = arith.constant 64 : i32
        %add3A_370 = arith.addi %mul3A_297, %add3A_369 : i32
        %get3A_371 = arith.index_cast %add3A_370 : i32 to index
        %get3A_372 = tpu.vector_load %arg10[%get3A_371] {strides = array<i32>} : memref<4224xf32, #tpu.memory_space<vmem>>, vector<16xf32>,
        %get3A_373 = vector.shape_cast %get3A_372 : vector<16xf32> to vector<16xf32>
        %add3A_374 = arith.addf %get3A_373, %while3A_292#4 : vector<16xf32>
        %swap3A_375 = arith.index_cast %add3A_370 : i32 to index
        %swap3A_376 = tpu.vector_load %arg10[%swap3A_375] {strides = array<i32>} : memref<4224xf32, #tpu.memory_space<vmem>>, vector<16xf32>,
        %swap3A_377 = vector.shape_cast %swap3A_376 : vector<16xf32> to vector<16xf32>
        %swap3A_378 = vector.shape_cast %add3A_374 : vector<16xf32> to vector<16xf32>
        tpu.vector_store %arg10[%swap3A_375], %swap3A_378 {strides = array<i32>} : memref<4224xf32, #tpu.memory_space<vmem>>, vector<16xf32>,
        %get3A_379 = arith.index_cast %add3A_370 : i32 to index
        %get3A_380 = tpu.vector_load %arg11[%get3A_379] {strides = array<i32>} : memref<4224xf32, #tpu.memory_space<vmem>>, vector<16xf32>,
        %get3A_381 = vector.shape_cast %get3A_380 : vector<16xf32> to vector<16xf32>
        %max3A_382 = arith.maximumf %get3A_381, %while3A_292#12 : vector<16xf32>
        %swap3A_383 = arith.index_cast %add3A_370 : i32 to index
        %swap3A_384 = tpu.vector_load %arg11[%swap3A_383] {strides = array<i32>} : memref<4224xf32, #tpu.memory_space<vmem>>, vector<16xf32>,
        %swap3A_385 = vector.shape_cast %swap3A_384 : vector<16xf32> to vector<16xf32>
        %swap3A_386 = vector.shape_cast %max3A_382 : vector<16xf32> to vector<16xf32>
        tpu.vector_store %arg11[%swap3A_383], %swap3A_386 {strides = array<i32>} : memref<4224xf32, #tpu.memory_space<vmem>>, vector<16xf32>,
        %add3A_387 = arith.constant 80 : i32
        %add3A_388 = arith.addi %mul3A_297, %add3A_387 : i32
        %get3A_389 = arith.index_cast %add3A_388 : i32 to index
        %get3A_390 = tpu.vector_load %arg10[%get3A_389] {strides = array<i32>} : memref<4224xf32, #tpu.memory_space<vmem>>, vector<16xf32>,
        %get3A_391 = vector.shape_cast %get3A_390 : vector<16xf32> to vector<16xf32>
        %add3A_392 = arith.addf %get3A_391, %while3A_292#5 : vector<16xf32>
        %swap3A_393 = arith.index_cast %add3A_388 : i32 to index
        %swap3A_394 = tpu.vector_load %arg10[%swap3A_393] {strides = array<i32>} : memref<4224xf32, #tpu.memory_space<vmem>>, vector<16xf32>,
        %swap3A_395 = vector.shape_cast %swap3A_394 : vector<16xf32> to vector<16xf32>
        %swap3A_396 = vector.shape_cast %add3A_392 : vector<16xf32> to vector<16xf32>
        tpu.vector_store %arg10[%swap3A_393], %swap3A_396 {strides = array<i32>} : memref<4224xf32, #tpu.memory_space<vmem>>, vector<16xf32>,
        %get3A_397 = arith.index_cast %add3A_388 : i32 to index
        %get3A_398 = tpu.vector_load %arg11[%get3A_397] {strides = array<i32>} : memref<4224xf32, #tpu.memory_space<vmem>>, vector<16xf32>,
        %get3A_399 = vector.shape_cast %get3A_398 : vector<16xf32> to vector<16xf32>
        %max3A_400 = arith.maximumf %get3A_399, %while3A_292#13 : vector<16xf32>
        %swap3A_401 = arith.index_cast %add3A_388 : i32 to index
        %swap3A_402 = tpu.vector_load %arg11[%swap3A_401] {strides = array<i32>} : memref<4224xf32, #tpu.memory_space<vmem>>, vector<16xf32>,
        %swap3A_403 = vector.shape_cast %swap3A_402 : vector<16xf32> to vector<16xf32>
        %swap3A_404 = vector.shape_cast %max3A_400 : vector<16xf32> to vector<16xf32>
        tpu.vector_store %arg11[%swap3A_401], %swap3A_404 {strides = array<i32>} : memref<4224xf32, #tpu.memory_space<vmem>>, vector<16xf32>,
        %add3A_405 = arith.constant 96 : i32
        %add3A_406 = arith.addi %mul3A_297, %add3A_405 : i32
        %get3A_407 = arith.index_cast %add3A_406 : i32 to index
        %get3A_408 = tpu.vector_load %arg10[%get3A_407] {strides = array<i32>} : memref<4224xf32, #tpu.memory_space<vmem>>, vector<16xf32>,
        %get3A_409 = vector.shape_cast %get3A_408 : vector<16xf32> to vector<16xf32>
        %add3A_410 = arith.addf %get3A_409, %while3A_292#6 : vector<16xf32>
        %swap3A_411 = arith.index_cast %add3A_406 : i32 to index
        %swap3A_412 = tpu.vector_load %arg10[%swap3A_411] {strides = array<i32>} : memref<4224xf32, #tpu.memory_space<vmem>>, vector<16xf32>,
        %swap3A_413 = vector.shape_cast %swap3A_412 : vector<16xf32> to vector<16xf32>
        %swap3A_414 = vector.shape_cast %add3A_410 : vector<16xf32> to vector<16xf32>
        tpu.vector_store %arg10[%swap3A_411], %swap3A_414 {strides = array<i32>} : memref<4224xf32, #tpu.memory_space<vmem>>, vector<16xf32>,
        %get3A_415 = arith.index_cast %add3A_406 : i32 to index
        %get3A_416 = tpu.vector_load %arg11[%get3A_415] {strides = array<i32>} : memref<4224xf32, #tpu.memory_space<vmem>>, vector<16xf32>,
        %get3A_417 = vector.shape_cast %get3A_416 : vector<16xf32> to vector<16xf32>
        %max3A_418 = arith.maximumf %get3A_417, %while3A_292#14 : vector<16xf32>
        %swap3A_419 = arith.index_cast %add3A_406 : i32 to index
        %swap3A_420 = tpu.vector_load %arg11[%swap3A_419] {strides = array<i32>} : memref<4224xf32, #tpu.memory_space<vmem>>, vector<16xf32>,
        %swap3A_421 = vector.shape_cast %swap3A_420 : vector<16xf32> to vector<16xf32>
        %swap3A_422 = vector.shape_cast %max3A_418 : vector<16xf32> to vector<16xf32>
        tpu.vector_store %arg11[%swap3A_419], %swap3A_422 {strides = array<i32>} : memref<4224xf32, #tpu.memory_space<vmem>>, vector<16xf32>,
        %add3A_423 = arith.constant 112 : i32
        %add3A_424 = arith.addi %mul3A_297, %add3A_423 : i32
        %get3A_425 = arith.index_cast %add3A_424 : i32 to index
        %get3A_426 = tpu.vector_load %arg10[%get3A_425] {strides = array<i32>} : memref<4224xf32, #tpu.memory_space<vmem>>, vector<16xf32>,
        %get3A_427 = vector.shape_cast %get3A_426 : vector<16xf32> to vector<16xf32>
        %add3A_428 = arith.addf %get3A_427, %while3A_292#7 : vector<16xf32>
        %swap3A_429 = arith.index_cast %add3A_424 : i32 to index
        %swap3A_430 = tpu.vector_load %arg10[%swap3A_429] {strides = array<i32>} : memref<4224xf32, #tpu.memory_space<vmem>>, vector<16xf32>,
        %swap3A_431 = vector.shape_cast %swap3A_430 : vector<16xf32> to vector<16xf32>
        %swap3A_432 = vector.shape_cast %add3A_428 : vector<16xf32> to vector<16xf32>
        tpu.vector_store %arg10[%swap3A_429], %swap3A_432 {strides = array<i32>} : memref<4224xf32, #tpu.memory_space<vmem>>, vector<16xf32>,
        %get3A_433 = arith.index_cast %add3A_424 : i32 to index
        %get3A_434 = tpu.vector_load %arg11[%get3A_433] {strides = array<i32>} : memref<4224xf32, #tpu.memory_space<vmem>>, vector<16xf32>,
        %get3A_435 = vector.shape_cast %get3A_434 : vector<16xf32> to vector<16xf32>
        %max3A_436 = arith.maximumf %get3A_435, %while3A_292#15 : vector<16xf32>
        %swap3A_437 = arith.index_cast %add3A_424 : i32 to index
        %swap3A_438 = tpu.vector_load %arg11[%swap3A_437] {strides = array<i32>} : memref<4224xf32, #tpu.memory_space<vmem>>, vector<16xf32>,
        %swap3A_439 = vector.shape_cast %swap3A_438 : vector<16xf32> to vector<16xf32>
        %swap3A_440 = vector.shape_cast %max3A_436 : vector<16xf32> to vector<16xf32>
        tpu.vector_store %arg11[%swap3A_437], %swap3A_440 {strides = array<i32>} : memref<4224xf32, #tpu.memory_space<vmem>>, vector<16xf32>,
      } else {
      }
    }
    %add3A_135 = arith.constant 1792 : i32
    %add3A_136 = arith.addi %select_n3A_10, %add3A_135 : i32
    %dma_start3A_137 = arith.constant 0 : i32
    %dma_start3A_138 = tpu.memref_slice %arg2[%add3A_136, %dma_start3A_137] : memref<100000x128xf32, #tpu.memory_space<hbm>> -> memref<448x128xf32, #tpu.memory_space<hbm>>
    %dma_start3A_139 = arith.constant 0 : i32
    %dma_start3A_140 = tpu.memref_slice %arg2[%add3A_136, %dma_start3A_139] : memref<100000x128xf32, #tpu.memory_space<hbm>> -> memref<448x128xf32, #tpu.memory_space<hbm>>
    tpu.enqueue_dma source(%dma_start3A_140 : memref<448x128xf32, #tpu.memory_space<hbm>>) target(%arg8 : memref<448x128xf32, #tpu.memory_space<vmem>>) target_semaphore(%arg14 : memref<!tpu.dma_semaphore, #tpu.memory_space<semaphore_mem>>)
    %add3A_141 = arith.constant 1344 : i32
    %add3A_142 = arith.addi %select_n3A_10, %add3A_141 : i32
    %dma_wait3A_143 = arith.constant 0 : i32
    %dma_wait3A_144 = tpu.memref_slice %arg2[%add3A_142, %dma_wait3A_143] : memref<100000x128xf32, #tpu.memory_space<hbm>> -> memref<448x128xf32, #tpu.memory_space<hbm>>
    %dma_wait3A_145 = arith.constant 0 : i32
    %dma_wait3A_146 = tpu.memref_slice %arg2[%add3A_142, %dma_wait3A_145] : memref<100000x128xf32, #tpu.memory_space<hbm>> -> memref<448x128xf32, #tpu.memory_space<hbm>>
    tpu.wait_dma2 semaphore(%arg15 : memref<!tpu.dma_semaphore, #tpu.memory_space<semaphore_mem>>) src(%dma_wait3A_146 : memref<448x128xf32, #tpu.memory_space<hbm>>) dst(%arg9 : memref<448x128xf32, #tpu.memory_space<vmem>>)
    %get3A_147 = arith.constant 1344 : index
    %get3A_148 = tpu.vector_load %arg7[%get3A_147] {strides = array<i32>} : memref<2272xi32, #tpu.memory_space<vmem>>, vector<16xi32>,
    %get3A_149 = vector.shape_cast %get3A_148 : vector<16xi32> to vector<16xi32>
    %slice3A_150 = vector.extract_strided_slice %get3A_149 {offsets = [0], sizes = [1], strides = [1]} : vector<16xi32> to vector<1xi32>
    %squeeze3A_151 = vector.extract %slice3A_150[0] : i32 from vector<1xi32>
    %get3A_152 = arith.constant 1791 : index
    %get3A_153 = tpu.vector_load %arg7[%get3A_152] {strides = array<i32>} : memref<2272xi32, #tpu.memory_space<vmem>>, vector<16xi32>,
    %get3A_154 = vector.shape_cast %get3A_153 : vector<16xi32> to vector<16xi32>
    %slice3A_155 = vector.extract_strided_slice %get3A_154 {offsets = [0], sizes = [1], strides = [1]} : vector<16xi32> to vector<1xi32>
    %squeeze3A_156 = vector.extract %slice3A_155[0] : i32 from vector<1xi32>
    %add3A_157 = arith.constant 1 : i32
    %add3A_158 = arith.addi %squeeze3A_156, %add3A_157 : i32
    %while3A_159 = arith.constant 0 : i32
    %while3A_160 = arith.subi %add3A_158, %squeeze3A_151 : i32
    %while3A_161 = arith.addi %squeeze3A_151, %while3A_160 : i32
    %while3A_162 = arith.constant 1 : i32
    %while3A_163 = arith.divsi %while3A_160, %while3A_162 : i32
    %while3A_164 = arith.muli %while3A_163, %while3A_162 : i32
    %while3A_165 = arith.addi %squeeze3A_151, %while3A_164 : i32
    %while3A_166 = arith.constant 1 : i32
    scf.for %while3A_270 = %squeeze3A_151 to %while3A_165 step %while3A_166  : i32 {
      %get3A_271 = arith.index_cast %while3A_270 : i32 to index
      %get3A_272 = memref.load %arg13[%get3A_271] : memref<34xi32, #tpu.memory_space<smem>>
      %max3A = arith.constant 1344 : i32
      %max3A_273 = arith.maxsi %get3A_272, %max3A : i32
      %sub3A_274 = arith.constant 1344 : i32
      %sub3A_275 = arith.subi %max3A_273, %sub3A_274 : i32
      %add3A_276 = arith.constant 1 : i32
      %add3A_277 = arith.addi %while3A_270, %add3A_276 : i32
      %get3A_278 = arith.index_cast %add3A_277 : i32 to index
      %get3A_279 = memref.load %arg13[%get3A_278] : memref<34xi32, #tpu.memory_space<smem>>
      %min3A = arith.constant 1792 : i32
      %min3A_280 = arith.minsi %get3A_279, %min3A : i32
      %sub3A_281 = arith.constant 1344 : i32
      %sub3A_282 = arith.subi %min3A_280, %sub3A_281 : i32
      %while3A_283 = arith.subi %sub3A_282, %sub3A_275 : i32
      %while3A_284 = arith.addi %sub3A_275, %while3A_283 : i32
      %while3A_285 = arith.constant 1 : i32
      %while3A_286 = arith.divsi %while3A_283, %while3A_285 : i32
      %while3A_287 = arith.muli %while3A_286, %while3A_285 : i32
      %while3A_288 = arith.addi %sub3A_275, %while3A_287 : i32
      %while3A_289 = arith.constant 1 : i32
      %while3A_290:16 = scf.for %while3A_296 = %sub3A_275 to %while3A_288 step %while3A_289 iter_args(%while3A_297 = %broadcast_in_dim3A_16, %while3A_298 = %broadcast_in_dim3A_16, %while3A_299 = %broadcast_in_dim3A_16, %while3A_300 = %broadcast_in_dim3A_16, %while3A_301 = %broadcast_in_dim3A_16, %while3A_302 = %broadcast_in_dim3A_16, %while3A_303 = %broadcast_in_dim3A_16, %while3A_304 = %broadcast_in_dim3A_16, %while3A_305 = %broadcast_in_dim3A_18, %while3A_306 = %broadcast_in_dim3A_18, %while3A_307 = %broadcast_in_dim3A_18, %while3A_308 = %broadcast_in_dim3A_18, %while3A_309 = %broadcast_in_dim3A_18, %while3A_310 = %broadcast_in_dim3A_18, %while3A_311 = %broadcast_in_dim3A_18, %while3A_312 = %broadcast_in_dim3A_18) -> (vector<16xf32>, vector<16xf32>, vector<16xf32>, vector<16xf32>, vector<16xf32>, vector<16xf32>, vector<16xf32>, vector<16xf32>, vector<16xf32>, vector<16xf32>, vector<16xf32>, vector<16xf32>, vector<16xf32>, vector<16xf32>, vector<16xf32>, vector<16xf32>)  : i32 {
        %get3A_313 = arith.index_cast %while3A_296 : i32 to index
        %get3A_314 = arith.constant 0 : index
        %get3A_315 = tpu.vector_load %arg9[%get3A_313, %get3A_314] {strides = array<i32>} : memref<448x128xf32, #tpu.memory_space<vmem>>, vector<1x16xf32>,
        %get3A_316 = vector.shape_cast %get3A_315 : vector<1x16xf32> to vector<16xf32>
        %get3A_317 = arith.index_cast %while3A_296 : i32 to index
        %get3A_318 = arith.constant 16 : index
        %get3A_319 = tpu.vector_load %arg9[%get3A_317, %get3A_318] {strides = array<i32>} : memref<448x128xf32, #tpu.memory_space<vmem>>, vector<1x16xf32>,
        %get3A_320 = vector.shape_cast %get3A_319 : vector<1x16xf32> to vector<16xf32>
        %get3A_321 = arith.index_cast %while3A_296 : i32 to index
        %get3A_322 = arith.constant 32 : index
        %get3A_323 = tpu.vector_load %arg9[%get3A_321, %get3A_322] {strides = array<i32>} : memref<448x128xf32, #tpu.memory_space<vmem>>, vector<1x16xf32>,
        %get3A_324 = vector.shape_cast %get3A_323 : vector<1x16xf32> to vector<16xf32>
        %get3A_325 = arith.index_cast %while3A_296 : i32 to index
        %get3A_326 = arith.constant 48 : index
        %get3A_327 = tpu.vector_load %arg9[%get3A_325, %get3A_326] {strides = array<i32>} : memref<448x128xf32, #tpu.memory_space<vmem>>, vector<1x16xf32>,
        %get3A_328 = vector.shape_cast %get3A_327 : vector<1x16xf32> to vector<16xf32>
        %get3A_329 = arith.index_cast %while3A_296 : i32 to index
        %get3A_330 = arith.constant 64 : index
        %get3A_331 = tpu.vector_load %arg9[%get3A_329, %get3A_330] {strides = array<i32>} : memref<448x128xf32, #tpu.memory_space<vmem>>, vector<1x16xf32>,
        %get3A_332 = vector.shape_cast %get3A_331 : vector<1x16xf32> to vector<16xf32>
        %get3A_333 = arith.index_cast %while3A_296 : i32 to index
        %get3A_334 = arith.constant 80 : index
        %get3A_335 = tpu.vector_load %arg9[%get3A_333, %get3A_334] {strides = array<i32>} : memref<448x128xf32, #tpu.memory_space<vmem>>, vector<1x16xf32>,
        %get3A_336 = vector.shape_cast %get3A_335 : vector<1x16xf32> to vector<16xf32>
        %get3A_337 = arith.index_cast %while3A_296 : i32 to index
        %get3A_338 = arith.constant 96 : index
        %get3A_339 = tpu.vector_load %arg9[%get3A_337, %get3A_338] {strides = array<i32>} : memref<448x128xf32, #tpu.memory_space<vmem>>, vector<1x16xf32>,
        %get3A_340 = vector.shape_cast %get3A_339 : vector<1x16xf32> to vector<16xf32>
        %get3A_341 = arith.index_cast %while3A_296 : i32 to index
        %get3A_342 = arith.constant 112 : index
        %get3A_343 = tpu.vector_load %arg9[%get3A_341, %get3A_342] {strides = array<i32>} : memref<448x128xf32, #tpu.memory_space<vmem>>, vector<1x16xf32>,
        %get3A_344 = vector.shape_cast %get3A_343 : vector<1x16xf32> to vector<16xf32>
        %add3A_345 = arith.addf %while3A_297, %get3A_316 : vector<16xf32>
        %add3A_346 = arith.addf %while3A_298, %get3A_320 : vector<16xf32>
        %add3A_347 = arith.addf %while3A_299, %get3A_324 : vector<16xf32>
        %add3A_348 = arith.addf %while3A_300, %get3A_328 : vector<16xf32>
        %add3A_349 = arith.addf %while3A_301, %get3A_332 : vector<16xf32>
        %add3A_350 = arith.addf %while3A_302, %get3A_336 : vector<16xf32>
        %add3A_351 = arith.addf %while3A_303, %get3A_340 : vector<16xf32>
        %add3A_352 = arith.addf %while3A_304, %get3A_344 : vector<16xf32>
        %max3A_353 = arith.maximumf %while3A_305, %get3A_316 : vector<16xf32>
        %max3A_354 = arith.maximumf %while3A_306, %get3A_320 : vector<16xf32>
        %max3A_355 = arith.maximumf %while3A_307, %get3A_324 : vector<16xf32>
        %max3A_356 = arith.maximumf %while3A_308, %get3A_328 : vector<16xf32>
        %max3A_357 = arith.maximumf %while3A_309, %get3A_332 : vector<16xf32>
        %max3A_358 = arith.maximumf %while3A_310, %get3A_336 : vector<16xf32>
        %max3A_359 = arith.maximumf %while3A_311, %get3A_340 : vector<16xf32>
        %max3A_360 = arith.maximumf %while3A_312, %get3A_344 : vector<16xf32>
        scf.yield %add3A_345, %add3A_346, %add3A_347, %add3A_348, %add3A_349, %add3A_350, %add3A_351, %add3A_352, %max3A_353, %max3A_354, %max3A_355, %max3A_356, %max3A_357, %max3A_358, %max3A_359, %max3A_360 : vector<16xf32>, vector<16xf32>, vector<16xf32>, vector<16xf32>, vector<16xf32>, vector<16xf32>, vector<16xf32>, vector<16xf32>, vector<16xf32>, vector<16xf32>, vector<16xf32>, vector<16xf32>, vector<16xf32>, vector<16xf32>, vector<16xf32>, vector<16xf32>
      }
      %while3A_291 = arith.constant 1 : i32
      %while3A_292:16 = scf.for %while3A_296 = %while3A_288 to %while3A_284 step %while3A_291 iter_args(%while3A_297 = %while3A_290#0, %while3A_298 = %while3A_290#1, %while3A_299 = %while3A_290#2, %while3A_300 = %while3A_290#3, %while3A_301 = %while3A_290#4, %while3A_302 = %while3A_290#5, %while3A_303 = %while3A_290#6, %while3A_304 = %while3A_290#7, %while3A_305 = %while3A_290#8, %while3A_306 = %while3A_290#9, %while3A_307 = %while3A_290#10, %while3A_308 = %while3A_290#11, %while3A_309 = %while3A_290#12, %while3A_310 = %while3A_290#13, %while3A_311 = %while3A_290#14, %while3A_312 = %while3A_290#15) -> (vector<16xf32>, vector<16xf32>, vector<16xf32>, vector<16xf32>, vector<16xf32>, vector<16xf32>, vector<16xf32>, vector<16xf32>, vector<16xf32>, vector<16xf32>, vector<16xf32>, vector<16xf32>, vector<16xf32>, vector<16xf32>, vector<16xf32>, vector<16xf32>)  : i32 {
        %get3A_313 = arith.index_cast %while3A_296 : i32 to index
        %get3A_314 = arith.constant 0 : index
        %get3A_315 = tpu.vector_load %arg9[%get3A_313, %get3A_314] {strides = array<i32>} : memref<448x128xf32, #tpu.memory_space<vmem>>, vector<1x16xf32>,
        %get3A_316 = vector.shape_cast %get3A_315 : vector<1x16xf32> to vector<16xf32>
        %get3A_317 = arith.index_cast %while3A_296 : i32 to index
        %get3A_318 = arith.constant 16 : index
        %get3A_319 = tpu.vector_load %arg9[%get3A_317, %get3A_318] {strides = array<i32>} : memref<448x128xf32, #tpu.memory_space<vmem>>, vector<1x16xf32>,
        %get3A_320 = vector.shape_cast %get3A_319 : vector<1x16xf32> to vector<16xf32>
        %get3A_321 = arith.index_cast %while3A_296 : i32 to index
        %get3A_322 = arith.constant 32 : index
        %get3A_323 = tpu.vector_load %arg9[%get3A_321, %get3A_322] {strides = array<i32>} : memref<448x128xf32, #tpu.memory_space<vmem>>, vector<1x16xf32>,
        %get3A_324 = vector.shape_cast %get3A_323 : vector<1x16xf32> to vector<16xf32>
        %get3A_325 = arith.index_cast %while3A_296 : i32 to index
        %get3A_326 = arith.constant 48 : index
        %get3A_327 = tpu.vector_load %arg9[%get3A_325, %get3A_326] {strides = array<i32>} : memref<448x128xf32, #tpu.memory_space<vmem>>, vector<1x16xf32>,
        %get3A_328 = vector.shape_cast %get3A_327 : vector<1x16xf32> to vector<16xf32>
        %get3A_329 = arith.index_cast %while3A_296 : i32 to index
        %get3A_330 = arith.constant 64 : index
        %get3A_331 = tpu.vector_load %arg9[%get3A_329, %get3A_330] {strides = array<i32>} : memref<448x128xf32, #tpu.memory_space<vmem>>, vector<1x16xf32>,
        %get3A_332 = vector.shape_cast %get3A_331 : vector<1x16xf32> to vector<16xf32>
        %get3A_333 = arith.index_cast %while3A_296 : i32 to index
        %get3A_334 = arith.constant 80 : index
        %get3A_335 = tpu.vector_load %arg9[%get3A_333, %get3A_334] {strides = array<i32>} : memref<448x128xf32, #tpu.memory_space<vmem>>, vector<1x16xf32>,
        %get3A_336 = vector.shape_cast %get3A_335 : vector<1x16xf32> to vector<16xf32>
        %get3A_337 = arith.index_cast %while3A_296 : i32 to index
        %get3A_338 = arith.constant 96 : index
        %get3A_339 = tpu.vector_load %arg9[%get3A_337, %get3A_338] {strides = array<i32>} : memref<448x128xf32, #tpu.memory_space<vmem>>, vector<1x16xf32>,
        %get3A_340 = vector.shape_cast %get3A_339 : vector<1x16xf32> to vector<16xf32>
        %get3A_341 = arith.index_cast %while3A_296 : i32 to index
        %get3A_342 = arith.constant 112 : index
        %get3A_343 = tpu.vector_load %arg9[%get3A_341, %get3A_342] {strides = array<i32>} : memref<448x128xf32, #tpu.memory_space<vmem>>, vector<1x16xf32>,
        %get3A_344 = vector.shape_cast %get3A_343 : vector<1x16xf32> to vector<16xf32>
        %add3A_345 = arith.addf %while3A_297, %get3A_316 : vector<16xf32>
        %add3A_346 = arith.addf %while3A_298, %get3A_320 : vector<16xf32>
        %add3A_347 = arith.addf %while3A_299, %get3A_324 : vector<16xf32>
        %add3A_348 = arith.addf %while3A_300, %get3A_328 : vector<16xf32>
        %add3A_349 = arith.addf %while3A_301, %get3A_332 : vector<16xf32>
        %add3A_350 = arith.addf %while3A_302, %get3A_336 : vector<16xf32>
        %add3A_351 = arith.addf %while3A_303, %get3A_340 : vector<16xf32>
        %add3A_352 = arith.addf %while3A_304, %get3A_344 : vector<16xf32>
        %max3A_353 = arith.maximumf %while3A_305, %get3A_316 : vector<16xf32>
        %max3A_354 = arith.maximumf %while3A_306, %get3A_320 : vector<16xf32>
        %max3A_355 = arith.maximumf %while3A_307, %get3A_324 : vector<16xf32>
        %max3A_356 = arith.maximumf %while3A_308, %get3A_328 : vector<16xf32>
        %max3A_357 = arith.maximumf %while3A_309, %get3A_332 : vector<16xf32>
        %max3A_358 = arith.maximumf %while3A_310, %get3A_336 : vector<16xf32>
        %max3A_359 = arith.maximumf %while3A_311, %get3A_340 : vector<16xf32>
        %max3A_360 = arith.maximumf %while3A_312, %get3A_344 : vector<16xf32>
        scf.yield %add3A_345, %add3A_346, %add3A_347, %add3A_348, %add3A_349, %add3A_350, %add3A_351, %add3A_352, %max3A_353, %max3A_354, %max3A_355, %max3A_356, %max3A_357, %max3A_358, %max3A_359, %max3A_360 : vector<16xf32>, vector<16xf32>, vector<16xf32>, vector<16xf32>, vector<16xf32>, vector<16xf32>, vector<16xf32>, vector<16xf32>, vector<16xf32>, vector<16xf32>, vector<16xf32>, vector<16xf32>, vector<16xf32>, vector<16xf32>, vector<16xf32>, vector<16xf32>
      }
      %gt3A = arith.cmpi sgt, %sub3A_282, %sub3A_275 : i32
      %convert_element_type3A_293 = arith.extui %gt3A : i1 to i32
      %cond3A_294 = arith.constant 0 : i32
      %cond3A_295 = arith.cmpi ne, %convert_element_type3A_293, %cond3A_294 : i32
      scf.if %cond3A_295 {
        %mul3A_296 = arith.constant 128 : i32
        %mul3A_297 = arith.muli %while3A_270, %mul3A_296 : i32
        %add3A_298 = arith.constant 0 : i32
        %add3A_299 = arith.addi %mul3A_297, %add3A_298 : i32
        %get3A_300 = arith.index_cast %add3A_299 : i32 to index
        %get3A_301 = tpu.vector_load %arg10[%get3A_300] {strides = array<i32>} : memref<4224xf32, #tpu.memory_space<vmem>>, vector<16xf32>,
        %get3A_302 = vector.shape_cast %get3A_301 : vector<16xf32> to vector<16xf32>
        %add3A_303 = arith.addf %get3A_302, %while3A_292#0 : vector<16xf32>
        %swap3A = arith.index_cast %add3A_299 : i32 to index
        %swap3A_304 = tpu.vector_load %arg10[%swap3A] {strides = array<i32>} : memref<4224xf32, #tpu.memory_space<vmem>>, vector<16xf32>,
        %swap3A_305 = vector.shape_cast %swap3A_304 : vector<16xf32> to vector<16xf32>
        %swap3A_306 = vector.shape_cast %add3A_303 : vector<16xf32> to vector<16xf32>
        tpu.vector_store %arg10[%swap3A], %swap3A_306 {strides = array<i32>} : memref<4224xf32, #tpu.memory_space<vmem>>, vector<16xf32>,
        %get3A_307 = arith.index_cast %add3A_299 : i32 to index
        %get3A_308 = tpu.vector_load %arg11[%get3A_307] {strides = array<i32>} : memref<4224xf32, #tpu.memory_space<vmem>>, vector<16xf32>,
        %get3A_309 = vector.shape_cast %get3A_308 : vector<16xf32> to vector<16xf32>
        %max3A_310 = arith.maximumf %get3A_309, %while3A_292#8 : vector<16xf32>
        %swap3A_311 = arith.index_cast %add3A_299 : i32 to index
        %swap3A_312 = tpu.vector_load %arg11[%swap3A_311] {strides = array<i32>} : memref<4224xf32, #tpu.memory_space<vmem>>, vector<16xf32>,
        %swap3A_313 = vector.shape_cast %swap3A_312 : vector<16xf32> to vector<16xf32>
        %swap3A_314 = vector.shape_cast %max3A_310 : vector<16xf32> to vector<16xf32>
        tpu.vector_store %arg11[%swap3A_311], %swap3A_314 {strides = array<i32>} : memref<4224xf32, #tpu.memory_space<vmem>>, vector<16xf32>,
        %add3A_315 = arith.constant 16 : i32
        %add3A_316 = arith.addi %mul3A_297, %add3A_315 : i32
        %get3A_317 = arith.index_cast %add3A_316 : i32 to index
        %get3A_318 = tpu.vector_load %arg10[%get3A_317] {strides = array<i32>} : memref<4224xf32, #tpu.memory_space<vmem>>, vector<16xf32>,
        %get3A_319 = vector.shape_cast %get3A_318 : vector<16xf32> to vector<16xf32>
        %add3A_320 = arith.addf %get3A_319, %while3A_292#1 : vector<16xf32>
        %swap3A_321 = arith.index_cast %add3A_316 : i32 to index
        %swap3A_322 = tpu.vector_load %arg10[%swap3A_321] {strides = array<i32>} : memref<4224xf32, #tpu.memory_space<vmem>>, vector<16xf32>,
        %swap3A_323 = vector.shape_cast %swap3A_322 : vector<16xf32> to vector<16xf32>
        %swap3A_324 = vector.shape_cast %add3A_320 : vector<16xf32> to vector<16xf32>
        tpu.vector_store %arg10[%swap3A_321], %swap3A_324 {strides = array<i32>} : memref<4224xf32, #tpu.memory_space<vmem>>, vector<16xf32>,
        %get3A_325 = arith.index_cast %add3A_316 : i32 to index
        %get3A_326 = tpu.vector_load %arg11[%get3A_325] {strides = array<i32>} : memref<4224xf32, #tpu.memory_space<vmem>>, vector<16xf32>,
        %get3A_327 = vector.shape_cast %get3A_326 : vector<16xf32> to vector<16xf32>
        %max3A_328 = arith.maximumf %get3A_327, %while3A_292#9 : vector<16xf32>
        %swap3A_329 = arith.index_cast %add3A_316 : i32 to index
        %swap3A_330 = tpu.vector_load %arg11[%swap3A_329] {strides = array<i32>} : memref<4224xf32, #tpu.memory_space<vmem>>, vector<16xf32>,
        %swap3A_331 = vector.shape_cast %swap3A_330 : vector<16xf32> to vector<16xf32>
        %swap3A_332 = vector.shape_cast %max3A_328 : vector<16xf32> to vector<16xf32>
        tpu.vector_store %arg11[%swap3A_329], %swap3A_332 {strides = array<i32>} : memref<4224xf32, #tpu.memory_space<vmem>>, vector<16xf32>,
        %add3A_333 = arith.constant 32 : i32
        %add3A_334 = arith.addi %mul3A_297, %add3A_333 : i32
        %get3A_335 = arith.index_cast %add3A_334 : i32 to index
        %get3A_336 = tpu.vector_load %arg10[%get3A_335] {strides = array<i32>} : memref<4224xf32, #tpu.memory_space<vmem>>, vector<16xf32>,
        %get3A_337 = vector.shape_cast %get3A_336 : vector<16xf32> to vector<16xf32>
        %add3A_338 = arith.addf %get3A_337, %while3A_292#2 : vector<16xf32>
        %swap3A_339 = arith.index_cast %add3A_334 : i32 to index
        %swap3A_340 = tpu.vector_load %arg10[%swap3A_339] {strides = array<i32>} : memref<4224xf32, #tpu.memory_space<vmem>>, vector<16xf32>,
        %swap3A_341 = vector.shape_cast %swap3A_340 : vector<16xf32> to vector<16xf32>
        %swap3A_342 = vector.shape_cast %add3A_338 : vector<16xf32> to vector<16xf32>
        tpu.vector_store %arg10[%swap3A_339], %swap3A_342 {strides = array<i32>} : memref<4224xf32, #tpu.memory_space<vmem>>, vector<16xf32>,
        %get3A_343 = arith.index_cast %add3A_334 : i32 to index
        %get3A_344 = tpu.vector_load %arg11[%get3A_343] {strides = array<i32>} : memref<4224xf32, #tpu.memory_space<vmem>>, vector<16xf32>,
        %get3A_345 = vector.shape_cast %get3A_344 : vector<16xf32> to vector<16xf32>
        %max3A_346 = arith.maximumf %get3A_345, %while3A_292#10 : vector<16xf32>
        %swap3A_347 = arith.index_cast %add3A_334 : i32 to index
        %swap3A_348 = tpu.vector_load %arg11[%swap3A_347] {strides = array<i32>} : memref<4224xf32, #tpu.memory_space<vmem>>, vector<16xf32>,
        %swap3A_349 = vector.shape_cast %swap3A_348 : vector<16xf32> to vector<16xf32>
        %swap3A_350 = vector.shape_cast %max3A_346 : vector<16xf32> to vector<16xf32>
        tpu.vector_store %arg11[%swap3A_347], %swap3A_350 {strides = array<i32>} : memref<4224xf32, #tpu.memory_space<vmem>>, vector<16xf32>,
        %add3A_351 = arith.constant 48 : i32
        %add3A_352 = arith.addi %mul3A_297, %add3A_351 : i32
        %get3A_353 = arith.index_cast %add3A_352 : i32 to index
        %get3A_354 = tpu.vector_load %arg10[%get3A_353] {strides = array<i32>} : memref<4224xf32, #tpu.memory_space<vmem>>, vector<16xf32>,
        %get3A_355 = vector.shape_cast %get3A_354 : vector<16xf32> to vector<16xf32>
        %add3A_356 = arith.addf %get3A_355, %while3A_292#3 : vector<16xf32>
        %swap3A_357 = arith.index_cast %add3A_352 : i32 to index
        %swap3A_358 = tpu.vector_load %arg10[%swap3A_357] {strides = array<i32>} : memref<4224xf32, #tpu.memory_space<vmem>>, vector<16xf32>,
        %swap3A_359 = vector.shape_cast %swap3A_358 : vector<16xf32> to vector<16xf32>
        %swap3A_360 = vector.shape_cast %add3A_356 : vector<16xf32> to vector<16xf32>
        tpu.vector_store %arg10[%swap3A_357], %swap3A_360 {strides = array<i32>} : memref<4224xf32, #tpu.memory_space<vmem>>, vector<16xf32>,
        %get3A_361 = arith.index_cast %add3A_352 : i32 to index
        %get3A_362 = tpu.vector_load %arg11[%get3A_361] {strides = array<i32>} : memref<4224xf32, #tpu.memory_space<vmem>>, vector<16xf32>,
        %get3A_363 = vector.shape_cast %get3A_362 : vector<16xf32> to vector<16xf32>
        %max3A_364 = arith.maximumf %get3A_363, %while3A_292#11 : vector<16xf32>
        %swap3A_365 = arith.index_cast %add3A_352 : i32 to index
        %swap3A_366 = tpu.vector_load %arg11[%swap3A_365] {strides = array<i32>} : memref<4224xf32, #tpu.memory_space<vmem>>, vector<16xf32>,
        %swap3A_367 = vector.shape_cast %swap3A_366 : vector<16xf32> to vector<16xf32>
        %swap3A_368 = vector.shape_cast %max3A_364 : vector<16xf32> to vector<16xf32>
        tpu.vector_store %arg11[%swap3A_365], %swap3A_368 {strides = array<i32>} : memref<4224xf32, #tpu.memory_space<vmem>>, vector<16xf32>,
        %add3A_369 = arith.constant 64 : i32
        %add3A_370 = arith.addi %mul3A_297, %add3A_369 : i32
        %get3A_371 = arith.index_cast %add3A_370 : i32 to index
        %get3A_372 = tpu.vector_load %arg10[%get3A_371] {strides = array<i32>} : memref<4224xf32, #tpu.memory_space<vmem>>, vector<16xf32>,
        %get3A_373 = vector.shape_cast %get3A_372 : vector<16xf32> to vector<16xf32>
        %add3A_374 = arith.addf %get3A_373, %while3A_292#4 : vector<16xf32>
        %swap3A_375 = arith.index_cast %add3A_370 : i32 to index
        %swap3A_376 = tpu.vector_load %arg10[%swap3A_375] {strides = array<i32>} : memref<4224xf32, #tpu.memory_space<vmem>>, vector<16xf32>,
        %swap3A_377 = vector.shape_cast %swap3A_376 : vector<16xf32> to vector<16xf32>
        %swap3A_378 = vector.shape_cast %add3A_374 : vector<16xf32> to vector<16xf32>
        tpu.vector_store %arg10[%swap3A_375], %swap3A_378 {strides = array<i32>} : memref<4224xf32, #tpu.memory_space<vmem>>, vector<16xf32>,
        %get3A_379 = arith.index_cast %add3A_370 : i32 to index
        %get3A_380 = tpu.vector_load %arg11[%get3A_379] {strides = array<i32>} : memref<4224xf32, #tpu.memory_space<vmem>>, vector<16xf32>,
        %get3A_381 = vector.shape_cast %get3A_380 : vector<16xf32> to vector<16xf32>
        %max3A_382 = arith.maximumf %get3A_381, %while3A_292#12 : vector<16xf32>
        %swap3A_383 = arith.index_cast %add3A_370 : i32 to index
        %swap3A_384 = tpu.vector_load %arg11[%swap3A_383] {strides = array<i32>} : memref<4224xf32, #tpu.memory_space<vmem>>, vector<16xf32>,
        %swap3A_385 = vector.shape_cast %swap3A_384 : vector<16xf32> to vector<16xf32>
        %swap3A_386 = vector.shape_cast %max3A_382 : vector<16xf32> to vector<16xf32>
        tpu.vector_store %arg11[%swap3A_383], %swap3A_386 {strides = array<i32>} : memref<4224xf32, #tpu.memory_space<vmem>>, vector<16xf32>,
        %add3A_387 = arith.constant 80 : i32
        %add3A_388 = arith.addi %mul3A_297, %add3A_387 : i32
        %get3A_389 = arith.index_cast %add3A_388 : i32 to index
        %get3A_390 = tpu.vector_load %arg10[%get3A_389] {strides = array<i32>} : memref<4224xf32, #tpu.memory_space<vmem>>, vector<16xf32>,
        %get3A_391 = vector.shape_cast %get3A_390 : vector<16xf32> to vector<16xf32>
        %add3A_392 = arith.addf %get3A_391, %while3A_292#5 : vector<16xf32>
        %swap3A_393 = arith.index_cast %add3A_388 : i32 to index
        %swap3A_394 = tpu.vector_load %arg10[%swap3A_393] {strides = array<i32>} : memref<4224xf32, #tpu.memory_space<vmem>>, vector<16xf32>,
        %swap3A_395 = vector.shape_cast %swap3A_394 : vector<16xf32> to vector<16xf32>
        %swap3A_396 = vector.shape_cast %add3A_392 : vector<16xf32> to vector<16xf32>
        tpu.vector_store %arg10[%swap3A_393], %swap3A_396 {strides = array<i32>} : memref<4224xf32, #tpu.memory_space<vmem>>, vector<16xf32>,
        %get3A_397 = arith.index_cast %add3A_388 : i32 to index
        %get3A_398 = tpu.vector_load %arg11[%get3A_397] {strides = array<i32>} : memref<4224xf32, #tpu.memory_space<vmem>>, vector<16xf32>,
        %get3A_399 = vector.shape_cast %get3A_398 : vector<16xf32> to vector<16xf32>
        %max3A_400 = arith.maximumf %get3A_399, %while3A_292#13 : vector<16xf32>
        %swap3A_401 = arith.index_cast %add3A_388 : i32 to index
        %swap3A_402 = tpu.vector_load %arg11[%swap3A_401] {strides = array<i32>} : memref<4224xf32, #tpu.memory_space<vmem>>, vector<16xf32>,
        %swap3A_403 = vector.shape_cast %swap3A_402 : vector<16xf32> to vector<16xf32>
        %swap3A_404 = vector.shape_cast %max3A_400 : vector<16xf32> to vector<16xf32>
        tpu.vector_store %arg11[%swap3A_401], %swap3A_404 {strides = array<i32>} : memref<4224xf32, #tpu.memory_space<vmem>>, vector<16xf32>,
        %add3A_405 = arith.constant 96 : i32
        %add3A_406 = arith.addi %mul3A_297, %add3A_405 : i32
        %get3A_407 = arith.index_cast %add3A_406 : i32 to index
        %get3A_408 = tpu.vector_load %arg10[%get3A_407] {strides = array<i32>} : memref<4224xf32, #tpu.memory_space<vmem>>, vector<16xf32>,
        %get3A_409 = vector.shape_cast %get3A_408 : vector<16xf32> to vector<16xf32>
        %add3A_410 = arith.addf %get3A_409, %while3A_292#6 : vector<16xf32>
        %swap3A_411 = arith.index_cast %add3A_406 : i32 to index
        %swap3A_412 = tpu.vector_load %arg10[%swap3A_411] {strides = array<i32>} : memref<4224xf32, #tpu.memory_space<vmem>>, vector<16xf32>,
        %swap3A_413 = vector.shape_cast %swap3A_412 : vector<16xf32> to vector<16xf32>
        %swap3A_414 = vector.shape_cast %add3A_410 : vector<16xf32> to vector<16xf32>
        tpu.vector_store %arg10[%swap3A_411], %swap3A_414 {strides = array<i32>} : memref<4224xf32, #tpu.memory_space<vmem>>, vector<16xf32>,
        %get3A_415 = arith.index_cast %add3A_406 : i32 to index
        %get3A_416 = tpu.vector_load %arg11[%get3A_415] {strides = array<i32>} : memref<4224xf32, #tpu.memory_space<vmem>>, vector<16xf32>,
        %get3A_417 = vector.shape_cast %get3A_416 : vector<16xf32> to vector<16xf32>
        %max3A_418 = arith.maximumf %get3A_417, %while3A_292#14 : vector<16xf32>
        %swap3A_419 = arith.index_cast %add3A_406 : i32 to index
        %swap3A_420 = tpu.vector_load %arg11[%swap3A_419] {strides = array<i32>} : memref<4224xf32, #tpu.memory_space<vmem>>, vector<16xf32>,
        %swap3A_421 = vector.shape_cast %swap3A_420 : vector<16xf32> to vector<16xf32>
        %swap3A_422 = vector.shape_cast %max3A_418 : vector<16xf32> to vector<16xf32>
        tpu.vector_store %arg11[%swap3A_419], %swap3A_422 {strides = array<i32>} : memref<4224xf32, #tpu.memory_space<vmem>>, vector<16xf32>,
        %add3A_423 = arith.constant 112 : i32
        %add3A_424 = arith.addi %mul3A_297, %add3A_423 : i32
        %get3A_425 = arith.index_cast %add3A_424 : i32 to index
        %get3A_426 = tpu.vector_load %arg10[%get3A_425] {strides = array<i32>} : memref<4224xf32, #tpu.memory_space<vmem>>, vector<16xf32>,
        %get3A_427 = vector.shape_cast %get3A_426 : vector<16xf32> to vector<16xf32>
        %add3A_428 = arith.addf %get3A_427, %while3A_292#7 : vector<16xf32>
        %swap3A_429 = arith.index_cast %add3A_424 : i32 to index
        %swap3A_430 = tpu.vector_load %arg10[%swap3A_429] {strides = array<i32>} : memref<4224xf32, #tpu.memory_space<vmem>>, vector<16xf32>,
        %swap3A_431 = vector.shape_cast %swap3A_430 : vector<16xf32> to vector<16xf32>
        %swap3A_432 = vector.shape_cast %add3A_428 : vector<16xf32> to vector<16xf32>
        tpu.vector_store %arg10[%swap3A_429], %swap3A_432 {strides = array<i32>} : memref<4224xf32, #tpu.memory_space<vmem>>, vector<16xf32>,
        %get3A_433 = arith.index_cast %add3A_424 : i32 to index
        %get3A_434 = tpu.vector_load %arg11[%get3A_433] {strides = array<i32>} : memref<4224xf32, #tpu.memory_space<vmem>>, vector<16xf32>,
        %get3A_435 = vector.shape_cast %get3A_434 : vector<16xf32> to vector<16xf32>
        %max3A_436 = arith.maximumf %get3A_435, %while3A_292#15 : vector<16xf32>
        %swap3A_437 = arith.index_cast %add3A_424 : i32 to index
        %swap3A_438 = tpu.vector_load %arg11[%swap3A_437] {strides = array<i32>} : memref<4224xf32, #tpu.memory_space<vmem>>, vector<16xf32>,
        %swap3A_439 = vector.shape_cast %swap3A_438 : vector<16xf32> to vector<16xf32>
        %swap3A_440 = vector.shape_cast %max3A_436 : vector<16xf32> to vector<16xf32>
        tpu.vector_store %arg11[%swap3A_437], %swap3A_440 {strides = array<i32>} : memref<4224xf32, #tpu.memory_space<vmem>>, vector<16xf32>,
      } else {
      }
    }
    %while3A_167 = arith.constant 1 : i32
    scf.for %while3A_270 = %while3A_165 to %while3A_161 step %while3A_167  : i32 {
      %get3A_271 = arith.index_cast %while3A_270 : i32 to index
      %get3A_272 = memref.load %arg13[%get3A_271] : memref<34xi32, #tpu.memory_space<smem>>
      %max3A = arith.constant 1344 : i32
      %max3A_273 = arith.maxsi %get3A_272, %max3A : i32
      %sub3A_274 = arith.constant 1344 : i32
      %sub3A_275 = arith.subi %max3A_273, %sub3A_274 : i32
      %add3A_276 = arith.constant 1 : i32
      %add3A_277 = arith.addi %while3A_270, %add3A_276 : i32
      %get3A_278 = arith.index_cast %add3A_277 : i32 to index
      %get3A_279 = memref.load %arg13[%get3A_278] : memref<34xi32, #tpu.memory_space<smem>>
      %min3A = arith.constant 1792 : i32
      %min3A_280 = arith.minsi %get3A_279, %min3A : i32
      %sub3A_281 = arith.constant 1344 : i32
      %sub3A_282 = arith.subi %min3A_280, %sub3A_281 : i32
      %while3A_283 = arith.subi %sub3A_282, %sub3A_275 : i32
      %while3A_284 = arith.addi %sub3A_275, %while3A_283 : i32
      %while3A_285 = arith.constant 1 : i32
      %while3A_286 = arith.divsi %while3A_283, %while3A_285 : i32
      %while3A_287 = arith.muli %while3A_286, %while3A_285 : i32
      %while3A_288 = arith.addi %sub3A_275, %while3A_287 : i32
      %while3A_289 = arith.constant 1 : i32
      %while3A_290:16 = scf.for %while3A_296 = %sub3A_275 to %while3A_288 step %while3A_289 iter_args(%while3A_297 = %broadcast_in_dim3A_16, %while3A_298 = %broadcast_in_dim3A_16, %while3A_299 = %broadcast_in_dim3A_16, %while3A_300 = %broadcast_in_dim3A_16, %while3A_301 = %broadcast_in_dim3A_16, %while3A_302 = %broadcast_in_dim3A_16, %while3A_303 = %broadcast_in_dim3A_16, %while3A_304 = %broadcast_in_dim3A_16, %while3A_305 = %broadcast_in_dim3A_18, %while3A_306 = %broadcast_in_dim3A_18, %while3A_307 = %broadcast_in_dim3A_18, %while3A_308 = %broadcast_in_dim3A_18, %while3A_309 = %broadcast_in_dim3A_18, %while3A_310 = %broadcast_in_dim3A_18, %while3A_311 = %broadcast_in_dim3A_18, %while3A_312 = %broadcast_in_dim3A_18) -> (vector<16xf32>, vector<16xf32>, vector<16xf32>, vector<16xf32>, vector<16xf32>, vector<16xf32>, vector<16xf32>, vector<16xf32>, vector<16xf32>, vector<16xf32>, vector<16xf32>, vector<16xf32>, vector<16xf32>, vector<16xf32>, vector<16xf32>, vector<16xf32>)  : i32 {
        %get3A_313 = arith.index_cast %while3A_296 : i32 to index
        %get3A_314 = arith.constant 0 : index
        %get3A_315 = tpu.vector_load %arg9[%get3A_313, %get3A_314] {strides = array<i32>} : memref<448x128xf32, #tpu.memory_space<vmem>>, vector<1x16xf32>,
        %get3A_316 = vector.shape_cast %get3A_315 : vector<1x16xf32> to vector<16xf32>
        %get3A_317 = arith.index_cast %while3A_296 : i32 to index
        %get3A_318 = arith.constant 16 : index
        %get3A_319 = tpu.vector_load %arg9[%get3A_317, %get3A_318] {strides = array<i32>} : memref<448x128xf32, #tpu.memory_space<vmem>>, vector<1x16xf32>,
        %get3A_320 = vector.shape_cast %get3A_319 : vector<1x16xf32> to vector<16xf32>
        %get3A_321 = arith.index_cast %while3A_296 : i32 to index
        %get3A_322 = arith.constant 32 : index
        %get3A_323 = tpu.vector_load %arg9[%get3A_321, %get3A_322] {strides = array<i32>} : memref<448x128xf32, #tpu.memory_space<vmem>>, vector<1x16xf32>,
        %get3A_324 = vector.shape_cast %get3A_323 : vector<1x16xf32> to vector<16xf32>
        %get3A_325 = arith.index_cast %while3A_296 : i32 to index
        %get3A_326 = arith.constant 48 : index
        %get3A_327 = tpu.vector_load %arg9[%get3A_325, %get3A_326] {strides = array<i32>} : memref<448x128xf32, #tpu.memory_space<vmem>>, vector<1x16xf32>,
        %get3A_328 = vector.shape_cast %get3A_327 : vector<1x16xf32> to vector<16xf32>
        %get3A_329 = arith.index_cast %while3A_296 : i32 to index
        %get3A_330 = arith.constant 64 : index
        %get3A_331 = tpu.vector_load %arg9[%get3A_329, %get3A_330] {strides = array<i32>} : memref<448x128xf32, #tpu.memory_space<vmem>>, vector<1x16xf32>,
        %get3A_332 = vector.shape_cast %get3A_331 : vector<1x16xf32> to vector<16xf32>
        %get3A_333 = arith.index_cast %while3A_296 : i32 to index
        %get3A_334 = arith.constant 80 : index
        %get3A_335 = tpu.vector_load %arg9[%get3A_333, %get3A_334] {strides = array<i32>} : memref<448x128xf32, #tpu.memory_space<vmem>>, vector<1x16xf32>,
        %get3A_336 = vector.shape_cast %get3A_335 : vector<1x16xf32> to vector<16xf32>
        %get3A_337 = arith.index_cast %while3A_296 : i32 to index
        %get3A_338 = arith.constant 96 : index
        %get3A_339 = tpu.vector_load %arg9[%get3A_337, %get3A_338] {strides = array<i32>} : memref<448x128xf32, #tpu.memory_space<vmem>>, vector<1x16xf32>,
        %get3A_340 = vector.shape_cast %get3A_339 : vector<1x16xf32> to vector<16xf32>
        %get3A_341 = arith.index_cast %while3A_296 : i32 to index
        %get3A_342 = arith.constant 112 : index
        %get3A_343 = tpu.vector_load %arg9[%get3A_341, %get3A_342] {strides = array<i32>} : memref<448x128xf32, #tpu.memory_space<vmem>>, vector<1x16xf32>,
        %get3A_344 = vector.shape_cast %get3A_343 : vector<1x16xf32> to vector<16xf32>
        %add3A_345 = arith.addf %while3A_297, %get3A_316 : vector<16xf32>
        %add3A_346 = arith.addf %while3A_298, %get3A_320 : vector<16xf32>
        %add3A_347 = arith.addf %while3A_299, %get3A_324 : vector<16xf32>
        %add3A_348 = arith.addf %while3A_300, %get3A_328 : vector<16xf32>
        %add3A_349 = arith.addf %while3A_301, %get3A_332 : vector<16xf32>
        %add3A_350 = arith.addf %while3A_302, %get3A_336 : vector<16xf32>
        %add3A_351 = arith.addf %while3A_303, %get3A_340 : vector<16xf32>
        %add3A_352 = arith.addf %while3A_304, %get3A_344 : vector<16xf32>
        %max3A_353 = arith.maximumf %while3A_305, %get3A_316 : vector<16xf32>
        %max3A_354 = arith.maximumf %while3A_306, %get3A_320 : vector<16xf32>
        %max3A_355 = arith.maximumf %while3A_307, %get3A_324 : vector<16xf32>
        %max3A_356 = arith.maximumf %while3A_308, %get3A_328 : vector<16xf32>
        %max3A_357 = arith.maximumf %while3A_309, %get3A_332 : vector<16xf32>
        %max3A_358 = arith.maximumf %while3A_310, %get3A_336 : vector<16xf32>
        %max3A_359 = arith.maximumf %while3A_311, %get3A_340 : vector<16xf32>
        %max3A_360 = arith.maximumf %while3A_312, %get3A_344 : vector<16xf32>
        scf.yield %add3A_345, %add3A_346, %add3A_347, %add3A_348, %add3A_349, %add3A_350, %add3A_351, %add3A_352, %max3A_353, %max3A_354, %max3A_355, %max3A_356, %max3A_357, %max3A_358, %max3A_359, %max3A_360 : vector<16xf32>, vector<16xf32>, vector<16xf32>, vector<16xf32>, vector<16xf32>, vector<16xf32>, vector<16xf32>, vector<16xf32>, vector<16xf32>, vector<16xf32>, vector<16xf32>, vector<16xf32>, vector<16xf32>, vector<16xf32>, vector<16xf32>, vector<16xf32>
      }
      %while3A_291 = arith.constant 1 : i32
      %while3A_292:16 = scf.for %while3A_296 = %while3A_288 to %while3A_284 step %while3A_291 iter_args(%while3A_297 = %while3A_290#0, %while3A_298 = %while3A_290#1, %while3A_299 = %while3A_290#2, %while3A_300 = %while3A_290#3, %while3A_301 = %while3A_290#4, %while3A_302 = %while3A_290#5, %while3A_303 = %while3A_290#6, %while3A_304 = %while3A_290#7, %while3A_305 = %while3A_290#8, %while3A_306 = %while3A_290#9, %while3A_307 = %while3A_290#10, %while3A_308 = %while3A_290#11, %while3A_309 = %while3A_290#12, %while3A_310 = %while3A_290#13, %while3A_311 = %while3A_290#14, %while3A_312 = %while3A_290#15) -> (vector<16xf32>, vector<16xf32>, vector<16xf32>, vector<16xf32>, vector<16xf32>, vector<16xf32>, vector<16xf32>, vector<16xf32>, vector<16xf32>, vector<16xf32>, vector<16xf32>, vector<16xf32>, vector<16xf32>, vector<16xf32>, vector<16xf32>, vector<16xf32>)  : i32 {
        %get3A_313 = arith.index_cast %while3A_296 : i32 to index
        %get3A_314 = arith.constant 0 : index
        %get3A_315 = tpu.vector_load %arg9[%get3A_313, %get3A_314] {strides = array<i32>} : memref<448x128xf32, #tpu.memory_space<vmem>>, vector<1x16xf32>,
        %get3A_316 = vector.shape_cast %get3A_315 : vector<1x16xf32> to vector<16xf32>
        %get3A_317 = arith.index_cast %while3A_296 : i32 to index
        %get3A_318 = arith.constant 16 : index
        %get3A_319 = tpu.vector_load %arg9[%get3A_317, %get3A_318] {strides = array<i32>} : memref<448x128xf32, #tpu.memory_space<vmem>>, vector<1x16xf32>,
        %get3A_320 = vector.shape_cast %get3A_319 : vector<1x16xf32> to vector<16xf32>
        %get3A_321 = arith.index_cast %while3A_296 : i32 to index
        %get3A_322 = arith.constant 32 : index
        %get3A_323 = tpu.vector_load %arg9[%get3A_321, %get3A_322] {strides = array<i32>} : memref<448x128xf32, #tpu.memory_space<vmem>>, vector<1x16xf32>,
        %get3A_324 = vector.shape_cast %get3A_323 : vector<1x16xf32> to vector<16xf32>
        %get3A_325 = arith.index_cast %while3A_296 : i32 to index
        %get3A_326 = arith.constant 48 : index
        %get3A_327 = tpu.vector_load %arg9[%get3A_325, %get3A_326] {strides = array<i32>} : memref<448x128xf32, #tpu.memory_space<vmem>>, vector<1x16xf32>,
        %get3A_328 = vector.shape_cast %get3A_327 : vector<1x16xf32> to vector<16xf32>
        %get3A_329 = arith.index_cast %while3A_296 : i32 to index
        %get3A_330 = arith.constant 64 : index
        %get3A_331 = tpu.vector_load %arg9[%get3A_329, %get3A_330] {strides = array<i32>} : memref<448x128xf32, #tpu.memory_space<vmem>>, vector<1x16xf32>,
        %get3A_332 = vector.shape_cast %get3A_331 : vector<1x16xf32> to vector<16xf32>
        %get3A_333 = arith.index_cast %while3A_296 : i32 to index
        %get3A_334 = arith.constant 80 : index
        %get3A_335 = tpu.vector_load %arg9[%get3A_333, %get3A_334] {strides = array<i32>} : memref<448x128xf32, #tpu.memory_space<vmem>>, vector<1x16xf32>,
        %get3A_336 = vector.shape_cast %get3A_335 : vector<1x16xf32> to vector<16xf32>
        %get3A_337 = arith.index_cast %while3A_296 : i32 to index
        %get3A_338 = arith.constant 96 : index
        %get3A_339 = tpu.vector_load %arg9[%get3A_337, %get3A_338] {strides = array<i32>} : memref<448x128xf32, #tpu.memory_space<vmem>>, vector<1x16xf32>,
        %get3A_340 = vector.shape_cast %get3A_339 : vector<1x16xf32> to vector<16xf32>
        %get3A_341 = arith.index_cast %while3A_296 : i32 to index
        %get3A_342 = arith.constant 112 : index
        %get3A_343 = tpu.vector_load %arg9[%get3A_341, %get3A_342] {strides = array<i32>} : memref<448x128xf32, #tpu.memory_space<vmem>>, vector<1x16xf32>,
        %get3A_344 = vector.shape_cast %get3A_343 : vector<1x16xf32> to vector<16xf32>
        %add3A_345 = arith.addf %while3A_297, %get3A_316 : vector<16xf32>
        %add3A_346 = arith.addf %while3A_298, %get3A_320 : vector<16xf32>
        %add3A_347 = arith.addf %while3A_299, %get3A_324 : vector<16xf32>
        %add3A_348 = arith.addf %while3A_300, %get3A_328 : vector<16xf32>
        %add3A_349 = arith.addf %while3A_301, %get3A_332 : vector<16xf32>
        %add3A_350 = arith.addf %while3A_302, %get3A_336 : vector<16xf32>
        %add3A_351 = arith.addf %while3A_303, %get3A_340 : vector<16xf32>
        %add3A_352 = arith.addf %while3A_304, %get3A_344 : vector<16xf32>
        %max3A_353 = arith.maximumf %while3A_305, %get3A_316 : vector<16xf32>
        %max3A_354 = arith.maximumf %while3A_306, %get3A_320 : vector<16xf32>
        %max3A_355 = arith.maximumf %while3A_307, %get3A_324 : vector<16xf32>
        %max3A_356 = arith.maximumf %while3A_308, %get3A_328 : vector<16xf32>
        %max3A_357 = arith.maximumf %while3A_309, %get3A_332 : vector<16xf32>
        %max3A_358 = arith.maximumf %while3A_310, %get3A_336 : vector<16xf32>
        %max3A_359 = arith.maximumf %while3A_311, %get3A_340 : vector<16xf32>
        %max3A_360 = arith.maximumf %while3A_312, %get3A_344 : vector<16xf32>
        scf.yield %add3A_345, %add3A_346, %add3A_347, %add3A_348, %add3A_349, %add3A_350, %add3A_351, %add3A_352, %max3A_353, %max3A_354, %max3A_355, %max3A_356, %max3A_357, %max3A_358, %max3A_359, %max3A_360 : vector<16xf32>, vector<16xf32>, vector<16xf32>, vector<16xf32>, vector<16xf32>, vector<16xf32>, vector<16xf32>, vector<16xf32>, vector<16xf32>, vector<16xf32>, vector<16xf32>, vector<16xf32>, vector<16xf32>, vector<16xf32>, vector<16xf32>, vector<16xf32>
      }
      %gt3A = arith.cmpi sgt, %sub3A_282, %sub3A_275 : i32
      %convert_element_type3A_293 = arith.extui %gt3A : i1 to i32
      %cond3A_294 = arith.constant 0 : i32
      %cond3A_295 = arith.cmpi ne, %convert_element_type3A_293, %cond3A_294 : i32
      scf.if %cond3A_295 {
        %mul3A_296 = arith.constant 128 : i32
        %mul3A_297 = arith.muli %while3A_270, %mul3A_296 : i32
        %add3A_298 = arith.constant 0 : i32
        %add3A_299 = arith.addi %mul3A_297, %add3A_298 : i32
        %get3A_300 = arith.index_cast %add3A_299 : i32 to index
        %get3A_301 = tpu.vector_load %arg10[%get3A_300] {strides = array<i32>} : memref<4224xf32, #tpu.memory_space<vmem>>, vector<16xf32>,
        %get3A_302 = vector.shape_cast %get3A_301 : vector<16xf32> to vector<16xf32>
        %add3A_303 = arith.addf %get3A_302, %while3A_292#0 : vector<16xf32>
        %swap3A = arith.index_cast %add3A_299 : i32 to index
        %swap3A_304 = tpu.vector_load %arg10[%swap3A] {strides = array<i32>} : memref<4224xf32, #tpu.memory_space<vmem>>, vector<16xf32>,
        %swap3A_305 = vector.shape_cast %swap3A_304 : vector<16xf32> to vector<16xf32>
        %swap3A_306 = vector.shape_cast %add3A_303 : vector<16xf32> to vector<16xf32>
        tpu.vector_store %arg10[%swap3A], %swap3A_306 {strides = array<i32>} : memref<4224xf32, #tpu.memory_space<vmem>>, vector<16xf32>,
        %get3A_307 = arith.index_cast %add3A_299 : i32 to index
        %get3A_308 = tpu.vector_load %arg11[%get3A_307] {strides = array<i32>} : memref<4224xf32, #tpu.memory_space<vmem>>, vector<16xf32>,
        %get3A_309 = vector.shape_cast %get3A_308 : vector<16xf32> to vector<16xf32>
        %max3A_310 = arith.maximumf %get3A_309, %while3A_292#8 : vector<16xf32>
        %swap3A_311 = arith.index_cast %add3A_299 : i32 to index
        %swap3A_312 = tpu.vector_load %arg11[%swap3A_311] {strides = array<i32>} : memref<4224xf32, #tpu.memory_space<vmem>>, vector<16xf32>,
        %swap3A_313 = vector.shape_cast %swap3A_312 : vector<16xf32> to vector<16xf32>
        %swap3A_314 = vector.shape_cast %max3A_310 : vector<16xf32> to vector<16xf32>
        tpu.vector_store %arg11[%swap3A_311], %swap3A_314 {strides = array<i32>} : memref<4224xf32, #tpu.memory_space<vmem>>, vector<16xf32>,
        %add3A_315 = arith.constant 16 : i32
        %add3A_316 = arith.addi %mul3A_297, %add3A_315 : i32
        %get3A_317 = arith.index_cast %add3A_316 : i32 to index
        %get3A_318 = tpu.vector_load %arg10[%get3A_317] {strides = array<i32>} : memref<4224xf32, #tpu.memory_space<vmem>>, vector<16xf32>,
        %get3A_319 = vector.shape_cast %get3A_318 : vector<16xf32> to vector<16xf32>
        %add3A_320 = arith.addf %get3A_319, %while3A_292#1 : vector<16xf32>
        %swap3A_321 = arith.index_cast %add3A_316 : i32 to index
        %swap3A_322 = tpu.vector_load %arg10[%swap3A_321] {strides = array<i32>} : memref<4224xf32, #tpu.memory_space<vmem>>, vector<16xf32>,
        %swap3A_323 = vector.shape_cast %swap3A_322 : vector<16xf32> to vector<16xf32>
        %swap3A_324 = vector.shape_cast %add3A_320 : vector<16xf32> to vector<16xf32>
        tpu.vector_store %arg10[%swap3A_321], %swap3A_324 {strides = array<i32>} : memref<4224xf32, #tpu.memory_space<vmem>>, vector<16xf32>,
        %get3A_325 = arith.index_cast %add3A_316 : i32 to index
        %get3A_326 = tpu.vector_load %arg11[%get3A_325] {strides = array<i32>} : memref<4224xf32, #tpu.memory_space<vmem>>, vector<16xf32>,
        %get3A_327 = vector.shape_cast %get3A_326 : vector<16xf32> to vector<16xf32>
        %max3A_328 = arith.maximumf %get3A_327, %while3A_292#9 : vector<16xf32>
        %swap3A_329 = arith.index_cast %add3A_316 : i32 to index
        %swap3A_330 = tpu.vector_load %arg11[%swap3A_329] {strides = array<i32>} : memref<4224xf32, #tpu.memory_space<vmem>>, vector<16xf32>,
        %swap3A_331 = vector.shape_cast %swap3A_330 : vector<16xf32> to vector<16xf32>
        %swap3A_332 = vector.shape_cast %max3A_328 : vector<16xf32> to vector<16xf32>
        tpu.vector_store %arg11[%swap3A_329], %swap3A_332 {strides = array<i32>} : memref<4224xf32, #tpu.memory_space<vmem>>, vector<16xf32>,
        %add3A_333 = arith.constant 32 : i32
        %add3A_334 = arith.addi %mul3A_297, %add3A_333 : i32
        %get3A_335 = arith.index_cast %add3A_334 : i32 to index
        %get3A_336 = tpu.vector_load %arg10[%get3A_335] {strides = array<i32>} : memref<4224xf32, #tpu.memory_space<vmem>>, vector<16xf32>,
        %get3A_337 = vector.shape_cast %get3A_336 : vector<16xf32> to vector<16xf32>
        %add3A_338 = arith.addf %get3A_337, %while3A_292#2 : vector<16xf32>
        %swap3A_339 = arith.index_cast %add3A_334 : i32 to index
        %swap3A_340 = tpu.vector_load %arg10[%swap3A_339] {strides = array<i32>} : memref<4224xf32, #tpu.memory_space<vmem>>, vector<16xf32>,
        %swap3A_341 = vector.shape_cast %swap3A_340 : vector<16xf32> to vector<16xf32>
        %swap3A_342 = vector.shape_cast %add3A_338 : vector<16xf32> to vector<16xf32>
        tpu.vector_store %arg10[%swap3A_339], %swap3A_342 {strides = array<i32>} : memref<4224xf32, #tpu.memory_space<vmem>>, vector<16xf32>,
        %get3A_343 = arith.index_cast %add3A_334 : i32 to index
        %get3A_344 = tpu.vector_load %arg11[%get3A_343] {strides = array<i32>} : memref<4224xf32, #tpu.memory_space<vmem>>, vector<16xf32>,
        %get3A_345 = vector.shape_cast %get3A_344 : vector<16xf32> to vector<16xf32>
        %max3A_346 = arith.maximumf %get3A_345, %while3A_292#10 : vector<16xf32>
        %swap3A_347 = arith.index_cast %add3A_334 : i32 to index
        %swap3A_348 = tpu.vector_load %arg11[%swap3A_347] {strides = array<i32>} : memref<4224xf32, #tpu.memory_space<vmem>>, vector<16xf32>,
        %swap3A_349 = vector.shape_cast %swap3A_348 : vector<16xf32> to vector<16xf32>
        %swap3A_350 = vector.shape_cast %max3A_346 : vector<16xf32> to vector<16xf32>
        tpu.vector_store %arg11[%swap3A_347], %swap3A_350 {strides = array<i32>} : memref<4224xf32, #tpu.memory_space<vmem>>, vector<16xf32>,
        %add3A_351 = arith.constant 48 : i32
        %add3A_352 = arith.addi %mul3A_297, %add3A_351 : i32
        %get3A_353 = arith.index_cast %add3A_352 : i32 to index
        %get3A_354 = tpu.vector_load %arg10[%get3A_353] {strides = array<i32>} : memref<4224xf32, #tpu.memory_space<vmem>>, vector<16xf32>,
        %get3A_355 = vector.shape_cast %get3A_354 : vector<16xf32> to vector<16xf32>
        %add3A_356 = arith.addf %get3A_355, %while3A_292#3 : vector<16xf32>
        %swap3A_357 = arith.index_cast %add3A_352 : i32 to index
        %swap3A_358 = tpu.vector_load %arg10[%swap3A_357] {strides = array<i32>} : memref<4224xf32, #tpu.memory_space<vmem>>, vector<16xf32>,
        %swap3A_359 = vector.shape_cast %swap3A_358 : vector<16xf32> to vector<16xf32>
        %swap3A_360 = vector.shape_cast %add3A_356 : vector<16xf32> to vector<16xf32>
        tpu.vector_store %arg10[%swap3A_357], %swap3A_360 {strides = array<i32>} : memref<4224xf32, #tpu.memory_space<vmem>>, vector<16xf32>,
        %get3A_361 = arith.index_cast %add3A_352 : i32 to index
        %get3A_362 = tpu.vector_load %arg11[%get3A_361] {strides = array<i32>} : memref<4224xf32, #tpu.memory_space<vmem>>, vector<16xf32>,
        %get3A_363 = vector.shape_cast %get3A_362 : vector<16xf32> to vector<16xf32>
        %max3A_364 = arith.maximumf %get3A_363, %while3A_292#11 : vector<16xf32>
        %swap3A_365 = arith.index_cast %add3A_352 : i32 to index
        %swap3A_366 = tpu.vector_load %arg11[%swap3A_365] {strides = array<i32>} : memref<4224xf32, #tpu.memory_space<vmem>>, vector<16xf32>,
        %swap3A_367 = vector.shape_cast %swap3A_366 : vector<16xf32> to vector<16xf32>
        %swap3A_368 = vector.shape_cast %max3A_364 : vector<16xf32> to vector<16xf32>
        tpu.vector_store %arg11[%swap3A_365], %swap3A_368 {strides = array<i32>} : memref<4224xf32, #tpu.memory_space<vmem>>, vector<16xf32>,
        %add3A_369 = arith.constant 64 : i32
        %add3A_370 = arith.addi %mul3A_297, %add3A_369 : i32
        %get3A_371 = arith.index_cast %add3A_370 : i32 to index
        %get3A_372 = tpu.vector_load %arg10[%get3A_371] {strides = array<i32>} : memref<4224xf32, #tpu.memory_space<vmem>>, vector<16xf32>,
        %get3A_373 = vector.shape_cast %get3A_372 : vector<16xf32> to vector<16xf32>
        %add3A_374 = arith.addf %get3A_373, %while3A_292#4 : vector<16xf32>
        %swap3A_375 = arith.index_cast %add3A_370 : i32 to index
        %swap3A_376 = tpu.vector_load %arg10[%swap3A_375] {strides = array<i32>} : memref<4224xf32, #tpu.memory_space<vmem>>, vector<16xf32>,
        %swap3A_377 = vector.shape_cast %swap3A_376 : vector<16xf32> to vector<16xf32>
        %swap3A_378 = vector.shape_cast %add3A_374 : vector<16xf32> to vector<16xf32>
        tpu.vector_store %arg10[%swap3A_375], %swap3A_378 {strides = array<i32>} : memref<4224xf32, #tpu.memory_space<vmem>>, vector<16xf32>,
        %get3A_379 = arith.index_cast %add3A_370 : i32 to index
        %get3A_380 = tpu.vector_load %arg11[%get3A_379] {strides = array<i32>} : memref<4224xf32, #tpu.memory_space<vmem>>, vector<16xf32>,
        %get3A_381 = vector.shape_cast %get3A_380 : vector<16xf32> to vector<16xf32>
        %max3A_382 = arith.maximumf %get3A_381, %while3A_292#12 : vector<16xf32>
        %swap3A_383 = arith.index_cast %add3A_370 : i32 to index
        %swap3A_384 = tpu.vector_load %arg11[%swap3A_383] {strides = array<i32>} : memref<4224xf32, #tpu.memory_space<vmem>>, vector<16xf32>,
        %swap3A_385 = vector.shape_cast %swap3A_384 : vector<16xf32> to vector<16xf32>
        %swap3A_386 = vector.shape_cast %max3A_382 : vector<16xf32> to vector<16xf32>
        tpu.vector_store %arg11[%swap3A_383], %swap3A_386 {strides = array<i32>} : memref<4224xf32, #tpu.memory_space<vmem>>, vector<16xf32>,
        %add3A_387 = arith.constant 80 : i32
        %add3A_388 = arith.addi %mul3A_297, %add3A_387 : i32
        %get3A_389 = arith.index_cast %add3A_388 : i32 to index
        %get3A_390 = tpu.vector_load %arg10[%get3A_389] {strides = array<i32>} : memref<4224xf32, #tpu.memory_space<vmem>>, vector<16xf32>,
        %get3A_391 = vector.shape_cast %get3A_390 : vector<16xf32> to vector<16xf32>
        %add3A_392 = arith.addf %get3A_391, %while3A_292#5 : vector<16xf32>
        %swap3A_393 = arith.index_cast %add3A_388 : i32 to index
        %swap3A_394 = tpu.vector_load %arg10[%swap3A_393] {strides = array<i32>} : memref<4224xf32, #tpu.memory_space<vmem>>, vector<16xf32>,
        %swap3A_395 = vector.shape_cast %swap3A_394 : vector<16xf32> to vector<16xf32>
        %swap3A_396 = vector.shape_cast %add3A_392 : vector<16xf32> to vector<16xf32>
        tpu.vector_store %arg10[%swap3A_393], %swap3A_396 {strides = array<i32>} : memref<4224xf32, #tpu.memory_space<vmem>>, vector<16xf32>,
        %get3A_397 = arith.index_cast %add3A_388 : i32 to index
        %get3A_398 = tpu.vector_load %arg11[%get3A_397] {strides = array<i32>} : memref<4224xf32, #tpu.memory_space<vmem>>, vector<16xf32>,
        %get3A_399 = vector.shape_cast %get3A_398 : vector<16xf32> to vector<16xf32>
        %max3A_400 = arith.maximumf %get3A_399, %while3A_292#13 : vector<16xf32>
        %swap3A_401 = arith.index_cast %add3A_388 : i32 to index
        %swap3A_402 = tpu.vector_load %arg11[%swap3A_401] {strides = array<i32>} : memref<4224xf32, #tpu.memory_space<vmem>>, vector<16xf32>,
        %swap3A_403 = vector.shape_cast %swap3A_402 : vector<16xf32> to vector<16xf32>
        %swap3A_404 = vector.shape_cast %max3A_400 : vector<16xf32> to vector<16xf32>
        tpu.vector_store %arg11[%swap3A_401], %swap3A_404 {strides = array<i32>} : memref<4224xf32, #tpu.memory_space<vmem>>, vector<16xf32>,
        %add3A_405 = arith.constant 96 : i32
        %add3A_406 = arith.addi %mul3A_297, %add3A_405 : i32
        %get3A_407 = arith.index_cast %add3A_406 : i32 to index
        %get3A_408 = tpu.vector_load %arg10[%get3A_407] {strides = array<i32>} : memref<4224xf32, #tpu.memory_space<vmem>>, vector<16xf32>,
        %get3A_409 = vector.shape_cast %get3A_408 : vector<16xf32> to vector<16xf32>
        %add3A_410 = arith.addf %get3A_409, %while3A_292#6 : vector<16xf32>
        %swap3A_411 = arith.index_cast %add3A_406 : i32 to index
        %swap3A_412 = tpu.vector_load %arg10[%swap3A_411] {strides = array<i32>} : memref<4224xf32, #tpu.memory_space<vmem>>, vector<16xf32>,
        %swap3A_413 = vector.shape_cast %swap3A_412 : vector<16xf32> to vector<16xf32>
        %swap3A_414 = vector.shape_cast %add3A_410 : vector<16xf32> to vector<16xf32>
        tpu.vector_store %arg10[%swap3A_411], %swap3A_414 {strides = array<i32>} : memref<4224xf32, #tpu.memory_space<vmem>>, vector<16xf32>,
        %get3A_415 = arith.index_cast %add3A_406 : i32 to index
        %get3A_416 = tpu.vector_load %arg11[%get3A_415] {strides = array<i32>} : memref<4224xf32, #tpu.memory_space<vmem>>, vector<16xf32>,
        %get3A_417 = vector.shape_cast %get3A_416 : vector<16xf32> to vector<16xf32>
        %max3A_418 = arith.maximumf %get3A_417, %while3A_292#14 : vector<16xf32>
        %swap3A_419 = arith.index_cast %add3A_406 : i32 to index
        %swap3A_420 = tpu.vector_load %arg11[%swap3A_419] {strides = array<i32>} : memref<4224xf32, #tpu.memory_space<vmem>>, vector<16xf32>,
        %swap3A_421 = vector.shape_cast %swap3A_420 : vector<16xf32> to vector<16xf32>
        %swap3A_422 = vector.shape_cast %max3A_418 : vector<16xf32> to vector<16xf32>
        tpu.vector_store %arg11[%swap3A_419], %swap3A_422 {strides = array<i32>} : memref<4224xf32, #tpu.memory_space<vmem>>, vector<16xf32>,
        %add3A_423 = arith.constant 112 : i32
        %add3A_424 = arith.addi %mul3A_297, %add3A_423 : i32
        %get3A_425 = arith.index_cast %add3A_424 : i32 to index
        %get3A_426 = tpu.vector_load %arg10[%get3A_425] {strides = array<i32>} : memref<4224xf32, #tpu.memory_space<vmem>>, vector<16xf32>,
        %get3A_427 = vector.shape_cast %get3A_426 : vector<16xf32> to vector<16xf32>
        %add3A_428 = arith.addf %get3A_427, %while3A_292#7 : vector<16xf32>
        %swap3A_429 = arith.index_cast %add3A_424 : i32 to index
        %swap3A_430 = tpu.vector_load %arg10[%swap3A_429] {strides = array<i32>} : memref<4224xf32, #tpu.memory_space<vmem>>, vector<16xf32>,
        %swap3A_431 = vector.shape_cast %swap3A_430 : vector<16xf32> to vector<16xf32>
        %swap3A_432 = vector.shape_cast %add3A_428 : vector<16xf32> to vector<16xf32>
        tpu.vector_store %arg10[%swap3A_429], %swap3A_432 {strides = array<i32>} : memref<4224xf32, #tpu.memory_space<vmem>>, vector<16xf32>,
        %get3A_433 = arith.index_cast %add3A_424 : i32 to index
        %get3A_434 = tpu.vector_load %arg11[%get3A_433] {strides = array<i32>} : memref<4224xf32, #tpu.memory_space<vmem>>, vector<16xf32>,
        %get3A_435 = vector.shape_cast %get3A_434 : vector<16xf32> to vector<16xf32>
        %max3A_436 = arith.maximumf %get3A_435, %while3A_292#15 : vector<16xf32>
        %swap3A_437 = arith.index_cast %add3A_424 : i32 to index
        %swap3A_438 = tpu.vector_load %arg11[%swap3A_437] {strides = array<i32>} : memref<4224xf32, #tpu.memory_space<vmem>>, vector<16xf32>,
        %swap3A_439 = vector.shape_cast %swap3A_438 : vector<16xf32> to vector<16xf32>
        %swap3A_440 = vector.shape_cast %max3A_436 : vector<16xf32> to vector<16xf32>
        tpu.vector_store %arg11[%swap3A_437], %swap3A_440 {strides = array<i32>} : memref<4224xf32, #tpu.memory_space<vmem>>, vector<16xf32>,
      } else {
      }
    }
    %sub3A_168 = arith.constant 448 : i32
    %sub3A_169 = arith.subi %select_n3A, %sub3A_168 : i32
    %add3A_170 = arith.addi %select_n3A_10, %sub3A_169 : i32
    %dma_start3A_171 = arith.constant 0 : i32
    %dma_start3A_172 = tpu.memref_slice %arg2[%add3A_170, %dma_start3A_171] : memref<100000x128xf32, #tpu.memory_space<hbm>> -> memref<448x128xf32, #tpu.memory_space<hbm>>
    %dma_start3A_173 = arith.constant 0 : i32
    %dma_start3A_174 = tpu.memref_slice %arg2[%add3A_170, %dma_start3A_173] : memref<100000x128xf32, #tpu.memory_space<hbm>> -> memref<448x128xf32, #tpu.memory_space<hbm>>
    tpu.enqueue_dma source(%dma_start3A_174 : memref<448x128xf32, #tpu.memory_space<hbm>>) target(%arg9 : memref<448x128xf32, #tpu.memory_space<vmem>>) target_semaphore(%arg15 : memref<!tpu.dma_semaphore, #tpu.memory_space<semaphore_mem>>)
    %add3A_175 = arith.constant 1792 : i32
    %add3A_176 = arith.addi %select_n3A_10, %add3A_175 : i32
    %dma_wait3A_177 = arith.constant 0 : i32
    %dma_wait3A_178 = tpu.memref_slice %arg2[%add3A_176, %dma_wait3A_177] : memref<100000x128xf32, #tpu.memory_space<hbm>> -> memref<448x128xf32, #tpu.memory_space<hbm>>
    %dma_wait3A_179 = arith.constant 0 : i32
    %dma_wait3A_180 = tpu.memref_slice %arg2[%add3A_176, %dma_wait3A_179] : memref<100000x128xf32, #tpu.memory_space<hbm>> -> memref<448x128xf32, #tpu.memory_space<hbm>>
    tpu.wait_dma2 semaphore(%arg14 : memref<!tpu.dma_semaphore, #tpu.memory_space<semaphore_mem>>) src(%dma_wait3A_180 : memref<448x128xf32, #tpu.memory_space<hbm>>) dst(%arg8 : memref<448x128xf32, #tpu.memory_space<vmem>>)
    %get3A_181 = arith.constant 1792 : index
    %get3A_182 = tpu.vector_load %arg7[%get3A_181] {strides = array<i32>} : memref<2272xi32, #tpu.memory_space<vmem>>, vector<16xi32>,
    %get3A_183 = vector.shape_cast %get3A_182 : vector<16xi32> to vector<16xi32>
    %slice3A_184 = vector.extract_strided_slice %get3A_183 {offsets = [0], sizes = [1], strides = [1]} : vector<16xi32> to vector<1xi32>
    %squeeze3A_185 = vector.extract %slice3A_184[0] : i32 from vector<1xi32>
    %get3A_186 = arith.constant 2239 : index
    %get3A_187 = tpu.vector_load %arg7[%get3A_186] {strides = array<i32>} : memref<2272xi32, #tpu.memory_space<vmem>>, vector<16xi32>,
    %get3A_188 = vector.shape_cast %get3A_187 : vector<16xi32> to vector<16xi32>
    %slice3A_189 = vector.extract_strided_slice %get3A_188 {offsets = [0], sizes = [1], strides = [1]} : vector<16xi32> to vector<1xi32>
    %squeeze3A_190 = vector.extract %slice3A_189[0] : i32 from vector<1xi32>
    %add3A_191 = arith.constant 1 : i32
    %add3A_192 = arith.addi %squeeze3A_190, %add3A_191 : i32
    %while3A_193 = arith.constant 0 : i32
    %while3A_194 = arith.subi %add3A_192, %squeeze3A_185 : i32
    %while3A_195 = arith.addi %squeeze3A_185, %while3A_194 : i32
    %while3A_196 = arith.constant 1 : i32
    %while3A_197 = arith.divsi %while3A_194, %while3A_196 : i32
    %while3A_198 = arith.muli %while3A_197, %while3A_196 : i32
    %while3A_199 = arith.addi %squeeze3A_185, %while3A_198 : i32
    %while3A_200 = arith.constant 1 : i32
    scf.for %while3A_270 = %squeeze3A_185 to %while3A_199 step %while3A_200  : i32 {
      %get3A_271 = arith.index_cast %while3A_270 : i32 to index
      %get3A_272 = memref.load %arg13[%get3A_271] : memref<34xi32, #tpu.memory_space<smem>>
      %max3A = arith.constant 1792 : i32
      %max3A_273 = arith.maxsi %get3A_272, %max3A : i32
      %sub3A_274 = arith.constant 1792 : i32
      %sub3A_275 = arith.subi %max3A_273, %sub3A_274 : i32
      %add3A_276 = arith.constant 1 : i32
      %add3A_277 = arith.addi %while3A_270, %add3A_276 : i32
      %get3A_278 = arith.index_cast %add3A_277 : i32 to index
      %get3A_279 = memref.load %arg13[%get3A_278] : memref<34xi32, #tpu.memory_space<smem>>
      %min3A = arith.constant 2240 : i32
      %min3A_280 = arith.minsi %get3A_279, %min3A : i32
      %sub3A_281 = arith.constant 1792 : i32
      %sub3A_282 = arith.subi %min3A_280, %sub3A_281 : i32
      %while3A_283 = arith.subi %sub3A_282, %sub3A_275 : i32
      %while3A_284 = arith.addi %sub3A_275, %while3A_283 : i32
      %while3A_285 = arith.constant 1 : i32
      %while3A_286 = arith.divsi %while3A_283, %while3A_285 : i32
      %while3A_287 = arith.muli %while3A_286, %while3A_285 : i32
      %while3A_288 = arith.addi %sub3A_275, %while3A_287 : i32
      %while3A_289 = arith.constant 1 : i32
      %while3A_290:16 = scf.for %while3A_296 = %sub3A_275 to %while3A_288 step %while3A_289 iter_args(%while3A_297 = %broadcast_in_dim3A_16, %while3A_298 = %broadcast_in_dim3A_16, %while3A_299 = %broadcast_in_dim3A_16, %while3A_300 = %broadcast_in_dim3A_16, %while3A_301 = %broadcast_in_dim3A_16, %while3A_302 = %broadcast_in_dim3A_16, %while3A_303 = %broadcast_in_dim3A_16, %while3A_304 = %broadcast_in_dim3A_16, %while3A_305 = %broadcast_in_dim3A_18, %while3A_306 = %broadcast_in_dim3A_18, %while3A_307 = %broadcast_in_dim3A_18, %while3A_308 = %broadcast_in_dim3A_18, %while3A_309 = %broadcast_in_dim3A_18, %while3A_310 = %broadcast_in_dim3A_18, %while3A_311 = %broadcast_in_dim3A_18, %while3A_312 = %broadcast_in_dim3A_18) -> (vector<16xf32>, vector<16xf32>, vector<16xf32>, vector<16xf32>, vector<16xf32>, vector<16xf32>, vector<16xf32>, vector<16xf32>, vector<16xf32>, vector<16xf32>, vector<16xf32>, vector<16xf32>, vector<16xf32>, vector<16xf32>, vector<16xf32>, vector<16xf32>)  : i32 {
        %get3A_313 = arith.index_cast %while3A_296 : i32 to index
        %get3A_314 = arith.constant 0 : index
        %get3A_315 = tpu.vector_load %arg8[%get3A_313, %get3A_314] {strides = array<i32>} : memref<448x128xf32, #tpu.memory_space<vmem>>, vector<1x16xf32>,
        %get3A_316 = vector.shape_cast %get3A_315 : vector<1x16xf32> to vector<16xf32>
        %get3A_317 = arith.index_cast %while3A_296 : i32 to index
        %get3A_318 = arith.constant 16 : index
        %get3A_319 = tpu.vector_load %arg8[%get3A_317, %get3A_318] {strides = array<i32>} : memref<448x128xf32, #tpu.memory_space<vmem>>, vector<1x16xf32>,
        %get3A_320 = vector.shape_cast %get3A_319 : vector<1x16xf32> to vector<16xf32>
        %get3A_321 = arith.index_cast %while3A_296 : i32 to index
        %get3A_322 = arith.constant 32 : index
        %get3A_323 = tpu.vector_load %arg8[%get3A_321, %get3A_322] {strides = array<i32>} : memref<448x128xf32, #tpu.memory_space<vmem>>, vector<1x16xf32>,
        %get3A_324 = vector.shape_cast %get3A_323 : vector<1x16xf32> to vector<16xf32>
        %get3A_325 = arith.index_cast %while3A_296 : i32 to index
        %get3A_326 = arith.constant 48 : index
        %get3A_327 = tpu.vector_load %arg8[%get3A_325, %get3A_326] {strides = array<i32>} : memref<448x128xf32, #tpu.memory_space<vmem>>, vector<1x16xf32>,
        %get3A_328 = vector.shape_cast %get3A_327 : vector<1x16xf32> to vector<16xf32>
        %get3A_329 = arith.index_cast %while3A_296 : i32 to index
        %get3A_330 = arith.constant 64 : index
        %get3A_331 = tpu.vector_load %arg8[%get3A_329, %get3A_330] {strides = array<i32>} : memref<448x128xf32, #tpu.memory_space<vmem>>, vector<1x16xf32>,
        %get3A_332 = vector.shape_cast %get3A_331 : vector<1x16xf32> to vector<16xf32>
        %get3A_333 = arith.index_cast %while3A_296 : i32 to index
        %get3A_334 = arith.constant 80 : index
        %get3A_335 = tpu.vector_load %arg8[%get3A_333, %get3A_334] {strides = array<i32>} : memref<448x128xf32, #tpu.memory_space<vmem>>, vector<1x16xf32>,
        %get3A_336 = vector.shape_cast %get3A_335 : vector<1x16xf32> to vector<16xf32>
        %get3A_337 = arith.index_cast %while3A_296 : i32 to index
        %get3A_338 = arith.constant 96 : index
        %get3A_339 = tpu.vector_load %arg8[%get3A_337, %get3A_338] {strides = array<i32>} : memref<448x128xf32, #tpu.memory_space<vmem>>, vector<1x16xf32>,
        %get3A_340 = vector.shape_cast %get3A_339 : vector<1x16xf32> to vector<16xf32>
        %get3A_341 = arith.index_cast %while3A_296 : i32 to index
        %get3A_342 = arith.constant 112 : index
        %get3A_343 = tpu.vector_load %arg8[%get3A_341, %get3A_342] {strides = array<i32>} : memref<448x128xf32, #tpu.memory_space<vmem>>, vector<1x16xf32>,
        %get3A_344 = vector.shape_cast %get3A_343 : vector<1x16xf32> to vector<16xf32>
        %add3A_345 = arith.addf %while3A_297, %get3A_316 : vector<16xf32>
        %add3A_346 = arith.addf %while3A_298, %get3A_320 : vector<16xf32>
        %add3A_347 = arith.addf %while3A_299, %get3A_324 : vector<16xf32>
        %add3A_348 = arith.addf %while3A_300, %get3A_328 : vector<16xf32>
        %add3A_349 = arith.addf %while3A_301, %get3A_332 : vector<16xf32>
        %add3A_350 = arith.addf %while3A_302, %get3A_336 : vector<16xf32>
        %add3A_351 = arith.addf %while3A_303, %get3A_340 : vector<16xf32>
        %add3A_352 = arith.addf %while3A_304, %get3A_344 : vector<16xf32>
        %max3A_353 = arith.maximumf %while3A_305, %get3A_316 : vector<16xf32>
        %max3A_354 = arith.maximumf %while3A_306, %get3A_320 : vector<16xf32>
        %max3A_355 = arith.maximumf %while3A_307, %get3A_324 : vector<16xf32>
        %max3A_356 = arith.maximumf %while3A_308, %get3A_328 : vector<16xf32>
        %max3A_357 = arith.maximumf %while3A_309, %get3A_332 : vector<16xf32>
        %max3A_358 = arith.maximumf %while3A_310, %get3A_336 : vector<16xf32>
        %max3A_359 = arith.maximumf %while3A_311, %get3A_340 : vector<16xf32>
        %max3A_360 = arith.maximumf %while3A_312, %get3A_344 : vector<16xf32>
        scf.yield %add3A_345, %add3A_346, %add3A_347, %add3A_348, %add3A_349, %add3A_350, %add3A_351, %add3A_352, %max3A_353, %max3A_354, %max3A_355, %max3A_356, %max3A_357, %max3A_358, %max3A_359, %max3A_360 : vector<16xf32>, vector<16xf32>, vector<16xf32>, vector<16xf32>, vector<16xf32>, vector<16xf32>, vector<16xf32>, vector<16xf32>, vector<16xf32>, vector<16xf32>, vector<16xf32>, vector<16xf32>, vector<16xf32>, vector<16xf32>, vector<16xf32>, vector<16xf32>
      }
      %while3A_291 = arith.constant 1 : i32
      %while3A_292:16 = scf.for %while3A_296 = %while3A_288 to %while3A_284 step %while3A_291 iter_args(%while3A_297 = %while3A_290#0, %while3A_298 = %while3A_290#1, %while3A_299 = %while3A_290#2, %while3A_300 = %while3A_290#3, %while3A_301 = %while3A_290#4, %while3A_302 = %while3A_290#5, %while3A_303 = %while3A_290#6, %while3A_304 = %while3A_290#7, %while3A_305 = %while3A_290#8, %while3A_306 = %while3A_290#9, %while3A_307 = %while3A_290#10, %while3A_308 = %while3A_290#11, %while3A_309 = %while3A_290#12, %while3A_310 = %while3A_290#13, %while3A_311 = %while3A_290#14, %while3A_312 = %while3A_290#15) -> (vector<16xf32>, vector<16xf32>, vector<16xf32>, vector<16xf32>, vector<16xf32>, vector<16xf32>, vector<16xf32>, vector<16xf32>, vector<16xf32>, vector<16xf32>, vector<16xf32>, vector<16xf32>, vector<16xf32>, vector<16xf32>, vector<16xf32>, vector<16xf32>)  : i32 {
        %get3A_313 = arith.index_cast %while3A_296 : i32 to index
        %get3A_314 = arith.constant 0 : index
        %get3A_315 = tpu.vector_load %arg8[%get3A_313, %get3A_314] {strides = array<i32>} : memref<448x128xf32, #tpu.memory_space<vmem>>, vector<1x16xf32>,
        %get3A_316 = vector.shape_cast %get3A_315 : vector<1x16xf32> to vector<16xf32>
        %get3A_317 = arith.index_cast %while3A_296 : i32 to index
        %get3A_318 = arith.constant 16 : index
        %get3A_319 = tpu.vector_load %arg8[%get3A_317, %get3A_318] {strides = array<i32>} : memref<448x128xf32, #tpu.memory_space<vmem>>, vector<1x16xf32>,
        %get3A_320 = vector.shape_cast %get3A_319 : vector<1x16xf32> to vector<16xf32>
        %get3A_321 = arith.index_cast %while3A_296 : i32 to index
        %get3A_322 = arith.constant 32 : index
        %get3A_323 = tpu.vector_load %arg8[%get3A_321, %get3A_322] {strides = array<i32>} : memref<448x128xf32, #tpu.memory_space<vmem>>, vector<1x16xf32>,
        %get3A_324 = vector.shape_cast %get3A_323 : vector<1x16xf32> to vector<16xf32>
        %get3A_325 = arith.index_cast %while3A_296 : i32 to index
        %get3A_326 = arith.constant 48 : index
        %get3A_327 = tpu.vector_load %arg8[%get3A_325, %get3A_326] {strides = array<i32>} : memref<448x128xf32, #tpu.memory_space<vmem>>, vector<1x16xf32>,
        %get3A_328 = vector.shape_cast %get3A_327 : vector<1x16xf32> to vector<16xf32>
        %get3A_329 = arith.index_cast %while3A_296 : i32 to index
        %get3A_330 = arith.constant 64 : index
        %get3A_331 = tpu.vector_load %arg8[%get3A_329, %get3A_330] {strides = array<i32>} : memref<448x128xf32, #tpu.memory_space<vmem>>, vector<1x16xf32>,
        %get3A_332 = vector.shape_cast %get3A_331 : vector<1x16xf32> to vector<16xf32>
        %get3A_333 = arith.index_cast %while3A_296 : i32 to index
        %get3A_334 = arith.constant 80 : index
        %get3A_335 = tpu.vector_load %arg8[%get3A_333, %get3A_334] {strides = array<i32>} : memref<448x128xf32, #tpu.memory_space<vmem>>, vector<1x16xf32>,
        %get3A_336 = vector.shape_cast %get3A_335 : vector<1x16xf32> to vector<16xf32>
        %get3A_337 = arith.index_cast %while3A_296 : i32 to index
        %get3A_338 = arith.constant 96 : index
        %get3A_339 = tpu.vector_load %arg8[%get3A_337, %get3A_338] {strides = array<i32>} : memref<448x128xf32, #tpu.memory_space<vmem>>, vector<1x16xf32>,
        %get3A_340 = vector.shape_cast %get3A_339 : vector<1x16xf32> to vector<16xf32>
        %get3A_341 = arith.index_cast %while3A_296 : i32 to index
        %get3A_342 = arith.constant 112 : index
        %get3A_343 = tpu.vector_load %arg8[%get3A_341, %get3A_342] {strides = array<i32>} : memref<448x128xf32, #tpu.memory_space<vmem>>, vector<1x16xf32>,
        %get3A_344 = vector.shape_cast %get3A_343 : vector<1x16xf32> to vector<16xf32>
        %add3A_345 = arith.addf %while3A_297, %get3A_316 : vector<16xf32>
        %add3A_346 = arith.addf %while3A_298, %get3A_320 : vector<16xf32>
        %add3A_347 = arith.addf %while3A_299, %get3A_324 : vector<16xf32>
        %add3A_348 = arith.addf %while3A_300, %get3A_328 : vector<16xf32>
        %add3A_349 = arith.addf %while3A_301, %get3A_332 : vector<16xf32>
        %add3A_350 = arith.addf %while3A_302, %get3A_336 : vector<16xf32>
        %add3A_351 = arith.addf %while3A_303, %get3A_340 : vector<16xf32>
        %add3A_352 = arith.addf %while3A_304, %get3A_344 : vector<16xf32>
        %max3A_353 = arith.maximumf %while3A_305, %get3A_316 : vector<16xf32>
        %max3A_354 = arith.maximumf %while3A_306, %get3A_320 : vector<16xf32>
        %max3A_355 = arith.maximumf %while3A_307, %get3A_324 : vector<16xf32>
        %max3A_356 = arith.maximumf %while3A_308, %get3A_328 : vector<16xf32>
        %max3A_357 = arith.maximumf %while3A_309, %get3A_332 : vector<16xf32>
        %max3A_358 = arith.maximumf %while3A_310, %get3A_336 : vector<16xf32>
        %max3A_359 = arith.maximumf %while3A_311, %get3A_340 : vector<16xf32>
        %max3A_360 = arith.maximumf %while3A_312, %get3A_344 : vector<16xf32>
        scf.yield %add3A_345, %add3A_346, %add3A_347, %add3A_348, %add3A_349, %add3A_350, %add3A_351, %add3A_352, %max3A_353, %max3A_354, %max3A_355, %max3A_356, %max3A_357, %max3A_358, %max3A_359, %max3A_360 : vector<16xf32>, vector<16xf32>, vector<16xf32>, vector<16xf32>, vector<16xf32>, vector<16xf32>, vector<16xf32>, vector<16xf32>, vector<16xf32>, vector<16xf32>, vector<16xf32>, vector<16xf32>, vector<16xf32>, vector<16xf32>, vector<16xf32>, vector<16xf32>
      }
      %gt3A = arith.cmpi sgt, %sub3A_282, %sub3A_275 : i32
      %convert_element_type3A_293 = arith.extui %gt3A : i1 to i32
      %cond3A_294 = arith.constant 0 : i32
      %cond3A_295 = arith.cmpi ne, %convert_element_type3A_293, %cond3A_294 : i32
      scf.if %cond3A_295 {
        %mul3A_296 = arith.constant 128 : i32
        %mul3A_297 = arith.muli %while3A_270, %mul3A_296 : i32
        %add3A_298 = arith.constant 0 : i32
        %add3A_299 = arith.addi %mul3A_297, %add3A_298 : i32
        %get3A_300 = arith.index_cast %add3A_299 : i32 to index
        %get3A_301 = tpu.vector_load %arg10[%get3A_300] {strides = array<i32>} : memref<4224xf32, #tpu.memory_space<vmem>>, vector<16xf32>,
        %get3A_302 = vector.shape_cast %get3A_301 : vector<16xf32> to vector<16xf32>
        %add3A_303 = arith.addf %get3A_302, %while3A_292#0 : vector<16xf32>
        %swap3A = arith.index_cast %add3A_299 : i32 to index
        %swap3A_304 = tpu.vector_load %arg10[%swap3A] {strides = array<i32>} : memref<4224xf32, #tpu.memory_space<vmem>>, vector<16xf32>,
        %swap3A_305 = vector.shape_cast %swap3A_304 : vector<16xf32> to vector<16xf32>
        %swap3A_306 = vector.shape_cast %add3A_303 : vector<16xf32> to vector<16xf32>
        tpu.vector_store %arg10[%swap3A], %swap3A_306 {strides = array<i32>} : memref<4224xf32, #tpu.memory_space<vmem>>, vector<16xf32>,
        %get3A_307 = arith.index_cast %add3A_299 : i32 to index
        %get3A_308 = tpu.vector_load %arg11[%get3A_307] {strides = array<i32>} : memref<4224xf32, #tpu.memory_space<vmem>>, vector<16xf32>,
        %get3A_309 = vector.shape_cast %get3A_308 : vector<16xf32> to vector<16xf32>
        %max3A_310 = arith.maximumf %get3A_309, %while3A_292#8 : vector<16xf32>
        %swap3A_311 = arith.index_cast %add3A_299 : i32 to index
        %swap3A_312 = tpu.vector_load %arg11[%swap3A_311] {strides = array<i32>} : memref<4224xf32, #tpu.memory_space<vmem>>, vector<16xf32>,
        %swap3A_313 = vector.shape_cast %swap3A_312 : vector<16xf32> to vector<16xf32>
        %swap3A_314 = vector.shape_cast %max3A_310 : vector<16xf32> to vector<16xf32>
        tpu.vector_store %arg11[%swap3A_311], %swap3A_314 {strides = array<i32>} : memref<4224xf32, #tpu.memory_space<vmem>>, vector<16xf32>,
        %add3A_315 = arith.constant 16 : i32
        %add3A_316 = arith.addi %mul3A_297, %add3A_315 : i32
        %get3A_317 = arith.index_cast %add3A_316 : i32 to index
        %get3A_318 = tpu.vector_load %arg10[%get3A_317] {strides = array<i32>} : memref<4224xf32, #tpu.memory_space<vmem>>, vector<16xf32>,
        %get3A_319 = vector.shape_cast %get3A_318 : vector<16xf32> to vector<16xf32>
        %add3A_320 = arith.addf %get3A_319, %while3A_292#1 : vector<16xf32>
        %swap3A_321 = arith.index_cast %add3A_316 : i32 to index
        %swap3A_322 = tpu.vector_load %arg10[%swap3A_321] {strides = array<i32>} : memref<4224xf32, #tpu.memory_space<vmem>>, vector<16xf32>,
        %swap3A_323 = vector.shape_cast %swap3A_322 : vector<16xf32> to vector<16xf32>
        %swap3A_324 = vector.shape_cast %add3A_320 : vector<16xf32> to vector<16xf32>
        tpu.vector_store %arg10[%swap3A_321], %swap3A_324 {strides = array<i32>} : memref<4224xf32, #tpu.memory_space<vmem>>, vector<16xf32>,
        %get3A_325 = arith.index_cast %add3A_316 : i32 to index
        %get3A_326 = tpu.vector_load %arg11[%get3A_325] {strides = array<i32>} : memref<4224xf32, #tpu.memory_space<vmem>>, vector<16xf32>,
        %get3A_327 = vector.shape_cast %get3A_326 : vector<16xf32> to vector<16xf32>
        %max3A_328 = arith.maximumf %get3A_327, %while3A_292#9 : vector<16xf32>
        %swap3A_329 = arith.index_cast %add3A_316 : i32 to index
        %swap3A_330 = tpu.vector_load %arg11[%swap3A_329] {strides = array<i32>} : memref<4224xf32, #tpu.memory_space<vmem>>, vector<16xf32>,
        %swap3A_331 = vector.shape_cast %swap3A_330 : vector<16xf32> to vector<16xf32>
        %swap3A_332 = vector.shape_cast %max3A_328 : vector<16xf32> to vector<16xf32>
        tpu.vector_store %arg11[%swap3A_329], %swap3A_332 {strides = array<i32>} : memref<4224xf32, #tpu.memory_space<vmem>>, vector<16xf32>,
        %add3A_333 = arith.constant 32 : i32
        %add3A_334 = arith.addi %mul3A_297, %add3A_333 : i32
        %get3A_335 = arith.index_cast %add3A_334 : i32 to index
        %get3A_336 = tpu.vector_load %arg10[%get3A_335] {strides = array<i32>} : memref<4224xf32, #tpu.memory_space<vmem>>, vector<16xf32>,
        %get3A_337 = vector.shape_cast %get3A_336 : vector<16xf32> to vector<16xf32>
        %add3A_338 = arith.addf %get3A_337, %while3A_292#2 : vector<16xf32>
        %swap3A_339 = arith.index_cast %add3A_334 : i32 to index
        %swap3A_340 = tpu.vector_load %arg10[%swap3A_339] {strides = array<i32>} : memref<4224xf32, #tpu.memory_space<vmem>>, vector<16xf32>,
        %swap3A_341 = vector.shape_cast %swap3A_340 : vector<16xf32> to vector<16xf32>
        %swap3A_342 = vector.shape_cast %add3A_338 : vector<16xf32> to vector<16xf32>
        tpu.vector_store %arg10[%swap3A_339], %swap3A_342 {strides = array<i32>} : memref<4224xf32, #tpu.memory_space<vmem>>, vector<16xf32>,
        %get3A_343 = arith.index_cast %add3A_334 : i32 to index
        %get3A_344 = tpu.vector_load %arg11[%get3A_343] {strides = array<i32>} : memref<4224xf32, #tpu.memory_space<vmem>>, vector<16xf32>,
        %get3A_345 = vector.shape_cast %get3A_344 : vector<16xf32> to vector<16xf32>
        %max3A_346 = arith.maximumf %get3A_345, %while3A_292#10 : vector<16xf32>
        %swap3A_347 = arith.index_cast %add3A_334 : i32 to index
        %swap3A_348 = tpu.vector_load %arg11[%swap3A_347] {strides = array<i32>} : memref<4224xf32, #tpu.memory_space<vmem>>, vector<16xf32>,
        %swap3A_349 = vector.shape_cast %swap3A_348 : vector<16xf32> to vector<16xf32>
        %swap3A_350 = vector.shape_cast %max3A_346 : vector<16xf32> to vector<16xf32>
        tpu.vector_store %arg11[%swap3A_347], %swap3A_350 {strides = array<i32>} : memref<4224xf32, #tpu.memory_space<vmem>>, vector<16xf32>,
        %add3A_351 = arith.constant 48 : i32
        %add3A_352 = arith.addi %mul3A_297, %add3A_351 : i32
        %get3A_353 = arith.index_cast %add3A_352 : i32 to index
        %get3A_354 = tpu.vector_load %arg10[%get3A_353] {strides = array<i32>} : memref<4224xf32, #tpu.memory_space<vmem>>, vector<16xf32>,
        %get3A_355 = vector.shape_cast %get3A_354 : vector<16xf32> to vector<16xf32>
        %add3A_356 = arith.addf %get3A_355, %while3A_292#3 : vector<16xf32>
        %swap3A_357 = arith.index_cast %add3A_352 : i32 to index
        %swap3A_358 = tpu.vector_load %arg10[%swap3A_357] {strides = array<i32>} : memref<4224xf32, #tpu.memory_space<vmem>>, vector<16xf32>,
        %swap3A_359 = vector.shape_cast %swap3A_358 : vector<16xf32> to vector<16xf32>
        %swap3A_360 = vector.shape_cast %add3A_356 : vector<16xf32> to vector<16xf32>
        tpu.vector_store %arg10[%swap3A_357], %swap3A_360 {strides = array<i32>} : memref<4224xf32, #tpu.memory_space<vmem>>, vector<16xf32>,
        %get3A_361 = arith.index_cast %add3A_352 : i32 to index
        %get3A_362 = tpu.vector_load %arg11[%get3A_361] {strides = array<i32>} : memref<4224xf32, #tpu.memory_space<vmem>>, vector<16xf32>,
        %get3A_363 = vector.shape_cast %get3A_362 : vector<16xf32> to vector<16xf32>
        %max3A_364 = arith.maximumf %get3A_363, %while3A_292#11 : vector<16xf32>
        %swap3A_365 = arith.index_cast %add3A_352 : i32 to index
        %swap3A_366 = tpu.vector_load %arg11[%swap3A_365] {strides = array<i32>} : memref<4224xf32, #tpu.memory_space<vmem>>, vector<16xf32>,
        %swap3A_367 = vector.shape_cast %swap3A_366 : vector<16xf32> to vector<16xf32>
        %swap3A_368 = vector.shape_cast %max3A_364 : vector<16xf32> to vector<16xf32>
        tpu.vector_store %arg11[%swap3A_365], %swap3A_368 {strides = array<i32>} : memref<4224xf32, #tpu.memory_space<vmem>>, vector<16xf32>,
        %add3A_369 = arith.constant 64 : i32
        %add3A_370 = arith.addi %mul3A_297, %add3A_369 : i32
        %get3A_371 = arith.index_cast %add3A_370 : i32 to index
        %get3A_372 = tpu.vector_load %arg10[%get3A_371] {strides = array<i32>} : memref<4224xf32, #tpu.memory_space<vmem>>, vector<16xf32>,
        %get3A_373 = vector.shape_cast %get3A_372 : vector<16xf32> to vector<16xf32>
        %add3A_374 = arith.addf %get3A_373, %while3A_292#4 : vector<16xf32>
        %swap3A_375 = arith.index_cast %add3A_370 : i32 to index
        %swap3A_376 = tpu.vector_load %arg10[%swap3A_375] {strides = array<i32>} : memref<4224xf32, #tpu.memory_space<vmem>>, vector<16xf32>,
        %swap3A_377 = vector.shape_cast %swap3A_376 : vector<16xf32> to vector<16xf32>
        %swap3A_378 = vector.shape_cast %add3A_374 : vector<16xf32> to vector<16xf32>
        tpu.vector_store %arg10[%swap3A_375], %swap3A_378 {strides = array<i32>} : memref<4224xf32, #tpu.memory_space<vmem>>, vector<16xf32>,
        %get3A_379 = arith.index_cast %add3A_370 : i32 to index
        %get3A_380 = tpu.vector_load %arg11[%get3A_379] {strides = array<i32>} : memref<4224xf32, #tpu.memory_space<vmem>>, vector<16xf32>,
        %get3A_381 = vector.shape_cast %get3A_380 : vector<16xf32> to vector<16xf32>
        %max3A_382 = arith.maximumf %get3A_381, %while3A_292#12 : vector<16xf32>
        %swap3A_383 = arith.index_cast %add3A_370 : i32 to index
        %swap3A_384 = tpu.vector_load %arg11[%swap3A_383] {strides = array<i32>} : memref<4224xf32, #tpu.memory_space<vmem>>, vector<16xf32>,
        %swap3A_385 = vector.shape_cast %swap3A_384 : vector<16xf32> to vector<16xf32>
        %swap3A_386 = vector.shape_cast %max3A_382 : vector<16xf32> to vector<16xf32>
        tpu.vector_store %arg11[%swap3A_383], %swap3A_386 {strides = array<i32>} : memref<4224xf32, #tpu.memory_space<vmem>>, vector<16xf32>,
        %add3A_387 = arith.constant 80 : i32
        %add3A_388 = arith.addi %mul3A_297, %add3A_387 : i32
        %get3A_389 = arith.index_cast %add3A_388 : i32 to index
        %get3A_390 = tpu.vector_load %arg10[%get3A_389] {strides = array<i32>} : memref<4224xf32, #tpu.memory_space<vmem>>, vector<16xf32>,
        %get3A_391 = vector.shape_cast %get3A_390 : vector<16xf32> to vector<16xf32>
        %add3A_392 = arith.addf %get3A_391, %while3A_292#5 : vector<16xf32>
        %swap3A_393 = arith.index_cast %add3A_388 : i32 to index
        %swap3A_394 = tpu.vector_load %arg10[%swap3A_393] {strides = array<i32>} : memref<4224xf32, #tpu.memory_space<vmem>>, vector<16xf32>,
        %swap3A_395 = vector.shape_cast %swap3A_394 : vector<16xf32> to vector<16xf32>
        %swap3A_396 = vector.shape_cast %add3A_392 : vector<16xf32> to vector<16xf32>
        tpu.vector_store %arg10[%swap3A_393], %swap3A_396 {strides = array<i32>} : memref<4224xf32, #tpu.memory_space<vmem>>, vector<16xf32>,
        %get3A_397 = arith.index_cast %add3A_388 : i32 to index
        %get3A_398 = tpu.vector_load %arg11[%get3A_397] {strides = array<i32>} : memref<4224xf32, #tpu.memory_space<vmem>>, vector<16xf32>,
        %get3A_399 = vector.shape_cast %get3A_398 : vector<16xf32> to vector<16xf32>
        %max3A_400 = arith.maximumf %get3A_399, %while3A_292#13 : vector<16xf32>
        %swap3A_401 = arith.index_cast %add3A_388 : i32 to index
        %swap3A_402 = tpu.vector_load %arg11[%swap3A_401] {strides = array<i32>} : memref<4224xf32, #tpu.memory_space<vmem>>, vector<16xf32>,
        %swap3A_403 = vector.shape_cast %swap3A_402 : vector<16xf32> to vector<16xf32>
        %swap3A_404 = vector.shape_cast %max3A_400 : vector<16xf32> to vector<16xf32>
        tpu.vector_store %arg11[%swap3A_401], %swap3A_404 {strides = array<i32>} : memref<4224xf32, #tpu.memory_space<vmem>>, vector<16xf32>,
        %add3A_405 = arith.constant 96 : i32
        %add3A_406 = arith.addi %mul3A_297, %add3A_405 : i32
        %get3A_407 = arith.index_cast %add3A_406 : i32 to index
        %get3A_408 = tpu.vector_load %arg10[%get3A_407] {strides = array<i32>} : memref<4224xf32, #tpu.memory_space<vmem>>, vector<16xf32>,
        %get3A_409 = vector.shape_cast %get3A_408 : vector<16xf32> to vector<16xf32>
        %add3A_410 = arith.addf %get3A_409, %while3A_292#6 : vector<16xf32>
        %swap3A_411 = arith.index_cast %add3A_406 : i32 to index
        %swap3A_412 = tpu.vector_load %arg10[%swap3A_411] {strides = array<i32>} : memref<4224xf32, #tpu.memory_space<vmem>>, vector<16xf32>,
        %swap3A_413 = vector.shape_cast %swap3A_412 : vector<16xf32> to vector<16xf32>
        %swap3A_414 = vector.shape_cast %add3A_410 : vector<16xf32> to vector<16xf32>
        tpu.vector_store %arg10[%swap3A_411], %swap3A_414 {strides = array<i32>} : memref<4224xf32, #tpu.memory_space<vmem>>, vector<16xf32>,
        %get3A_415 = arith.index_cast %add3A_406 : i32 to index
        %get3A_416 = tpu.vector_load %arg11[%get3A_415] {strides = array<i32>} : memref<4224xf32, #tpu.memory_space<vmem>>, vector<16xf32>,
        %get3A_417 = vector.shape_cast %get3A_416 : vector<16xf32> to vector<16xf32>
        %max3A_418 = arith.maximumf %get3A_417, %while3A_292#14 : vector<16xf32>
        %swap3A_419 = arith.index_cast %add3A_406 : i32 to index
        %swap3A_420 = tpu.vector_load %arg11[%swap3A_419] {strides = array<i32>} : memref<4224xf32, #tpu.memory_space<vmem>>, vector<16xf32>,
        %swap3A_421 = vector.shape_cast %swap3A_420 : vector<16xf32> to vector<16xf32>
        %swap3A_422 = vector.shape_cast %max3A_418 : vector<16xf32> to vector<16xf32>
        tpu.vector_store %arg11[%swap3A_419], %swap3A_422 {strides = array<i32>} : memref<4224xf32, #tpu.memory_space<vmem>>, vector<16xf32>,
        %add3A_423 = arith.constant 112 : i32
        %add3A_424 = arith.addi %mul3A_297, %add3A_423 : i32
        %get3A_425 = arith.index_cast %add3A_424 : i32 to index
        %get3A_426 = tpu.vector_load %arg10[%get3A_425] {strides = array<i32>} : memref<4224xf32, #tpu.memory_space<vmem>>, vector<16xf32>,
        %get3A_427 = vector.shape_cast %get3A_426 : vector<16xf32> to vector<16xf32>
        %add3A_428 = arith.addf %get3A_427, %while3A_292#7 : vector<16xf32>
        %swap3A_429 = arith.index_cast %add3A_424 : i32 to index
        %swap3A_430 = tpu.vector_load %arg10[%swap3A_429] {strides = array<i32>} : memref<4224xf32, #tpu.memory_space<vmem>>, vector<16xf32>,
        %swap3A_431 = vector.shape_cast %swap3A_430 : vector<16xf32> to vector<16xf32>
        %swap3A_432 = vector.shape_cast %add3A_428 : vector<16xf32> to vector<16xf32>
        tpu.vector_store %arg10[%swap3A_429], %swap3A_432 {strides = array<i32>} : memref<4224xf32, #tpu.memory_space<vmem>>, vector<16xf32>,
        %get3A_433 = arith.index_cast %add3A_424 : i32 to index
        %get3A_434 = tpu.vector_load %arg11[%get3A_433] {strides = array<i32>} : memref<4224xf32, #tpu.memory_space<vmem>>, vector<16xf32>,
        %get3A_435 = vector.shape_cast %get3A_434 : vector<16xf32> to vector<16xf32>
        %max3A_436 = arith.maximumf %get3A_435, %while3A_292#15 : vector<16xf32>
        %swap3A_437 = arith.index_cast %add3A_424 : i32 to index
        %swap3A_438 = tpu.vector_load %arg11[%swap3A_437] {strides = array<i32>} : memref<4224xf32, #tpu.memory_space<vmem>>, vector<16xf32>,
        %swap3A_439 = vector.shape_cast %swap3A_438 : vector<16xf32> to vector<16xf32>
        %swap3A_440 = vector.shape_cast %max3A_436 : vector<16xf32> to vector<16xf32>
        tpu.vector_store %arg11[%swap3A_437], %swap3A_440 {strides = array<i32>} : memref<4224xf32, #tpu.memory_space<vmem>>, vector<16xf32>,
      } else {
      }
    }
    %while3A_201 = arith.constant 1 : i32
    scf.for %while3A_270 = %while3A_199 to %while3A_195 step %while3A_201  : i32 {
      %get3A_271 = arith.index_cast %while3A_270 : i32 to index
      %get3A_272 = memref.load %arg13[%get3A_271] : memref<34xi32, #tpu.memory_space<smem>>
      %max3A = arith.constant 1792 : i32
      %max3A_273 = arith.maxsi %get3A_272, %max3A : i32
      %sub3A_274 = arith.constant 1792 : i32
      %sub3A_275 = arith.subi %max3A_273, %sub3A_274 : i32
      %add3A_276 = arith.constant 1 : i32
      %add3A_277 = arith.addi %while3A_270, %add3A_276 : i32
      %get3A_278 = arith.index_cast %add3A_277 : i32 to index
      %get3A_279 = memref.load %arg13[%get3A_278] : memref<34xi32, #tpu.memory_space<smem>>
      %min3A = arith.constant 2240 : i32
      %min3A_280 = arith.minsi %get3A_279, %min3A : i32
      %sub3A_281 = arith.constant 1792 : i32
      %sub3A_282 = arith.subi %min3A_280, %sub3A_281 : i32
      %while3A_283 = arith.subi %sub3A_282, %sub3A_275 : i32
      %while3A_284 = arith.addi %sub3A_275, %while3A_283 : i32
      %while3A_285 = arith.constant 1 : i32
      %while3A_286 = arith.divsi %while3A_283, %while3A_285 : i32
      %while3A_287 = arith.muli %while3A_286, %while3A_285 : i32
      %while3A_288 = arith.addi %sub3A_275, %while3A_287 : i32
      %while3A_289 = arith.constant 1 : i32
      %while3A_290:16 = scf.for %while3A_296 = %sub3A_275 to %while3A_288 step %while3A_289 iter_args(%while3A_297 = %broadcast_in_dim3A_16, %while3A_298 = %broadcast_in_dim3A_16, %while3A_299 = %broadcast_in_dim3A_16, %while3A_300 = %broadcast_in_dim3A_16, %while3A_301 = %broadcast_in_dim3A_16, %while3A_302 = %broadcast_in_dim3A_16, %while3A_303 = %broadcast_in_dim3A_16, %while3A_304 = %broadcast_in_dim3A_16, %while3A_305 = %broadcast_in_dim3A_18, %while3A_306 = %broadcast_in_dim3A_18, %while3A_307 = %broadcast_in_dim3A_18, %while3A_308 = %broadcast_in_dim3A_18, %while3A_309 = %broadcast_in_dim3A_18, %while3A_310 = %broadcast_in_dim3A_18, %while3A_311 = %broadcast_in_dim3A_18, %while3A_312 = %broadcast_in_dim3A_18) -> (vector<16xf32>, vector<16xf32>, vector<16xf32>, vector<16xf32>, vector<16xf32>, vector<16xf32>, vector<16xf32>, vector<16xf32>, vector<16xf32>, vector<16xf32>, vector<16xf32>, vector<16xf32>, vector<16xf32>, vector<16xf32>, vector<16xf32>, vector<16xf32>)  : i32 {
        %get3A_313 = arith.index_cast %while3A_296 : i32 to index
        %get3A_314 = arith.constant 0 : index
        %get3A_315 = tpu.vector_load %arg8[%get3A_313, %get3A_314] {strides = array<i32>} : memref<448x128xf32, #tpu.memory_space<vmem>>, vector<1x16xf32>,
        %get3A_316 = vector.shape_cast %get3A_315 : vector<1x16xf32> to vector<16xf32>
        %get3A_317 = arith.index_cast %while3A_296 : i32 to index
        %get3A_318 = arith.constant 16 : index
        %get3A_319 = tpu.vector_load %arg8[%get3A_317, %get3A_318] {strides = array<i32>} : memref<448x128xf32, #tpu.memory_space<vmem>>, vector<1x16xf32>,
        %get3A_320 = vector.shape_cast %get3A_319 : vector<1x16xf32> to vector<16xf32>
        %get3A_321 = arith.index_cast %while3A_296 : i32 to index
        %get3A_322 = arith.constant 32 : index
        %get3A_323 = tpu.vector_load %arg8[%get3A_321, %get3A_322] {strides = array<i32>} : memref<448x128xf32, #tpu.memory_space<vmem>>, vector<1x16xf32>,
        %get3A_324 = vector.shape_cast %get3A_323 : vector<1x16xf32> to vector<16xf32>
        %get3A_325 = arith.index_cast %while3A_296 : i32 to index
        %get3A_326 = arith.constant 48 : index
        %get3A_327 = tpu.vector_load %arg8[%get3A_325, %get3A_326] {strides = array<i32>} : memref<448x128xf32, #tpu.memory_space<vmem>>, vector<1x16xf32>,
        %get3A_328 = vector.shape_cast %get3A_327 : vector<1x16xf32> to vector<16xf32>
        %get3A_329 = arith.index_cast %while3A_296 : i32 to index
        %get3A_330 = arith.constant 64 : index
        %get3A_331 = tpu.vector_load %arg8[%get3A_329, %get3A_330] {strides = array<i32>} : memref<448x128xf32, #tpu.memory_space<vmem>>, vector<1x16xf32>,
        %get3A_332 = vector.shape_cast %get3A_331 : vector<1x16xf32> to vector<16xf32>
        %get3A_333 = arith.index_cast %while3A_296 : i32 to index
        %get3A_334 = arith.constant 80 : index
        %get3A_335 = tpu.vector_load %arg8[%get3A_333, %get3A_334] {strides = array<i32>} : memref<448x128xf32, #tpu.memory_space<vmem>>, vector<1x16xf32>,
        %get3A_336 = vector.shape_cast %get3A_335 : vector<1x16xf32> to vector<16xf32>
        %get3A_337 = arith.index_cast %while3A_296 : i32 to index
        %get3A_338 = arith.constant 96 : index
        %get3A_339 = tpu.vector_load %arg8[%get3A_337, %get3A_338] {strides = array<i32>} : memref<448x128xf32, #tpu.memory_space<vmem>>, vector<1x16xf32>,
        %get3A_340 = vector.shape_cast %get3A_339 : vector<1x16xf32> to vector<16xf32>
        %get3A_341 = arith.index_cast %while3A_296 : i32 to index
        %get3A_342 = arith.constant 112 : index
        %get3A_343 = tpu.vector_load %arg8[%get3A_341, %get3A_342] {strides = array<i32>} : memref<448x128xf32, #tpu.memory_space<vmem>>, vector<1x16xf32>,
        %get3A_344 = vector.shape_cast %get3A_343 : vector<1x16xf32> to vector<16xf32>
        %add3A_345 = arith.addf %while3A_297, %get3A_316 : vector<16xf32>
        %add3A_346 = arith.addf %while3A_298, %get3A_320 : vector<16xf32>
        %add3A_347 = arith.addf %while3A_299, %get3A_324 : vector<16xf32>
        %add3A_348 = arith.addf %while3A_300, %get3A_328 : vector<16xf32>
        %add3A_349 = arith.addf %while3A_301, %get3A_332 : vector<16xf32>
        %add3A_350 = arith.addf %while3A_302, %get3A_336 : vector<16xf32>
        %add3A_351 = arith.addf %while3A_303, %get3A_340 : vector<16xf32>
        %add3A_352 = arith.addf %while3A_304, %get3A_344 : vector<16xf32>
        %max3A_353 = arith.maximumf %while3A_305, %get3A_316 : vector<16xf32>
        %max3A_354 = arith.maximumf %while3A_306, %get3A_320 : vector<16xf32>
        %max3A_355 = arith.maximumf %while3A_307, %get3A_324 : vector<16xf32>
        %max3A_356 = arith.maximumf %while3A_308, %get3A_328 : vector<16xf32>
        %max3A_357 = arith.maximumf %while3A_309, %get3A_332 : vector<16xf32>
        %max3A_358 = arith.maximumf %while3A_310, %get3A_336 : vector<16xf32>
        %max3A_359 = arith.maximumf %while3A_311, %get3A_340 : vector<16xf32>
        %max3A_360 = arith.maximumf %while3A_312, %get3A_344 : vector<16xf32>
        scf.yield %add3A_345, %add3A_346, %add3A_347, %add3A_348, %add3A_349, %add3A_350, %add3A_351, %add3A_352, %max3A_353, %max3A_354, %max3A_355, %max3A_356, %max3A_357, %max3A_358, %max3A_359, %max3A_360 : vector<16xf32>, vector<16xf32>, vector<16xf32>, vector<16xf32>, vector<16xf32>, vector<16xf32>, vector<16xf32>, vector<16xf32>, vector<16xf32>, vector<16xf32>, vector<16xf32>, vector<16xf32>, vector<16xf32>, vector<16xf32>, vector<16xf32>, vector<16xf32>
      }
      %while3A_291 = arith.constant 1 : i32
      %while3A_292:16 = scf.for %while3A_296 = %while3A_288 to %while3A_284 step %while3A_291 iter_args(%while3A_297 = %while3A_290#0, %while3A_298 = %while3A_290#1, %while3A_299 = %while3A_290#2, %while3A_300 = %while3A_290#3, %while3A_301 = %while3A_290#4, %while3A_302 = %while3A_290#5, %while3A_303 = %while3A_290#6, %while3A_304 = %while3A_290#7, %while3A_305 = %while3A_290#8, %while3A_306 = %while3A_290#9, %while3A_307 = %while3A_290#10, %while3A_308 = %while3A_290#11, %while3A_309 = %while3A_290#12, %while3A_310 = %while3A_290#13, %while3A_311 = %while3A_290#14, %while3A_312 = %while3A_290#15) -> (vector<16xf32>, vector<16xf32>, vector<16xf32>, vector<16xf32>, vector<16xf32>, vector<16xf32>, vector<16xf32>, vector<16xf32>, vector<16xf32>, vector<16xf32>, vector<16xf32>, vector<16xf32>, vector<16xf32>, vector<16xf32>, vector<16xf32>, vector<16xf32>)  : i32 {
        %get3A_313 = arith.index_cast %while3A_296 : i32 to index
        %get3A_314 = arith.constant 0 : index
        %get3A_315 = tpu.vector_load %arg8[%get3A_313, %get3A_314] {strides = array<i32>} : memref<448x128xf32, #tpu.memory_space<vmem>>, vector<1x16xf32>,
        %get3A_316 = vector.shape_cast %get3A_315 : vector<1x16xf32> to vector<16xf32>
        %get3A_317 = arith.index_cast %while3A_296 : i32 to index
        %get3A_318 = arith.constant 16 : index
        %get3A_319 = tpu.vector_load %arg8[%get3A_317, %get3A_318] {strides = array<i32>} : memref<448x128xf32, #tpu.memory_space<vmem>>, vector<1x16xf32>,
        %get3A_320 = vector.shape_cast %get3A_319 : vector<1x16xf32> to vector<16xf32>
        %get3A_321 = arith.index_cast %while3A_296 : i32 to index
        %get3A_322 = arith.constant 32 : index
        %get3A_323 = tpu.vector_load %arg8[%get3A_321, %get3A_322] {strides = array<i32>} : memref<448x128xf32, #tpu.memory_space<vmem>>, vector<1x16xf32>,
        %get3A_324 = vector.shape_cast %get3A_323 : vector<1x16xf32> to vector<16xf32>
        %get3A_325 = arith.index_cast %while3A_296 : i32 to index
        %get3A_326 = arith.constant 48 : index
        %get3A_327 = tpu.vector_load %arg8[%get3A_325, %get3A_326] {strides = array<i32>} : memref<448x128xf32, #tpu.memory_space<vmem>>, vector<1x16xf32>,
        %get3A_328 = vector.shape_cast %get3A_327 : vector<1x16xf32> to vector<16xf32>
        %get3A_329 = arith.index_cast %while3A_296 : i32 to index
        %get3A_330 = arith.constant 64 : index
        %get3A_331 = tpu.vector_load %arg8[%get3A_329, %get3A_330] {strides = array<i32>} : memref<448x128xf32, #tpu.memory_space<vmem>>, vector<1x16xf32>,
        %get3A_332 = vector.shape_cast %get3A_331 : vector<1x16xf32> to vector<16xf32>
        %get3A_333 = arith.index_cast %while3A_296 : i32 to index
        %get3A_334 = arith.constant 80 : index
        %get3A_335 = tpu.vector_load %arg8[%get3A_333, %get3A_334] {strides = array<i32>} : memref<448x128xf32, #tpu.memory_space<vmem>>, vector<1x16xf32>,
        %get3A_336 = vector.shape_cast %get3A_335 : vector<1x16xf32> to vector<16xf32>
        %get3A_337 = arith.index_cast %while3A_296 : i32 to index
        %get3A_338 = arith.constant 96 : index
        %get3A_339 = tpu.vector_load %arg8[%get3A_337, %get3A_338] {strides = array<i32>} : memref<448x128xf32, #tpu.memory_space<vmem>>, vector<1x16xf32>,
        %get3A_340 = vector.shape_cast %get3A_339 : vector<1x16xf32> to vector<16xf32>
        %get3A_341 = arith.index_cast %while3A_296 : i32 to index
        %get3A_342 = arith.constant 112 : index
        %get3A_343 = tpu.vector_load %arg8[%get3A_341, %get3A_342] {strides = array<i32>} : memref<448x128xf32, #tpu.memory_space<vmem>>, vector<1x16xf32>,
        %get3A_344 = vector.shape_cast %get3A_343 : vector<1x16xf32> to vector<16xf32>
        %add3A_345 = arith.addf %while3A_297, %get3A_316 : vector<16xf32>
        %add3A_346 = arith.addf %while3A_298, %get3A_320 : vector<16xf32>
        %add3A_347 = arith.addf %while3A_299, %get3A_324 : vector<16xf32>
        %add3A_348 = arith.addf %while3A_300, %get3A_328 : vector<16xf32>
        %add3A_349 = arith.addf %while3A_301, %get3A_332 : vector<16xf32>
        %add3A_350 = arith.addf %while3A_302, %get3A_336 : vector<16xf32>
        %add3A_351 = arith.addf %while3A_303, %get3A_340 : vector<16xf32>
        %add3A_352 = arith.addf %while3A_304, %get3A_344 : vector<16xf32>
        %max3A_353 = arith.maximumf %while3A_305, %get3A_316 : vector<16xf32>
        %max3A_354 = arith.maximumf %while3A_306, %get3A_320 : vector<16xf32>
        %max3A_355 = arith.maximumf %while3A_307, %get3A_324 : vector<16xf32>
        %max3A_356 = arith.maximumf %while3A_308, %get3A_328 : vector<16xf32>
        %max3A_357 = arith.maximumf %while3A_309, %get3A_332 : vector<16xf32>
        %max3A_358 = arith.maximumf %while3A_310, %get3A_336 : vector<16xf32>
        %max3A_359 = arith.maximumf %while3A_311, %get3A_340 : vector<16xf32>
        %max3A_360 = arith.maximumf %while3A_312, %get3A_344 : vector<16xf32>
        scf.yield %add3A_345, %add3A_346, %add3A_347, %add3A_348, %add3A_349, %add3A_350, %add3A_351, %add3A_352, %max3A_353, %max3A_354, %max3A_355, %max3A_356, %max3A_357, %max3A_358, %max3A_359, %max3A_360 : vector<16xf32>, vector<16xf32>, vector<16xf32>, vector<16xf32>, vector<16xf32>, vector<16xf32>, vector<16xf32>, vector<16xf32>, vector<16xf32>, vector<16xf32>, vector<16xf32>, vector<16xf32>, vector<16xf32>, vector<16xf32>, vector<16xf32>, vector<16xf32>
      }
      %gt3A = arith.cmpi sgt, %sub3A_282, %sub3A_275 : i32
      %convert_element_type3A_293 = arith.extui %gt3A : i1 to i32
      %cond3A_294 = arith.constant 0 : i32
      %cond3A_295 = arith.cmpi ne, %convert_element_type3A_293, %cond3A_294 : i32
      scf.if %cond3A_295 {
        %mul3A_296 = arith.constant 128 : i32
        %mul3A_297 = arith.muli %while3A_270, %mul3A_296 : i32
        %add3A_298 = arith.constant 0 : i32
        %add3A_299 = arith.addi %mul3A_297, %add3A_298 : i32
        %get3A_300 = arith.index_cast %add3A_299 : i32 to index
        %get3A_301 = tpu.vector_load %arg10[%get3A_300] {strides = array<i32>} : memref<4224xf32, #tpu.memory_space<vmem>>, vector<16xf32>,
        %get3A_302 = vector.shape_cast %get3A_301 : vector<16xf32> to vector<16xf32>
        %add3A_303 = arith.addf %get3A_302, %while3A_292#0 : vector<16xf32>
        %swap3A = arith.index_cast %add3A_299 : i32 to index
        %swap3A_304 = tpu.vector_load %arg10[%swap3A] {strides = array<i32>} : memref<4224xf32, #tpu.memory_space<vmem>>, vector<16xf32>,
        %swap3A_305 = vector.shape_cast %swap3A_304 : vector<16xf32> to vector<16xf32>
        %swap3A_306 = vector.shape_cast %add3A_303 : vector<16xf32> to vector<16xf32>
        tpu.vector_store %arg10[%swap3A], %swap3A_306 {strides = array<i32>} : memref<4224xf32, #tpu.memory_space<vmem>>, vector<16xf32>,
        %get3A_307 = arith.index_cast %add3A_299 : i32 to index
        %get3A_308 = tpu.vector_load %arg11[%get3A_307] {strides = array<i32>} : memref<4224xf32, #tpu.memory_space<vmem>>, vector<16xf32>,
        %get3A_309 = vector.shape_cast %get3A_308 : vector<16xf32> to vector<16xf32>
        %max3A_310 = arith.maximumf %get3A_309, %while3A_292#8 : vector<16xf32>
        %swap3A_311 = arith.index_cast %add3A_299 : i32 to index
        %swap3A_312 = tpu.vector_load %arg11[%swap3A_311] {strides = array<i32>} : memref<4224xf32, #tpu.memory_space<vmem>>, vector<16xf32>,
        %swap3A_313 = vector.shape_cast %swap3A_312 : vector<16xf32> to vector<16xf32>
        %swap3A_314 = vector.shape_cast %max3A_310 : vector<16xf32> to vector<16xf32>
        tpu.vector_store %arg11[%swap3A_311], %swap3A_314 {strides = array<i32>} : memref<4224xf32, #tpu.memory_space<vmem>>, vector<16xf32>,
        %add3A_315 = arith.constant 16 : i32
        %add3A_316 = arith.addi %mul3A_297, %add3A_315 : i32
        %get3A_317 = arith.index_cast %add3A_316 : i32 to index
        %get3A_318 = tpu.vector_load %arg10[%get3A_317] {strides = array<i32>} : memref<4224xf32, #tpu.memory_space<vmem>>, vector<16xf32>,
        %get3A_319 = vector.shape_cast %get3A_318 : vector<16xf32> to vector<16xf32>
        %add3A_320 = arith.addf %get3A_319, %while3A_292#1 : vector<16xf32>
        %swap3A_321 = arith.index_cast %add3A_316 : i32 to index
        %swap3A_322 = tpu.vector_load %arg10[%swap3A_321] {strides = array<i32>} : memref<4224xf32, #tpu.memory_space<vmem>>, vector<16xf32>,
        %swap3A_323 = vector.shape_cast %swap3A_322 : vector<16xf32> to vector<16xf32>
        %swap3A_324 = vector.shape_cast %add3A_320 : vector<16xf32> to vector<16xf32>
        tpu.vector_store %arg10[%swap3A_321], %swap3A_324 {strides = array<i32>} : memref<4224xf32, #tpu.memory_space<vmem>>, vector<16xf32>,
        %get3A_325 = arith.index_cast %add3A_316 : i32 to index
        %get3A_326 = tpu.vector_load %arg11[%get3A_325] {strides = array<i32>} : memref<4224xf32, #tpu.memory_space<vmem>>, vector<16xf32>,
        %get3A_327 = vector.shape_cast %get3A_326 : vector<16xf32> to vector<16xf32>
        %max3A_328 = arith.maximumf %get3A_327, %while3A_292#9 : vector<16xf32>
        %swap3A_329 = arith.index_cast %add3A_316 : i32 to index
        %swap3A_330 = tpu.vector_load %arg11[%swap3A_329] {strides = array<i32>} : memref<4224xf32, #tpu.memory_space<vmem>>, vector<16xf32>,
        %swap3A_331 = vector.shape_cast %swap3A_330 : vector<16xf32> to vector<16xf32>
        %swap3A_332 = vector.shape_cast %max3A_328 : vector<16xf32> to vector<16xf32>
        tpu.vector_store %arg11[%swap3A_329], %swap3A_332 {strides = array<i32>} : memref<4224xf32, #tpu.memory_space<vmem>>, vector<16xf32>,
        %add3A_333 = arith.constant 32 : i32
        %add3A_334 = arith.addi %mul3A_297, %add3A_333 : i32
        %get3A_335 = arith.index_cast %add3A_334 : i32 to index
        %get3A_336 = tpu.vector_load %arg10[%get3A_335] {strides = array<i32>} : memref<4224xf32, #tpu.memory_space<vmem>>, vector<16xf32>,
        %get3A_337 = vector.shape_cast %get3A_336 : vector<16xf32> to vector<16xf32>
        %add3A_338 = arith.addf %get3A_337, %while3A_292#2 : vector<16xf32>
        %swap3A_339 = arith.index_cast %add3A_334 : i32 to index
        %swap3A_340 = tpu.vector_load %arg10[%swap3A_339] {strides = array<i32>} : memref<4224xf32, #tpu.memory_space<vmem>>, vector<16xf32>,
        %swap3A_341 = vector.shape_cast %swap3A_340 : vector<16xf32> to vector<16xf32>
        %swap3A_342 = vector.shape_cast %add3A_338 : vector<16xf32> to vector<16xf32>
        tpu.vector_store %arg10[%swap3A_339], %swap3A_342 {strides = array<i32>} : memref<4224xf32, #tpu.memory_space<vmem>>, vector<16xf32>,
        %get3A_343 = arith.index_cast %add3A_334 : i32 to index
        %get3A_344 = tpu.vector_load %arg11[%get3A_343] {strides = array<i32>} : memref<4224xf32, #tpu.memory_space<vmem>>, vector<16xf32>,
        %get3A_345 = vector.shape_cast %get3A_344 : vector<16xf32> to vector<16xf32>
        %max3A_346 = arith.maximumf %get3A_345, %while3A_292#10 : vector<16xf32>
        %swap3A_347 = arith.index_cast %add3A_334 : i32 to index
        %swap3A_348 = tpu.vector_load %arg11[%swap3A_347] {strides = array<i32>} : memref<4224xf32, #tpu.memory_space<vmem>>, vector<16xf32>,
        %swap3A_349 = vector.shape_cast %swap3A_348 : vector<16xf32> to vector<16xf32>
        %swap3A_350 = vector.shape_cast %max3A_346 : vector<16xf32> to vector<16xf32>
        tpu.vector_store %arg11[%swap3A_347], %swap3A_350 {strides = array<i32>} : memref<4224xf32, #tpu.memory_space<vmem>>, vector<16xf32>,
        %add3A_351 = arith.constant 48 : i32
        %add3A_352 = arith.addi %mul3A_297, %add3A_351 : i32
        %get3A_353 = arith.index_cast %add3A_352 : i32 to index
        %get3A_354 = tpu.vector_load %arg10[%get3A_353] {strides = array<i32>} : memref<4224xf32, #tpu.memory_space<vmem>>, vector<16xf32>,
        %get3A_355 = vector.shape_cast %get3A_354 : vector<16xf32> to vector<16xf32>
        %add3A_356 = arith.addf %get3A_355, %while3A_292#3 : vector<16xf32>
        %swap3A_357 = arith.index_cast %add3A_352 : i32 to index
        %swap3A_358 = tpu.vector_load %arg10[%swap3A_357] {strides = array<i32>} : memref<4224xf32, #tpu.memory_space<vmem>>, vector<16xf32>,
        %swap3A_359 = vector.shape_cast %swap3A_358 : vector<16xf32> to vector<16xf32>
        %swap3A_360 = vector.shape_cast %add3A_356 : vector<16xf32> to vector<16xf32>
        tpu.vector_store %arg10[%swap3A_357], %swap3A_360 {strides = array<i32>} : memref<4224xf32, #tpu.memory_space<vmem>>, vector<16xf32>,
        %get3A_361 = arith.index_cast %add3A_352 : i32 to index
        %get3A_362 = tpu.vector_load %arg11[%get3A_361] {strides = array<i32>} : memref<4224xf32, #tpu.memory_space<vmem>>, vector<16xf32>,
        %get3A_363 = vector.shape_cast %get3A_362 : vector<16xf32> to vector<16xf32>
        %max3A_364 = arith.maximumf %get3A_363, %while3A_292#11 : vector<16xf32>
        %swap3A_365 = arith.index_cast %add3A_352 : i32 to index
        %swap3A_366 = tpu.vector_load %arg11[%swap3A_365] {strides = array<i32>} : memref<4224xf32, #tpu.memory_space<vmem>>, vector<16xf32>,
        %swap3A_367 = vector.shape_cast %swap3A_366 : vector<16xf32> to vector<16xf32>
        %swap3A_368 = vector.shape_cast %max3A_364 : vector<16xf32> to vector<16xf32>
        tpu.vector_store %arg11[%swap3A_365], %swap3A_368 {strides = array<i32>} : memref<4224xf32, #tpu.memory_space<vmem>>, vector<16xf32>,
        %add3A_369 = arith.constant 64 : i32
        %add3A_370 = arith.addi %mul3A_297, %add3A_369 : i32
        %get3A_371 = arith.index_cast %add3A_370 : i32 to index
        %get3A_372 = tpu.vector_load %arg10[%get3A_371] {strides = array<i32>} : memref<4224xf32, #tpu.memory_space<vmem>>, vector<16xf32>,
        %get3A_373 = vector.shape_cast %get3A_372 : vector<16xf32> to vector<16xf32>
        %add3A_374 = arith.addf %get3A_373, %while3A_292#4 : vector<16xf32>
        %swap3A_375 = arith.index_cast %add3A_370 : i32 to index
        %swap3A_376 = tpu.vector_load %arg10[%swap3A_375] {strides = array<i32>} : memref<4224xf32, #tpu.memory_space<vmem>>, vector<16xf32>,
        %swap3A_377 = vector.shape_cast %swap3A_376 : vector<16xf32> to vector<16xf32>
        %swap3A_378 = vector.shape_cast %add3A_374 : vector<16xf32> to vector<16xf32>
        tpu.vector_store %arg10[%swap3A_375], %swap3A_378 {strides = array<i32>} : memref<4224xf32, #tpu.memory_space<vmem>>, vector<16xf32>,
        %get3A_379 = arith.index_cast %add3A_370 : i32 to index
        %get3A_380 = tpu.vector_load %arg11[%get3A_379] {strides = array<i32>} : memref<4224xf32, #tpu.memory_space<vmem>>, vector<16xf32>,
        %get3A_381 = vector.shape_cast %get3A_380 : vector<16xf32> to vector<16xf32>
        %max3A_382 = arith.maximumf %get3A_381, %while3A_292#12 : vector<16xf32>
        %swap3A_383 = arith.index_cast %add3A_370 : i32 to index
        %swap3A_384 = tpu.vector_load %arg11[%swap3A_383] {strides = array<i32>} : memref<4224xf32, #tpu.memory_space<vmem>>, vector<16xf32>,
        %swap3A_385 = vector.shape_cast %swap3A_384 : vector<16xf32> to vector<16xf32>
        %swap3A_386 = vector.shape_cast %max3A_382 : vector<16xf32> to vector<16xf32>
        tpu.vector_store %arg11[%swap3A_383], %swap3A_386 {strides = array<i32>} : memref<4224xf32, #tpu.memory_space<vmem>>, vector<16xf32>,
        %add3A_387 = arith.constant 80 : i32
        %add3A_388 = arith.addi %mul3A_297, %add3A_387 : i32
        %get3A_389 = arith.index_cast %add3A_388 : i32 to index
        %get3A_390 = tpu.vector_load %arg10[%get3A_389] {strides = array<i32>} : memref<4224xf32, #tpu.memory_space<vmem>>, vector<16xf32>,
        %get3A_391 = vector.shape_cast %get3A_390 : vector<16xf32> to vector<16xf32>
        %add3A_392 = arith.addf %get3A_391, %while3A_292#5 : vector<16xf32>
        %swap3A_393 = arith.index_cast %add3A_388 : i32 to index
        %swap3A_394 = tpu.vector_load %arg10[%swap3A_393] {strides = array<i32>} : memref<4224xf32, #tpu.memory_space<vmem>>, vector<16xf32>,
        %swap3A_395 = vector.shape_cast %swap3A_394 : vector<16xf32> to vector<16xf32>
        %swap3A_396 = vector.shape_cast %add3A_392 : vector<16xf32> to vector<16xf32>
        tpu.vector_store %arg10[%swap3A_393], %swap3A_396 {strides = array<i32>} : memref<4224xf32, #tpu.memory_space<vmem>>, vector<16xf32>,
        %get3A_397 = arith.index_cast %add3A_388 : i32 to index
        %get3A_398 = tpu.vector_load %arg11[%get3A_397] {strides = array<i32>} : memref<4224xf32, #tpu.memory_space<vmem>>, vector<16xf32>,
        %get3A_399 = vector.shape_cast %get3A_398 : vector<16xf32> to vector<16xf32>
        %max3A_400 = arith.maximumf %get3A_399, %while3A_292#13 : vector<16xf32>
        %swap3A_401 = arith.index_cast %add3A_388 : i32 to index
        %swap3A_402 = tpu.vector_load %arg11[%swap3A_401] {strides = array<i32>} : memref<4224xf32, #tpu.memory_space<vmem>>, vector<16xf32>,
        %swap3A_403 = vector.shape_cast %swap3A_402 : vector<16xf32> to vector<16xf32>
        %swap3A_404 = vector.shape_cast %max3A_400 : vector<16xf32> to vector<16xf32>
        tpu.vector_store %arg11[%swap3A_401], %swap3A_404 {strides = array<i32>} : memref<4224xf32, #tpu.memory_space<vmem>>, vector<16xf32>,
        %add3A_405 = arith.constant 96 : i32
        %add3A_406 = arith.addi %mul3A_297, %add3A_405 : i32
        %get3A_407 = arith.index_cast %add3A_406 : i32 to index
        %get3A_408 = tpu.vector_load %arg10[%get3A_407] {strides = array<i32>} : memref<4224xf32, #tpu.memory_space<vmem>>, vector<16xf32>,
        %get3A_409 = vector.shape_cast %get3A_408 : vector<16xf32> to vector<16xf32>
        %add3A_410 = arith.addf %get3A_409, %while3A_292#6 : vector<16xf32>
        %swap3A_411 = arith.index_cast %add3A_406 : i32 to index
        %swap3A_412 = tpu.vector_load %arg10[%swap3A_411] {strides = array<i32>} : memref<4224xf32, #tpu.memory_space<vmem>>, vector<16xf32>,
        %swap3A_413 = vector.shape_cast %swap3A_412 : vector<16xf32> to vector<16xf32>
        %swap3A_414 = vector.shape_cast %add3A_410 : vector<16xf32> to vector<16xf32>
        tpu.vector_store %arg10[%swap3A_411], %swap3A_414 {strides = array<i32>} : memref<4224xf32, #tpu.memory_space<vmem>>, vector<16xf32>,
        %get3A_415 = arith.index_cast %add3A_406 : i32 to index
        %get3A_416 = tpu.vector_load %arg11[%get3A_415] {strides = array<i32>} : memref<4224xf32, #tpu.memory_space<vmem>>, vector<16xf32>,
        %get3A_417 = vector.shape_cast %get3A_416 : vector<16xf32> to vector<16xf32>
        %max3A_418 = arith.maximumf %get3A_417, %while3A_292#14 : vector<16xf32>
        %swap3A_419 = arith.index_cast %add3A_406 : i32 to index
        %swap3A_420 = tpu.vector_load %arg11[%swap3A_419] {strides = array<i32>} : memref<4224xf32, #tpu.memory_space<vmem>>, vector<16xf32>,
        %swap3A_421 = vector.shape_cast %swap3A_420 : vector<16xf32> to vector<16xf32>
        %swap3A_422 = vector.shape_cast %max3A_418 : vector<16xf32> to vector<16xf32>
        tpu.vector_store %arg11[%swap3A_419], %swap3A_422 {strides = array<i32>} : memref<4224xf32, #tpu.memory_space<vmem>>, vector<16xf32>,
        %add3A_423 = arith.constant 112 : i32
        %add3A_424 = arith.addi %mul3A_297, %add3A_423 : i32
        %get3A_425 = arith.index_cast %add3A_424 : i32 to index
        %get3A_426 = tpu.vector_load %arg10[%get3A_425] {strides = array<i32>} : memref<4224xf32, #tpu.memory_space<vmem>>, vector<16xf32>,
        %get3A_427 = vector.shape_cast %get3A_426 : vector<16xf32> to vector<16xf32>
        %add3A_428 = arith.addf %get3A_427, %while3A_292#7 : vector<16xf32>
        %swap3A_429 = arith.index_cast %add3A_424 : i32 to index
        %swap3A_430 = tpu.vector_load %arg10[%swap3A_429] {strides = array<i32>} : memref<4224xf32, #tpu.memory_space<vmem>>, vector<16xf32>,
        %swap3A_431 = vector.shape_cast %swap3A_430 : vector<16xf32> to vector<16xf32>
        %swap3A_432 = vector.shape_cast %add3A_428 : vector<16xf32> to vector<16xf32>
        tpu.vector_store %arg10[%swap3A_429], %swap3A_432 {strides = array<i32>} : memref<4224xf32, #tpu.memory_space<vmem>>, vector<16xf32>,
        %get3A_433 = arith.index_cast %add3A_424 : i32 to index
        %get3A_434 = tpu.vector_load %arg11[%get3A_433] {strides = array<i32>} : memref<4224xf32, #tpu.memory_space<vmem>>, vector<16xf32>,
        %get3A_435 = vector.shape_cast %get3A_434 : vector<16xf32> to vector<16xf32>
        %max3A_436 = arith.maximumf %get3A_435, %while3A_292#15 : vector<16xf32>
        %swap3A_437 = arith.index_cast %add3A_424 : i32 to index
        %swap3A_438 = tpu.vector_load %arg11[%swap3A_437] {strides = array<i32>} : memref<4224xf32, #tpu.memory_space<vmem>>, vector<16xf32>,
        %swap3A_439 = vector.shape_cast %swap3A_438 : vector<16xf32> to vector<16xf32>
        %swap3A_440 = vector.shape_cast %max3A_436 : vector<16xf32> to vector<16xf32>
        tpu.vector_store %arg11[%swap3A_437], %swap3A_440 {strides = array<i32>} : memref<4224xf32, #tpu.memory_space<vmem>>, vector<16xf32>,
      } else {
      }
    }
    %sub3A_202 = arith.constant 448 : i32
    %sub3A_203 = arith.subi %select_n3A, %sub3A_202 : i32
    %add3A_204 = arith.addi %select_n3A_10, %sub3A_203 : i32
    %dma_wait3A_205 = arith.constant 0 : i32
    %dma_wait3A_206 = tpu.memref_slice %arg2[%add3A_204, %dma_wait3A_205] : memref<100000x128xf32, #tpu.memory_space<hbm>> -> memref<448x128xf32, #tpu.memory_space<hbm>>
    %dma_wait3A_207 = arith.constant 0 : i32
    %dma_wait3A_208 = tpu.memref_slice %arg2[%add3A_204, %dma_wait3A_207] : memref<100000x128xf32, #tpu.memory_space<hbm>> -> memref<448x128xf32, #tpu.memory_space<hbm>>
    tpu.wait_dma2 semaphore(%arg15 : memref<!tpu.dma_semaphore, #tpu.memory_space<semaphore_mem>>) src(%dma_wait3A_208 : memref<448x128xf32, #tpu.memory_space<hbm>>) dst(%arg9 : memref<448x128xf32, #tpu.memory_space<vmem>>)
    %sub3A_209 = arith.constant 448 : i32
    %sub3A_210 = arith.subi %select_n3A, %sub3A_209 : i32
    %get3A_211 = arith.constant 2240 : index
    %get3A_212 = tpu.vector_load %arg7[%get3A_211] {strides = array<i32>} : memref<2272xi32, #tpu.memory_space<vmem>>, vector<16xi32>,
    %get3A_213 = vector.shape_cast %get3A_212 : vector<16xi32> to vector<16xi32>
    %slice3A_214 = vector.extract_strided_slice %get3A_213 {offsets = [0], sizes = [1], strides = [1]} : vector<16xi32> to vector<1xi32>
    %squeeze3A_215 = vector.extract %slice3A_214[0] : i32 from vector<1xi32>
    %sub3A_216 = arith.constant 1 : i32
    %sub3A_217 = arith.subi %select_n3A, %sub3A_216 : i32
    %get3A_218 = arith.index_cast %sub3A_217 : i32 to index
    %get3A_219 = tpu.vector_load %arg7[%get3A_218] {strides = array<i32>} : memref<2272xi32, #tpu.memory_space<vmem>>, vector<16xi32>,
    %get3A_220 = vector.shape_cast %get3A_219 : vector<16xi32> to vector<16xi32>
    %slice3A_221 = vector.extract_strided_slice %get3A_220 {offsets = [0], sizes = [1], strides = [1]} : vector<16xi32> to vector<1xi32>
    %squeeze3A_222 = vector.extract %slice3A_221[0] : i32 from vector<1xi32>
    %add3A_223 = arith.constant 1 : i32
    %add3A_224 = arith.addi %squeeze3A_222, %add3A_223 : i32
    %while3A_225 = arith.constant 0 : i32
    %while3A_226 = arith.subi %add3A_224, %squeeze3A_215 : i32
    %while3A_227 = arith.addi %squeeze3A_215, %while3A_226 : i32
    %while3A_228 = arith.constant 1 : i32
    %while3A_229 = arith.divsi %while3A_226, %while3A_228 : i32
    %while3A_230 = arith.muli %while3A_229, %while3A_228 : i32
    %while3A_231 = arith.addi %squeeze3A_215, %while3A_230 : i32
    %while3A_232 = arith.constant 1 : i32
    scf.for %while3A_270 = %squeeze3A_215 to %while3A_231 step %while3A_232  : i32 {
      %get3A_271 = arith.index_cast %while3A_270 : i32 to index
      %get3A_272 = memref.load %arg13[%get3A_271] : memref<34xi32, #tpu.memory_space<smem>>
      %max3A = arith.constant 2240 : i32
      %max3A_273 = arith.maxsi %get3A_272, %max3A : i32
      %sub3A_274 = arith.subi %max3A_273, %sub3A_210 : i32
      %add3A_275 = arith.constant 1 : i32
      %add3A_276 = arith.addi %while3A_270, %add3A_275 : i32
      %get3A_277 = arith.index_cast %add3A_276 : i32 to index
      %get3A_278 = memref.load %arg13[%get3A_277] : memref<34xi32, #tpu.memory_space<smem>>
      %min3A = arith.minsi %get3A_278, %select_n3A : i32
      %sub3A_279 = arith.subi %min3A, %sub3A_210 : i32
      %while3A_280 = arith.subi %sub3A_279, %sub3A_274 : i32
      %while3A_281 = arith.addi %sub3A_274, %while3A_280 : i32
      %while3A_282 = arith.constant 1 : i32
      %while3A_283 = arith.divsi %while3A_280, %while3A_282 : i32
      %while3A_284 = arith.muli %while3A_283, %while3A_282 : i32
      %while3A_285 = arith.addi %sub3A_274, %while3A_284 : i32
      %while3A_286 = arith.constant 1 : i32
      %while3A_287:16 = scf.for %while3A_293 = %sub3A_274 to %while3A_285 step %while3A_286 iter_args(%while3A_294 = %broadcast_in_dim3A_16, %while3A_295 = %broadcast_in_dim3A_16, %while3A_296 = %broadcast_in_dim3A_16, %while3A_297 = %broadcast_in_dim3A_16, %while3A_298 = %broadcast_in_dim3A_16, %while3A_299 = %broadcast_in_dim3A_16, %while3A_300 = %broadcast_in_dim3A_16, %while3A_301 = %broadcast_in_dim3A_16, %while3A_302 = %broadcast_in_dim3A_18, %while3A_303 = %broadcast_in_dim3A_18, %while3A_304 = %broadcast_in_dim3A_18, %while3A_305 = %broadcast_in_dim3A_18, %while3A_306 = %broadcast_in_dim3A_18, %while3A_307 = %broadcast_in_dim3A_18, %while3A_308 = %broadcast_in_dim3A_18, %while3A_309 = %broadcast_in_dim3A_18) -> (vector<16xf32>, vector<16xf32>, vector<16xf32>, vector<16xf32>, vector<16xf32>, vector<16xf32>, vector<16xf32>, vector<16xf32>, vector<16xf32>, vector<16xf32>, vector<16xf32>, vector<16xf32>, vector<16xf32>, vector<16xf32>, vector<16xf32>, vector<16xf32>)  : i32 {
        %get3A_310 = arith.index_cast %while3A_293 : i32 to index
        %get3A_311 = arith.constant 0 : index
        %get3A_312 = tpu.vector_load %arg9[%get3A_310, %get3A_311] {strides = array<i32>} : memref<448x128xf32, #tpu.memory_space<vmem>>, vector<1x16xf32>,
        %get3A_313 = vector.shape_cast %get3A_312 : vector<1x16xf32> to vector<16xf32>
        %get3A_314 = arith.index_cast %while3A_293 : i32 to index
        %get3A_315 = arith.constant 16 : index
        %get3A_316 = tpu.vector_load %arg9[%get3A_314, %get3A_315] {strides = array<i32>} : memref<448x128xf32, #tpu.memory_space<vmem>>, vector<1x16xf32>,
        %get3A_317 = vector.shape_cast %get3A_316 : vector<1x16xf32> to vector<16xf32>
        %get3A_318 = arith.index_cast %while3A_293 : i32 to index
        %get3A_319 = arith.constant 32 : index
        %get3A_320 = tpu.vector_load %arg9[%get3A_318, %get3A_319] {strides = array<i32>} : memref<448x128xf32, #tpu.memory_space<vmem>>, vector<1x16xf32>,
        %get3A_321 = vector.shape_cast %get3A_320 : vector<1x16xf32> to vector<16xf32>
        %get3A_322 = arith.index_cast %while3A_293 : i32 to index
        %get3A_323 = arith.constant 48 : index
        %get3A_324 = tpu.vector_load %arg9[%get3A_322, %get3A_323] {strides = array<i32>} : memref<448x128xf32, #tpu.memory_space<vmem>>, vector<1x16xf32>,
        %get3A_325 = vector.shape_cast %get3A_324 : vector<1x16xf32> to vector<16xf32>
        %get3A_326 = arith.index_cast %while3A_293 : i32 to index
        %get3A_327 = arith.constant 64 : index
        %get3A_328 = tpu.vector_load %arg9[%get3A_326, %get3A_327] {strides = array<i32>} : memref<448x128xf32, #tpu.memory_space<vmem>>, vector<1x16xf32>,
        %get3A_329 = vector.shape_cast %get3A_328 : vector<1x16xf32> to vector<16xf32>
        %get3A_330 = arith.index_cast %while3A_293 : i32 to index
        %get3A_331 = arith.constant 80 : index
        %get3A_332 = tpu.vector_load %arg9[%get3A_330, %get3A_331] {strides = array<i32>} : memref<448x128xf32, #tpu.memory_space<vmem>>, vector<1x16xf32>,
        %get3A_333 = vector.shape_cast %get3A_332 : vector<1x16xf32> to vector<16xf32>
        %get3A_334 = arith.index_cast %while3A_293 : i32 to index
        %get3A_335 = arith.constant 96 : index
        %get3A_336 = tpu.vector_load %arg9[%get3A_334, %get3A_335] {strides = array<i32>} : memref<448x128xf32, #tpu.memory_space<vmem>>, vector<1x16xf32>,
        %get3A_337 = vector.shape_cast %get3A_336 : vector<1x16xf32> to vector<16xf32>
        %get3A_338 = arith.index_cast %while3A_293 : i32 to index
        %get3A_339 = arith.constant 112 : index
        %get3A_340 = tpu.vector_load %arg9[%get3A_338, %get3A_339] {strides = array<i32>} : memref<448x128xf32, #tpu.memory_space<vmem>>, vector<1x16xf32>,
        %get3A_341 = vector.shape_cast %get3A_340 : vector<1x16xf32> to vector<16xf32>
        %add3A_342 = arith.addf %while3A_294, %get3A_313 : vector<16xf32>
        %add3A_343 = arith.addf %while3A_295, %get3A_317 : vector<16xf32>
        %add3A_344 = arith.addf %while3A_296, %get3A_321 : vector<16xf32>
        %add3A_345 = arith.addf %while3A_297, %get3A_325 : vector<16xf32>
        %add3A_346 = arith.addf %while3A_298, %get3A_329 : vector<16xf32>
        %add3A_347 = arith.addf %while3A_299, %get3A_333 : vector<16xf32>
        %add3A_348 = arith.addf %while3A_300, %get3A_337 : vector<16xf32>
        %add3A_349 = arith.addf %while3A_301, %get3A_341 : vector<16xf32>
        %max3A_350 = arith.maximumf %while3A_302, %get3A_313 : vector<16xf32>
        %max3A_351 = arith.maximumf %while3A_303, %get3A_317 : vector<16xf32>
        %max3A_352 = arith.maximumf %while3A_304, %get3A_321 : vector<16xf32>
        %max3A_353 = arith.maximumf %while3A_305, %get3A_325 : vector<16xf32>
        %max3A_354 = arith.maximumf %while3A_306, %get3A_329 : vector<16xf32>
        %max3A_355 = arith.maximumf %while3A_307, %get3A_333 : vector<16xf32>
        %max3A_356 = arith.maximumf %while3A_308, %get3A_337 : vector<16xf32>
        %max3A_357 = arith.maximumf %while3A_309, %get3A_341 : vector<16xf32>
        scf.yield %add3A_342, %add3A_343, %add3A_344, %add3A_345, %add3A_346, %add3A_347, %add3A_348, %add3A_349, %max3A_350, %max3A_351, %max3A_352, %max3A_353, %max3A_354, %max3A_355, %max3A_356, %max3A_357 : vector<16xf32>, vector<16xf32>, vector<16xf32>, vector<16xf32>, vector<16xf32>, vector<16xf32>, vector<16xf32>, vector<16xf32>, vector<16xf32>, vector<16xf32>, vector<16xf32>, vector<16xf32>, vector<16xf32>, vector<16xf32>, vector<16xf32>, vector<16xf32>
      }
      %while3A_288 = arith.constant 1 : i32
      %while3A_289:16 = scf.for %while3A_293 = %while3A_285 to %while3A_281 step %while3A_288 iter_args(%while3A_294 = %while3A_287#0, %while3A_295 = %while3A_287#1, %while3A_296 = %while3A_287#2, %while3A_297 = %while3A_287#3, %while3A_298 = %while3A_287#4, %while3A_299 = %while3A_287#5, %while3A_300 = %while3A_287#6, %while3A_301 = %while3A_287#7, %while3A_302 = %while3A_287#8, %while3A_303 = %while3A_287#9, %while3A_304 = %while3A_287#10, %while3A_305 = %while3A_287#11, %while3A_306 = %while3A_287#12, %while3A_307 = %while3A_287#13, %while3A_308 = %while3A_287#14, %while3A_309 = %while3A_287#15) -> (vector<16xf32>, vector<16xf32>, vector<16xf32>, vector<16xf32>, vector<16xf32>, vector<16xf32>, vector<16xf32>, vector<16xf32>, vector<16xf32>, vector<16xf32>, vector<16xf32>, vector<16xf32>, vector<16xf32>, vector<16xf32>, vector<16xf32>, vector<16xf32>)  : i32 {
        %get3A_310 = arith.index_cast %while3A_293 : i32 to index
        %get3A_311 = arith.constant 0 : index
        %get3A_312 = tpu.vector_load %arg9[%get3A_310, %get3A_311] {strides = array<i32>} : memref<448x128xf32, #tpu.memory_space<vmem>>, vector<1x16xf32>,
        %get3A_313 = vector.shape_cast %get3A_312 : vector<1x16xf32> to vector<16xf32>
        %get3A_314 = arith.index_cast %while3A_293 : i32 to index
        %get3A_315 = arith.constant 16 : index
        %get3A_316 = tpu.vector_load %arg9[%get3A_314, %get3A_315] {strides = array<i32>} : memref<448x128xf32, #tpu.memory_space<vmem>>, vector<1x16xf32>,
        %get3A_317 = vector.shape_cast %get3A_316 : vector<1x16xf32> to vector<16xf32>
        %get3A_318 = arith.index_cast %while3A_293 : i32 to index
        %get3A_319 = arith.constant 32 : index
        %get3A_320 = tpu.vector_load %arg9[%get3A_318, %get3A_319] {strides = array<i32>} : memref<448x128xf32, #tpu.memory_space<vmem>>, vector<1x16xf32>,
        %get3A_321 = vector.shape_cast %get3A_320 : vector<1x16xf32> to vector<16xf32>
        %get3A_322 = arith.index_cast %while3A_293 : i32 to index
        %get3A_323 = arith.constant 48 : index
        %get3A_324 = tpu.vector_load %arg9[%get3A_322, %get3A_323] {strides = array<i32>} : memref<448x128xf32, #tpu.memory_space<vmem>>, vector<1x16xf32>,
        %get3A_325 = vector.shape_cast %get3A_324 : vector<1x16xf32> to vector<16xf32>
        %get3A_326 = arith.index_cast %while3A_293 : i32 to index
        %get3A_327 = arith.constant 64 : index
        %get3A_328 = tpu.vector_load %arg9[%get3A_326, %get3A_327] {strides = array<i32>} : memref<448x128xf32, #tpu.memory_space<vmem>>, vector<1x16xf32>,
        %get3A_329 = vector.shape_cast %get3A_328 : vector<1x16xf32> to vector<16xf32>
        %get3A_330 = arith.index_cast %while3A_293 : i32 to index
        %get3A_331 = arith.constant 80 : index
        %get3A_332 = tpu.vector_load %arg9[%get3A_330, %get3A_331] {strides = array<i32>} : memref<448x128xf32, #tpu.memory_space<vmem>>, vector<1x16xf32>,
        %get3A_333 = vector.shape_cast %get3A_332 : vector<1x16xf32> to vector<16xf32>
        %get3A_334 = arith.index_cast %while3A_293 : i32 to index
        %get3A_335 = arith.constant 96 : index
        %get3A_336 = tpu.vector_load %arg9[%get3A_334, %get3A_335] {strides = array<i32>} : memref<448x128xf32, #tpu.memory_space<vmem>>, vector<1x16xf32>,
        %get3A_337 = vector.shape_cast %get3A_336 : vector<1x16xf32> to vector<16xf32>
        %get3A_338 = arith.index_cast %while3A_293 : i32 to index
        %get3A_339 = arith.constant 112 : index
        %get3A_340 = tpu.vector_load %arg9[%get3A_338, %get3A_339] {strides = array<i32>} : memref<448x128xf32, #tpu.memory_space<vmem>>, vector<1x16xf32>,
        %get3A_341 = vector.shape_cast %get3A_340 : vector<1x16xf32> to vector<16xf32>
        %add3A_342 = arith.addf %while3A_294, %get3A_313 : vector<16xf32>
        %add3A_343 = arith.addf %while3A_295, %get3A_317 : vector<16xf32>
        %add3A_344 = arith.addf %while3A_296, %get3A_321 : vector<16xf32>
        %add3A_345 = arith.addf %while3A_297, %get3A_325 : vector<16xf32>
        %add3A_346 = arith.addf %while3A_298, %get3A_329 : vector<16xf32>
        %add3A_347 = arith.addf %while3A_299, %get3A_333 : vector<16xf32>
        %add3A_348 = arith.addf %while3A_300, %get3A_337 : vector<16xf32>
        %add3A_349 = arith.addf %while3A_301, %get3A_341 : vector<16xf32>
        %max3A_350 = arith.maximumf %while3A_302, %get3A_313 : vector<16xf32>
        %max3A_351 = arith.maximumf %while3A_303, %get3A_317 : vector<16xf32>
        %max3A_352 = arith.maximumf %while3A_304, %get3A_321 : vector<16xf32>
        %max3A_353 = arith.maximumf %while3A_305, %get3A_325 : vector<16xf32>
        %max3A_354 = arith.maximumf %while3A_306, %get3A_329 : vector<16xf32>
        %max3A_355 = arith.maximumf %while3A_307, %get3A_333 : vector<16xf32>
        %max3A_356 = arith.maximumf %while3A_308, %get3A_337 : vector<16xf32>
        %max3A_357 = arith.maximumf %while3A_309, %get3A_341 : vector<16xf32>
        scf.yield %add3A_342, %add3A_343, %add3A_344, %add3A_345, %add3A_346, %add3A_347, %add3A_348, %add3A_349, %max3A_350, %max3A_351, %max3A_352, %max3A_353, %max3A_354, %max3A_355, %max3A_356, %max3A_357 : vector<16xf32>, vector<16xf32>, vector<16xf32>, vector<16xf32>, vector<16xf32>, vector<16xf32>, vector<16xf32>, vector<16xf32>, vector<16xf32>, vector<16xf32>, vector<16xf32>, vector<16xf32>, vector<16xf32>, vector<16xf32>, vector<16xf32>, vector<16xf32>
      }
      %gt3A = arith.cmpi sgt, %sub3A_279, %sub3A_274 : i32
      %convert_element_type3A_290 = arith.extui %gt3A : i1 to i32
      %cond3A_291 = arith.constant 0 : i32
      %cond3A_292 = arith.cmpi ne, %convert_element_type3A_290, %cond3A_291 : i32
      scf.if %cond3A_292 {
        %mul3A_293 = arith.constant 128 : i32
        %mul3A_294 = arith.muli %while3A_270, %mul3A_293 : i32
        %add3A_295 = arith.constant 0 : i32
        %add3A_296 = arith.addi %mul3A_294, %add3A_295 : i32
        %get3A_297 = arith.index_cast %add3A_296 : i32 to index
        %get3A_298 = tpu.vector_load %arg10[%get3A_297] {strides = array<i32>} : memref<4224xf32, #tpu.memory_space<vmem>>, vector<16xf32>,
        %get3A_299 = vector.shape_cast %get3A_298 : vector<16xf32> to vector<16xf32>
        %add3A_300 = arith.addf %get3A_299, %while3A_289#0 : vector<16xf32>
        %swap3A = arith.index_cast %add3A_296 : i32 to index
        %swap3A_301 = tpu.vector_load %arg10[%swap3A] {strides = array<i32>} : memref<4224xf32, #tpu.memory_space<vmem>>, vector<16xf32>,
        %swap3A_302 = vector.shape_cast %swap3A_301 : vector<16xf32> to vector<16xf32>
        %swap3A_303 = vector.shape_cast %add3A_300 : vector<16xf32> to vector<16xf32>
        tpu.vector_store %arg10[%swap3A], %swap3A_303 {strides = array<i32>} : memref<4224xf32, #tpu.memory_space<vmem>>, vector<16xf32>,
        %get3A_304 = arith.index_cast %add3A_296 : i32 to index
        %get3A_305 = tpu.vector_load %arg11[%get3A_304] {strides = array<i32>} : memref<4224xf32, #tpu.memory_space<vmem>>, vector<16xf32>,
        %get3A_306 = vector.shape_cast %get3A_305 : vector<16xf32> to vector<16xf32>
        %max3A_307 = arith.maximumf %get3A_306, %while3A_289#8 : vector<16xf32>
        %swap3A_308 = arith.index_cast %add3A_296 : i32 to index
        %swap3A_309 = tpu.vector_load %arg11[%swap3A_308] {strides = array<i32>} : memref<4224xf32, #tpu.memory_space<vmem>>, vector<16xf32>,
        %swap3A_310 = vector.shape_cast %swap3A_309 : vector<16xf32> to vector<16xf32>
        %swap3A_311 = vector.shape_cast %max3A_307 : vector<16xf32> to vector<16xf32>
        tpu.vector_store %arg11[%swap3A_308], %swap3A_311 {strides = array<i32>} : memref<4224xf32, #tpu.memory_space<vmem>>, vector<16xf32>,
        %add3A_312 = arith.constant 16 : i32
        %add3A_313 = arith.addi %mul3A_294, %add3A_312 : i32
        %get3A_314 = arith.index_cast %add3A_313 : i32 to index
        %get3A_315 = tpu.vector_load %arg10[%get3A_314] {strides = array<i32>} : memref<4224xf32, #tpu.memory_space<vmem>>, vector<16xf32>,
        %get3A_316 = vector.shape_cast %get3A_315 : vector<16xf32> to vector<16xf32>
        %add3A_317 = arith.addf %get3A_316, %while3A_289#1 : vector<16xf32>
        %swap3A_318 = arith.index_cast %add3A_313 : i32 to index
        %swap3A_319 = tpu.vector_load %arg10[%swap3A_318] {strides = array<i32>} : memref<4224xf32, #tpu.memory_space<vmem>>, vector<16xf32>,
        %swap3A_320 = vector.shape_cast %swap3A_319 : vector<16xf32> to vector<16xf32>
        %swap3A_321 = vector.shape_cast %add3A_317 : vector<16xf32> to vector<16xf32>
        tpu.vector_store %arg10[%swap3A_318], %swap3A_321 {strides = array<i32>} : memref<4224xf32, #tpu.memory_space<vmem>>, vector<16xf32>,
        %get3A_322 = arith.index_cast %add3A_313 : i32 to index
        %get3A_323 = tpu.vector_load %arg11[%get3A_322] {strides = array<i32>} : memref<4224xf32, #tpu.memory_space<vmem>>, vector<16xf32>,
        %get3A_324 = vector.shape_cast %get3A_323 : vector<16xf32> to vector<16xf32>
        %max3A_325 = arith.maximumf %get3A_324, %while3A_289#9 : vector<16xf32>
        %swap3A_326 = arith.index_cast %add3A_313 : i32 to index
        %swap3A_327 = tpu.vector_load %arg11[%swap3A_326] {strides = array<i32>} : memref<4224xf32, #tpu.memory_space<vmem>>, vector<16xf32>,
        %swap3A_328 = vector.shape_cast %swap3A_327 : vector<16xf32> to vector<16xf32>
        %swap3A_329 = vector.shape_cast %max3A_325 : vector<16xf32> to vector<16xf32>
        tpu.vector_store %arg11[%swap3A_326], %swap3A_329 {strides = array<i32>} : memref<4224xf32, #tpu.memory_space<vmem>>, vector<16xf32>,
        %add3A_330 = arith.constant 32 : i32
        %add3A_331 = arith.addi %mul3A_294, %add3A_330 : i32
        %get3A_332 = arith.index_cast %add3A_331 : i32 to index
        %get3A_333 = tpu.vector_load %arg10[%get3A_332] {strides = array<i32>} : memref<4224xf32, #tpu.memory_space<vmem>>, vector<16xf32>,
        %get3A_334 = vector.shape_cast %get3A_333 : vector<16xf32> to vector<16xf32>
        %add3A_335 = arith.addf %get3A_334, %while3A_289#2 : vector<16xf32>
        %swap3A_336 = arith.index_cast %add3A_331 : i32 to index
        %swap3A_337 = tpu.vector_load %arg10[%swap3A_336] {strides = array<i32>} : memref<4224xf32, #tpu.memory_space<vmem>>, vector<16xf32>,
        %swap3A_338 = vector.shape_cast %swap3A_337 : vector<16xf32> to vector<16xf32>
        %swap3A_339 = vector.shape_cast %add3A_335 : vector<16xf32> to vector<16xf32>
        tpu.vector_store %arg10[%swap3A_336], %swap3A_339 {strides = array<i32>} : memref<4224xf32, #tpu.memory_space<vmem>>, vector<16xf32>,
        %get3A_340 = arith.index_cast %add3A_331 : i32 to index
        %get3A_341 = tpu.vector_load %arg11[%get3A_340] {strides = array<i32>} : memref<4224xf32, #tpu.memory_space<vmem>>, vector<16xf32>,
        %get3A_342 = vector.shape_cast %get3A_341 : vector<16xf32> to vector<16xf32>
        %max3A_343 = arith.maximumf %get3A_342, %while3A_289#10 : vector<16xf32>
        %swap3A_344 = arith.index_cast %add3A_331 : i32 to index
        %swap3A_345 = tpu.vector_load %arg11[%swap3A_344] {strides = array<i32>} : memref<4224xf32, #tpu.memory_space<vmem>>, vector<16xf32>,
        %swap3A_346 = vector.shape_cast %swap3A_345 : vector<16xf32> to vector<16xf32>
        %swap3A_347 = vector.shape_cast %max3A_343 : vector<16xf32> to vector<16xf32>
        tpu.vector_store %arg11[%swap3A_344], %swap3A_347 {strides = array<i32>} : memref<4224xf32, #tpu.memory_space<vmem>>, vector<16xf32>,
        %add3A_348 = arith.constant 48 : i32
        %add3A_349 = arith.addi %mul3A_294, %add3A_348 : i32
        %get3A_350 = arith.index_cast %add3A_349 : i32 to index
        %get3A_351 = tpu.vector_load %arg10[%get3A_350] {strides = array<i32>} : memref<4224xf32, #tpu.memory_space<vmem>>, vector<16xf32>,
        %get3A_352 = vector.shape_cast %get3A_351 : vector<16xf32> to vector<16xf32>
        %add3A_353 = arith.addf %get3A_352, %while3A_289#3 : vector<16xf32>
        %swap3A_354 = arith.index_cast %add3A_349 : i32 to index
        %swap3A_355 = tpu.vector_load %arg10[%swap3A_354] {strides = array<i32>} : memref<4224xf32, #tpu.memory_space<vmem>>, vector<16xf32>,
        %swap3A_356 = vector.shape_cast %swap3A_355 : vector<16xf32> to vector<16xf32>
        %swap3A_357 = vector.shape_cast %add3A_353 : vector<16xf32> to vector<16xf32>
        tpu.vector_store %arg10[%swap3A_354], %swap3A_357 {strides = array<i32>} : memref<4224xf32, #tpu.memory_space<vmem>>, vector<16xf32>,
        %get3A_358 = arith.index_cast %add3A_349 : i32 to index
        %get3A_359 = tpu.vector_load %arg11[%get3A_358] {strides = array<i32>} : memref<4224xf32, #tpu.memory_space<vmem>>, vector<16xf32>,
        %get3A_360 = vector.shape_cast %get3A_359 : vector<16xf32> to vector<16xf32>
        %max3A_361 = arith.maximumf %get3A_360, %while3A_289#11 : vector<16xf32>
        %swap3A_362 = arith.index_cast %add3A_349 : i32 to index
        %swap3A_363 = tpu.vector_load %arg11[%swap3A_362] {strides = array<i32>} : memref<4224xf32, #tpu.memory_space<vmem>>, vector<16xf32>,
        %swap3A_364 = vector.shape_cast %swap3A_363 : vector<16xf32> to vector<16xf32>
        %swap3A_365 = vector.shape_cast %max3A_361 : vector<16xf32> to vector<16xf32>
        tpu.vector_store %arg11[%swap3A_362], %swap3A_365 {strides = array<i32>} : memref<4224xf32, #tpu.memory_space<vmem>>, vector<16xf32>,
        %add3A_366 = arith.constant 64 : i32
        %add3A_367 = arith.addi %mul3A_294, %add3A_366 : i32
        %get3A_368 = arith.index_cast %add3A_367 : i32 to index
        %get3A_369 = tpu.vector_load %arg10[%get3A_368] {strides = array<i32>} : memref<4224xf32, #tpu.memory_space<vmem>>, vector<16xf32>,
        %get3A_370 = vector.shape_cast %get3A_369 : vector<16xf32> to vector<16xf32>
        %add3A_371 = arith.addf %get3A_370, %while3A_289#4 : vector<16xf32>
        %swap3A_372 = arith.index_cast %add3A_367 : i32 to index
        %swap3A_373 = tpu.vector_load %arg10[%swap3A_372] {strides = array<i32>} : memref<4224xf32, #tpu.memory_space<vmem>>, vector<16xf32>,
        %swap3A_374 = vector.shape_cast %swap3A_373 : vector<16xf32> to vector<16xf32>
        %swap3A_375 = vector.shape_cast %add3A_371 : vector<16xf32> to vector<16xf32>
        tpu.vector_store %arg10[%swap3A_372], %swap3A_375 {strides = array<i32>} : memref<4224xf32, #tpu.memory_space<vmem>>, vector<16xf32>,
        %get3A_376 = arith.index_cast %add3A_367 : i32 to index
        %get3A_377 = tpu.vector_load %arg11[%get3A_376] {strides = array<i32>} : memref<4224xf32, #tpu.memory_space<vmem>>, vector<16xf32>,
        %get3A_378 = vector.shape_cast %get3A_377 : vector<16xf32> to vector<16xf32>
        %max3A_379 = arith.maximumf %get3A_378, %while3A_289#12 : vector<16xf32>
        %swap3A_380 = arith.index_cast %add3A_367 : i32 to index
        %swap3A_381 = tpu.vector_load %arg11[%swap3A_380] {strides = array<i32>} : memref<4224xf32, #tpu.memory_space<vmem>>, vector<16xf32>,
        %swap3A_382 = vector.shape_cast %swap3A_381 : vector<16xf32> to vector<16xf32>
        %swap3A_383 = vector.shape_cast %max3A_379 : vector<16xf32> to vector<16xf32>
        tpu.vector_store %arg11[%swap3A_380], %swap3A_383 {strides = array<i32>} : memref<4224xf32, #tpu.memory_space<vmem>>, vector<16xf32>,
        %add3A_384 = arith.constant 80 : i32
        %add3A_385 = arith.addi %mul3A_294, %add3A_384 : i32
        %get3A_386 = arith.index_cast %add3A_385 : i32 to index
        %get3A_387 = tpu.vector_load %arg10[%get3A_386] {strides = array<i32>} : memref<4224xf32, #tpu.memory_space<vmem>>, vector<16xf32>,
        %get3A_388 = vector.shape_cast %get3A_387 : vector<16xf32> to vector<16xf32>
        %add3A_389 = arith.addf %get3A_388, %while3A_289#5 : vector<16xf32>
        %swap3A_390 = arith.index_cast %add3A_385 : i32 to index
        %swap3A_391 = tpu.vector_load %arg10[%swap3A_390] {strides = array<i32>} : memref<4224xf32, #tpu.memory_space<vmem>>, vector<16xf32>,
        %swap3A_392 = vector.shape_cast %swap3A_391 : vector<16xf32> to vector<16xf32>
        %swap3A_393 = vector.shape_cast %add3A_389 : vector<16xf32> to vector<16xf32>
        tpu.vector_store %arg10[%swap3A_390], %swap3A_393 {strides = array<i32>} : memref<4224xf32, #tpu.memory_space<vmem>>, vector<16xf32>,
        %get3A_394 = arith.index_cast %add3A_385 : i32 to index
        %get3A_395 = tpu.vector_load %arg11[%get3A_394] {strides = array<i32>} : memref<4224xf32, #tpu.memory_space<vmem>>, vector<16xf32>,
        %get3A_396 = vector.shape_cast %get3A_395 : vector<16xf32> to vector<16xf32>
        %max3A_397 = arith.maximumf %get3A_396, %while3A_289#13 : vector<16xf32>
        %swap3A_398 = arith.index_cast %add3A_385 : i32 to index
        %swap3A_399 = tpu.vector_load %arg11[%swap3A_398] {strides = array<i32>} : memref<4224xf32, #tpu.memory_space<vmem>>, vector<16xf32>,
        %swap3A_400 = vector.shape_cast %swap3A_399 : vector<16xf32> to vector<16xf32>
        %swap3A_401 = vector.shape_cast %max3A_397 : vector<16xf32> to vector<16xf32>
        tpu.vector_store %arg11[%swap3A_398], %swap3A_401 {strides = array<i32>} : memref<4224xf32, #tpu.memory_space<vmem>>, vector<16xf32>,
        %add3A_402 = arith.constant 96 : i32
        %add3A_403 = arith.addi %mul3A_294, %add3A_402 : i32
        %get3A_404 = arith.index_cast %add3A_403 : i32 to index
        %get3A_405 = tpu.vector_load %arg10[%get3A_404] {strides = array<i32>} : memref<4224xf32, #tpu.memory_space<vmem>>, vector<16xf32>,
        %get3A_406 = vector.shape_cast %get3A_405 : vector<16xf32> to vector<16xf32>
        %add3A_407 = arith.addf %get3A_406, %while3A_289#6 : vector<16xf32>
        %swap3A_408 = arith.index_cast %add3A_403 : i32 to index
        %swap3A_409 = tpu.vector_load %arg10[%swap3A_408] {strides = array<i32>} : memref<4224xf32, #tpu.memory_space<vmem>>, vector<16xf32>,
        %swap3A_410 = vector.shape_cast %swap3A_409 : vector<16xf32> to vector<16xf32>
        %swap3A_411 = vector.shape_cast %add3A_407 : vector<16xf32> to vector<16xf32>
        tpu.vector_store %arg10[%swap3A_408], %swap3A_411 {strides = array<i32>} : memref<4224xf32, #tpu.memory_space<vmem>>, vector<16xf32>,
        %get3A_412 = arith.index_cast %add3A_403 : i32 to index
        %get3A_413 = tpu.vector_load %arg11[%get3A_412] {strides = array<i32>} : memref<4224xf32, #tpu.memory_space<vmem>>, vector<16xf32>,
        %get3A_414 = vector.shape_cast %get3A_413 : vector<16xf32> to vector<16xf32>
        %max3A_415 = arith.maximumf %get3A_414, %while3A_289#14 : vector<16xf32>
        %swap3A_416 = arith.index_cast %add3A_403 : i32 to index
        %swap3A_417 = tpu.vector_load %arg11[%swap3A_416] {strides = array<i32>} : memref<4224xf32, #tpu.memory_space<vmem>>, vector<16xf32>,
        %swap3A_418 = vector.shape_cast %swap3A_417 : vector<16xf32> to vector<16xf32>
        %swap3A_419 = vector.shape_cast %max3A_415 : vector<16xf32> to vector<16xf32>
        tpu.vector_store %arg11[%swap3A_416], %swap3A_419 {strides = array<i32>} : memref<4224xf32, #tpu.memory_space<vmem>>, vector<16xf32>,
        %add3A_420 = arith.constant 112 : i32
        %add3A_421 = arith.addi %mul3A_294, %add3A_420 : i32
        %get3A_422 = arith.index_cast %add3A_421 : i32 to index
        %get3A_423 = tpu.vector_load %arg10[%get3A_422] {strides = array<i32>} : memref<4224xf32, #tpu.memory_space<vmem>>, vector<16xf32>,
        %get3A_424 = vector.shape_cast %get3A_423 : vector<16xf32> to vector<16xf32>
        %add3A_425 = arith.addf %get3A_424, %while3A_289#7 : vector<16xf32>
        %swap3A_426 = arith.index_cast %add3A_421 : i32 to index
        %swap3A_427 = tpu.vector_load %arg10[%swap3A_426] {strides = array<i32>} : memref<4224xf32, #tpu.memory_space<vmem>>, vector<16xf32>,
        %swap3A_428 = vector.shape_cast %swap3A_427 : vector<16xf32> to vector<16xf32>
        %swap3A_429 = vector.shape_cast %add3A_425 : vector<16xf32> to vector<16xf32>
        tpu.vector_store %arg10[%swap3A_426], %swap3A_429 {strides = array<i32>} : memref<4224xf32, #tpu.memory_space<vmem>>, vector<16xf32>,
        %get3A_430 = arith.index_cast %add3A_421 : i32 to index
        %get3A_431 = tpu.vector_load %arg11[%get3A_430] {strides = array<i32>} : memref<4224xf32, #tpu.memory_space<vmem>>, vector<16xf32>,
        %get3A_432 = vector.shape_cast %get3A_431 : vector<16xf32> to vector<16xf32>
        %max3A_433 = arith.maximumf %get3A_432, %while3A_289#15 : vector<16xf32>
        %swap3A_434 = arith.index_cast %add3A_421 : i32 to index
        %swap3A_435 = tpu.vector_load %arg11[%swap3A_434] {strides = array<i32>} : memref<4224xf32, #tpu.memory_space<vmem>>, vector<16xf32>,
        %swap3A_436 = vector.shape_cast %swap3A_435 : vector<16xf32> to vector<16xf32>
        %swap3A_437 = vector.shape_cast %max3A_433 : vector<16xf32> to vector<16xf32>
        tpu.vector_store %arg11[%swap3A_434], %swap3A_437 {strides = array<i32>} : memref<4224xf32, #tpu.memory_space<vmem>>, vector<16xf32>,
      } else {
      }
    }
    %while3A_233 = arith.constant 1 : i32
    scf.for %while3A_270 = %while3A_231 to %while3A_227 step %while3A_233  : i32 {
      %get3A_271 = arith.index_cast %while3A_270 : i32 to index
      %get3A_272 = memref.load %arg13[%get3A_271] : memref<34xi32, #tpu.memory_space<smem>>
      %max3A = arith.constant 2240 : i32
      %max3A_273 = arith.maxsi %get3A_272, %max3A : i32
      %sub3A_274 = arith.subi %max3A_273, %sub3A_210 : i32
      %add3A_275 = arith.constant 1 : i32
      %add3A_276 = arith.addi %while3A_270, %add3A_275 : i32
      %get3A_277 = arith.index_cast %add3A_276 : i32 to index
      %get3A_278 = memref.load %arg13[%get3A_277] : memref<34xi32, #tpu.memory_space<smem>>
      %min3A = arith.minsi %get3A_278, %select_n3A : i32
      %sub3A_279 = arith.subi %min3A, %sub3A_210 : i32
      %while3A_280 = arith.subi %sub3A_279, %sub3A_274 : i32
      %while3A_281 = arith.addi %sub3A_274, %while3A_280 : i32
      %while3A_282 = arith.constant 1 : i32
      %while3A_283 = arith.divsi %while3A_280, %while3A_282 : i32
      %while3A_284 = arith.muli %while3A_283, %while3A_282 : i32
      %while3A_285 = arith.addi %sub3A_274, %while3A_284 : i32
      %while3A_286 = arith.constant 1 : i32
      %while3A_287:16 = scf.for %while3A_293 = %sub3A_274 to %while3A_285 step %while3A_286 iter_args(%while3A_294 = %broadcast_in_dim3A_16, %while3A_295 = %broadcast_in_dim3A_16, %while3A_296 = %broadcast_in_dim3A_16, %while3A_297 = %broadcast_in_dim3A_16, %while3A_298 = %broadcast_in_dim3A_16, %while3A_299 = %broadcast_in_dim3A_16, %while3A_300 = %broadcast_in_dim3A_16, %while3A_301 = %broadcast_in_dim3A_16, %while3A_302 = %broadcast_in_dim3A_18, %while3A_303 = %broadcast_in_dim3A_18, %while3A_304 = %broadcast_in_dim3A_18, %while3A_305 = %broadcast_in_dim3A_18, %while3A_306 = %broadcast_in_dim3A_18, %while3A_307 = %broadcast_in_dim3A_18, %while3A_308 = %broadcast_in_dim3A_18, %while3A_309 = %broadcast_in_dim3A_18) -> (vector<16xf32>, vector<16xf32>, vector<16xf32>, vector<16xf32>, vector<16xf32>, vector<16xf32>, vector<16xf32>, vector<16xf32>, vector<16xf32>, vector<16xf32>, vector<16xf32>, vector<16xf32>, vector<16xf32>, vector<16xf32>, vector<16xf32>, vector<16xf32>)  : i32 {
        %get3A_310 = arith.index_cast %while3A_293 : i32 to index
        %get3A_311 = arith.constant 0 : index
        %get3A_312 = tpu.vector_load %arg9[%get3A_310, %get3A_311] {strides = array<i32>} : memref<448x128xf32, #tpu.memory_space<vmem>>, vector<1x16xf32>,
        %get3A_313 = vector.shape_cast %get3A_312 : vector<1x16xf32> to vector<16xf32>
        %get3A_314 = arith.index_cast %while3A_293 : i32 to index
        %get3A_315 = arith.constant 16 : index
        %get3A_316 = tpu.vector_load %arg9[%get3A_314, %get3A_315] {strides = array<i32>} : memref<448x128xf32, #tpu.memory_space<vmem>>, vector<1x16xf32>,
        %get3A_317 = vector.shape_cast %get3A_316 : vector<1x16xf32> to vector<16xf32>
        %get3A_318 = arith.index_cast %while3A_293 : i32 to index
        %get3A_319 = arith.constant 32 : index
        %get3A_320 = tpu.vector_load %arg9[%get3A_318, %get3A_319] {strides = array<i32>} : memref<448x128xf32, #tpu.memory_space<vmem>>, vector<1x16xf32>,
        %get3A_321 = vector.shape_cast %get3A_320 : vector<1x16xf32> to vector<16xf32>
        %get3A_322 = arith.index_cast %while3A_293 : i32 to index
        %get3A_323 = arith.constant 48 : index
        %get3A_324 = tpu.vector_load %arg9[%get3A_322, %get3A_323] {strides = array<i32>} : memref<448x128xf32, #tpu.memory_space<vmem>>, vector<1x16xf32>,
        %get3A_325 = vector.shape_cast %get3A_324 : vector<1x16xf32> to vector<16xf32>
        %get3A_326 = arith.index_cast %while3A_293 : i32 to index
        %get3A_327 = arith.constant 64 : index
        %get3A_328 = tpu.vector_load %arg9[%get3A_326, %get3A_327] {strides = array<i32>} : memref<448x128xf32, #tpu.memory_space<vmem>>, vector<1x16xf32>,
        %get3A_329 = vector.shape_cast %get3A_328 : vector<1x16xf32> to vector<16xf32>
        %get3A_330 = arith.index_cast %while3A_293 : i32 to index
        %get3A_331 = arith.constant 80 : index
        %get3A_332 = tpu.vector_load %arg9[%get3A_330, %get3A_331] {strides = array<i32>} : memref<448x128xf32, #tpu.memory_space<vmem>>, vector<1x16xf32>,
        %get3A_333 = vector.shape_cast %get3A_332 : vector<1x16xf32> to vector<16xf32>
        %get3A_334 = arith.index_cast %while3A_293 : i32 to index
        %get3A_335 = arith.constant 96 : index
        %get3A_336 = tpu.vector_load %arg9[%get3A_334, %get3A_335] {strides = array<i32>} : memref<448x128xf32, #tpu.memory_space<vmem>>, vector<1x16xf32>,
        %get3A_337 = vector.shape_cast %get3A_336 : vector<1x16xf32> to vector<16xf32>
        %get3A_338 = arith.index_cast %while3A_293 : i32 to index
        %get3A_339 = arith.constant 112 : index
        %get3A_340 = tpu.vector_load %arg9[%get3A_338, %get3A_339] {strides = array<i32>} : memref<448x128xf32, #tpu.memory_space<vmem>>, vector<1x16xf32>,
        %get3A_341 = vector.shape_cast %get3A_340 : vector<1x16xf32> to vector<16xf32>
        %add3A_342 = arith.addf %while3A_294, %get3A_313 : vector<16xf32>
        %add3A_343 = arith.addf %while3A_295, %get3A_317 : vector<16xf32>
        %add3A_344 = arith.addf %while3A_296, %get3A_321 : vector<16xf32>
        %add3A_345 = arith.addf %while3A_297, %get3A_325 : vector<16xf32>
        %add3A_346 = arith.addf %while3A_298, %get3A_329 : vector<16xf32>
        %add3A_347 = arith.addf %while3A_299, %get3A_333 : vector<16xf32>
        %add3A_348 = arith.addf %while3A_300, %get3A_337 : vector<16xf32>
        %add3A_349 = arith.addf %while3A_301, %get3A_341 : vector<16xf32>
        %max3A_350 = arith.maximumf %while3A_302, %get3A_313 : vector<16xf32>
        %max3A_351 = arith.maximumf %while3A_303, %get3A_317 : vector<16xf32>
        %max3A_352 = arith.maximumf %while3A_304, %get3A_321 : vector<16xf32>
        %max3A_353 = arith.maximumf %while3A_305, %get3A_325 : vector<16xf32>
        %max3A_354 = arith.maximumf %while3A_306, %get3A_329 : vector<16xf32>
        %max3A_355 = arith.maximumf %while3A_307, %get3A_333 : vector<16xf32>
        %max3A_356 = arith.maximumf %while3A_308, %get3A_337 : vector<16xf32>
        %max3A_357 = arith.maximumf %while3A_309, %get3A_341 : vector<16xf32>
        scf.yield %add3A_342, %add3A_343, %add3A_344, %add3A_345, %add3A_346, %add3A_347, %add3A_348, %add3A_349, %max3A_350, %max3A_351, %max3A_352, %max3A_353, %max3A_354, %max3A_355, %max3A_356, %max3A_357 : vector<16xf32>, vector<16xf32>, vector<16xf32>, vector<16xf32>, vector<16xf32>, vector<16xf32>, vector<16xf32>, vector<16xf32>, vector<16xf32>, vector<16xf32>, vector<16xf32>, vector<16xf32>, vector<16xf32>, vector<16xf32>, vector<16xf32>, vector<16xf32>
      }
      %while3A_288 = arith.constant 1 : i32
      %while3A_289:16 = scf.for %while3A_293 = %while3A_285 to %while3A_281 step %while3A_288 iter_args(%while3A_294 = %while3A_287#0, %while3A_295 = %while3A_287#1, %while3A_296 = %while3A_287#2, %while3A_297 = %while3A_287#3, %while3A_298 = %while3A_287#4, %while3A_299 = %while3A_287#5, %while3A_300 = %while3A_287#6, %while3A_301 = %while3A_287#7, %while3A_302 = %while3A_287#8, %while3A_303 = %while3A_287#9, %while3A_304 = %while3A_287#10, %while3A_305 = %while3A_287#11, %while3A_306 = %while3A_287#12, %while3A_307 = %while3A_287#13, %while3A_308 = %while3A_287#14, %while3A_309 = %while3A_287#15) -> (vector<16xf32>, vector<16xf32>, vector<16xf32>, vector<16xf32>, vector<16xf32>, vector<16xf32>, vector<16xf32>, vector<16xf32>, vector<16xf32>, vector<16xf32>, vector<16xf32>, vector<16xf32>, vector<16xf32>, vector<16xf32>, vector<16xf32>, vector<16xf32>)  : i32 {
        %get3A_310 = arith.index_cast %while3A_293 : i32 to index
        %get3A_311 = arith.constant 0 : index
        %get3A_312 = tpu.vector_load %arg9[%get3A_310, %get3A_311] {strides = array<i32>} : memref<448x128xf32, #tpu.memory_space<vmem>>, vector<1x16xf32>,
        %get3A_313 = vector.shape_cast %get3A_312 : vector<1x16xf32> to vector<16xf32>
        %get3A_314 = arith.index_cast %while3A_293 : i32 to index
        %get3A_315 = arith.constant 16 : index
        %get3A_316 = tpu.vector_load %arg9[%get3A_314, %get3A_315] {strides = array<i32>} : memref<448x128xf32, #tpu.memory_space<vmem>>, vector<1x16xf32>,
        %get3A_317 = vector.shape_cast %get3A_316 : vector<1x16xf32> to vector<16xf32>
        %get3A_318 = arith.index_cast %while3A_293 : i32 to index
        %get3A_319 = arith.constant 32 : index
        %get3A_320 = tpu.vector_load %arg9[%get3A_318, %get3A_319] {strides = array<i32>} : memref<448x128xf32, #tpu.memory_space<vmem>>, vector<1x16xf32>,
        %get3A_321 = vector.shape_cast %get3A_320 : vector<1x16xf32> to vector<16xf32>
        %get3A_322 = arith.index_cast %while3A_293 : i32 to index
        %get3A_323 = arith.constant 48 : index
        %get3A_324 = tpu.vector_load %arg9[%get3A_322, %get3A_323] {strides = array<i32>} : memref<448x128xf32, #tpu.memory_space<vmem>>, vector<1x16xf32>,
        %get3A_325 = vector.shape_cast %get3A_324 : vector<1x16xf32> to vector<16xf32>
        %get3A_326 = arith.index_cast %while3A_293 : i32 to index
        %get3A_327 = arith.constant 64 : index
        %get3A_328 = tpu.vector_load %arg9[%get3A_326, %get3A_327] {strides = array<i32>} : memref<448x128xf32, #tpu.memory_space<vmem>>, vector<1x16xf32>,
        %get3A_329 = vector.shape_cast %get3A_328 : vector<1x16xf32> to vector<16xf32>
        %get3A_330 = arith.index_cast %while3A_293 : i32 to index
        %get3A_331 = arith.constant 80 : index
        %get3A_332 = tpu.vector_load %arg9[%get3A_330, %get3A_331] {strides = array<i32>} : memref<448x128xf32, #tpu.memory_space<vmem>>, vector<1x16xf32>,
        %get3A_333 = vector.shape_cast %get3A_332 : vector<1x16xf32> to vector<16xf32>
        %get3A_334 = arith.index_cast %while3A_293 : i32 to index
        %get3A_335 = arith.constant 96 : index
        %get3A_336 = tpu.vector_load %arg9[%get3A_334, %get3A_335] {strides = array<i32>} : memref<448x128xf32, #tpu.memory_space<vmem>>, vector<1x16xf32>,
        %get3A_337 = vector.shape_cast %get3A_336 : vector<1x16xf32> to vector<16xf32>
        %get3A_338 = arith.index_cast %while3A_293 : i32 to index
        %get3A_339 = arith.constant 112 : index
        %get3A_340 = tpu.vector_load %arg9[%get3A_338, %get3A_339] {strides = array<i32>} : memref<448x128xf32, #tpu.memory_space<vmem>>, vector<1x16xf32>,
        %get3A_341 = vector.shape_cast %get3A_340 : vector<1x16xf32> to vector<16xf32>
        %add3A_342 = arith.addf %while3A_294, %get3A_313 : vector<16xf32>
        %add3A_343 = arith.addf %while3A_295, %get3A_317 : vector<16xf32>
        %add3A_344 = arith.addf %while3A_296, %get3A_321 : vector<16xf32>
        %add3A_345 = arith.addf %while3A_297, %get3A_325 : vector<16xf32>
        %add3A_346 = arith.addf %while3A_298, %get3A_329 : vector<16xf32>
        %add3A_347 = arith.addf %while3A_299, %get3A_333 : vector<16xf32>
        %add3A_348 = arith.addf %while3A_300, %get3A_337 : vector<16xf32>
        %add3A_349 = arith.addf %while3A_301, %get3A_341 : vector<16xf32>
        %max3A_350 = arith.maximumf %while3A_302, %get3A_313 : vector<16xf32>
        %max3A_351 = arith.maximumf %while3A_303, %get3A_317 : vector<16xf32>
        %max3A_352 = arith.maximumf %while3A_304, %get3A_321 : vector<16xf32>
        %max3A_353 = arith.maximumf %while3A_305, %get3A_325 : vector<16xf32>
        %max3A_354 = arith.maximumf %while3A_306, %get3A_329 : vector<16xf32>
        %max3A_355 = arith.maximumf %while3A_307, %get3A_333 : vector<16xf32>
        %max3A_356 = arith.maximumf %while3A_308, %get3A_337 : vector<16xf32>
        %max3A_357 = arith.maximumf %while3A_309, %get3A_341 : vector<16xf32>
        scf.yield %add3A_342, %add3A_343, %add3A_344, %add3A_345, %add3A_346, %add3A_347, %add3A_348, %add3A_349, %max3A_350, %max3A_351, %max3A_352, %max3A_353, %max3A_354, %max3A_355, %max3A_356, %max3A_357 : vector<16xf32>, vector<16xf32>, vector<16xf32>, vector<16xf32>, vector<16xf32>, vector<16xf32>, vector<16xf32>, vector<16xf32>, vector<16xf32>, vector<16xf32>, vector<16xf32>, vector<16xf32>, vector<16xf32>, vector<16xf32>, vector<16xf32>, vector<16xf32>
      }
      %gt3A = arith.cmpi sgt, %sub3A_279, %sub3A_274 : i32
      %convert_element_type3A_290 = arith.extui %gt3A : i1 to i32
      %cond3A_291 = arith.constant 0 : i32
      %cond3A_292 = arith.cmpi ne, %convert_element_type3A_290, %cond3A_291 : i32
      scf.if %cond3A_292 {
        %mul3A_293 = arith.constant 128 : i32
        %mul3A_294 = arith.muli %while3A_270, %mul3A_293 : i32
        %add3A_295 = arith.constant 0 : i32
        %add3A_296 = arith.addi %mul3A_294, %add3A_295 : i32
        %get3A_297 = arith.index_cast %add3A_296 : i32 to index
        %get3A_298 = tpu.vector_load %arg10[%get3A_297] {strides = array<i32>} : memref<4224xf32, #tpu.memory_space<vmem>>, vector<16xf32>,
        %get3A_299 = vector.shape_cast %get3A_298 : vector<16xf32> to vector<16xf32>
        %add3A_300 = arith.addf %get3A_299, %while3A_289#0 : vector<16xf32>
        %swap3A = arith.index_cast %add3A_296 : i32 to index
        %swap3A_301 = tpu.vector_load %arg10[%swap3A] {strides = array<i32>} : memref<4224xf32, #tpu.memory_space<vmem>>, vector<16xf32>,
        %swap3A_302 = vector.shape_cast %swap3A_301 : vector<16xf32> to vector<16xf32>
        %swap3A_303 = vector.shape_cast %add3A_300 : vector<16xf32> to vector<16xf32>
        tpu.vector_store %arg10[%swap3A], %swap3A_303 {strides = array<i32>} : memref<4224xf32, #tpu.memory_space<vmem>>, vector<16xf32>,
        %get3A_304 = arith.index_cast %add3A_296 : i32 to index
        %get3A_305 = tpu.vector_load %arg11[%get3A_304] {strides = array<i32>} : memref<4224xf32, #tpu.memory_space<vmem>>, vector<16xf32>,
        %get3A_306 = vector.shape_cast %get3A_305 : vector<16xf32> to vector<16xf32>
        %max3A_307 = arith.maximumf %get3A_306, %while3A_289#8 : vector<16xf32>
        %swap3A_308 = arith.index_cast %add3A_296 : i32 to index
        %swap3A_309 = tpu.vector_load %arg11[%swap3A_308] {strides = array<i32>} : memref<4224xf32, #tpu.memory_space<vmem>>, vector<16xf32>,
        %swap3A_310 = vector.shape_cast %swap3A_309 : vector<16xf32> to vector<16xf32>
        %swap3A_311 = vector.shape_cast %max3A_307 : vector<16xf32> to vector<16xf32>
        tpu.vector_store %arg11[%swap3A_308], %swap3A_311 {strides = array<i32>} : memref<4224xf32, #tpu.memory_space<vmem>>, vector<16xf32>,
        %add3A_312 = arith.constant 16 : i32
        %add3A_313 = arith.addi %mul3A_294, %add3A_312 : i32
        %get3A_314 = arith.index_cast %add3A_313 : i32 to index
        %get3A_315 = tpu.vector_load %arg10[%get3A_314] {strides = array<i32>} : memref<4224xf32, #tpu.memory_space<vmem>>, vector<16xf32>,
        %get3A_316 = vector.shape_cast %get3A_315 : vector<16xf32> to vector<16xf32>
        %add3A_317 = arith.addf %get3A_316, %while3A_289#1 : vector<16xf32>
        %swap3A_318 = arith.index_cast %add3A_313 : i32 to index
        %swap3A_319 = tpu.vector_load %arg10[%swap3A_318] {strides = array<i32>} : memref<4224xf32, #tpu.memory_space<vmem>>, vector<16xf32>,
        %swap3A_320 = vector.shape_cast %swap3A_319 : vector<16xf32> to vector<16xf32>
        %swap3A_321 = vector.shape_cast %add3A_317 : vector<16xf32> to vector<16xf32>
        tpu.vector_store %arg10[%swap3A_318], %swap3A_321 {strides = array<i32>} : memref<4224xf32, #tpu.memory_space<vmem>>, vector<16xf32>,
        %get3A_322 = arith.index_cast %add3A_313 : i32 to index
        %get3A_323 = tpu.vector_load %arg11[%get3A_322] {strides = array<i32>} : memref<4224xf32, #tpu.memory_space<vmem>>, vector<16xf32>,
        %get3A_324 = vector.shape_cast %get3A_323 : vector<16xf32> to vector<16xf32>
        %max3A_325 = arith.maximumf %get3A_324, %while3A_289#9 : vector<16xf32>
        %swap3A_326 = arith.index_cast %add3A_313 : i32 to index
        %swap3A_327 = tpu.vector_load %arg11[%swap3A_326] {strides = array<i32>} : memref<4224xf32, #tpu.memory_space<vmem>>, vector<16xf32>,
        %swap3A_328 = vector.shape_cast %swap3A_327 : vector<16xf32> to vector<16xf32>
        %swap3A_329 = vector.shape_cast %max3A_325 : vector<16xf32> to vector<16xf32>
        tpu.vector_store %arg11[%swap3A_326], %swap3A_329 {strides = array<i32>} : memref<4224xf32, #tpu.memory_space<vmem>>, vector<16xf32>,
        %add3A_330 = arith.constant 32 : i32
        %add3A_331 = arith.addi %mul3A_294, %add3A_330 : i32
        %get3A_332 = arith.index_cast %add3A_331 : i32 to index
        %get3A_333 = tpu.vector_load %arg10[%get3A_332] {strides = array<i32>} : memref<4224xf32, #tpu.memory_space<vmem>>, vector<16xf32>,
        %get3A_334 = vector.shape_cast %get3A_333 : vector<16xf32> to vector<16xf32>
        %add3A_335 = arith.addf %get3A_334, %while3A_289#2 : vector<16xf32>
        %swap3A_336 = arith.index_cast %add3A_331 : i32 to index
        %swap3A_337 = tpu.vector_load %arg10[%swap3A_336] {strides = array<i32>} : memref<4224xf32, #tpu.memory_space<vmem>>, vector<16xf32>,
        %swap3A_338 = vector.shape_cast %swap3A_337 : vector<16xf32> to vector<16xf32>
        %swap3A_339 = vector.shape_cast %add3A_335 : vector<16xf32> to vector<16xf32>
        tpu.vector_store %arg10[%swap3A_336], %swap3A_339 {strides = array<i32>} : memref<4224xf32, #tpu.memory_space<vmem>>, vector<16xf32>,
        %get3A_340 = arith.index_cast %add3A_331 : i32 to index
        %get3A_341 = tpu.vector_load %arg11[%get3A_340] {strides = array<i32>} : memref<4224xf32, #tpu.memory_space<vmem>>, vector<16xf32>,
        %get3A_342 = vector.shape_cast %get3A_341 : vector<16xf32> to vector<16xf32>
        %max3A_343 = arith.maximumf %get3A_342, %while3A_289#10 : vector<16xf32>
        %swap3A_344 = arith.index_cast %add3A_331 : i32 to index
        %swap3A_345 = tpu.vector_load %arg11[%swap3A_344] {strides = array<i32>} : memref<4224xf32, #tpu.memory_space<vmem>>, vector<16xf32>,
        %swap3A_346 = vector.shape_cast %swap3A_345 : vector<16xf32> to vector<16xf32>
        %swap3A_347 = vector.shape_cast %max3A_343 : vector<16xf32> to vector<16xf32>
        tpu.vector_store %arg11[%swap3A_344], %swap3A_347 {strides = array<i32>} : memref<4224xf32, #tpu.memory_space<vmem>>, vector<16xf32>,
        %add3A_348 = arith.constant 48 : i32
        %add3A_349 = arith.addi %mul3A_294, %add3A_348 : i32
        %get3A_350 = arith.index_cast %add3A_349 : i32 to index
        %get3A_351 = tpu.vector_load %arg10[%get3A_350] {strides = array<i32>} : memref<4224xf32, #tpu.memory_space<vmem>>, vector<16xf32>,
        %get3A_352 = vector.shape_cast %get3A_351 : vector<16xf32> to vector<16xf32>
        %add3A_353 = arith.addf %get3A_352, %while3A_289#3 : vector<16xf32>
        %swap3A_354 = arith.index_cast %add3A_349 : i32 to index
        %swap3A_355 = tpu.vector_load %arg10[%swap3A_354] {strides = array<i32>} : memref<4224xf32, #tpu.memory_space<vmem>>, vector<16xf32>,
        %swap3A_356 = vector.shape_cast %swap3A_355 : vector<16xf32> to vector<16xf32>
        %swap3A_357 = vector.shape_cast %add3A_353 : vector<16xf32> to vector<16xf32>
        tpu.vector_store %arg10[%swap3A_354], %swap3A_357 {strides = array<i32>} : memref<4224xf32, #tpu.memory_space<vmem>>, vector<16xf32>,
        %get3A_358 = arith.index_cast %add3A_349 : i32 to index
        %get3A_359 = tpu.vector_load %arg11[%get3A_358] {strides = array<i32>} : memref<4224xf32, #tpu.memory_space<vmem>>, vector<16xf32>,
        %get3A_360 = vector.shape_cast %get3A_359 : vector<16xf32> to vector<16xf32>
        %max3A_361 = arith.maximumf %get3A_360, %while3A_289#11 : vector<16xf32>
        %swap3A_362 = arith.index_cast %add3A_349 : i32 to index
        %swap3A_363 = tpu.vector_load %arg11[%swap3A_362] {strides = array<i32>} : memref<4224xf32, #tpu.memory_space<vmem>>, vector<16xf32>,
        %swap3A_364 = vector.shape_cast %swap3A_363 : vector<16xf32> to vector<16xf32>
        %swap3A_365 = vector.shape_cast %max3A_361 : vector<16xf32> to vector<16xf32>
        tpu.vector_store %arg11[%swap3A_362], %swap3A_365 {strides = array<i32>} : memref<4224xf32, #tpu.memory_space<vmem>>, vector<16xf32>,
        %add3A_366 = arith.constant 64 : i32
        %add3A_367 = arith.addi %mul3A_294, %add3A_366 : i32
        %get3A_368 = arith.index_cast %add3A_367 : i32 to index
        %get3A_369 = tpu.vector_load %arg10[%get3A_368] {strides = array<i32>} : memref<4224xf32, #tpu.memory_space<vmem>>, vector<16xf32>,
        %get3A_370 = vector.shape_cast %get3A_369 : vector<16xf32> to vector<16xf32>
        %add3A_371 = arith.addf %get3A_370, %while3A_289#4 : vector<16xf32>
        %swap3A_372 = arith.index_cast %add3A_367 : i32 to index
        %swap3A_373 = tpu.vector_load %arg10[%swap3A_372] {strides = array<i32>} : memref<4224xf32, #tpu.memory_space<vmem>>, vector<16xf32>,
        %swap3A_374 = vector.shape_cast %swap3A_373 : vector<16xf32> to vector<16xf32>
        %swap3A_375 = vector.shape_cast %add3A_371 : vector<16xf32> to vector<16xf32>
        tpu.vector_store %arg10[%swap3A_372], %swap3A_375 {strides = array<i32>} : memref<4224xf32, #tpu.memory_space<vmem>>, vector<16xf32>,
        %get3A_376 = arith.index_cast %add3A_367 : i32 to index
        %get3A_377 = tpu.vector_load %arg11[%get3A_376] {strides = array<i32>} : memref<4224xf32, #tpu.memory_space<vmem>>, vector<16xf32>,
        %get3A_378 = vector.shape_cast %get3A_377 : vector<16xf32> to vector<16xf32>
        %max3A_379 = arith.maximumf %get3A_378, %while3A_289#12 : vector<16xf32>
        %swap3A_380 = arith.index_cast %add3A_367 : i32 to index
        %swap3A_381 = tpu.vector_load %arg11[%swap3A_380] {strides = array<i32>} : memref<4224xf32, #tpu.memory_space<vmem>>, vector<16xf32>,
        %swap3A_382 = vector.shape_cast %swap3A_381 : vector<16xf32> to vector<16xf32>
        %swap3A_383 = vector.shape_cast %max3A_379 : vector<16xf32> to vector<16xf32>
        tpu.vector_store %arg11[%swap3A_380], %swap3A_383 {strides = array<i32>} : memref<4224xf32, #tpu.memory_space<vmem>>, vector<16xf32>,
        %add3A_384 = arith.constant 80 : i32
        %add3A_385 = arith.addi %mul3A_294, %add3A_384 : i32
        %get3A_386 = arith.index_cast %add3A_385 : i32 to index
        %get3A_387 = tpu.vector_load %arg10[%get3A_386] {strides = array<i32>} : memref<4224xf32, #tpu.memory_space<vmem>>, vector<16xf32>,
        %get3A_388 = vector.shape_cast %get3A_387 : vector<16xf32> to vector<16xf32>
        %add3A_389 = arith.addf %get3A_388, %while3A_289#5 : vector<16xf32>
        %swap3A_390 = arith.index_cast %add3A_385 : i32 to index
        %swap3A_391 = tpu.vector_load %arg10[%swap3A_390] {strides = array<i32>} : memref<4224xf32, #tpu.memory_space<vmem>>, vector<16xf32>,
        %swap3A_392 = vector.shape_cast %swap3A_391 : vector<16xf32> to vector<16xf32>
        %swap3A_393 = vector.shape_cast %add3A_389 : vector<16xf32> to vector<16xf32>
        tpu.vector_store %arg10[%swap3A_390], %swap3A_393 {strides = array<i32>} : memref<4224xf32, #tpu.memory_space<vmem>>, vector<16xf32>,
        %get3A_394 = arith.index_cast %add3A_385 : i32 to index
        %get3A_395 = tpu.vector_load %arg11[%get3A_394] {strides = array<i32>} : memref<4224xf32, #tpu.memory_space<vmem>>, vector<16xf32>,
        %get3A_396 = vector.shape_cast %get3A_395 : vector<16xf32> to vector<16xf32>
        %max3A_397 = arith.maximumf %get3A_396, %while3A_289#13 : vector<16xf32>
        %swap3A_398 = arith.index_cast %add3A_385 : i32 to index
        %swap3A_399 = tpu.vector_load %arg11[%swap3A_398] {strides = array<i32>} : memref<4224xf32, #tpu.memory_space<vmem>>, vector<16xf32>,
        %swap3A_400 = vector.shape_cast %swap3A_399 : vector<16xf32> to vector<16xf32>
        %swap3A_401 = vector.shape_cast %max3A_397 : vector<16xf32> to vector<16xf32>
        tpu.vector_store %arg11[%swap3A_398], %swap3A_401 {strides = array<i32>} : memref<4224xf32, #tpu.memory_space<vmem>>, vector<16xf32>,
        %add3A_402 = arith.constant 96 : i32
        %add3A_403 = arith.addi %mul3A_294, %add3A_402 : i32
        %get3A_404 = arith.index_cast %add3A_403 : i32 to index
        %get3A_405 = tpu.vector_load %arg10[%get3A_404] {strides = array<i32>} : memref<4224xf32, #tpu.memory_space<vmem>>, vector<16xf32>,
        %get3A_406 = vector.shape_cast %get3A_405 : vector<16xf32> to vector<16xf32>
        %add3A_407 = arith.addf %get3A_406, %while3A_289#6 : vector<16xf32>
        %swap3A_408 = arith.index_cast %add3A_403 : i32 to index
        %swap3A_409 = tpu.vector_load %arg10[%swap3A_408] {strides = array<i32>} : memref<4224xf32, #tpu.memory_space<vmem>>, vector<16xf32>,
        %swap3A_410 = vector.shape_cast %swap3A_409 : vector<16xf32> to vector<16xf32>
        %swap3A_411 = vector.shape_cast %add3A_407 : vector<16xf32> to vector<16xf32>
        tpu.vector_store %arg10[%swap3A_408], %swap3A_411 {strides = array<i32>} : memref<4224xf32, #tpu.memory_space<vmem>>, vector<16xf32>,
        %get3A_412 = arith.index_cast %add3A_403 : i32 to index
        %get3A_413 = tpu.vector_load %arg11[%get3A_412] {strides = array<i32>} : memref<4224xf32, #tpu.memory_space<vmem>>, vector<16xf32>,
        %get3A_414 = vector.shape_cast %get3A_413 : vector<16xf32> to vector<16xf32>
        %max3A_415 = arith.maximumf %get3A_414, %while3A_289#14 : vector<16xf32>
        %swap3A_416 = arith.index_cast %add3A_403 : i32 to index
        %swap3A_417 = tpu.vector_load %arg11[%swap3A_416] {strides = array<i32>} : memref<4224xf32, #tpu.memory_space<vmem>>, vector<16xf32>,
        %swap3A_418 = vector.shape_cast %swap3A_417 : vector<16xf32> to vector<16xf32>
        %swap3A_419 = vector.shape_cast %max3A_415 : vector<16xf32> to vector<16xf32>
        tpu.vector_store %arg11[%swap3A_416], %swap3A_419 {strides = array<i32>} : memref<4224xf32, #tpu.memory_space<vmem>>, vector<16xf32>,
        %add3A_420 = arith.constant 112 : i32
        %add3A_421 = arith.addi %mul3A_294, %add3A_420 : i32
        %get3A_422 = arith.index_cast %add3A_421 : i32 to index
        %get3A_423 = tpu.vector_load %arg10[%get3A_422] {strides = array<i32>} : memref<4224xf32, #tpu.memory_space<vmem>>, vector<16xf32>,
        %get3A_424 = vector.shape_cast %get3A_423 : vector<16xf32> to vector<16xf32>
        %add3A_425 = arith.addf %get3A_424, %while3A_289#7 : vector<16xf32>
        %swap3A_426 = arith.index_cast %add3A_421 : i32 to index
        %swap3A_427 = tpu.vector_load %arg10[%swap3A_426] {strides = array<i32>} : memref<4224xf32, #tpu.memory_space<vmem>>, vector<16xf32>,
        %swap3A_428 = vector.shape_cast %swap3A_427 : vector<16xf32> to vector<16xf32>
        %swap3A_429 = vector.shape_cast %add3A_425 : vector<16xf32> to vector<16xf32>
        tpu.vector_store %arg10[%swap3A_426], %swap3A_429 {strides = array<i32>} : memref<4224xf32, #tpu.memory_space<vmem>>, vector<16xf32>,
        %get3A_430 = arith.index_cast %add3A_421 : i32 to index
        %get3A_431 = tpu.vector_load %arg11[%get3A_430] {strides = array<i32>} : memref<4224xf32, #tpu.memory_space<vmem>>, vector<16xf32>,
        %get3A_432 = vector.shape_cast %get3A_431 : vector<16xf32> to vector<16xf32>
        %max3A_433 = arith.maximumf %get3A_432, %while3A_289#15 : vector<16xf32>
        %swap3A_434 = arith.index_cast %add3A_421 : i32 to index
        %swap3A_435 = tpu.vector_load %arg11[%swap3A_434] {strides = array<i32>} : memref<4224xf32, #tpu.memory_space<vmem>>, vector<16xf32>,
        %swap3A_436 = vector.shape_cast %swap3A_435 : vector<16xf32> to vector<16xf32>
        %swap3A_437 = vector.shape_cast %max3A_433 : vector<16xf32> to vector<16xf32>
        tpu.vector_store %arg11[%swap3A_434], %swap3A_437 {strides = array<i32>} : memref<4224xf32, #tpu.memory_space<vmem>>, vector<16xf32>,
      } else {
      }
    }
    %dma_start3A_234 = arith.constant 0 : i32
    %dma_start3A_235 = tpu.memref_slice %arg4[%add3A, %dma_start3A_234] : memref<16x4224xf32, #tpu.memory_space<hbm>> -> memref<1x4224xf32, #tpu.memory_space<hbm>>
    %dma_start3A_236 = tpu.memref_squeeze %dma_start3A_235 : memref<1x4224xf32, #tpu.memory_space<hbm>> -> memref<4224xf32, #tpu.memory_space<hbm>>
    %dma_start3A_237 = arith.constant 0 : i32
    %dma_start3A_238 = tpu.memref_slice %arg4[%add3A, %dma_start3A_237] : memref<16x4224xf32, #tpu.memory_space<hbm>> -> memref<1x4224xf32, #tpu.memory_space<hbm>>
    %dma_start3A_239 = tpu.memref_squeeze %dma_start3A_238 : memref<1x4224xf32, #tpu.memory_space<hbm>> -> memref<4224xf32, #tpu.memory_space<hbm>>
    tpu.enqueue_dma source(%arg10 : memref<4224xf32, #tpu.memory_space<vmem>>) target(%dma_start3A_239 : memref<4224xf32, #tpu.memory_space<hbm>>) target_semaphore(%arg14 : memref<!tpu.dma_semaphore, #tpu.memory_space<semaphore_mem>>)
    %dma_start3A_240 = arith.constant 0 : i32
    %dma_start3A_241 = tpu.memref_slice %arg5[%add3A, %dma_start3A_240] : memref<16x4224xf32, #tpu.memory_space<hbm>> -> memref<1x4224xf32, #tpu.memory_space<hbm>>
    %dma_start3A_242 = tpu.memref_squeeze %dma_start3A_241 : memref<1x4224xf32, #tpu.memory_space<hbm>> -> memref<4224xf32, #tpu.memory_space<hbm>>
    %dma_start3A_243 = arith.constant 0 : i32
    %dma_start3A_244 = tpu.memref_slice %arg5[%add3A, %dma_start3A_243] : memref<16x4224xf32, #tpu.memory_space<hbm>> -> memref<1x4224xf32, #tpu.memory_space<hbm>>
    %dma_start3A_245 = tpu.memref_squeeze %dma_start3A_244 : memref<1x4224xf32, #tpu.memory_space<hbm>> -> memref<4224xf32, #tpu.memory_space<hbm>>
    tpu.enqueue_dma source(%arg11 : memref<4224xf32, #tpu.memory_space<vmem>>) target(%dma_start3A_245 : memref<4224xf32, #tpu.memory_space<hbm>>) target_semaphore(%arg14 : memref<!tpu.dma_semaphore, #tpu.memory_space<semaphore_mem>>)
    %dma_start3A_246 = arith.constant 0 : i32
    %dma_start3A_247 = tpu.memref_slice %arg6[%add3A, %dma_start3A_246] : memref<16x528xf32, #tpu.memory_space<hbm>> -> memref<1x528xf32, #tpu.memory_space<hbm>>
    %dma_start3A_248 = tpu.memref_squeeze %dma_start3A_247 : memref<1x528xf32, #tpu.memory_space<hbm>> -> memref<528xf32, #tpu.memory_space<hbm>>
    %dma_start3A_249 = arith.constant 0 : i32
    %dma_start3A_250 = tpu.memref_slice %arg6[%add3A, %dma_start3A_249] : memref<16x528xf32, #tpu.memory_space<hbm>> -> memref<1x528xf32, #tpu.memory_space<hbm>>
    %dma_start3A_251 = tpu.memref_squeeze %dma_start3A_250 : memref<1x528xf32, #tpu.memory_space<hbm>> -> memref<528xf32, #tpu.memory_space<hbm>>
    tpu.enqueue_dma source(%arg12 : memref<528xf32, #tpu.memory_space<vmem>>) target(%dma_start3A_251 : memref<528xf32, #tpu.memory_space<hbm>>) target_semaphore(%arg14 : memref<!tpu.dma_semaphore, #tpu.memory_space<semaphore_mem>>)
    %dma_wait3A_252 = arith.constant 0 : i32
    %dma_wait3A_253 = tpu.memref_slice %arg4[%add3A, %dma_wait3A_252] : memref<16x4224xf32, #tpu.memory_space<hbm>> -> memref<1x4224xf32, #tpu.memory_space<hbm>>
    %dma_wait3A_254 = tpu.memref_squeeze %dma_wait3A_253 : memref<1x4224xf32, #tpu.memory_space<hbm>> -> memref<4224xf32, #tpu.memory_space<hbm>>
    %dma_wait3A_255 = arith.constant 0 : i32
    %dma_wait3A_256 = tpu.memref_slice %arg4[%add3A, %dma_wait3A_255] : memref<16x4224xf32, #tpu.memory_space<hbm>> -> memref<1x4224xf32, #tpu.memory_space<hbm>>
    %dma_wait3A_257 = tpu.memref_squeeze %dma_wait3A_256 : memref<1x4224xf32, #tpu.memory_space<hbm>> -> memref<4224xf32, #tpu.memory_space<hbm>>
    tpu.wait_dma2 semaphore(%arg14 : memref<!tpu.dma_semaphore, #tpu.memory_space<semaphore_mem>>) src(%arg10 : memref<4224xf32, #tpu.memory_space<vmem>>) dst(%dma_wait3A_257 : memref<4224xf32, #tpu.memory_space<hbm>>)
    %dma_wait3A_258 = arith.constant 0 : i32
    %dma_wait3A_259 = tpu.memref_slice %arg5[%add3A, %dma_wait3A_258] : memref<16x4224xf32, #tpu.memory_space<hbm>> -> memref<1x4224xf32, #tpu.memory_space<hbm>>
    %dma_wait3A_260 = tpu.memref_squeeze %dma_wait3A_259 : memref<1x4224xf32, #tpu.memory_space<hbm>> -> memref<4224xf32, #tpu.memory_space<hbm>>
    %dma_wait3A_261 = arith.constant 0 : i32
    %dma_wait3A_262 = tpu.memref_slice %arg5[%add3A, %dma_wait3A_261] : memref<16x4224xf32, #tpu.memory_space<hbm>> -> memref<1x4224xf32, #tpu.memory_space<hbm>>
    %dma_wait3A_263 = tpu.memref_squeeze %dma_wait3A_262 : memref<1x4224xf32, #tpu.memory_space<hbm>> -> memref<4224xf32, #tpu.memory_space<hbm>>
    tpu.wait_dma2 semaphore(%arg14 : memref<!tpu.dma_semaphore, #tpu.memory_space<semaphore_mem>>) src(%arg11 : memref<4224xf32, #tpu.memory_space<vmem>>) dst(%dma_wait3A_263 : memref<4224xf32, #tpu.memory_space<hbm>>)
    %dma_wait3A_264 = arith.constant 0 : i32
    %dma_wait3A_265 = tpu.memref_slice %arg6[%add3A, %dma_wait3A_264] : memref<16x528xf32, #tpu.memory_space<hbm>> -> memref<1x528xf32, #tpu.memory_space<hbm>>
    %dma_wait3A_266 = tpu.memref_squeeze %dma_wait3A_265 : memref<1x528xf32, #tpu.memory_space<hbm>> -> memref<528xf32, #tpu.memory_space<hbm>>
    %dma_wait3A_267 = arith.constant 0 : i32
    %dma_wait3A_268 = tpu.memref_slice %arg6[%add3A, %dma_wait3A_267] : memref<16x528xf32, #tpu.memory_space<hbm>> -> memref<1x528xf32, #tpu.memory_space<hbm>>
    %dma_wait3A_269 = tpu.memref_squeeze %dma_wait3A_268 : memref<1x528xf32, #tpu.memory_space<hbm>> -> memref<528xf32, #tpu.memory_space<hbm>>
    tpu.wait_dma2 semaphore(%arg14 : memref<!tpu.dma_semaphore, #tpu.memory_space<semaphore_mem>>) src(%arg12 : memref<528xf32, #tpu.memory_space<vmem>>) dst(%dma_wait3A_269 : memref<528xf32, #tpu.memory_space<hbm>>)
    return
  }
}

module attributes {stable_mosaic.version = 14 : i64} {
  func.func @_tc_body(%arg0: i32, %arg1: memref<1x1x2000xi32, #tpu.memory_space<vmem>>, %arg2: memref<2000x128xf32, #tpu.memory_space<vmem>>, %arg3: memref<33x128xf32, #tpu.memory_space<vmem>>, %arg4: memref<33x128xf32, #tpu.memory_space<vmem>>, %arg5: memref<33x1xf32, #tpu.memory_space<vmem>>, %arg6: memref<33x128xf32, #tpu.memory_space<vmem>>, %arg7: memref<33x128xf32, #tpu.memory_space<vmem>>, %arg8: memref<33x1xf32, #tpu.memory_space<vmem>>) attributes {dimension_semantics = [#tpu.dimension_semantics<arbitrary>], iteration_bounds = array<i64: 32>, scalar_prefetch = 0 : i64, scratch_operands = 3 : i64, tpu.core_type = #tpu.core_type<tc>, window_params = [{transform_indices = @transform_0, window_bounds = array<i64: 1, 1, 2000>}, {transform_indices = @transform_1, window_bounds = array<i64: 2000, 128>}, {pipeline_mode = #tpu.pipeline_mode<synchronous>, transform_indices = @transform_2, window_bounds = array<i64: 33, 128>}, {pipeline_mode = #tpu.pipeline_mode<synchronous>, transform_indices = @transform_3, window_bounds = array<i64: 33, 128>}, {pipeline_mode = #tpu.pipeline_mode<synchronous>, transform_indices = @transform_4, window_bounds = array<i64: 33, 1>}]} {
    %eq3A = arith.constant 0 : i32
    %eq3A_0 = arith.cmpi eq, %arg0, %eq3A : i32
    %convert_element_type3A = arith.extui %eq3A_0 : i1 to i32
    %cond3A = arith.constant 0 : i32
    %cond3A_1 = arith.cmpi ne, %convert_element_type3A, %cond3A : i32
    scf.if %cond3A_1 {
      %broadcast_in_dim3A_302 = arith.constant 0.000000e+00 : f32
      %broadcast_in_dim3A_303 = vector.broadcast %broadcast_in_dim3A_302 : f32 to vector<33x128xf32>
      %swap3A_304 = arith.constant 0 : index
      %swap3A_305 = arith.constant 0 : index
      %swap3A_306 = vector.load %arg6[%swap3A_304, %swap3A_305] : memref<33x128xf32, #tpu.memory_space<vmem>>, vector<33x128xf32>
      tpu.vector_store %arg6[%swap3A_304, %swap3A_305], %broadcast_in_dim3A_303 {strides = array<i32>} : memref<33x128xf32, #tpu.memory_space<vmem>>, vector<33x128xf32>,
      %broadcast_in_dim3A_307 = arith.constant 0.000000e+00 : f32
      %broadcast_in_dim3A_308 = vector.broadcast %broadcast_in_dim3A_307 : f32 to vector<33x1xf32>
      %swap3A_309 = arith.constant 0 : index
      %swap3A_310 = arith.constant 0 : index
      %swap3A_311 = vector.load %arg8[%swap3A_309, %swap3A_310] : memref<33x1xf32, #tpu.memory_space<vmem>>, vector<33x1xf32>
      tpu.vector_store %arg8[%swap3A_309, %swap3A_310], %broadcast_in_dim3A_308 {strides = array<i32>} : memref<33x1xf32, #tpu.memory_space<vmem>>, vector<33x1xf32>,
      %broadcast_in_dim3A_312 = arith.constant 0xFF800000 : f32
      %broadcast_in_dim3A_313 = vector.broadcast %broadcast_in_dim3A_312 : f32 to vector<33x128xf32>
      %swap3A_314 = arith.constant 0 : index
      %swap3A_315 = arith.constant 0 : index
      %swap3A_316 = vector.load %arg7[%swap3A_314, %swap3A_315] : memref<33x128xf32, #tpu.memory_space<vmem>>, vector<33x128xf32>
      tpu.vector_store %arg7[%swap3A_314, %swap3A_315], %broadcast_in_dim3A_313 {strides = array<i32>} : memref<33x128xf32, #tpu.memory_space<vmem>>, vector<33x128xf32>,
    } else {
    }
    %get3A = arith.constant 0 : index
    %get3A_2 = arith.constant 0 : index
    %get3A_3 = arith.constant 0 : index
    %get3A_4 = vector.load %arg1[%get3A, %get3A_2, %get3A_3] : memref<1x1x2000xi32, #tpu.memory_space<vmem>>, vector<1x1x2000xi32>
    %get3A_5 = vector.shape_cast %get3A_4 : vector<1x1x2000xi32> to vector<2000xi32>
    %get3A_6 = arith.constant 0 : index
    %get3A_7 = arith.constant 0 : index
    %get3A_8 = vector.load %arg2[%get3A_6, %get3A_7] : memref<2000x128xf32, #tpu.memory_space<vmem>>, vector<2000x128xf32>
    %iota3A = tpu.iota {dimensions = array<i32: 1>} : vector<2000x33xi32>
    %broadcast_in_dim3A = vector.shape_cast %get3A_5 : vector<2000xi32> to vector<2000x1xi32>
    %eq3A_9 = vector.broadcast %broadcast_in_dim3A : vector<2000x1xi32> to vector<2000x33xi32>
    %eq3A_10 = arith.cmpi eq, %eq3A_9, %iota3A : vector<2000x33xi32>
    %convert_element_type3A_11 = arith.extui %eq3A_10 : vector<2000x33xi1> to vector<2000x33xi32>
    %convert_element_type3A_12 = arith.sitofp %convert_element_type3A_11 : vector<2000x33xi32> to vector<2000x33xf32>
    %get3A_13 = arith.constant 0 : index
    %get3A_14 = arith.constant 0 : index
    %get3A_15 = vector.load %arg6[%get3A_13, %get3A_14] : memref<33x128xf32, #tpu.memory_space<vmem>>, vector<33x128xf32>
    %dot_general3A = arith.constant dense<0.000000e+00> : vector<33x128xf32>
    %dot_general3A_16 = tpu.matmul %convert_element_type3A_12, %get3A_8, %dot_general3A {dimension_numbers = #tpu.dot_dimension_numbers<[0], [0], [1], [1], [0, 1, 1, 1], [], []>, transpose_lhs_hint = false} : vector<2000x33xf32>, vector<2000x128xf32>, vector<33x128xf32> -> vector<33x128xf32>
    %add3A = arith.addf %get3A_15, %dot_general3A_16 : vector<33x128xf32>
    %swap3A = arith.constant 0 : index
    %swap3A_17 = arith.constant 0 : index
    %swap3A_18 = vector.load %arg6[%swap3A, %swap3A_17] : memref<33x128xf32, #tpu.memory_space<vmem>>, vector<33x128xf32>
    tpu.vector_store %arg6[%swap3A, %swap3A_17], %add3A {strides = array<i32>} : memref<33x128xf32, #tpu.memory_space<vmem>>, vector<33x128xf32>,
    %get3A_19 = arith.constant 0 : index
    %get3A_20 = arith.constant 0 : index
    %get3A_21 = vector.load %arg8[%get3A_19, %get3A_20] : memref<33x1xf32, #tpu.memory_space<vmem>>, vector<33x1xf32>
    %reduce_sum3A = arith.constant dense<0.000000e+00> : vector<33xf32>
    %reduce_sum3A_22 = vector.multi_reduction <add>, %convert_element_type3A_12, %reduce_sum3A [0] : vector<2000x33xf32> to vector<33xf32>
    %broadcast_in_dim3A_23 = vector.shape_cast %reduce_sum3A_22 : vector<33xf32> to vector<33x1xf32>
    %add3A_24 = arith.addf %get3A_21, %broadcast_in_dim3A_23 : vector<33x1xf32>
    %swap3A_25 = arith.constant 0 : index
    %swap3A_26 = arith.constant 0 : index
    %swap3A_27 = vector.load %arg8[%swap3A_25, %swap3A_26] : memref<33x1xf32, #tpu.memory_space<vmem>>, vector<33x1xf32>
    tpu.vector_store %arg8[%swap3A_25, %swap3A_26], %add3A_24 {strides = array<i32>} : memref<33x1xf32, #tpu.memory_space<vmem>>, vector<33x1xf32>,
    %reduce_min3A = vector.shape_cast %get3A_5 : vector<2000xi32> to vector<1x2000xi32>
    %reduce_min3A_28 = arith.constant dense<2147483647> : vector<1xi32>
    %reduce_min3A_29 = vector.multi_reduction <minsi>, %reduce_min3A, %reduce_min3A_28 [1] : vector<1x2000xi32> to vector<1xi32>
    %reduce_min3A_30 = vector.shape_cast %reduce_min3A_29 : vector<1xi32> to vector<1x1xi32>
    %reduce_min3A_31 = vector.extract %reduce_min3A_30[0, 0] : i32 from vector<1x1xi32>
    %reduce_max3A = vector.shape_cast %get3A_5 : vector<2000xi32> to vector<1x2000xi32>
    %reduce_max3A_32 = arith.constant dense<-2147483648> : vector<1xi32>
    %reduce_max3A_33 = vector.multi_reduction <maxsi>, %reduce_max3A, %reduce_max3A_32 [1] : vector<1x2000xi32> to vector<1xi32>
    %reduce_max3A_34 = vector.shape_cast %reduce_max3A_33 : vector<1xi32> to vector<1x1xi32>
    %reduce_max3A_35 = vector.extract %reduce_max3A_34[0, 0] : i32 from vector<1x1xi32>
    %le3A = arith.constant 0 : i32
    %le3A_36 = arith.cmpi sle, %reduce_min3A_31, %le3A : i32
    %ge3A = arith.constant 0 : i32
    %ge3A_37 = arith.cmpi sge, %reduce_max3A_35, %ge3A : i32
    %and3A = arith.andi %le3A_36, %ge3A_37 : i1
    %convert_element_type3A_38 = arith.extui %and3A : i1 to i32
    %cond3A_39 = arith.constant 0 : i32
    %cond3A_40 = arith.cmpi ne, %convert_element_type3A_38, %cond3A_39 : i32
    scf.if %cond3A_40 {
      %eq3A_302 = arith.constant 0 : i32
      %eq3A_303 = vector.broadcast %eq3A_302 : i32 to vector<2000xi32>
      %eq3A_304 = arith.cmpi eq, %get3A_5, %eq3A_303 : vector<2000xi32>
      %jit3A = arith.constant 0.000000e+00 : f32
      %jit3A_305 = arith.constant 0xFF800000 : f32
      %broadcast_in_dim3A_306 = vector.broadcast %jit3A : f32 to vector<2000xf32>
      %broadcast_in_dim3A_307 = vector.broadcast %jit3A_305 : f32 to vector<2000xf32>
      %select_n3A = arith.select %eq3A_304, %broadcast_in_dim3A_306, %broadcast_in_dim3A_307 : vector<2000xi1>, vector<2000xf32>
      %broadcast_in_dim3A_308 = vector.shape_cast %select_n3A : vector<2000xf32> to vector<2000x1xf32>
      %add3A_309 = vector.broadcast %broadcast_in_dim3A_308 : vector<2000x1xf32> to vector<2000x128xf32>
      %add3A_310 = arith.addf %get3A_8, %add3A_309 : vector<2000x128xf32>
      %reduce_max3A_311 = arith.constant dense<0xFF800000> : vector<128xf32>
      %reduce_max3A_312 = vector.multi_reduction <maximumf>, %add3A_310, %reduce_max3A_311 [0] : vector<2000x128xf32> to vector<128xf32>
      %get3A_313 = arith.constant 0 : index
      %get3A_314 = arith.constant 0 : index
      %get3A_315 = vector.load %arg7[%get3A_313, %get3A_314] : memref<33x128xf32, #tpu.memory_space<vmem>>, vector<1x128xf32>
      %get3A_316 = vector.shape_cast %get3A_315 : vector<1x128xf32> to vector<128xf32>
      %max3A = arith.maximumf %get3A_316, %reduce_max3A_312 : vector<128xf32>
      %swap3A_317 = arith.constant 0 : index
      %swap3A_318 = arith.constant 0 : index
      %swap3A_319 = vector.load %arg7[%swap3A_317, %swap3A_318] : memref<33x128xf32, #tpu.memory_space<vmem>>, vector<1x128xf32>
      %swap3A_320 = vector.shape_cast %swap3A_319 : vector<1x128xf32> to vector<128xf32>
      %swap3A_321 = vector.shape_cast %max3A : vector<128xf32> to vector<1x128xf32>
      tpu.vector_store %arg7[%swap3A_317, %swap3A_318], %swap3A_321 {strides = array<i32>} : memref<33x128xf32, #tpu.memory_space<vmem>>, vector<1x128xf32>,
    } else {
    }
    %le3A_41 = arith.constant 1 : i32
    %le3A_42 = arith.cmpi sle, %reduce_min3A_31, %le3A_41 : i32
    %ge3A_43 = arith.constant 1 : i32
    %ge3A_44 = arith.cmpi sge, %reduce_max3A_35, %ge3A_43 : i32
    %and3A_45 = arith.andi %le3A_42, %ge3A_44 : i1
    %convert_element_type3A_46 = arith.extui %and3A_45 : i1 to i32
    %cond3A_47 = arith.constant 0 : i32
    %cond3A_48 = arith.cmpi ne, %convert_element_type3A_46, %cond3A_47 : i32
    scf.if %cond3A_48 {
      %eq3A_302 = arith.constant 1 : i32
      %eq3A_303 = vector.broadcast %eq3A_302 : i32 to vector<2000xi32>
      %eq3A_304 = arith.cmpi eq, %get3A_5, %eq3A_303 : vector<2000xi32>
      %jit3A = arith.constant 0.000000e+00 : f32
      %jit3A_305 = arith.constant 0xFF800000 : f32
      %broadcast_in_dim3A_306 = vector.broadcast %jit3A : f32 to vector<2000xf32>
      %broadcast_in_dim3A_307 = vector.broadcast %jit3A_305 : f32 to vector<2000xf32>
      %select_n3A = arith.select %eq3A_304, %broadcast_in_dim3A_306, %broadcast_in_dim3A_307 : vector<2000xi1>, vector<2000xf32>
      %broadcast_in_dim3A_308 = vector.shape_cast %select_n3A : vector<2000xf32> to vector<2000x1xf32>
      %add3A_309 = vector.broadcast %broadcast_in_dim3A_308 : vector<2000x1xf32> to vector<2000x128xf32>
      %add3A_310 = arith.addf %get3A_8, %add3A_309 : vector<2000x128xf32>
      %reduce_max3A_311 = arith.constant dense<0xFF800000> : vector<128xf32>
      %reduce_max3A_312 = vector.multi_reduction <maximumf>, %add3A_310, %reduce_max3A_311 [0] : vector<2000x128xf32> to vector<128xf32>
      %get3A_313 = arith.constant 1 : index
      %get3A_314 = arith.constant 0 : index
      %get3A_315 = vector.load %arg7[%get3A_313, %get3A_314] : memref<33x128xf32, #tpu.memory_space<vmem>>, vector<1x128xf32>
      %get3A_316 = vector.shape_cast %get3A_315 : vector<1x128xf32> to vector<128xf32>
      %max3A = arith.maximumf %get3A_316, %reduce_max3A_312 : vector<128xf32>
      %swap3A_317 = arith.constant 1 : index
      %swap3A_318 = arith.constant 0 : index
      %swap3A_319 = vector.load %arg7[%swap3A_317, %swap3A_318] : memref<33x128xf32, #tpu.memory_space<vmem>>, vector<1x128xf32>
      %swap3A_320 = vector.shape_cast %swap3A_319 : vector<1x128xf32> to vector<128xf32>
      %swap3A_321 = vector.shape_cast %max3A : vector<128xf32> to vector<1x128xf32>
      tpu.vector_store %arg7[%swap3A_317, %swap3A_318], %swap3A_321 {strides = array<i32>} : memref<33x128xf32, #tpu.memory_space<vmem>>, vector<1x128xf32>,
    } else {
    }
    %le3A_49 = arith.constant 2 : i32
    %le3A_50 = arith.cmpi sle, %reduce_min3A_31, %le3A_49 : i32
    %ge3A_51 = arith.constant 2 : i32
    %ge3A_52 = arith.cmpi sge, %reduce_max3A_35, %ge3A_51 : i32
    %and3A_53 = arith.andi %le3A_50, %ge3A_52 : i1
    %convert_element_type3A_54 = arith.extui %and3A_53 : i1 to i32
    %cond3A_55 = arith.constant 0 : i32
    %cond3A_56 = arith.cmpi ne, %convert_element_type3A_54, %cond3A_55 : i32
    scf.if %cond3A_56 {
      %eq3A_302 = arith.constant 2 : i32
      %eq3A_303 = vector.broadcast %eq3A_302 : i32 to vector<2000xi32>
      %eq3A_304 = arith.cmpi eq, %get3A_5, %eq3A_303 : vector<2000xi32>
      %jit3A = arith.constant 0.000000e+00 : f32
      %jit3A_305 = arith.constant 0xFF800000 : f32
      %broadcast_in_dim3A_306 = vector.broadcast %jit3A : f32 to vector<2000xf32>
      %broadcast_in_dim3A_307 = vector.broadcast %jit3A_305 : f32 to vector<2000xf32>
      %select_n3A = arith.select %eq3A_304, %broadcast_in_dim3A_306, %broadcast_in_dim3A_307 : vector<2000xi1>, vector<2000xf32>
      %broadcast_in_dim3A_308 = vector.shape_cast %select_n3A : vector<2000xf32> to vector<2000x1xf32>
      %add3A_309 = vector.broadcast %broadcast_in_dim3A_308 : vector<2000x1xf32> to vector<2000x128xf32>
      %add3A_310 = arith.addf %get3A_8, %add3A_309 : vector<2000x128xf32>
      %reduce_max3A_311 = arith.constant dense<0xFF800000> : vector<128xf32>
      %reduce_max3A_312 = vector.multi_reduction <maximumf>, %add3A_310, %reduce_max3A_311 [0] : vector<2000x128xf32> to vector<128xf32>
      %get3A_313 = arith.constant 2 : index
      %get3A_314 = arith.constant 0 : index
      %get3A_315 = vector.load %arg7[%get3A_313, %get3A_314] : memref<33x128xf32, #tpu.memory_space<vmem>>, vector<1x128xf32>
      %get3A_316 = vector.shape_cast %get3A_315 : vector<1x128xf32> to vector<128xf32>
      %max3A = arith.maximumf %get3A_316, %reduce_max3A_312 : vector<128xf32>
      %swap3A_317 = arith.constant 2 : index
      %swap3A_318 = arith.constant 0 : index
      %swap3A_319 = vector.load %arg7[%swap3A_317, %swap3A_318] : memref<33x128xf32, #tpu.memory_space<vmem>>, vector<1x128xf32>
      %swap3A_320 = vector.shape_cast %swap3A_319 : vector<1x128xf32> to vector<128xf32>
      %swap3A_321 = vector.shape_cast %max3A : vector<128xf32> to vector<1x128xf32>
      tpu.vector_store %arg7[%swap3A_317, %swap3A_318], %swap3A_321 {strides = array<i32>} : memref<33x128xf32, #tpu.memory_space<vmem>>, vector<1x128xf32>,
    } else {
    }
    %le3A_57 = arith.constant 3 : i32
    %le3A_58 = arith.cmpi sle, %reduce_min3A_31, %le3A_57 : i32
    %ge3A_59 = arith.constant 3 : i32
    %ge3A_60 = arith.cmpi sge, %reduce_max3A_35, %ge3A_59 : i32
    %and3A_61 = arith.andi %le3A_58, %ge3A_60 : i1
    %convert_element_type3A_62 = arith.extui %and3A_61 : i1 to i32
    %cond3A_63 = arith.constant 0 : i32
    %cond3A_64 = arith.cmpi ne, %convert_element_type3A_62, %cond3A_63 : i32
    scf.if %cond3A_64 {
      %eq3A_302 = arith.constant 3 : i32
      %eq3A_303 = vector.broadcast %eq3A_302 : i32 to vector<2000xi32>
      %eq3A_304 = arith.cmpi eq, %get3A_5, %eq3A_303 : vector<2000xi32>
      %jit3A = arith.constant 0.000000e+00 : f32
      %jit3A_305 = arith.constant 0xFF800000 : f32
      %broadcast_in_dim3A_306 = vector.broadcast %jit3A : f32 to vector<2000xf32>
      %broadcast_in_dim3A_307 = vector.broadcast %jit3A_305 : f32 to vector<2000xf32>
      %select_n3A = arith.select %eq3A_304, %broadcast_in_dim3A_306, %broadcast_in_dim3A_307 : vector<2000xi1>, vector<2000xf32>
      %broadcast_in_dim3A_308 = vector.shape_cast %select_n3A : vector<2000xf32> to vector<2000x1xf32>
      %add3A_309 = vector.broadcast %broadcast_in_dim3A_308 : vector<2000x1xf32> to vector<2000x128xf32>
      %add3A_310 = arith.addf %get3A_8, %add3A_309 : vector<2000x128xf32>
      %reduce_max3A_311 = arith.constant dense<0xFF800000> : vector<128xf32>
      %reduce_max3A_312 = vector.multi_reduction <maximumf>, %add3A_310, %reduce_max3A_311 [0] : vector<2000x128xf32> to vector<128xf32>
      %get3A_313 = arith.constant 3 : index
      %get3A_314 = arith.constant 0 : index
      %get3A_315 = vector.load %arg7[%get3A_313, %get3A_314] : memref<33x128xf32, #tpu.memory_space<vmem>>, vector<1x128xf32>
      %get3A_316 = vector.shape_cast %get3A_315 : vector<1x128xf32> to vector<128xf32>
      %max3A = arith.maximumf %get3A_316, %reduce_max3A_312 : vector<128xf32>
      %swap3A_317 = arith.constant 3 : index
      %swap3A_318 = arith.constant 0 : index
      %swap3A_319 = vector.load %arg7[%swap3A_317, %swap3A_318] : memref<33x128xf32, #tpu.memory_space<vmem>>, vector<1x128xf32>
      %swap3A_320 = vector.shape_cast %swap3A_319 : vector<1x128xf32> to vector<128xf32>
      %swap3A_321 = vector.shape_cast %max3A : vector<128xf32> to vector<1x128xf32>
      tpu.vector_store %arg7[%swap3A_317, %swap3A_318], %swap3A_321 {strides = array<i32>} : memref<33x128xf32, #tpu.memory_space<vmem>>, vector<1x128xf32>,
    } else {
    }
    %le3A_65 = arith.constant 4 : i32
    %le3A_66 = arith.cmpi sle, %reduce_min3A_31, %le3A_65 : i32
    %ge3A_67 = arith.constant 4 : i32
    %ge3A_68 = arith.cmpi sge, %reduce_max3A_35, %ge3A_67 : i32
    %and3A_69 = arith.andi %le3A_66, %ge3A_68 : i1
    %convert_element_type3A_70 = arith.extui %and3A_69 : i1 to i32
    %cond3A_71 = arith.constant 0 : i32
    %cond3A_72 = arith.cmpi ne, %convert_element_type3A_70, %cond3A_71 : i32
    scf.if %cond3A_72 {
      %eq3A_302 = arith.constant 4 : i32
      %eq3A_303 = vector.broadcast %eq3A_302 : i32 to vector<2000xi32>
      %eq3A_304 = arith.cmpi eq, %get3A_5, %eq3A_303 : vector<2000xi32>
      %jit3A = arith.constant 0.000000e+00 : f32
      %jit3A_305 = arith.constant 0xFF800000 : f32
      %broadcast_in_dim3A_306 = vector.broadcast %jit3A : f32 to vector<2000xf32>
      %broadcast_in_dim3A_307 = vector.broadcast %jit3A_305 : f32 to vector<2000xf32>
      %select_n3A = arith.select %eq3A_304, %broadcast_in_dim3A_306, %broadcast_in_dim3A_307 : vector<2000xi1>, vector<2000xf32>
      %broadcast_in_dim3A_308 = vector.shape_cast %select_n3A : vector<2000xf32> to vector<2000x1xf32>
      %add3A_309 = vector.broadcast %broadcast_in_dim3A_308 : vector<2000x1xf32> to vector<2000x128xf32>
      %add3A_310 = arith.addf %get3A_8, %add3A_309 : vector<2000x128xf32>
      %reduce_max3A_311 = arith.constant dense<0xFF800000> : vector<128xf32>
      %reduce_max3A_312 = vector.multi_reduction <maximumf>, %add3A_310, %reduce_max3A_311 [0] : vector<2000x128xf32> to vector<128xf32>
      %get3A_313 = arith.constant 4 : index
      %get3A_314 = arith.constant 0 : index
      %get3A_315 = vector.load %arg7[%get3A_313, %get3A_314] : memref<33x128xf32, #tpu.memory_space<vmem>>, vector<1x128xf32>
      %get3A_316 = vector.shape_cast %get3A_315 : vector<1x128xf32> to vector<128xf32>
      %max3A = arith.maximumf %get3A_316, %reduce_max3A_312 : vector<128xf32>
      %swap3A_317 = arith.constant 4 : index
      %swap3A_318 = arith.constant 0 : index
      %swap3A_319 = vector.load %arg7[%swap3A_317, %swap3A_318] : memref<33x128xf32, #tpu.memory_space<vmem>>, vector<1x128xf32>
      %swap3A_320 = vector.shape_cast %swap3A_319 : vector<1x128xf32> to vector<128xf32>
      %swap3A_321 = vector.shape_cast %max3A : vector<128xf32> to vector<1x128xf32>
      tpu.vector_store %arg7[%swap3A_317, %swap3A_318], %swap3A_321 {strides = array<i32>} : memref<33x128xf32, #tpu.memory_space<vmem>>, vector<1x128xf32>,
    } else {
    }
    %le3A_73 = arith.constant 5 : i32
    %le3A_74 = arith.cmpi sle, %reduce_min3A_31, %le3A_73 : i32
    %ge3A_75 = arith.constant 5 : i32
    %ge3A_76 = arith.cmpi sge, %reduce_max3A_35, %ge3A_75 : i32
    %and3A_77 = arith.andi %le3A_74, %ge3A_76 : i1
    %convert_element_type3A_78 = arith.extui %and3A_77 : i1 to i32
    %cond3A_79 = arith.constant 0 : i32
    %cond3A_80 = arith.cmpi ne, %convert_element_type3A_78, %cond3A_79 : i32
    scf.if %cond3A_80 {
      %eq3A_302 = arith.constant 5 : i32
      %eq3A_303 = vector.broadcast %eq3A_302 : i32 to vector<2000xi32>
      %eq3A_304 = arith.cmpi eq, %get3A_5, %eq3A_303 : vector<2000xi32>
      %jit3A = arith.constant 0.000000e+00 : f32
      %jit3A_305 = arith.constant 0xFF800000 : f32
      %broadcast_in_dim3A_306 = vector.broadcast %jit3A : f32 to vector<2000xf32>
      %broadcast_in_dim3A_307 = vector.broadcast %jit3A_305 : f32 to vector<2000xf32>
      %select_n3A = arith.select %eq3A_304, %broadcast_in_dim3A_306, %broadcast_in_dim3A_307 : vector<2000xi1>, vector<2000xf32>
      %broadcast_in_dim3A_308 = vector.shape_cast %select_n3A : vector<2000xf32> to vector<2000x1xf32>
      %add3A_309 = vector.broadcast %broadcast_in_dim3A_308 : vector<2000x1xf32> to vector<2000x128xf32>
      %add3A_310 = arith.addf %get3A_8, %add3A_309 : vector<2000x128xf32>
      %reduce_max3A_311 = arith.constant dense<0xFF800000> : vector<128xf32>
      %reduce_max3A_312 = vector.multi_reduction <maximumf>, %add3A_310, %reduce_max3A_311 [0] : vector<2000x128xf32> to vector<128xf32>
      %get3A_313 = arith.constant 5 : index
      %get3A_314 = arith.constant 0 : index
      %get3A_315 = vector.load %arg7[%get3A_313, %get3A_314] : memref<33x128xf32, #tpu.memory_space<vmem>>, vector<1x128xf32>
      %get3A_316 = vector.shape_cast %get3A_315 : vector<1x128xf32> to vector<128xf32>
      %max3A = arith.maximumf %get3A_316, %reduce_max3A_312 : vector<128xf32>
      %swap3A_317 = arith.constant 5 : index
      %swap3A_318 = arith.constant 0 : index
      %swap3A_319 = vector.load %arg7[%swap3A_317, %swap3A_318] : memref<33x128xf32, #tpu.memory_space<vmem>>, vector<1x128xf32>
      %swap3A_320 = vector.shape_cast %swap3A_319 : vector<1x128xf32> to vector<128xf32>
      %swap3A_321 = vector.shape_cast %max3A : vector<128xf32> to vector<1x128xf32>
      tpu.vector_store %arg7[%swap3A_317, %swap3A_318], %swap3A_321 {strides = array<i32>} : memref<33x128xf32, #tpu.memory_space<vmem>>, vector<1x128xf32>,
    } else {
    }
    %le3A_81 = arith.constant 6 : i32
    %le3A_82 = arith.cmpi sle, %reduce_min3A_31, %le3A_81 : i32
    %ge3A_83 = arith.constant 6 : i32
    %ge3A_84 = arith.cmpi sge, %reduce_max3A_35, %ge3A_83 : i32
    %and3A_85 = arith.andi %le3A_82, %ge3A_84 : i1
    %convert_element_type3A_86 = arith.extui %and3A_85 : i1 to i32
    %cond3A_87 = arith.constant 0 : i32
    %cond3A_88 = arith.cmpi ne, %convert_element_type3A_86, %cond3A_87 : i32
    scf.if %cond3A_88 {
      %eq3A_302 = arith.constant 6 : i32
      %eq3A_303 = vector.broadcast %eq3A_302 : i32 to vector<2000xi32>
      %eq3A_304 = arith.cmpi eq, %get3A_5, %eq3A_303 : vector<2000xi32>
      %jit3A = arith.constant 0.000000e+00 : f32
      %jit3A_305 = arith.constant 0xFF800000 : f32
      %broadcast_in_dim3A_306 = vector.broadcast %jit3A : f32 to vector<2000xf32>
      %broadcast_in_dim3A_307 = vector.broadcast %jit3A_305 : f32 to vector<2000xf32>
      %select_n3A = arith.select %eq3A_304, %broadcast_in_dim3A_306, %broadcast_in_dim3A_307 : vector<2000xi1>, vector<2000xf32>
      %broadcast_in_dim3A_308 = vector.shape_cast %select_n3A : vector<2000xf32> to vector<2000x1xf32>
      %add3A_309 = vector.broadcast %broadcast_in_dim3A_308 : vector<2000x1xf32> to vector<2000x128xf32>
      %add3A_310 = arith.addf %get3A_8, %add3A_309 : vector<2000x128xf32>
      %reduce_max3A_311 = arith.constant dense<0xFF800000> : vector<128xf32>
      %reduce_max3A_312 = vector.multi_reduction <maximumf>, %add3A_310, %reduce_max3A_311 [0] : vector<2000x128xf32> to vector<128xf32>
      %get3A_313 = arith.constant 6 : index
      %get3A_314 = arith.constant 0 : index
      %get3A_315 = vector.load %arg7[%get3A_313, %get3A_314] : memref<33x128xf32, #tpu.memory_space<vmem>>, vector<1x128xf32>
      %get3A_316 = vector.shape_cast %get3A_315 : vector<1x128xf32> to vector<128xf32>
      %max3A = arith.maximumf %get3A_316, %reduce_max3A_312 : vector<128xf32>
      %swap3A_317 = arith.constant 6 : index
      %swap3A_318 = arith.constant 0 : index
      %swap3A_319 = vector.load %arg7[%swap3A_317, %swap3A_318] : memref<33x128xf32, #tpu.memory_space<vmem>>, vector<1x128xf32>
      %swap3A_320 = vector.shape_cast %swap3A_319 : vector<1x128xf32> to vector<128xf32>
      %swap3A_321 = vector.shape_cast %max3A : vector<128xf32> to vector<1x128xf32>
      tpu.vector_store %arg7[%swap3A_317, %swap3A_318], %swap3A_321 {strides = array<i32>} : memref<33x128xf32, #tpu.memory_space<vmem>>, vector<1x128xf32>,
    } else {
    }
    %le3A_89 = arith.constant 7 : i32
    %le3A_90 = arith.cmpi sle, %reduce_min3A_31, %le3A_89 : i32
    %ge3A_91 = arith.constant 7 : i32
    %ge3A_92 = arith.cmpi sge, %reduce_max3A_35, %ge3A_91 : i32
    %and3A_93 = arith.andi %le3A_90, %ge3A_92 : i1
    %convert_element_type3A_94 = arith.extui %and3A_93 : i1 to i32
    %cond3A_95 = arith.constant 0 : i32
    %cond3A_96 = arith.cmpi ne, %convert_element_type3A_94, %cond3A_95 : i32
    scf.if %cond3A_96 {
      %eq3A_302 = arith.constant 7 : i32
      %eq3A_303 = vector.broadcast %eq3A_302 : i32 to vector<2000xi32>
      %eq3A_304 = arith.cmpi eq, %get3A_5, %eq3A_303 : vector<2000xi32>
      %jit3A = arith.constant 0.000000e+00 : f32
      %jit3A_305 = arith.constant 0xFF800000 : f32
      %broadcast_in_dim3A_306 = vector.broadcast %jit3A : f32 to vector<2000xf32>
      %broadcast_in_dim3A_307 = vector.broadcast %jit3A_305 : f32 to vector<2000xf32>
      %select_n3A = arith.select %eq3A_304, %broadcast_in_dim3A_306, %broadcast_in_dim3A_307 : vector<2000xi1>, vector<2000xf32>
      %broadcast_in_dim3A_308 = vector.shape_cast %select_n3A : vector<2000xf32> to vector<2000x1xf32>
      %add3A_309 = vector.broadcast %broadcast_in_dim3A_308 : vector<2000x1xf32> to vector<2000x128xf32>
      %add3A_310 = arith.addf %get3A_8, %add3A_309 : vector<2000x128xf32>
      %reduce_max3A_311 = arith.constant dense<0xFF800000> : vector<128xf32>
      %reduce_max3A_312 = vector.multi_reduction <maximumf>, %add3A_310, %reduce_max3A_311 [0] : vector<2000x128xf32> to vector<128xf32>
      %get3A_313 = arith.constant 7 : index
      %get3A_314 = arith.constant 0 : index
      %get3A_315 = vector.load %arg7[%get3A_313, %get3A_314] : memref<33x128xf32, #tpu.memory_space<vmem>>, vector<1x128xf32>
      %get3A_316 = vector.shape_cast %get3A_315 : vector<1x128xf32> to vector<128xf32>
      %max3A = arith.maximumf %get3A_316, %reduce_max3A_312 : vector<128xf32>
      %swap3A_317 = arith.constant 7 : index
      %swap3A_318 = arith.constant 0 : index
      %swap3A_319 = vector.load %arg7[%swap3A_317, %swap3A_318] : memref<33x128xf32, #tpu.memory_space<vmem>>, vector<1x128xf32>
      %swap3A_320 = vector.shape_cast %swap3A_319 : vector<1x128xf32> to vector<128xf32>
      %swap3A_321 = vector.shape_cast %max3A : vector<128xf32> to vector<1x128xf32>
      tpu.vector_store %arg7[%swap3A_317, %swap3A_318], %swap3A_321 {strides = array<i32>} : memref<33x128xf32, #tpu.memory_space<vmem>>, vector<1x128xf32>,
    } else {
    }
    %le3A_97 = arith.constant 8 : i32
    %le3A_98 = arith.cmpi sle, %reduce_min3A_31, %le3A_97 : i32
    %ge3A_99 = arith.constant 8 : i32
    %ge3A_100 = arith.cmpi sge, %reduce_max3A_35, %ge3A_99 : i32
    %and3A_101 = arith.andi %le3A_98, %ge3A_100 : i1
    %convert_element_type3A_102 = arith.extui %and3A_101 : i1 to i32
    %cond3A_103 = arith.constant 0 : i32
    %cond3A_104 = arith.cmpi ne, %convert_element_type3A_102, %cond3A_103 : i32
    scf.if %cond3A_104 {
      %eq3A_302 = arith.constant 8 : i32
      %eq3A_303 = vector.broadcast %eq3A_302 : i32 to vector<2000xi32>
      %eq3A_304 = arith.cmpi eq, %get3A_5, %eq3A_303 : vector<2000xi32>
      %jit3A = arith.constant 0.000000e+00 : f32
      %jit3A_305 = arith.constant 0xFF800000 : f32
      %broadcast_in_dim3A_306 = vector.broadcast %jit3A : f32 to vector<2000xf32>
      %broadcast_in_dim3A_307 = vector.broadcast %jit3A_305 : f32 to vector<2000xf32>
      %select_n3A = arith.select %eq3A_304, %broadcast_in_dim3A_306, %broadcast_in_dim3A_307 : vector<2000xi1>, vector<2000xf32>
      %broadcast_in_dim3A_308 = vector.shape_cast %select_n3A : vector<2000xf32> to vector<2000x1xf32>
      %add3A_309 = vector.broadcast %broadcast_in_dim3A_308 : vector<2000x1xf32> to vector<2000x128xf32>
      %add3A_310 = arith.addf %get3A_8, %add3A_309 : vector<2000x128xf32>
      %reduce_max3A_311 = arith.constant dense<0xFF800000> : vector<128xf32>
      %reduce_max3A_312 = vector.multi_reduction <maximumf>, %add3A_310, %reduce_max3A_311 [0] : vector<2000x128xf32> to vector<128xf32>
      %get3A_313 = arith.constant 8 : index
      %get3A_314 = arith.constant 0 : index
      %get3A_315 = vector.load %arg7[%get3A_313, %get3A_314] : memref<33x128xf32, #tpu.memory_space<vmem>>, vector<1x128xf32>
      %get3A_316 = vector.shape_cast %get3A_315 : vector<1x128xf32> to vector<128xf32>
      %max3A = arith.maximumf %get3A_316, %reduce_max3A_312 : vector<128xf32>
      %swap3A_317 = arith.constant 8 : index
      %swap3A_318 = arith.constant 0 : index
      %swap3A_319 = vector.load %arg7[%swap3A_317, %swap3A_318] : memref<33x128xf32, #tpu.memory_space<vmem>>, vector<1x128xf32>
      %swap3A_320 = vector.shape_cast %swap3A_319 : vector<1x128xf32> to vector<128xf32>
      %swap3A_321 = vector.shape_cast %max3A : vector<128xf32> to vector<1x128xf32>
      tpu.vector_store %arg7[%swap3A_317, %swap3A_318], %swap3A_321 {strides = array<i32>} : memref<33x128xf32, #tpu.memory_space<vmem>>, vector<1x128xf32>,
    } else {
    }
    %le3A_105 = arith.constant 9 : i32
    %le3A_106 = arith.cmpi sle, %reduce_min3A_31, %le3A_105 : i32
    %ge3A_107 = arith.constant 9 : i32
    %ge3A_108 = arith.cmpi sge, %reduce_max3A_35, %ge3A_107 : i32
    %and3A_109 = arith.andi %le3A_106, %ge3A_108 : i1
    %convert_element_type3A_110 = arith.extui %and3A_109 : i1 to i32
    %cond3A_111 = arith.constant 0 : i32
    %cond3A_112 = arith.cmpi ne, %convert_element_type3A_110, %cond3A_111 : i32
    scf.if %cond3A_112 {
      %eq3A_302 = arith.constant 9 : i32
      %eq3A_303 = vector.broadcast %eq3A_302 : i32 to vector<2000xi32>
      %eq3A_304 = arith.cmpi eq, %get3A_5, %eq3A_303 : vector<2000xi32>
      %jit3A = arith.constant 0.000000e+00 : f32
      %jit3A_305 = arith.constant 0xFF800000 : f32
      %broadcast_in_dim3A_306 = vector.broadcast %jit3A : f32 to vector<2000xf32>
      %broadcast_in_dim3A_307 = vector.broadcast %jit3A_305 : f32 to vector<2000xf32>
      %select_n3A = arith.select %eq3A_304, %broadcast_in_dim3A_306, %broadcast_in_dim3A_307 : vector<2000xi1>, vector<2000xf32>
      %broadcast_in_dim3A_308 = vector.shape_cast %select_n3A : vector<2000xf32> to vector<2000x1xf32>
      %add3A_309 = vector.broadcast %broadcast_in_dim3A_308 : vector<2000x1xf32> to vector<2000x128xf32>
      %add3A_310 = arith.addf %get3A_8, %add3A_309 : vector<2000x128xf32>
      %reduce_max3A_311 = arith.constant dense<0xFF800000> : vector<128xf32>
      %reduce_max3A_312 = vector.multi_reduction <maximumf>, %add3A_310, %reduce_max3A_311 [0] : vector<2000x128xf32> to vector<128xf32>
      %get3A_313 = arith.constant 9 : index
      %get3A_314 = arith.constant 0 : index
      %get3A_315 = vector.load %arg7[%get3A_313, %get3A_314] : memref<33x128xf32, #tpu.memory_space<vmem>>, vector<1x128xf32>
      %get3A_316 = vector.shape_cast %get3A_315 : vector<1x128xf32> to vector<128xf32>
      %max3A = arith.maximumf %get3A_316, %reduce_max3A_312 : vector<128xf32>
      %swap3A_317 = arith.constant 9 : index
      %swap3A_318 = arith.constant 0 : index
      %swap3A_319 = vector.load %arg7[%swap3A_317, %swap3A_318] : memref<33x128xf32, #tpu.memory_space<vmem>>, vector<1x128xf32>
      %swap3A_320 = vector.shape_cast %swap3A_319 : vector<1x128xf32> to vector<128xf32>
      %swap3A_321 = vector.shape_cast %max3A : vector<128xf32> to vector<1x128xf32>
      tpu.vector_store %arg7[%swap3A_317, %swap3A_318], %swap3A_321 {strides = array<i32>} : memref<33x128xf32, #tpu.memory_space<vmem>>, vector<1x128xf32>,
    } else {
    }
    %le3A_113 = arith.constant 10 : i32
    %le3A_114 = arith.cmpi sle, %reduce_min3A_31, %le3A_113 : i32
    %ge3A_115 = arith.constant 10 : i32
    %ge3A_116 = arith.cmpi sge, %reduce_max3A_35, %ge3A_115 : i32
    %and3A_117 = arith.andi %le3A_114, %ge3A_116 : i1
    %convert_element_type3A_118 = arith.extui %and3A_117 : i1 to i32
    %cond3A_119 = arith.constant 0 : i32
    %cond3A_120 = arith.cmpi ne, %convert_element_type3A_118, %cond3A_119 : i32
    scf.if %cond3A_120 {
      %eq3A_302 = arith.constant 10 : i32
      %eq3A_303 = vector.broadcast %eq3A_302 : i32 to vector<2000xi32>
      %eq3A_304 = arith.cmpi eq, %get3A_5, %eq3A_303 : vector<2000xi32>
      %jit3A = arith.constant 0.000000e+00 : f32
      %jit3A_305 = arith.constant 0xFF800000 : f32
      %broadcast_in_dim3A_306 = vector.broadcast %jit3A : f32 to vector<2000xf32>
      %broadcast_in_dim3A_307 = vector.broadcast %jit3A_305 : f32 to vector<2000xf32>
      %select_n3A = arith.select %eq3A_304, %broadcast_in_dim3A_306, %broadcast_in_dim3A_307 : vector<2000xi1>, vector<2000xf32>
      %broadcast_in_dim3A_308 = vector.shape_cast %select_n3A : vector<2000xf32> to vector<2000x1xf32>
      %add3A_309 = vector.broadcast %broadcast_in_dim3A_308 : vector<2000x1xf32> to vector<2000x128xf32>
      %add3A_310 = arith.addf %get3A_8, %add3A_309 : vector<2000x128xf32>
      %reduce_max3A_311 = arith.constant dense<0xFF800000> : vector<128xf32>
      %reduce_max3A_312 = vector.multi_reduction <maximumf>, %add3A_310, %reduce_max3A_311 [0] : vector<2000x128xf32> to vector<128xf32>
      %get3A_313 = arith.constant 10 : index
      %get3A_314 = arith.constant 0 : index
      %get3A_315 = vector.load %arg7[%get3A_313, %get3A_314] : memref<33x128xf32, #tpu.memory_space<vmem>>, vector<1x128xf32>
      %get3A_316 = vector.shape_cast %get3A_315 : vector<1x128xf32> to vector<128xf32>
      %max3A = arith.maximumf %get3A_316, %reduce_max3A_312 : vector<128xf32>
      %swap3A_317 = arith.constant 10 : index
      %swap3A_318 = arith.constant 0 : index
      %swap3A_319 = vector.load %arg7[%swap3A_317, %swap3A_318] : memref<33x128xf32, #tpu.memory_space<vmem>>, vector<1x128xf32>
      %swap3A_320 = vector.shape_cast %swap3A_319 : vector<1x128xf32> to vector<128xf32>
      %swap3A_321 = vector.shape_cast %max3A : vector<128xf32> to vector<1x128xf32>
      tpu.vector_store %arg7[%swap3A_317, %swap3A_318], %swap3A_321 {strides = array<i32>} : memref<33x128xf32, #tpu.memory_space<vmem>>, vector<1x128xf32>,
    } else {
    }
    %le3A_121 = arith.constant 11 : i32
    %le3A_122 = arith.cmpi sle, %reduce_min3A_31, %le3A_121 : i32
    %ge3A_123 = arith.constant 11 : i32
    %ge3A_124 = arith.cmpi sge, %reduce_max3A_35, %ge3A_123 : i32
    %and3A_125 = arith.andi %le3A_122, %ge3A_124 : i1
    %convert_element_type3A_126 = arith.extui %and3A_125 : i1 to i32
    %cond3A_127 = arith.constant 0 : i32
    %cond3A_128 = arith.cmpi ne, %convert_element_type3A_126, %cond3A_127 : i32
    scf.if %cond3A_128 {
      %eq3A_302 = arith.constant 11 : i32
      %eq3A_303 = vector.broadcast %eq3A_302 : i32 to vector<2000xi32>
      %eq3A_304 = arith.cmpi eq, %get3A_5, %eq3A_303 : vector<2000xi32>
      %jit3A = arith.constant 0.000000e+00 : f32
      %jit3A_305 = arith.constant 0xFF800000 : f32
      %broadcast_in_dim3A_306 = vector.broadcast %jit3A : f32 to vector<2000xf32>
      %broadcast_in_dim3A_307 = vector.broadcast %jit3A_305 : f32 to vector<2000xf32>
      %select_n3A = arith.select %eq3A_304, %broadcast_in_dim3A_306, %broadcast_in_dim3A_307 : vector<2000xi1>, vector<2000xf32>
      %broadcast_in_dim3A_308 = vector.shape_cast %select_n3A : vector<2000xf32> to vector<2000x1xf32>
      %add3A_309 = vector.broadcast %broadcast_in_dim3A_308 : vector<2000x1xf32> to vector<2000x128xf32>
      %add3A_310 = arith.addf %get3A_8, %add3A_309 : vector<2000x128xf32>
      %reduce_max3A_311 = arith.constant dense<0xFF800000> : vector<128xf32>
      %reduce_max3A_312 = vector.multi_reduction <maximumf>, %add3A_310, %reduce_max3A_311 [0] : vector<2000x128xf32> to vector<128xf32>
      %get3A_313 = arith.constant 11 : index
      %get3A_314 = arith.constant 0 : index
      %get3A_315 = vector.load %arg7[%get3A_313, %get3A_314] : memref<33x128xf32, #tpu.memory_space<vmem>>, vector<1x128xf32>
      %get3A_316 = vector.shape_cast %get3A_315 : vector<1x128xf32> to vector<128xf32>
      %max3A = arith.maximumf %get3A_316, %reduce_max3A_312 : vector<128xf32>
      %swap3A_317 = arith.constant 11 : index
      %swap3A_318 = arith.constant 0 : index
      %swap3A_319 = vector.load %arg7[%swap3A_317, %swap3A_318] : memref<33x128xf32, #tpu.memory_space<vmem>>, vector<1x128xf32>
      %swap3A_320 = vector.shape_cast %swap3A_319 : vector<1x128xf32> to vector<128xf32>
      %swap3A_321 = vector.shape_cast %max3A : vector<128xf32> to vector<1x128xf32>
      tpu.vector_store %arg7[%swap3A_317, %swap3A_318], %swap3A_321 {strides = array<i32>} : memref<33x128xf32, #tpu.memory_space<vmem>>, vector<1x128xf32>,
    } else {
    }
    %le3A_129 = arith.constant 12 : i32
    %le3A_130 = arith.cmpi sle, %reduce_min3A_31, %le3A_129 : i32
    %ge3A_131 = arith.constant 12 : i32
    %ge3A_132 = arith.cmpi sge, %reduce_max3A_35, %ge3A_131 : i32
    %and3A_133 = arith.andi %le3A_130, %ge3A_132 : i1
    %convert_element_type3A_134 = arith.extui %and3A_133 : i1 to i32
    %cond3A_135 = arith.constant 0 : i32
    %cond3A_136 = arith.cmpi ne, %convert_element_type3A_134, %cond3A_135 : i32
    scf.if %cond3A_136 {
      %eq3A_302 = arith.constant 12 : i32
      %eq3A_303 = vector.broadcast %eq3A_302 : i32 to vector<2000xi32>
      %eq3A_304 = arith.cmpi eq, %get3A_5, %eq3A_303 : vector<2000xi32>
      %jit3A = arith.constant 0.000000e+00 : f32
      %jit3A_305 = arith.constant 0xFF800000 : f32
      %broadcast_in_dim3A_306 = vector.broadcast %jit3A : f32 to vector<2000xf32>
      %broadcast_in_dim3A_307 = vector.broadcast %jit3A_305 : f32 to vector<2000xf32>
      %select_n3A = arith.select %eq3A_304, %broadcast_in_dim3A_306, %broadcast_in_dim3A_307 : vector<2000xi1>, vector<2000xf32>
      %broadcast_in_dim3A_308 = vector.shape_cast %select_n3A : vector<2000xf32> to vector<2000x1xf32>
      %add3A_309 = vector.broadcast %broadcast_in_dim3A_308 : vector<2000x1xf32> to vector<2000x128xf32>
      %add3A_310 = arith.addf %get3A_8, %add3A_309 : vector<2000x128xf32>
      %reduce_max3A_311 = arith.constant dense<0xFF800000> : vector<128xf32>
      %reduce_max3A_312 = vector.multi_reduction <maximumf>, %add3A_310, %reduce_max3A_311 [0] : vector<2000x128xf32> to vector<128xf32>
      %get3A_313 = arith.constant 12 : index
      %get3A_314 = arith.constant 0 : index
      %get3A_315 = vector.load %arg7[%get3A_313, %get3A_314] : memref<33x128xf32, #tpu.memory_space<vmem>>, vector<1x128xf32>
      %get3A_316 = vector.shape_cast %get3A_315 : vector<1x128xf32> to vector<128xf32>
      %max3A = arith.maximumf %get3A_316, %reduce_max3A_312 : vector<128xf32>
      %swap3A_317 = arith.constant 12 : index
      %swap3A_318 = arith.constant 0 : index
      %swap3A_319 = vector.load %arg7[%swap3A_317, %swap3A_318] : memref<33x128xf32, #tpu.memory_space<vmem>>, vector<1x128xf32>
      %swap3A_320 = vector.shape_cast %swap3A_319 : vector<1x128xf32> to vector<128xf32>
      %swap3A_321 = vector.shape_cast %max3A : vector<128xf32> to vector<1x128xf32>
      tpu.vector_store %arg7[%swap3A_317, %swap3A_318], %swap3A_321 {strides = array<i32>} : memref<33x128xf32, #tpu.memory_space<vmem>>, vector<1x128xf32>,
    } else {
    }
    %le3A_137 = arith.constant 13 : i32
    %le3A_138 = arith.cmpi sle, %reduce_min3A_31, %le3A_137 : i32
    %ge3A_139 = arith.constant 13 : i32
    %ge3A_140 = arith.cmpi sge, %reduce_max3A_35, %ge3A_139 : i32
    %and3A_141 = arith.andi %le3A_138, %ge3A_140 : i1
    %convert_element_type3A_142 = arith.extui %and3A_141 : i1 to i32
    %cond3A_143 = arith.constant 0 : i32
    %cond3A_144 = arith.cmpi ne, %convert_element_type3A_142, %cond3A_143 : i32
    scf.if %cond3A_144 {
      %eq3A_302 = arith.constant 13 : i32
      %eq3A_303 = vector.broadcast %eq3A_302 : i32 to vector<2000xi32>
      %eq3A_304 = arith.cmpi eq, %get3A_5, %eq3A_303 : vector<2000xi32>
      %jit3A = arith.constant 0.000000e+00 : f32
      %jit3A_305 = arith.constant 0xFF800000 : f32
      %broadcast_in_dim3A_306 = vector.broadcast %jit3A : f32 to vector<2000xf32>
      %broadcast_in_dim3A_307 = vector.broadcast %jit3A_305 : f32 to vector<2000xf32>
      %select_n3A = arith.select %eq3A_304, %broadcast_in_dim3A_306, %broadcast_in_dim3A_307 : vector<2000xi1>, vector<2000xf32>
      %broadcast_in_dim3A_308 = vector.shape_cast %select_n3A : vector<2000xf32> to vector<2000x1xf32>
      %add3A_309 = vector.broadcast %broadcast_in_dim3A_308 : vector<2000x1xf32> to vector<2000x128xf32>
      %add3A_310 = arith.addf %get3A_8, %add3A_309 : vector<2000x128xf32>
      %reduce_max3A_311 = arith.constant dense<0xFF800000> : vector<128xf32>
      %reduce_max3A_312 = vector.multi_reduction <maximumf>, %add3A_310, %reduce_max3A_311 [0] : vector<2000x128xf32> to vector<128xf32>
      %get3A_313 = arith.constant 13 : index
      %get3A_314 = arith.constant 0 : index
      %get3A_315 = vector.load %arg7[%get3A_313, %get3A_314] : memref<33x128xf32, #tpu.memory_space<vmem>>, vector<1x128xf32>
      %get3A_316 = vector.shape_cast %get3A_315 : vector<1x128xf32> to vector<128xf32>
      %max3A = arith.maximumf %get3A_316, %reduce_max3A_312 : vector<128xf32>
      %swap3A_317 = arith.constant 13 : index
      %swap3A_318 = arith.constant 0 : index
      %swap3A_319 = vector.load %arg7[%swap3A_317, %swap3A_318] : memref<33x128xf32, #tpu.memory_space<vmem>>, vector<1x128xf32>
      %swap3A_320 = vector.shape_cast %swap3A_319 : vector<1x128xf32> to vector<128xf32>
      %swap3A_321 = vector.shape_cast %max3A : vector<128xf32> to vector<1x128xf32>
      tpu.vector_store %arg7[%swap3A_317, %swap3A_318], %swap3A_321 {strides = array<i32>} : memref<33x128xf32, #tpu.memory_space<vmem>>, vector<1x128xf32>,
    } else {
    }
    %le3A_145 = arith.constant 14 : i32
    %le3A_146 = arith.cmpi sle, %reduce_min3A_31, %le3A_145 : i32
    %ge3A_147 = arith.constant 14 : i32
    %ge3A_148 = arith.cmpi sge, %reduce_max3A_35, %ge3A_147 : i32
    %and3A_149 = arith.andi %le3A_146, %ge3A_148 : i1
    %convert_element_type3A_150 = arith.extui %and3A_149 : i1 to i32
    %cond3A_151 = arith.constant 0 : i32
    %cond3A_152 = arith.cmpi ne, %convert_element_type3A_150, %cond3A_151 : i32
    scf.if %cond3A_152 {
      %eq3A_302 = arith.constant 14 : i32
      %eq3A_303 = vector.broadcast %eq3A_302 : i32 to vector<2000xi32>
      %eq3A_304 = arith.cmpi eq, %get3A_5, %eq3A_303 : vector<2000xi32>
      %jit3A = arith.constant 0.000000e+00 : f32
      %jit3A_305 = arith.constant 0xFF800000 : f32
      %broadcast_in_dim3A_306 = vector.broadcast %jit3A : f32 to vector<2000xf32>
      %broadcast_in_dim3A_307 = vector.broadcast %jit3A_305 : f32 to vector<2000xf32>
      %select_n3A = arith.select %eq3A_304, %broadcast_in_dim3A_306, %broadcast_in_dim3A_307 : vector<2000xi1>, vector<2000xf32>
      %broadcast_in_dim3A_308 = vector.shape_cast %select_n3A : vector<2000xf32> to vector<2000x1xf32>
      %add3A_309 = vector.broadcast %broadcast_in_dim3A_308 : vector<2000x1xf32> to vector<2000x128xf32>
      %add3A_310 = arith.addf %get3A_8, %add3A_309 : vector<2000x128xf32>
      %reduce_max3A_311 = arith.constant dense<0xFF800000> : vector<128xf32>
      %reduce_max3A_312 = vector.multi_reduction <maximumf>, %add3A_310, %reduce_max3A_311 [0] : vector<2000x128xf32> to vector<128xf32>
      %get3A_313 = arith.constant 14 : index
      %get3A_314 = arith.constant 0 : index
      %get3A_315 = vector.load %arg7[%get3A_313, %get3A_314] : memref<33x128xf32, #tpu.memory_space<vmem>>, vector<1x128xf32>
      %get3A_316 = vector.shape_cast %get3A_315 : vector<1x128xf32> to vector<128xf32>
      %max3A = arith.maximumf %get3A_316, %reduce_max3A_312 : vector<128xf32>
      %swap3A_317 = arith.constant 14 : index
      %swap3A_318 = arith.constant 0 : index
      %swap3A_319 = vector.load %arg7[%swap3A_317, %swap3A_318] : memref<33x128xf32, #tpu.memory_space<vmem>>, vector<1x128xf32>
      %swap3A_320 = vector.shape_cast %swap3A_319 : vector<1x128xf32> to vector<128xf32>
      %swap3A_321 = vector.shape_cast %max3A : vector<128xf32> to vector<1x128xf32>
      tpu.vector_store %arg7[%swap3A_317, %swap3A_318], %swap3A_321 {strides = array<i32>} : memref<33x128xf32, #tpu.memory_space<vmem>>, vector<1x128xf32>,
    } else {
    }
    %le3A_153 = arith.constant 15 : i32
    %le3A_154 = arith.cmpi sle, %reduce_min3A_31, %le3A_153 : i32
    %ge3A_155 = arith.constant 15 : i32
    %ge3A_156 = arith.cmpi sge, %reduce_max3A_35, %ge3A_155 : i32
    %and3A_157 = arith.andi %le3A_154, %ge3A_156 : i1
    %convert_element_type3A_158 = arith.extui %and3A_157 : i1 to i32
    %cond3A_159 = arith.constant 0 : i32
    %cond3A_160 = arith.cmpi ne, %convert_element_type3A_158, %cond3A_159 : i32
    scf.if %cond3A_160 {
      %eq3A_302 = arith.constant 15 : i32
      %eq3A_303 = vector.broadcast %eq3A_302 : i32 to vector<2000xi32>
      %eq3A_304 = arith.cmpi eq, %get3A_5, %eq3A_303 : vector<2000xi32>
      %jit3A = arith.constant 0.000000e+00 : f32
      %jit3A_305 = arith.constant 0xFF800000 : f32
      %broadcast_in_dim3A_306 = vector.broadcast %jit3A : f32 to vector<2000xf32>
      %broadcast_in_dim3A_307 = vector.broadcast %jit3A_305 : f32 to vector<2000xf32>
      %select_n3A = arith.select %eq3A_304, %broadcast_in_dim3A_306, %broadcast_in_dim3A_307 : vector<2000xi1>, vector<2000xf32>
      %broadcast_in_dim3A_308 = vector.shape_cast %select_n3A : vector<2000xf32> to vector<2000x1xf32>
      %add3A_309 = vector.broadcast %broadcast_in_dim3A_308 : vector<2000x1xf32> to vector<2000x128xf32>
      %add3A_310 = arith.addf %get3A_8, %add3A_309 : vector<2000x128xf32>
      %reduce_max3A_311 = arith.constant dense<0xFF800000> : vector<128xf32>
      %reduce_max3A_312 = vector.multi_reduction <maximumf>, %add3A_310, %reduce_max3A_311 [0] : vector<2000x128xf32> to vector<128xf32>
      %get3A_313 = arith.constant 15 : index
      %get3A_314 = arith.constant 0 : index
      %get3A_315 = vector.load %arg7[%get3A_313, %get3A_314] : memref<33x128xf32, #tpu.memory_space<vmem>>, vector<1x128xf32>
      %get3A_316 = vector.shape_cast %get3A_315 : vector<1x128xf32> to vector<128xf32>
      %max3A = arith.maximumf %get3A_316, %reduce_max3A_312 : vector<128xf32>
      %swap3A_317 = arith.constant 15 : index
      %swap3A_318 = arith.constant 0 : index
      %swap3A_319 = vector.load %arg7[%swap3A_317, %swap3A_318] : memref<33x128xf32, #tpu.memory_space<vmem>>, vector<1x128xf32>
      %swap3A_320 = vector.shape_cast %swap3A_319 : vector<1x128xf32> to vector<128xf32>
      %swap3A_321 = vector.shape_cast %max3A : vector<128xf32> to vector<1x128xf32>
      tpu.vector_store %arg7[%swap3A_317, %swap3A_318], %swap3A_321 {strides = array<i32>} : memref<33x128xf32, #tpu.memory_space<vmem>>, vector<1x128xf32>,
    } else {
    }
    %le3A_161 = arith.constant 16 : i32
    %le3A_162 = arith.cmpi sle, %reduce_min3A_31, %le3A_161 : i32
    %ge3A_163 = arith.constant 16 : i32
    %ge3A_164 = arith.cmpi sge, %reduce_max3A_35, %ge3A_163 : i32
    %and3A_165 = arith.andi %le3A_162, %ge3A_164 : i1
    %convert_element_type3A_166 = arith.extui %and3A_165 : i1 to i32
    %cond3A_167 = arith.constant 0 : i32
    %cond3A_168 = arith.cmpi ne, %convert_element_type3A_166, %cond3A_167 : i32
    scf.if %cond3A_168 {
      %eq3A_302 = arith.constant 16 : i32
      %eq3A_303 = vector.broadcast %eq3A_302 : i32 to vector<2000xi32>
      %eq3A_304 = arith.cmpi eq, %get3A_5, %eq3A_303 : vector<2000xi32>
      %jit3A = arith.constant 0.000000e+00 : f32
      %jit3A_305 = arith.constant 0xFF800000 : f32
      %broadcast_in_dim3A_306 = vector.broadcast %jit3A : f32 to vector<2000xf32>
      %broadcast_in_dim3A_307 = vector.broadcast %jit3A_305 : f32 to vector<2000xf32>
      %select_n3A = arith.select %eq3A_304, %broadcast_in_dim3A_306, %broadcast_in_dim3A_307 : vector<2000xi1>, vector<2000xf32>
      %broadcast_in_dim3A_308 = vector.shape_cast %select_n3A : vector<2000xf32> to vector<2000x1xf32>
      %add3A_309 = vector.broadcast %broadcast_in_dim3A_308 : vector<2000x1xf32> to vector<2000x128xf32>
      %add3A_310 = arith.addf %get3A_8, %add3A_309 : vector<2000x128xf32>
      %reduce_max3A_311 = arith.constant dense<0xFF800000> : vector<128xf32>
      %reduce_max3A_312 = vector.multi_reduction <maximumf>, %add3A_310, %reduce_max3A_311 [0] : vector<2000x128xf32> to vector<128xf32>
      %get3A_313 = arith.constant 16 : index
      %get3A_314 = arith.constant 0 : index
      %get3A_315 = vector.load %arg7[%get3A_313, %get3A_314] : memref<33x128xf32, #tpu.memory_space<vmem>>, vector<1x128xf32>
      %get3A_316 = vector.shape_cast %get3A_315 : vector<1x128xf32> to vector<128xf32>
      %max3A = arith.maximumf %get3A_316, %reduce_max3A_312 : vector<128xf32>
      %swap3A_317 = arith.constant 16 : index
      %swap3A_318 = arith.constant 0 : index
      %swap3A_319 = vector.load %arg7[%swap3A_317, %swap3A_318] : memref<33x128xf32, #tpu.memory_space<vmem>>, vector<1x128xf32>
      %swap3A_320 = vector.shape_cast %swap3A_319 : vector<1x128xf32> to vector<128xf32>
      %swap3A_321 = vector.shape_cast %max3A : vector<128xf32> to vector<1x128xf32>
      tpu.vector_store %arg7[%swap3A_317, %swap3A_318], %swap3A_321 {strides = array<i32>} : memref<33x128xf32, #tpu.memory_space<vmem>>, vector<1x128xf32>,
    } else {
    }
    %le3A_169 = arith.constant 17 : i32
    %le3A_170 = arith.cmpi sle, %reduce_min3A_31, %le3A_169 : i32
    %ge3A_171 = arith.constant 17 : i32
    %ge3A_172 = arith.cmpi sge, %reduce_max3A_35, %ge3A_171 : i32
    %and3A_173 = arith.andi %le3A_170, %ge3A_172 : i1
    %convert_element_type3A_174 = arith.extui %and3A_173 : i1 to i32
    %cond3A_175 = arith.constant 0 : i32
    %cond3A_176 = arith.cmpi ne, %convert_element_type3A_174, %cond3A_175 : i32
    scf.if %cond3A_176 {
      %eq3A_302 = arith.constant 17 : i32
      %eq3A_303 = vector.broadcast %eq3A_302 : i32 to vector<2000xi32>
      %eq3A_304 = arith.cmpi eq, %get3A_5, %eq3A_303 : vector<2000xi32>
      %jit3A = arith.constant 0.000000e+00 : f32
      %jit3A_305 = arith.constant 0xFF800000 : f32
      %broadcast_in_dim3A_306 = vector.broadcast %jit3A : f32 to vector<2000xf32>
      %broadcast_in_dim3A_307 = vector.broadcast %jit3A_305 : f32 to vector<2000xf32>
      %select_n3A = arith.select %eq3A_304, %broadcast_in_dim3A_306, %broadcast_in_dim3A_307 : vector<2000xi1>, vector<2000xf32>
      %broadcast_in_dim3A_308 = vector.shape_cast %select_n3A : vector<2000xf32> to vector<2000x1xf32>
      %add3A_309 = vector.broadcast %broadcast_in_dim3A_308 : vector<2000x1xf32> to vector<2000x128xf32>
      %add3A_310 = arith.addf %get3A_8, %add3A_309 : vector<2000x128xf32>
      %reduce_max3A_311 = arith.constant dense<0xFF800000> : vector<128xf32>
      %reduce_max3A_312 = vector.multi_reduction <maximumf>, %add3A_310, %reduce_max3A_311 [0] : vector<2000x128xf32> to vector<128xf32>
      %get3A_313 = arith.constant 17 : index
      %get3A_314 = arith.constant 0 : index
      %get3A_315 = vector.load %arg7[%get3A_313, %get3A_314] : memref<33x128xf32, #tpu.memory_space<vmem>>, vector<1x128xf32>
      %get3A_316 = vector.shape_cast %get3A_315 : vector<1x128xf32> to vector<128xf32>
      %max3A = arith.maximumf %get3A_316, %reduce_max3A_312 : vector<128xf32>
      %swap3A_317 = arith.constant 17 : index
      %swap3A_318 = arith.constant 0 : index
      %swap3A_319 = vector.load %arg7[%swap3A_317, %swap3A_318] : memref<33x128xf32, #tpu.memory_space<vmem>>, vector<1x128xf32>
      %swap3A_320 = vector.shape_cast %swap3A_319 : vector<1x128xf32> to vector<128xf32>
      %swap3A_321 = vector.shape_cast %max3A : vector<128xf32> to vector<1x128xf32>
      tpu.vector_store %arg7[%swap3A_317, %swap3A_318], %swap3A_321 {strides = array<i32>} : memref<33x128xf32, #tpu.memory_space<vmem>>, vector<1x128xf32>,
    } else {
    }
    %le3A_177 = arith.constant 18 : i32
    %le3A_178 = arith.cmpi sle, %reduce_min3A_31, %le3A_177 : i32
    %ge3A_179 = arith.constant 18 : i32
    %ge3A_180 = arith.cmpi sge, %reduce_max3A_35, %ge3A_179 : i32
    %and3A_181 = arith.andi %le3A_178, %ge3A_180 : i1
    %convert_element_type3A_182 = arith.extui %and3A_181 : i1 to i32
    %cond3A_183 = arith.constant 0 : i32
    %cond3A_184 = arith.cmpi ne, %convert_element_type3A_182, %cond3A_183 : i32
    scf.if %cond3A_184 {
      %eq3A_302 = arith.constant 18 : i32
      %eq3A_303 = vector.broadcast %eq3A_302 : i32 to vector<2000xi32>
      %eq3A_304 = arith.cmpi eq, %get3A_5, %eq3A_303 : vector<2000xi32>
      %jit3A = arith.constant 0.000000e+00 : f32
      %jit3A_305 = arith.constant 0xFF800000 : f32
      %broadcast_in_dim3A_306 = vector.broadcast %jit3A : f32 to vector<2000xf32>
      %broadcast_in_dim3A_307 = vector.broadcast %jit3A_305 : f32 to vector<2000xf32>
      %select_n3A = arith.select %eq3A_304, %broadcast_in_dim3A_306, %broadcast_in_dim3A_307 : vector<2000xi1>, vector<2000xf32>
      %broadcast_in_dim3A_308 = vector.shape_cast %select_n3A : vector<2000xf32> to vector<2000x1xf32>
      %add3A_309 = vector.broadcast %broadcast_in_dim3A_308 : vector<2000x1xf32> to vector<2000x128xf32>
      %add3A_310 = arith.addf %get3A_8, %add3A_309 : vector<2000x128xf32>
      %reduce_max3A_311 = arith.constant dense<0xFF800000> : vector<128xf32>
      %reduce_max3A_312 = vector.multi_reduction <maximumf>, %add3A_310, %reduce_max3A_311 [0] : vector<2000x128xf32> to vector<128xf32>
      %get3A_313 = arith.constant 18 : index
      %get3A_314 = arith.constant 0 : index
      %get3A_315 = vector.load %arg7[%get3A_313, %get3A_314] : memref<33x128xf32, #tpu.memory_space<vmem>>, vector<1x128xf32>
      %get3A_316 = vector.shape_cast %get3A_315 : vector<1x128xf32> to vector<128xf32>
      %max3A = arith.maximumf %get3A_316, %reduce_max3A_312 : vector<128xf32>
      %swap3A_317 = arith.constant 18 : index
      %swap3A_318 = arith.constant 0 : index
      %swap3A_319 = vector.load %arg7[%swap3A_317, %swap3A_318] : memref<33x128xf32, #tpu.memory_space<vmem>>, vector<1x128xf32>
      %swap3A_320 = vector.shape_cast %swap3A_319 : vector<1x128xf32> to vector<128xf32>
      %swap3A_321 = vector.shape_cast %max3A : vector<128xf32> to vector<1x128xf32>
      tpu.vector_store %arg7[%swap3A_317, %swap3A_318], %swap3A_321 {strides = array<i32>} : memref<33x128xf32, #tpu.memory_space<vmem>>, vector<1x128xf32>,
    } else {
    }
    %le3A_185 = arith.constant 19 : i32
    %le3A_186 = arith.cmpi sle, %reduce_min3A_31, %le3A_185 : i32
    %ge3A_187 = arith.constant 19 : i32
    %ge3A_188 = arith.cmpi sge, %reduce_max3A_35, %ge3A_187 : i32
    %and3A_189 = arith.andi %le3A_186, %ge3A_188 : i1
    %convert_element_type3A_190 = arith.extui %and3A_189 : i1 to i32
    %cond3A_191 = arith.constant 0 : i32
    %cond3A_192 = arith.cmpi ne, %convert_element_type3A_190, %cond3A_191 : i32
    scf.if %cond3A_192 {
      %eq3A_302 = arith.constant 19 : i32
      %eq3A_303 = vector.broadcast %eq3A_302 : i32 to vector<2000xi32>
      %eq3A_304 = arith.cmpi eq, %get3A_5, %eq3A_303 : vector<2000xi32>
      %jit3A = arith.constant 0.000000e+00 : f32
      %jit3A_305 = arith.constant 0xFF800000 : f32
      %broadcast_in_dim3A_306 = vector.broadcast %jit3A : f32 to vector<2000xf32>
      %broadcast_in_dim3A_307 = vector.broadcast %jit3A_305 : f32 to vector<2000xf32>
      %select_n3A = arith.select %eq3A_304, %broadcast_in_dim3A_306, %broadcast_in_dim3A_307 : vector<2000xi1>, vector<2000xf32>
      %broadcast_in_dim3A_308 = vector.shape_cast %select_n3A : vector<2000xf32> to vector<2000x1xf32>
      %add3A_309 = vector.broadcast %broadcast_in_dim3A_308 : vector<2000x1xf32> to vector<2000x128xf32>
      %add3A_310 = arith.addf %get3A_8, %add3A_309 : vector<2000x128xf32>
      %reduce_max3A_311 = arith.constant dense<0xFF800000> : vector<128xf32>
      %reduce_max3A_312 = vector.multi_reduction <maximumf>, %add3A_310, %reduce_max3A_311 [0] : vector<2000x128xf32> to vector<128xf32>
      %get3A_313 = arith.constant 19 : index
      %get3A_314 = arith.constant 0 : index
      %get3A_315 = vector.load %arg7[%get3A_313, %get3A_314] : memref<33x128xf32, #tpu.memory_space<vmem>>, vector<1x128xf32>
      %get3A_316 = vector.shape_cast %get3A_315 : vector<1x128xf32> to vector<128xf32>
      %max3A = arith.maximumf %get3A_316, %reduce_max3A_312 : vector<128xf32>
      %swap3A_317 = arith.constant 19 : index
      %swap3A_318 = arith.constant 0 : index
      %swap3A_319 = vector.load %arg7[%swap3A_317, %swap3A_318] : memref<33x128xf32, #tpu.memory_space<vmem>>, vector<1x128xf32>
      %swap3A_320 = vector.shape_cast %swap3A_319 : vector<1x128xf32> to vector<128xf32>
      %swap3A_321 = vector.shape_cast %max3A : vector<128xf32> to vector<1x128xf32>
      tpu.vector_store %arg7[%swap3A_317, %swap3A_318], %swap3A_321 {strides = array<i32>} : memref<33x128xf32, #tpu.memory_space<vmem>>, vector<1x128xf32>,
    } else {
    }
    %le3A_193 = arith.constant 20 : i32
    %le3A_194 = arith.cmpi sle, %reduce_min3A_31, %le3A_193 : i32
    %ge3A_195 = arith.constant 20 : i32
    %ge3A_196 = arith.cmpi sge, %reduce_max3A_35, %ge3A_195 : i32
    %and3A_197 = arith.andi %le3A_194, %ge3A_196 : i1
    %convert_element_type3A_198 = arith.extui %and3A_197 : i1 to i32
    %cond3A_199 = arith.constant 0 : i32
    %cond3A_200 = arith.cmpi ne, %convert_element_type3A_198, %cond3A_199 : i32
    scf.if %cond3A_200 {
      %eq3A_302 = arith.constant 20 : i32
      %eq3A_303 = vector.broadcast %eq3A_302 : i32 to vector<2000xi32>
      %eq3A_304 = arith.cmpi eq, %get3A_5, %eq3A_303 : vector<2000xi32>
      %jit3A = arith.constant 0.000000e+00 : f32
      %jit3A_305 = arith.constant 0xFF800000 : f32
      %broadcast_in_dim3A_306 = vector.broadcast %jit3A : f32 to vector<2000xf32>
      %broadcast_in_dim3A_307 = vector.broadcast %jit3A_305 : f32 to vector<2000xf32>
      %select_n3A = arith.select %eq3A_304, %broadcast_in_dim3A_306, %broadcast_in_dim3A_307 : vector<2000xi1>, vector<2000xf32>
      %broadcast_in_dim3A_308 = vector.shape_cast %select_n3A : vector<2000xf32> to vector<2000x1xf32>
      %add3A_309 = vector.broadcast %broadcast_in_dim3A_308 : vector<2000x1xf32> to vector<2000x128xf32>
      %add3A_310 = arith.addf %get3A_8, %add3A_309 : vector<2000x128xf32>
      %reduce_max3A_311 = arith.constant dense<0xFF800000> : vector<128xf32>
      %reduce_max3A_312 = vector.multi_reduction <maximumf>, %add3A_310, %reduce_max3A_311 [0] : vector<2000x128xf32> to vector<128xf32>
      %get3A_313 = arith.constant 20 : index
      %get3A_314 = arith.constant 0 : index
      %get3A_315 = vector.load %arg7[%get3A_313, %get3A_314] : memref<33x128xf32, #tpu.memory_space<vmem>>, vector<1x128xf32>
      %get3A_316 = vector.shape_cast %get3A_315 : vector<1x128xf32> to vector<128xf32>
      %max3A = arith.maximumf %get3A_316, %reduce_max3A_312 : vector<128xf32>
      %swap3A_317 = arith.constant 20 : index
      %swap3A_318 = arith.constant 0 : index
      %swap3A_319 = vector.load %arg7[%swap3A_317, %swap3A_318] : memref<33x128xf32, #tpu.memory_space<vmem>>, vector<1x128xf32>
      %swap3A_320 = vector.shape_cast %swap3A_319 : vector<1x128xf32> to vector<128xf32>
      %swap3A_321 = vector.shape_cast %max3A : vector<128xf32> to vector<1x128xf32>
      tpu.vector_store %arg7[%swap3A_317, %swap3A_318], %swap3A_321 {strides = array<i32>} : memref<33x128xf32, #tpu.memory_space<vmem>>, vector<1x128xf32>,
    } else {
    }
    %le3A_201 = arith.constant 21 : i32
    %le3A_202 = arith.cmpi sle, %reduce_min3A_31, %le3A_201 : i32
    %ge3A_203 = arith.constant 21 : i32
    %ge3A_204 = arith.cmpi sge, %reduce_max3A_35, %ge3A_203 : i32
    %and3A_205 = arith.andi %le3A_202, %ge3A_204 : i1
    %convert_element_type3A_206 = arith.extui %and3A_205 : i1 to i32
    %cond3A_207 = arith.constant 0 : i32
    %cond3A_208 = arith.cmpi ne, %convert_element_type3A_206, %cond3A_207 : i32
    scf.if %cond3A_208 {
      %eq3A_302 = arith.constant 21 : i32
      %eq3A_303 = vector.broadcast %eq3A_302 : i32 to vector<2000xi32>
      %eq3A_304 = arith.cmpi eq, %get3A_5, %eq3A_303 : vector<2000xi32>
      %jit3A = arith.constant 0.000000e+00 : f32
      %jit3A_305 = arith.constant 0xFF800000 : f32
      %broadcast_in_dim3A_306 = vector.broadcast %jit3A : f32 to vector<2000xf32>
      %broadcast_in_dim3A_307 = vector.broadcast %jit3A_305 : f32 to vector<2000xf32>
      %select_n3A = arith.select %eq3A_304, %broadcast_in_dim3A_306, %broadcast_in_dim3A_307 : vector<2000xi1>, vector<2000xf32>
      %broadcast_in_dim3A_308 = vector.shape_cast %select_n3A : vector<2000xf32> to vector<2000x1xf32>
      %add3A_309 = vector.broadcast %broadcast_in_dim3A_308 : vector<2000x1xf32> to vector<2000x128xf32>
      %add3A_310 = arith.addf %get3A_8, %add3A_309 : vector<2000x128xf32>
      %reduce_max3A_311 = arith.constant dense<0xFF800000> : vector<128xf32>
      %reduce_max3A_312 = vector.multi_reduction <maximumf>, %add3A_310, %reduce_max3A_311 [0] : vector<2000x128xf32> to vector<128xf32>
      %get3A_313 = arith.constant 21 : index
      %get3A_314 = arith.constant 0 : index
      %get3A_315 = vector.load %arg7[%get3A_313, %get3A_314] : memref<33x128xf32, #tpu.memory_space<vmem>>, vector<1x128xf32>
      %get3A_316 = vector.shape_cast %get3A_315 : vector<1x128xf32> to vector<128xf32>
      %max3A = arith.maximumf %get3A_316, %reduce_max3A_312 : vector<128xf32>
      %swap3A_317 = arith.constant 21 : index
      %swap3A_318 = arith.constant 0 : index
      %swap3A_319 = vector.load %arg7[%swap3A_317, %swap3A_318] : memref<33x128xf32, #tpu.memory_space<vmem>>, vector<1x128xf32>
      %swap3A_320 = vector.shape_cast %swap3A_319 : vector<1x128xf32> to vector<128xf32>
      %swap3A_321 = vector.shape_cast %max3A : vector<128xf32> to vector<1x128xf32>
      tpu.vector_store %arg7[%swap3A_317, %swap3A_318], %swap3A_321 {strides = array<i32>} : memref<33x128xf32, #tpu.memory_space<vmem>>, vector<1x128xf32>,
    } else {
    }
    %le3A_209 = arith.constant 22 : i32
    %le3A_210 = arith.cmpi sle, %reduce_min3A_31, %le3A_209 : i32
    %ge3A_211 = arith.constant 22 : i32
    %ge3A_212 = arith.cmpi sge, %reduce_max3A_35, %ge3A_211 : i32
    %and3A_213 = arith.andi %le3A_210, %ge3A_212 : i1
    %convert_element_type3A_214 = arith.extui %and3A_213 : i1 to i32
    %cond3A_215 = arith.constant 0 : i32
    %cond3A_216 = arith.cmpi ne, %convert_element_type3A_214, %cond3A_215 : i32
    scf.if %cond3A_216 {
      %eq3A_302 = arith.constant 22 : i32
      %eq3A_303 = vector.broadcast %eq3A_302 : i32 to vector<2000xi32>
      %eq3A_304 = arith.cmpi eq, %get3A_5, %eq3A_303 : vector<2000xi32>
      %jit3A = arith.constant 0.000000e+00 : f32
      %jit3A_305 = arith.constant 0xFF800000 : f32
      %broadcast_in_dim3A_306 = vector.broadcast %jit3A : f32 to vector<2000xf32>
      %broadcast_in_dim3A_307 = vector.broadcast %jit3A_305 : f32 to vector<2000xf32>
      %select_n3A = arith.select %eq3A_304, %broadcast_in_dim3A_306, %broadcast_in_dim3A_307 : vector<2000xi1>, vector<2000xf32>
      %broadcast_in_dim3A_308 = vector.shape_cast %select_n3A : vector<2000xf32> to vector<2000x1xf32>
      %add3A_309 = vector.broadcast %broadcast_in_dim3A_308 : vector<2000x1xf32> to vector<2000x128xf32>
      %add3A_310 = arith.addf %get3A_8, %add3A_309 : vector<2000x128xf32>
      %reduce_max3A_311 = arith.constant dense<0xFF800000> : vector<128xf32>
      %reduce_max3A_312 = vector.multi_reduction <maximumf>, %add3A_310, %reduce_max3A_311 [0] : vector<2000x128xf32> to vector<128xf32>
      %get3A_313 = arith.constant 22 : index
      %get3A_314 = arith.constant 0 : index
      %get3A_315 = vector.load %arg7[%get3A_313, %get3A_314] : memref<33x128xf32, #tpu.memory_space<vmem>>, vector<1x128xf32>
      %get3A_316 = vector.shape_cast %get3A_315 : vector<1x128xf32> to vector<128xf32>
      %max3A = arith.maximumf %get3A_316, %reduce_max3A_312 : vector<128xf32>
      %swap3A_317 = arith.constant 22 : index
      %swap3A_318 = arith.constant 0 : index
      %swap3A_319 = vector.load %arg7[%swap3A_317, %swap3A_318] : memref<33x128xf32, #tpu.memory_space<vmem>>, vector<1x128xf32>
      %swap3A_320 = vector.shape_cast %swap3A_319 : vector<1x128xf32> to vector<128xf32>
      %swap3A_321 = vector.shape_cast %max3A : vector<128xf32> to vector<1x128xf32>
      tpu.vector_store %arg7[%swap3A_317, %swap3A_318], %swap3A_321 {strides = array<i32>} : memref<33x128xf32, #tpu.memory_space<vmem>>, vector<1x128xf32>,
    } else {
    }
    %le3A_217 = arith.constant 23 : i32
    %le3A_218 = arith.cmpi sle, %reduce_min3A_31, %le3A_217 : i32
    %ge3A_219 = arith.constant 23 : i32
    %ge3A_220 = arith.cmpi sge, %reduce_max3A_35, %ge3A_219 : i32
    %and3A_221 = arith.andi %le3A_218, %ge3A_220 : i1
    %convert_element_type3A_222 = arith.extui %and3A_221 : i1 to i32
    %cond3A_223 = arith.constant 0 : i32
    %cond3A_224 = arith.cmpi ne, %convert_element_type3A_222, %cond3A_223 : i32
    scf.if %cond3A_224 {
      %eq3A_302 = arith.constant 23 : i32
      %eq3A_303 = vector.broadcast %eq3A_302 : i32 to vector<2000xi32>
      %eq3A_304 = arith.cmpi eq, %get3A_5, %eq3A_303 : vector<2000xi32>
      %jit3A = arith.constant 0.000000e+00 : f32
      %jit3A_305 = arith.constant 0xFF800000 : f32
      %broadcast_in_dim3A_306 = vector.broadcast %jit3A : f32 to vector<2000xf32>
      %broadcast_in_dim3A_307 = vector.broadcast %jit3A_305 : f32 to vector<2000xf32>
      %select_n3A = arith.select %eq3A_304, %broadcast_in_dim3A_306, %broadcast_in_dim3A_307 : vector<2000xi1>, vector<2000xf32>
      %broadcast_in_dim3A_308 = vector.shape_cast %select_n3A : vector<2000xf32> to vector<2000x1xf32>
      %add3A_309 = vector.broadcast %broadcast_in_dim3A_308 : vector<2000x1xf32> to vector<2000x128xf32>
      %add3A_310 = arith.addf %get3A_8, %add3A_309 : vector<2000x128xf32>
      %reduce_max3A_311 = arith.constant dense<0xFF800000> : vector<128xf32>
      %reduce_max3A_312 = vector.multi_reduction <maximumf>, %add3A_310, %reduce_max3A_311 [0] : vector<2000x128xf32> to vector<128xf32>
      %get3A_313 = arith.constant 23 : index
      %get3A_314 = arith.constant 0 : index
      %get3A_315 = vector.load %arg7[%get3A_313, %get3A_314] : memref<33x128xf32, #tpu.memory_space<vmem>>, vector<1x128xf32>
      %get3A_316 = vector.shape_cast %get3A_315 : vector<1x128xf32> to vector<128xf32>
      %max3A = arith.maximumf %get3A_316, %reduce_max3A_312 : vector<128xf32>
      %swap3A_317 = arith.constant 23 : index
      %swap3A_318 = arith.constant 0 : index
      %swap3A_319 = vector.load %arg7[%swap3A_317, %swap3A_318] : memref<33x128xf32, #tpu.memory_space<vmem>>, vector<1x128xf32>
      %swap3A_320 = vector.shape_cast %swap3A_319 : vector<1x128xf32> to vector<128xf32>
      %swap3A_321 = vector.shape_cast %max3A : vector<128xf32> to vector<1x128xf32>
      tpu.vector_store %arg7[%swap3A_317, %swap3A_318], %swap3A_321 {strides = array<i32>} : memref<33x128xf32, #tpu.memory_space<vmem>>, vector<1x128xf32>,
    } else {
    }
    %le3A_225 = arith.constant 24 : i32
    %le3A_226 = arith.cmpi sle, %reduce_min3A_31, %le3A_225 : i32
    %ge3A_227 = arith.constant 24 : i32
    %ge3A_228 = arith.cmpi sge, %reduce_max3A_35, %ge3A_227 : i32
    %and3A_229 = arith.andi %le3A_226, %ge3A_228 : i1
    %convert_element_type3A_230 = arith.extui %and3A_229 : i1 to i32
    %cond3A_231 = arith.constant 0 : i32
    %cond3A_232 = arith.cmpi ne, %convert_element_type3A_230, %cond3A_231 : i32
    scf.if %cond3A_232 {
      %eq3A_302 = arith.constant 24 : i32
      %eq3A_303 = vector.broadcast %eq3A_302 : i32 to vector<2000xi32>
      %eq3A_304 = arith.cmpi eq, %get3A_5, %eq3A_303 : vector<2000xi32>
      %jit3A = arith.constant 0.000000e+00 : f32
      %jit3A_305 = arith.constant 0xFF800000 : f32
      %broadcast_in_dim3A_306 = vector.broadcast %jit3A : f32 to vector<2000xf32>
      %broadcast_in_dim3A_307 = vector.broadcast %jit3A_305 : f32 to vector<2000xf32>
      %select_n3A = arith.select %eq3A_304, %broadcast_in_dim3A_306, %broadcast_in_dim3A_307 : vector<2000xi1>, vector<2000xf32>
      %broadcast_in_dim3A_308 = vector.shape_cast %select_n3A : vector<2000xf32> to vector<2000x1xf32>
      %add3A_309 = vector.broadcast %broadcast_in_dim3A_308 : vector<2000x1xf32> to vector<2000x128xf32>
      %add3A_310 = arith.addf %get3A_8, %add3A_309 : vector<2000x128xf32>
      %reduce_max3A_311 = arith.constant dense<0xFF800000> : vector<128xf32>
      %reduce_max3A_312 = vector.multi_reduction <maximumf>, %add3A_310, %reduce_max3A_311 [0] : vector<2000x128xf32> to vector<128xf32>
      %get3A_313 = arith.constant 24 : index
      %get3A_314 = arith.constant 0 : index
      %get3A_315 = vector.load %arg7[%get3A_313, %get3A_314] : memref<33x128xf32, #tpu.memory_space<vmem>>, vector<1x128xf32>
      %get3A_316 = vector.shape_cast %get3A_315 : vector<1x128xf32> to vector<128xf32>
      %max3A = arith.maximumf %get3A_316, %reduce_max3A_312 : vector<128xf32>
      %swap3A_317 = arith.constant 24 : index
      %swap3A_318 = arith.constant 0 : index
      %swap3A_319 = vector.load %arg7[%swap3A_317, %swap3A_318] : memref<33x128xf32, #tpu.memory_space<vmem>>, vector<1x128xf32>
      %swap3A_320 = vector.shape_cast %swap3A_319 : vector<1x128xf32> to vector<128xf32>
      %swap3A_321 = vector.shape_cast %max3A : vector<128xf32> to vector<1x128xf32>
      tpu.vector_store %arg7[%swap3A_317, %swap3A_318], %swap3A_321 {strides = array<i32>} : memref<33x128xf32, #tpu.memory_space<vmem>>, vector<1x128xf32>,
    } else {
    }
    %le3A_233 = arith.constant 25 : i32
    %le3A_234 = arith.cmpi sle, %reduce_min3A_31, %le3A_233 : i32
    %ge3A_235 = arith.constant 25 : i32
    %ge3A_236 = arith.cmpi sge, %reduce_max3A_35, %ge3A_235 : i32
    %and3A_237 = arith.andi %le3A_234, %ge3A_236 : i1
    %convert_element_type3A_238 = arith.extui %and3A_237 : i1 to i32
    %cond3A_239 = arith.constant 0 : i32
    %cond3A_240 = arith.cmpi ne, %convert_element_type3A_238, %cond3A_239 : i32
    scf.if %cond3A_240 {
      %eq3A_302 = arith.constant 25 : i32
      %eq3A_303 = vector.broadcast %eq3A_302 : i32 to vector<2000xi32>
      %eq3A_304 = arith.cmpi eq, %get3A_5, %eq3A_303 : vector<2000xi32>
      %jit3A = arith.constant 0.000000e+00 : f32
      %jit3A_305 = arith.constant 0xFF800000 : f32
      %broadcast_in_dim3A_306 = vector.broadcast %jit3A : f32 to vector<2000xf32>
      %broadcast_in_dim3A_307 = vector.broadcast %jit3A_305 : f32 to vector<2000xf32>
      %select_n3A = arith.select %eq3A_304, %broadcast_in_dim3A_306, %broadcast_in_dim3A_307 : vector<2000xi1>, vector<2000xf32>
      %broadcast_in_dim3A_308 = vector.shape_cast %select_n3A : vector<2000xf32> to vector<2000x1xf32>
      %add3A_309 = vector.broadcast %broadcast_in_dim3A_308 : vector<2000x1xf32> to vector<2000x128xf32>
      %add3A_310 = arith.addf %get3A_8, %add3A_309 : vector<2000x128xf32>
      %reduce_max3A_311 = arith.constant dense<0xFF800000> : vector<128xf32>
      %reduce_max3A_312 = vector.multi_reduction <maximumf>, %add3A_310, %reduce_max3A_311 [0] : vector<2000x128xf32> to vector<128xf32>
      %get3A_313 = arith.constant 25 : index
      %get3A_314 = arith.constant 0 : index
      %get3A_315 = vector.load %arg7[%get3A_313, %get3A_314] : memref<33x128xf32, #tpu.memory_space<vmem>>, vector<1x128xf32>
      %get3A_316 = vector.shape_cast %get3A_315 : vector<1x128xf32> to vector<128xf32>
      %max3A = arith.maximumf %get3A_316, %reduce_max3A_312 : vector<128xf32>
      %swap3A_317 = arith.constant 25 : index
      %swap3A_318 = arith.constant 0 : index
      %swap3A_319 = vector.load %arg7[%swap3A_317, %swap3A_318] : memref<33x128xf32, #tpu.memory_space<vmem>>, vector<1x128xf32>
      %swap3A_320 = vector.shape_cast %swap3A_319 : vector<1x128xf32> to vector<128xf32>
      %swap3A_321 = vector.shape_cast %max3A : vector<128xf32> to vector<1x128xf32>
      tpu.vector_store %arg7[%swap3A_317, %swap3A_318], %swap3A_321 {strides = array<i32>} : memref<33x128xf32, #tpu.memory_space<vmem>>, vector<1x128xf32>,
    } else {
    }
    %le3A_241 = arith.constant 26 : i32
    %le3A_242 = arith.cmpi sle, %reduce_min3A_31, %le3A_241 : i32
    %ge3A_243 = arith.constant 26 : i32
    %ge3A_244 = arith.cmpi sge, %reduce_max3A_35, %ge3A_243 : i32
    %and3A_245 = arith.andi %le3A_242, %ge3A_244 : i1
    %convert_element_type3A_246 = arith.extui %and3A_245 : i1 to i32
    %cond3A_247 = arith.constant 0 : i32
    %cond3A_248 = arith.cmpi ne, %convert_element_type3A_246, %cond3A_247 : i32
    scf.if %cond3A_248 {
      %eq3A_302 = arith.constant 26 : i32
      %eq3A_303 = vector.broadcast %eq3A_302 : i32 to vector<2000xi32>
      %eq3A_304 = arith.cmpi eq, %get3A_5, %eq3A_303 : vector<2000xi32>
      %jit3A = arith.constant 0.000000e+00 : f32
      %jit3A_305 = arith.constant 0xFF800000 : f32
      %broadcast_in_dim3A_306 = vector.broadcast %jit3A : f32 to vector<2000xf32>
      %broadcast_in_dim3A_307 = vector.broadcast %jit3A_305 : f32 to vector<2000xf32>
      %select_n3A = arith.select %eq3A_304, %broadcast_in_dim3A_306, %broadcast_in_dim3A_307 : vector<2000xi1>, vector<2000xf32>
      %broadcast_in_dim3A_308 = vector.shape_cast %select_n3A : vector<2000xf32> to vector<2000x1xf32>
      %add3A_309 = vector.broadcast %broadcast_in_dim3A_308 : vector<2000x1xf32> to vector<2000x128xf32>
      %add3A_310 = arith.addf %get3A_8, %add3A_309 : vector<2000x128xf32>
      %reduce_max3A_311 = arith.constant dense<0xFF800000> : vector<128xf32>
      %reduce_max3A_312 = vector.multi_reduction <maximumf>, %add3A_310, %reduce_max3A_311 [0] : vector<2000x128xf32> to vector<128xf32>
      %get3A_313 = arith.constant 26 : index
      %get3A_314 = arith.constant 0 : index
      %get3A_315 = vector.load %arg7[%get3A_313, %get3A_314] : memref<33x128xf32, #tpu.memory_space<vmem>>, vector<1x128xf32>
      %get3A_316 = vector.shape_cast %get3A_315 : vector<1x128xf32> to vector<128xf32>
      %max3A = arith.maximumf %get3A_316, %reduce_max3A_312 : vector<128xf32>
      %swap3A_317 = arith.constant 26 : index
      %swap3A_318 = arith.constant 0 : index
      %swap3A_319 = vector.load %arg7[%swap3A_317, %swap3A_318] : memref<33x128xf32, #tpu.memory_space<vmem>>, vector<1x128xf32>
      %swap3A_320 = vector.shape_cast %swap3A_319 : vector<1x128xf32> to vector<128xf32>
      %swap3A_321 = vector.shape_cast %max3A : vector<128xf32> to vector<1x128xf32>
      tpu.vector_store %arg7[%swap3A_317, %swap3A_318], %swap3A_321 {strides = array<i32>} : memref<33x128xf32, #tpu.memory_space<vmem>>, vector<1x128xf32>,
    } else {
    }
    %le3A_249 = arith.constant 27 : i32
    %le3A_250 = arith.cmpi sle, %reduce_min3A_31, %le3A_249 : i32
    %ge3A_251 = arith.constant 27 : i32
    %ge3A_252 = arith.cmpi sge, %reduce_max3A_35, %ge3A_251 : i32
    %and3A_253 = arith.andi %le3A_250, %ge3A_252 : i1
    %convert_element_type3A_254 = arith.extui %and3A_253 : i1 to i32
    %cond3A_255 = arith.constant 0 : i32
    %cond3A_256 = arith.cmpi ne, %convert_element_type3A_254, %cond3A_255 : i32
    scf.if %cond3A_256 {
      %eq3A_302 = arith.constant 27 : i32
      %eq3A_303 = vector.broadcast %eq3A_302 : i32 to vector<2000xi32>
      %eq3A_304 = arith.cmpi eq, %get3A_5, %eq3A_303 : vector<2000xi32>
      %jit3A = arith.constant 0.000000e+00 : f32
      %jit3A_305 = arith.constant 0xFF800000 : f32
      %broadcast_in_dim3A_306 = vector.broadcast %jit3A : f32 to vector<2000xf32>
      %broadcast_in_dim3A_307 = vector.broadcast %jit3A_305 : f32 to vector<2000xf32>
      %select_n3A = arith.select %eq3A_304, %broadcast_in_dim3A_306, %broadcast_in_dim3A_307 : vector<2000xi1>, vector<2000xf32>
      %broadcast_in_dim3A_308 = vector.shape_cast %select_n3A : vector<2000xf32> to vector<2000x1xf32>
      %add3A_309 = vector.broadcast %broadcast_in_dim3A_308 : vector<2000x1xf32> to vector<2000x128xf32>
      %add3A_310 = arith.addf %get3A_8, %add3A_309 : vector<2000x128xf32>
      %reduce_max3A_311 = arith.constant dense<0xFF800000> : vector<128xf32>
      %reduce_max3A_312 = vector.multi_reduction <maximumf>, %add3A_310, %reduce_max3A_311 [0] : vector<2000x128xf32> to vector<128xf32>
      %get3A_313 = arith.constant 27 : index
      %get3A_314 = arith.constant 0 : index
      %get3A_315 = vector.load %arg7[%get3A_313, %get3A_314] : memref<33x128xf32, #tpu.memory_space<vmem>>, vector<1x128xf32>
      %get3A_316 = vector.shape_cast %get3A_315 : vector<1x128xf32> to vector<128xf32>
      %max3A = arith.maximumf %get3A_316, %reduce_max3A_312 : vector<128xf32>
      %swap3A_317 = arith.constant 27 : index
      %swap3A_318 = arith.constant 0 : index
      %swap3A_319 = vector.load %arg7[%swap3A_317, %swap3A_318] : memref<33x128xf32, #tpu.memory_space<vmem>>, vector<1x128xf32>
      %swap3A_320 = vector.shape_cast %swap3A_319 : vector<1x128xf32> to vector<128xf32>
      %swap3A_321 = vector.shape_cast %max3A : vector<128xf32> to vector<1x128xf32>
      tpu.vector_store %arg7[%swap3A_317, %swap3A_318], %swap3A_321 {strides = array<i32>} : memref<33x128xf32, #tpu.memory_space<vmem>>, vector<1x128xf32>,
    } else {
    }
    %le3A_257 = arith.constant 28 : i32
    %le3A_258 = arith.cmpi sle, %reduce_min3A_31, %le3A_257 : i32
    %ge3A_259 = arith.constant 28 : i32
    %ge3A_260 = arith.cmpi sge, %reduce_max3A_35, %ge3A_259 : i32
    %and3A_261 = arith.andi %le3A_258, %ge3A_260 : i1
    %convert_element_type3A_262 = arith.extui %and3A_261 : i1 to i32
    %cond3A_263 = arith.constant 0 : i32
    %cond3A_264 = arith.cmpi ne, %convert_element_type3A_262, %cond3A_263 : i32
    scf.if %cond3A_264 {
      %eq3A_302 = arith.constant 28 : i32
      %eq3A_303 = vector.broadcast %eq3A_302 : i32 to vector<2000xi32>
      %eq3A_304 = arith.cmpi eq, %get3A_5, %eq3A_303 : vector<2000xi32>
      %jit3A = arith.constant 0.000000e+00 : f32
      %jit3A_305 = arith.constant 0xFF800000 : f32
      %broadcast_in_dim3A_306 = vector.broadcast %jit3A : f32 to vector<2000xf32>
      %broadcast_in_dim3A_307 = vector.broadcast %jit3A_305 : f32 to vector<2000xf32>
      %select_n3A = arith.select %eq3A_304, %broadcast_in_dim3A_306, %broadcast_in_dim3A_307 : vector<2000xi1>, vector<2000xf32>
      %broadcast_in_dim3A_308 = vector.shape_cast %select_n3A : vector<2000xf32> to vector<2000x1xf32>
      %add3A_309 = vector.broadcast %broadcast_in_dim3A_308 : vector<2000x1xf32> to vector<2000x128xf32>
      %add3A_310 = arith.addf %get3A_8, %add3A_309 : vector<2000x128xf32>
      %reduce_max3A_311 = arith.constant dense<0xFF800000> : vector<128xf32>
      %reduce_max3A_312 = vector.multi_reduction <maximumf>, %add3A_310, %reduce_max3A_311 [0] : vector<2000x128xf32> to vector<128xf32>
      %get3A_313 = arith.constant 28 : index
      %get3A_314 = arith.constant 0 : index
      %get3A_315 = vector.load %arg7[%get3A_313, %get3A_314] : memref<33x128xf32, #tpu.memory_space<vmem>>, vector<1x128xf32>
      %get3A_316 = vector.shape_cast %get3A_315 : vector<1x128xf32> to vector<128xf32>
      %max3A = arith.maximumf %get3A_316, %reduce_max3A_312 : vector<128xf32>
      %swap3A_317 = arith.constant 28 : index
      %swap3A_318 = arith.constant 0 : index
      %swap3A_319 = vector.load %arg7[%swap3A_317, %swap3A_318] : memref<33x128xf32, #tpu.memory_space<vmem>>, vector<1x128xf32>
      %swap3A_320 = vector.shape_cast %swap3A_319 : vector<1x128xf32> to vector<128xf32>
      %swap3A_321 = vector.shape_cast %max3A : vector<128xf32> to vector<1x128xf32>
      tpu.vector_store %arg7[%swap3A_317, %swap3A_318], %swap3A_321 {strides = array<i32>} : memref<33x128xf32, #tpu.memory_space<vmem>>, vector<1x128xf32>,
    } else {
    }
    %le3A_265 = arith.constant 29 : i32
    %le3A_266 = arith.cmpi sle, %reduce_min3A_31, %le3A_265 : i32
    %ge3A_267 = arith.constant 29 : i32
    %ge3A_268 = arith.cmpi sge, %reduce_max3A_35, %ge3A_267 : i32
    %and3A_269 = arith.andi %le3A_266, %ge3A_268 : i1
    %convert_element_type3A_270 = arith.extui %and3A_269 : i1 to i32
    %cond3A_271 = arith.constant 0 : i32
    %cond3A_272 = arith.cmpi ne, %convert_element_type3A_270, %cond3A_271 : i32
    scf.if %cond3A_272 {
      %eq3A_302 = arith.constant 29 : i32
      %eq3A_303 = vector.broadcast %eq3A_302 : i32 to vector<2000xi32>
      %eq3A_304 = arith.cmpi eq, %get3A_5, %eq3A_303 : vector<2000xi32>
      %jit3A = arith.constant 0.000000e+00 : f32
      %jit3A_305 = arith.constant 0xFF800000 : f32
      %broadcast_in_dim3A_306 = vector.broadcast %jit3A : f32 to vector<2000xf32>
      %broadcast_in_dim3A_307 = vector.broadcast %jit3A_305 : f32 to vector<2000xf32>
      %select_n3A = arith.select %eq3A_304, %broadcast_in_dim3A_306, %broadcast_in_dim3A_307 : vector<2000xi1>, vector<2000xf32>
      %broadcast_in_dim3A_308 = vector.shape_cast %select_n3A : vector<2000xf32> to vector<2000x1xf32>
      %add3A_309 = vector.broadcast %broadcast_in_dim3A_308 : vector<2000x1xf32> to vector<2000x128xf32>
      %add3A_310 = arith.addf %get3A_8, %add3A_309 : vector<2000x128xf32>
      %reduce_max3A_311 = arith.constant dense<0xFF800000> : vector<128xf32>
      %reduce_max3A_312 = vector.multi_reduction <maximumf>, %add3A_310, %reduce_max3A_311 [0] : vector<2000x128xf32> to vector<128xf32>
      %get3A_313 = arith.constant 29 : index
      %get3A_314 = arith.constant 0 : index
      %get3A_315 = vector.load %arg7[%get3A_313, %get3A_314] : memref<33x128xf32, #tpu.memory_space<vmem>>, vector<1x128xf32>
      %get3A_316 = vector.shape_cast %get3A_315 : vector<1x128xf32> to vector<128xf32>
      %max3A = arith.maximumf %get3A_316, %reduce_max3A_312 : vector<128xf32>
      %swap3A_317 = arith.constant 29 : index
      %swap3A_318 = arith.constant 0 : index
      %swap3A_319 = vector.load %arg7[%swap3A_317, %swap3A_318] : memref<33x128xf32, #tpu.memory_space<vmem>>, vector<1x128xf32>
      %swap3A_320 = vector.shape_cast %swap3A_319 : vector<1x128xf32> to vector<128xf32>
      %swap3A_321 = vector.shape_cast %max3A : vector<128xf32> to vector<1x128xf32>
      tpu.vector_store %arg7[%swap3A_317, %swap3A_318], %swap3A_321 {strides = array<i32>} : memref<33x128xf32, #tpu.memory_space<vmem>>, vector<1x128xf32>,
    } else {
    }
    %le3A_273 = arith.constant 30 : i32
    %le3A_274 = arith.cmpi sle, %reduce_min3A_31, %le3A_273 : i32
    %ge3A_275 = arith.constant 30 : i32
    %ge3A_276 = arith.cmpi sge, %reduce_max3A_35, %ge3A_275 : i32
    %and3A_277 = arith.andi %le3A_274, %ge3A_276 : i1
    %convert_element_type3A_278 = arith.extui %and3A_277 : i1 to i32
    %cond3A_279 = arith.constant 0 : i32
    %cond3A_280 = arith.cmpi ne, %convert_element_type3A_278, %cond3A_279 : i32
    scf.if %cond3A_280 {
      %eq3A_302 = arith.constant 30 : i32
      %eq3A_303 = vector.broadcast %eq3A_302 : i32 to vector<2000xi32>
      %eq3A_304 = arith.cmpi eq, %get3A_5, %eq3A_303 : vector<2000xi32>
      %jit3A = arith.constant 0.000000e+00 : f32
      %jit3A_305 = arith.constant 0xFF800000 : f32
      %broadcast_in_dim3A_306 = vector.broadcast %jit3A : f32 to vector<2000xf32>
      %broadcast_in_dim3A_307 = vector.broadcast %jit3A_305 : f32 to vector<2000xf32>
      %select_n3A = arith.select %eq3A_304, %broadcast_in_dim3A_306, %broadcast_in_dim3A_307 : vector<2000xi1>, vector<2000xf32>
      %broadcast_in_dim3A_308 = vector.shape_cast %select_n3A : vector<2000xf32> to vector<2000x1xf32>
      %add3A_309 = vector.broadcast %broadcast_in_dim3A_308 : vector<2000x1xf32> to vector<2000x128xf32>
      %add3A_310 = arith.addf %get3A_8, %add3A_309 : vector<2000x128xf32>
      %reduce_max3A_311 = arith.constant dense<0xFF800000> : vector<128xf32>
      %reduce_max3A_312 = vector.multi_reduction <maximumf>, %add3A_310, %reduce_max3A_311 [0] : vector<2000x128xf32> to vector<128xf32>
      %get3A_313 = arith.constant 30 : index
      %get3A_314 = arith.constant 0 : index
      %get3A_315 = vector.load %arg7[%get3A_313, %get3A_314] : memref<33x128xf32, #tpu.memory_space<vmem>>, vector<1x128xf32>
      %get3A_316 = vector.shape_cast %get3A_315 : vector<1x128xf32> to vector<128xf32>
      %max3A = arith.maximumf %get3A_316, %reduce_max3A_312 : vector<128xf32>
      %swap3A_317 = arith.constant 30 : index
      %swap3A_318 = arith.constant 0 : index
      %swap3A_319 = vector.load %arg7[%swap3A_317, %swap3A_318] : memref<33x128xf32, #tpu.memory_space<vmem>>, vector<1x128xf32>
      %swap3A_320 = vector.shape_cast %swap3A_319 : vector<1x128xf32> to vector<128xf32>
      %swap3A_321 = vector.shape_cast %max3A : vector<128xf32> to vector<1x128xf32>
      tpu.vector_store %arg7[%swap3A_317, %swap3A_318], %swap3A_321 {strides = array<i32>} : memref<33x128xf32, #tpu.memory_space<vmem>>, vector<1x128xf32>,
    } else {
    }
    %le3A_281 = arith.constant 31 : i32
    %le3A_282 = arith.cmpi sle, %reduce_min3A_31, %le3A_281 : i32
    %ge3A_283 = arith.constant 31 : i32
    %ge3A_284 = arith.cmpi sge, %reduce_max3A_35, %ge3A_283 : i32
    %and3A_285 = arith.andi %le3A_282, %ge3A_284 : i1
    %convert_element_type3A_286 = arith.extui %and3A_285 : i1 to i32
    %cond3A_287 = arith.constant 0 : i32
    %cond3A_288 = arith.cmpi ne, %convert_element_type3A_286, %cond3A_287 : i32
    scf.if %cond3A_288 {
      %eq3A_302 = arith.constant 31 : i32
      %eq3A_303 = vector.broadcast %eq3A_302 : i32 to vector<2000xi32>
      %eq3A_304 = arith.cmpi eq, %get3A_5, %eq3A_303 : vector<2000xi32>
      %jit3A = arith.constant 0.000000e+00 : f32
      %jit3A_305 = arith.constant 0xFF800000 : f32
      %broadcast_in_dim3A_306 = vector.broadcast %jit3A : f32 to vector<2000xf32>
      %broadcast_in_dim3A_307 = vector.broadcast %jit3A_305 : f32 to vector<2000xf32>
      %select_n3A = arith.select %eq3A_304, %broadcast_in_dim3A_306, %broadcast_in_dim3A_307 : vector<2000xi1>, vector<2000xf32>
      %broadcast_in_dim3A_308 = vector.shape_cast %select_n3A : vector<2000xf32> to vector<2000x1xf32>
      %add3A_309 = vector.broadcast %broadcast_in_dim3A_308 : vector<2000x1xf32> to vector<2000x128xf32>
      %add3A_310 = arith.addf %get3A_8, %add3A_309 : vector<2000x128xf32>
      %reduce_max3A_311 = arith.constant dense<0xFF800000> : vector<128xf32>
      %reduce_max3A_312 = vector.multi_reduction <maximumf>, %add3A_310, %reduce_max3A_311 [0] : vector<2000x128xf32> to vector<128xf32>
      %get3A_313 = arith.constant 31 : index
      %get3A_314 = arith.constant 0 : index
      %get3A_315 = vector.load %arg7[%get3A_313, %get3A_314] : memref<33x128xf32, #tpu.memory_space<vmem>>, vector<1x128xf32>
      %get3A_316 = vector.shape_cast %get3A_315 : vector<1x128xf32> to vector<128xf32>
      %max3A = arith.maximumf %get3A_316, %reduce_max3A_312 : vector<128xf32>
      %swap3A_317 = arith.constant 31 : index
      %swap3A_318 = arith.constant 0 : index
      %swap3A_319 = vector.load %arg7[%swap3A_317, %swap3A_318] : memref<33x128xf32, #tpu.memory_space<vmem>>, vector<1x128xf32>
      %swap3A_320 = vector.shape_cast %swap3A_319 : vector<1x128xf32> to vector<128xf32>
      %swap3A_321 = vector.shape_cast %max3A : vector<128xf32> to vector<1x128xf32>
      tpu.vector_store %arg7[%swap3A_317, %swap3A_318], %swap3A_321 {strides = array<i32>} : memref<33x128xf32, #tpu.memory_space<vmem>>, vector<1x128xf32>,
    } else {
    }
    %le3A_289 = arith.constant 32 : i32
    %le3A_290 = arith.cmpi sle, %reduce_min3A_31, %le3A_289 : i32
    %ge3A_291 = arith.constant 32 : i32
    %ge3A_292 = arith.cmpi sge, %reduce_max3A_35, %ge3A_291 : i32
    %and3A_293 = arith.andi %le3A_290, %ge3A_292 : i1
    %convert_element_type3A_294 = arith.extui %and3A_293 : i1 to i32
    %cond3A_295 = arith.constant 0 : i32
    %cond3A_296 = arith.cmpi ne, %convert_element_type3A_294, %cond3A_295 : i32
    scf.if %cond3A_296 {
      %eq3A_302 = arith.constant 32 : i32
      %eq3A_303 = vector.broadcast %eq3A_302 : i32 to vector<2000xi32>
      %eq3A_304 = arith.cmpi eq, %get3A_5, %eq3A_303 : vector<2000xi32>
      %jit3A = arith.constant 0.000000e+00 : f32
      %jit3A_305 = arith.constant 0xFF800000 : f32
      %broadcast_in_dim3A_306 = vector.broadcast %jit3A : f32 to vector<2000xf32>
      %broadcast_in_dim3A_307 = vector.broadcast %jit3A_305 : f32 to vector<2000xf32>
      %select_n3A = arith.select %eq3A_304, %broadcast_in_dim3A_306, %broadcast_in_dim3A_307 : vector<2000xi1>, vector<2000xf32>
      %broadcast_in_dim3A_308 = vector.shape_cast %select_n3A : vector<2000xf32> to vector<2000x1xf32>
      %add3A_309 = vector.broadcast %broadcast_in_dim3A_308 : vector<2000x1xf32> to vector<2000x128xf32>
      %add3A_310 = arith.addf %get3A_8, %add3A_309 : vector<2000x128xf32>
      %reduce_max3A_311 = arith.constant dense<0xFF800000> : vector<128xf32>
      %reduce_max3A_312 = vector.multi_reduction <maximumf>, %add3A_310, %reduce_max3A_311 [0] : vector<2000x128xf32> to vector<128xf32>
      %get3A_313 = arith.constant 32 : index
      %get3A_314 = arith.constant 0 : index
      %get3A_315 = vector.load %arg7[%get3A_313, %get3A_314] : memref<33x128xf32, #tpu.memory_space<vmem>>, vector<1x128xf32>
      %get3A_316 = vector.shape_cast %get3A_315 : vector<1x128xf32> to vector<128xf32>
      %max3A = arith.maximumf %get3A_316, %reduce_max3A_312 : vector<128xf32>
      %swap3A_317 = arith.constant 32 : index
      %swap3A_318 = arith.constant 0 : index
      %swap3A_319 = vector.load %arg7[%swap3A_317, %swap3A_318] : memref<33x128xf32, #tpu.memory_space<vmem>>, vector<1x128xf32>
      %swap3A_320 = vector.shape_cast %swap3A_319 : vector<1x128xf32> to vector<128xf32>
      %swap3A_321 = vector.shape_cast %max3A : vector<128xf32> to vector<1x128xf32>
      tpu.vector_store %arg7[%swap3A_317, %swap3A_318], %swap3A_321 {strides = array<i32>} : memref<33x128xf32, #tpu.memory_space<vmem>>, vector<1x128xf32>,
    } else {
    }
    %eq3A_297 = arith.constant 31 : i32
    %eq3A_298 = arith.cmpi eq, %arg0, %eq3A_297 : i32
    %convert_element_type3A_299 = arith.extui %eq3A_298 : i1 to i32
    %cond3A_300 = arith.constant 0 : i32
    %cond3A_301 = arith.cmpi ne, %convert_element_type3A_299, %cond3A_300 : i32
    scf.if %cond3A_301 {
      %get3A_302 = arith.constant 0 : index
      %get3A_303 = arith.constant 0 : index
      %get3A_304 = vector.load %arg6[%get3A_302, %get3A_303] : memref<33x128xf32, #tpu.memory_space<vmem>>, vector<33x128xf32>
      %swap3A_305 = arith.constant 0 : index
      %swap3A_306 = arith.constant 0 : index
      %swap3A_307 = vector.load %arg3[%swap3A_305, %swap3A_306] : memref<33x128xf32, #tpu.memory_space<vmem>>, vector<33x128xf32>
      tpu.vector_store %arg3[%swap3A_305, %swap3A_306], %get3A_304 {strides = array<i32>} : memref<33x128xf32, #tpu.memory_space<vmem>>, vector<33x128xf32>,
      %get3A_308 = arith.constant 0 : index
      %get3A_309 = arith.constant 0 : index
      %get3A_310 = vector.load %arg7[%get3A_308, %get3A_309] : memref<33x128xf32, #tpu.memory_space<vmem>>, vector<33x128xf32>
      %swap3A_311 = arith.constant 0 : index
      %swap3A_312 = arith.constant 0 : index
      %swap3A_313 = vector.load %arg4[%swap3A_311, %swap3A_312] : memref<33x128xf32, #tpu.memory_space<vmem>>, vector<33x128xf32>
      tpu.vector_store %arg4[%swap3A_311, %swap3A_312], %get3A_310 {strides = array<i32>} : memref<33x128xf32, #tpu.memory_space<vmem>>, vector<33x128xf32>,
      %get3A_314 = arith.constant 0 : index
      %get3A_315 = arith.constant 0 : index
      %get3A_316 = vector.load %arg8[%get3A_314, %get3A_315] : memref<33x1xf32, #tpu.memory_space<vmem>>, vector<33x1xf32>
      %swap3A_317 = arith.constant 0 : index
      %swap3A_318 = arith.constant 0 : index
      %swap3A_319 = vector.load %arg5[%swap3A_317, %swap3A_318] : memref<33x1xf32, #tpu.memory_space<vmem>>, vector<33x1xf32>
      tpu.vector_store %arg5[%swap3A_317, %swap3A_318], %get3A_316 {strides = array<i32>} : memref<33x1xf32, #tpu.memory_space<vmem>>, vector<33x1xf32>,
    } else {
    }
    return
  }
  func.func @transform_0(%arg0: i32) -> (i32, i32, i32) {
    %add3A = arith.constant 18 : i32
    %add3A_0 = arith.addi %arg0, %add3A : i32
    %c0_i32 = arith.constant 0 : i32
    %c0_i32_1 = arith.constant 0 : i32
    %c0_i32_2 = arith.constant 0 : i32
    return %add3A_0, %c0_i32, %c0_i32_1 : i32, i32, i32
  }
  func.func @transform_1(%arg0: i32) -> (i32, i32) {
    %add3A = arith.constant 18 : i32
    %add3A_0 = arith.addi %arg0, %add3A : i32
    %c0_i32 = arith.constant 0 : i32
    %c0_i32_1 = arith.constant 0 : i32
    return %add3A_0, %c0_i32 : i32, i32
  }
  func.func @transform_2(%arg0: i32) -> (i32, i32) {
    %c0_i32 = arith.constant 0 : i32
    %c0_i32_0 = arith.constant 0 : i32
    %c0_i32_1 = arith.constant 0 : i32
    return %c0_i32, %c0_i32_0 : i32, i32
  }
  func.func @transform_3(%arg0: i32) -> (i32, i32) {
    %c0_i32 = arith.constant 0 : i32
    %c0_i32_0 = arith.constant 0 : i32
    %c0_i32_1 = arith.constant 0 : i32
    return %c0_i32, %c0_i32_0 : i32, i32
  }
  func.func @transform_4(%arg0: i32) -> (i32, i32) {
    %c0_i32 = arith.constant 0 : i32
    %c0_i32_0 = arith.constant 0 : i32
    %c0_i32_1 = arith.constant 0 : i32
    return %c0_i32, %c0_i32_0 : i32, i32
  }
}

module attributes {stable_mosaic.version = 14 : i64} {
  func.func @_merge_body(%arg0: memref<16x33x128xf32, #tpu.memory_space<vmem>>, %arg1: memref<16x33x128xf32, #tpu.memory_space<vmem>>, %arg2: memref<16x33x16xf32, #tpu.memory_space<vmem>>, %arg3: memref<33x128xf32, #tpu.memory_space<vmem>>, %arg4: memref<33x128xf32, #tpu.memory_space<vmem>>, %arg5: memref<33x1xf32, #tpu.memory_space<vmem>>, %arg6: memref<33x256xf32, #tpu.memory_space<vmem>>) attributes {dimension_semantics = [], scalar_prefetch = 0 : i64, scratch_operands = 0 : i64, tpu.core_type = #tpu.core_type<tc>} {
    %get3A = arith.constant 0 : index
    %get3A_0 = arith.constant 0 : index
    %get3A_1 = arith.constant 0 : index
    %get3A_2 = vector.load %arg0[%get3A, %get3A_0, %get3A_1] : memref<16x33x128xf32, #tpu.memory_space<vmem>>, vector<16x33x128xf32>
    %reduce_sum3A = arith.constant dense<0.000000e+00> : vector<33x128xf32>
    %reduce_sum3A_3 = vector.multi_reduction <add>, %get3A_2, %reduce_sum3A [0] : vector<16x33x128xf32> to vector<33x128xf32>
    %get3A_4 = arith.constant 0 : index
    %get3A_5 = arith.constant 0 : index
    %get3A_6 = vector.load %arg3[%get3A_4, %get3A_5] : memref<33x128xf32, #tpu.memory_space<vmem>>, vector<33x128xf32>
    %add3A = arith.addf %reduce_sum3A_3, %get3A_6 : vector<33x128xf32>
    %get3A_7 = arith.constant 0 : index
    %get3A_8 = arith.constant 0 : index
    %get3A_9 = arith.constant 0 : index
    %get3A_10 = vector.load %arg1[%get3A_7, %get3A_8, %get3A_9] : memref<16x33x128xf32, #tpu.memory_space<vmem>>, vector<16x33x128xf32>
    %reduce_max3A = arith.constant dense<0xFF800000> : vector<33x128xf32>
    %reduce_max3A_11 = vector.multi_reduction <maximumf>, %get3A_10, %reduce_max3A [0] : vector<16x33x128xf32> to vector<33x128xf32>
    %get3A_12 = arith.constant 0 : index
    %get3A_13 = arith.constant 0 : index
    %get3A_14 = vector.load %arg4[%get3A_12, %get3A_13] : memref<33x128xf32, #tpu.memory_space<vmem>>, vector<33x128xf32>
    %max3A = arith.maximumf %reduce_max3A_11, %get3A_14 : vector<33x128xf32>
    %get3A_15 = arith.constant 0 : index
    %get3A_16 = arith.constant 0 : index
    %get3A_17 = arith.constant 0 : index
    %get3A_18 = vector.load %arg2[%get3A_15, %get3A_16, %get3A_17] : memref<16x33x16xf32, #tpu.memory_space<vmem>>, vector<16x33x16xf32>
    %reduce_sum3A_19 = arith.constant dense<0.000000e+00> : vector<33x16xf32>
    %reduce_sum3A_20 = vector.multi_reduction <add>, %get3A_18, %reduce_sum3A_19 [0] : vector<16x33x16xf32> to vector<33x16xf32>
    %slice3A = vector.extract_strided_slice %reduce_sum3A_20 {offsets = [0, 0], sizes = [33, 1], strides = [1, 1]} : vector<33x16xf32> to vector<33x1xf32>
    %get3A_21 = arith.constant 0 : index
    %get3A_22 = arith.constant 0 : index
    %get3A_23 = vector.load %arg5[%get3A_21, %get3A_22] : memref<33x1xf32, #tpu.memory_space<vmem>>, vector<33x1xf32>
    %add3A_24 = arith.addf %slice3A, %get3A_23 : vector<33x1xf32>
    %max3A_25 = arith.constant 1.000000e+00 : f32
    %max3A_26 = vector.broadcast %max3A_25 : f32 to vector<33x1xf32>
    %max3A_27 = arith.maximumf %add3A_24, %max3A_26 : vector<33x1xf32>
    %div3A = vector.broadcast %max3A_27 : vector<33x1xf32> to vector<33x128xf32>
    %div3A_28 = arith.divf %add3A, %div3A : vector<33x128xf32>
    %gt3A = arith.constant 0.000000e+00 : f32
    %gt3A_29 = vector.broadcast %gt3A : f32 to vector<33x1xf32>
    %gt3A_30 = arith.cmpf ogt, %add3A_24, %gt3A_29 : vector<33x1xf32>
    %jit3A = arith.constant 0.000000e+00 : f32
    %broadcast_in_dim3A = vector.shape_cast %gt3A_30 : vector<33x1xi1> to vector<33x1xi1>
    %broadcast_in_dim3A_31 = vector.broadcast %broadcast_in_dim3A : vector<33x1xi1> to vector<33x128xi1>
    %broadcast_in_dim3A_32 = vector.broadcast %jit3A : f32 to vector<33x128xf32>
    %select_n3A = arith.select %broadcast_in_dim3A_31, %div3A_28, %broadcast_in_dim3A_32 : vector<33x128xi1>, vector<33x128xf32>
    %swap3A = arith.constant 0 : index
    %swap3A_33 = arith.constant 0 : index
    %swap3A_34 = vector.load %arg6[%swap3A, %swap3A_33] : memref<33x256xf32, #tpu.memory_space<vmem>>, vector<33x128xf32>
    tpu.vector_store %arg6[%swap3A, %swap3A_33], %select_n3A {strides = array<i32>} : memref<33x256xf32, #tpu.memory_space<vmem>>, vector<33x128xf32>,
    %jit3A_35 = arith.constant 0.000000e+00 : f32
    %broadcast_in_dim3A_36 = vector.shape_cast %gt3A_30 : vector<33x1xi1> to vector<33x1xi1>
    %broadcast_in_dim3A_37 = vector.broadcast %broadcast_in_dim3A_36 : vector<33x1xi1> to vector<33x128xi1>
    %broadcast_in_dim3A_38 = vector.broadcast %jit3A_35 : f32 to vector<33x128xf32>
    %select_n3A_39 = arith.select %broadcast_in_dim3A_37, %max3A, %broadcast_in_dim3A_38 : vector<33x128xi1>, vector<33x128xf32>
    %swap3A_40 = arith.constant 0 : index
    %swap3A_41 = arith.constant 128 : index
    %swap3A_42 = vector.load %arg6[%swap3A_40, %swap3A_41] : memref<33x256xf32, #tpu.memory_space<vmem>>, vector<33x128xf32>
    tpu.vector_store %arg6[%swap3A_40, %swap3A_41], %select_n3A_39 {strides = array<i32>} : memref<33x256xf32, #tpu.memory_space<vmem>>, vector<33x128xf32>,
    return
  }
}

</mosaic_0001>

<sc_bundles>
// kernel: kernel.5.cloned.1.call-start
scs
__scs_entry_jumppad:
0x0: {  	(pc) =	sbr.rel $0x88, $3  }
0x1: {  	(tag) =	ssettag $0x0;
	lr =	simm.s32 $0x1  }
0x2: {  	[smem:$0x3F9E] =	sst lr;
	_ =	strace $0xD0000000  }
0x3: {  	_ = 	snop  }
0x4: {  	_ = 	snop  }
0x5: {  	_ = 	snop  }
0x6: {  	_ = 	snop  }
0x7: {  	_ = 	snop  }
__scs_overlays_trampoline_lowered:
0x8: {  	[smem:$0x3FAD] =	sst s0  }
0x9: {  	[smem:$0x3FAE] =	sst s1  }
0xa: {  	[smem:$0x3FAF] =	sst s2  }
0xb: {  	[smem:$0x3FB0] =	sst s3  }
0xc: {  	[smem:$0x3FB1] =	sst s4  }
0xd: {  	[smem:$0x3FB2] =	sst s5  }
0xe: {  	[smem:$0x3FB3] =	sst s6  }
0xf: {  	[smem:$0x3FB4] =	sst s7  }
0x10: {  	[smem:$0x3FB5] =	sst s8  }
0x11: {  	[smem:$0x3FB6] =	sst s9;
	s0 =	simm.s32 @!p0 $0x0  }
0x12: {  	s1 =	sld [smem:$0x3F9C];
	s0 =	simm.s32 @p0 $0x1  }
0x13: {  	[smem:$0x3FB7] =	sst s0;
	s0 =	simm.s32 @!p1 $0x0  }
0x14: {  	s2 =	sld [smem:$0x3F9B];
	s0 =	simm.s32 @p1 $0x1  }
0x15: {  	[smem:$0x3FB8] =	sst s0;
	s0 =	simm.s32 @!p2 $0x0  }
0x16: {  	s3 =	sld [smem:$0x3FDB];
	s0 =	simm.s32 @p2 $0x1  }
0x17: {  	s4 =	simm.s32 $0x1BF5;
	[smem:$0x3FBA] =	sst s0  }
0x18: {  	s0 =	sld [smem:$0x3F9D];
	_ =	swait.ge [sflag:s4], $0x0  }
0x19: {  	s7 =	sld [smem:$0x3F9E]  }
0x1a: {  	s8 =	sadd.s32 $0xFFFFE003, lr  }
0x1b: {  	s9 =	sadd.s32 $0xFFFFFEF7, lr;
	s5 =	simm.s32 $0xFFFFFFFF;
	p2 =	slt.u32 s8, $0xFFFFF086  }
0x1c: {  	p1 =	slt.u32 s9, $0xF7A;
	s5 =	simm.s32 @!p2 $0x0  }
0x1d: {  	s5 =	simm.s32 @p1 $0x1;
	p0 =	seq.s32 s7, s2  }
0x1e: {  	s7 =	smul.u32 @!p0 $0xF7A, s2;
	p2 =	seq.s32 @!p0 s5, $0x0  }
0x1f: {  	s9 =	smul.u32 $0xF7A, s1;
	s8 =	simm.s32 @!p0 $0x1BF5;
	p2 =	por !p2, p0  }
0x20: {  	[sflag:s8] =	ssyncset.s32 @!p0 $0xFFFFF086;
	s6 =	sadd.s32 @!p0 s3, s7;
	s7 =	simm.s32 @!p0 $0x108  }
0x21: {  	s3 =	sadd.s32 s3, s9;
	s6 =	sadd.s32 @!p0 $0x88, s6;
	s7 =	simm.s32 @p2 $0x1082  }
0x22: {  	[simem:s7], [sflag:s8] =	dma.local @!p0 [hbm:s6], $0xF7A  }
0x23: {  	s9 =	sor.u32 $0xD0000000, s2;
	s6 =	simm.s32 $0x108;
	_ =	swait.ge @!p0 [sflag:s8], $0x0  }
0x24: {  	s3 =	sadd.s32 $0x88, s3;
	s6 =	simm.s32 @!p1 $0x1082;
	[sflag:s4] =	ssyncset.s32 $0xFFFFF086  }
0x25: {  	[simem:s6], [sflag:s4] =	dma.local [hbm:s3], $0xF7A  }
0x26: {  	[smem:$0x3F9E] =	sst s1;
	(tag) =	ssettag s2;
	_ =	strace s9  }
0x27: {  	s1 =	sld [smem:$0x3FAE]  }
0x28: {  	s2 =	sld [smem:$0x3FAF]  }
0x29: {  	s4 =	sld [smem:$0x3FB1]  }
0x2a: {  	p0 =	seq.s32 s5, $0x0;
	s5 =	sld [smem:$0x3FB2]  }
0x2b: {  	s6 =	sld [smem:$0x3FB3]  }
0x2c: {  	s7 =	sld [smem:$0x3FB4]  }
0x2d: {  	s3 =	simm.s32 $0x108;
	s8 =	sld [smem:$0x3FB5]  }
0x2e: {  	s3 =	simm.s32 @!p0 $0x1082;
	s9 =	sld [smem:$0x3FB6]  }
0x2f: {  	lr =	sadd.s32 s0, s3;
	s0 =	sld [smem:$0x3FAD]  }
0x30: {  	s3 =	sld [smem:$0x3FB0]  }
0x31: {  	[smem:$0x3FB9] =	sst s10  }
0x32: {  	s10 =	sld [smem:$0x3FB7];
	_ =	sdelay $0x3  }
0x33: {  	p0 =	seq.s32 s10, $0x1;
	s10 =	sld [smem:$0x3FB9];
	_ =	sdelay $0x3  }
0x34: {  	[smem:$0x3FB9] =	sst s10  }
0x35: {  	s10 =	sld [smem:$0x3FB8];
	_ =	sdelay $0x3  }
0x36: {  	p1 =	seq.s32 s10, $0x1;
	s10 =	sld [smem:$0x3FB9];
	_ =	sdelay $0x3  }
0x37: {  	[smem:$0x3FB9] =	sst s10  }
0x38: {  	s10 =	sld [smem:$0x3FBA]  }
0x39: {  	_ = 	snop;
	(pc) =	sbr.ind lr, $3  }
0x3a: {  	_ = 	snop  }
0x3b: {  	_ = 	snop  }
0x3c: {  	p2 =	seq.s32 s10, $0x1;
	s10 =	sld [smem:$0x3FB9]  }
0x3d: {  	_ =	shalt  }
0x3e: {  	_ =	shalt  }
0x3f: {  	_ =	shalt  }
0x40: {  	_ =	shalt  }
0x41: {  	_ =	shalt  }
0x42: {  	_ =	shalt  }
0x43: {  	_ =	shalt  }
0x44: {  	_ =	shalt  }
0x45: {  	_ =	shalt  }
0x46: {  	_ =	shalt  }
0x47: {  	_ =	shalt  }
0x48: {  	_ =	shalt  }
0x49: {  	_ =	shalt  }
0x4a: {  	_ =	shalt  }
0x4b: {  	_ =	shalt  }
0x4c: {  	_ =	shalt  }
0x4d: {  	_ =	shalt  }
0x4e: {  	_ =	shalt  }
0x4f: {  	_ =	shalt  }
0x50: {  	_ =	shalt  }
0x51: {  	_ =	shalt  }
0x52: {  	_ =	shalt  }
0x53: {  	_ =	shalt  }
0x54: {  	_ =	shalt  }
0x55: {  	_ =	shalt  }
0x56: {  	_ =	shalt  }
0x57: {  	_ =	shalt  }
0x58: {  	_ =	shalt  }
0x59: {  	_ =	shalt  }
0x5a: {  	_ =	shalt  }
0x5b: {  	_ =	shalt  }
0x5c: {  	_ =	shalt  }
0x5d: {  	_ =	shalt  }
0x5e: {  	_ =	shalt  }
0x5f: {  	_ =	shalt  }
0x60: {  	_ =	shalt  }
0x61: {  	_ =	shalt  }
0x62: {  	_ =	shalt  }
0x63: {  	_ =	shalt  }
0x64: {  	_ =	shalt  }
0x65: {  	_ =	shalt  }
0x66: {  	_ =	shalt  }
0x67: {  	_ =	shalt  }
0x68: {  	_ =	shalt  }
0x69: {  	_ =	shalt  }
0x6a: {  	_ =	shalt  }
0x6b: {  	_ =	shalt  }
0x6c: {  	_ =	shalt  }
0x6d: {  	_ =	shalt  }
0x6e: {  	_ =	shalt  }
0x6f: {  	_ =	shalt  }
0x70: {  	_ =	shalt  }
0x71: {  	_ =	shalt  }
0x72: {  	_ =	shalt  }
0x73: {  	_ =	shalt  }
0x74: {  	_ =	shalt  }
0x75: {  	_ =	shalt  }
0x76: {  	_ =	shalt  }
0x77: {  	_ =	shalt  }
0x78: {  	_ =	shalt  }
0x79: {  	_ =	shalt  }
0x7a: {  	_ =	shalt  }
0x7b: {  	_ =	shalt  }
0x7c: {  	_ =	shalt  }
0x7d: {  	_ =	shalt  }
0x7e: {  	_ =	shalt  }
0x7f: {  	_ =	shalt  }
0x80: {  	_ =	shalt  }
0x81: {  	_ =	shalt  }
0x82: {  	_ =	shalt  }
0x83: {  	_ =	shalt  }
0x84: {  	_ =	shalt  }
0x85: {  	_ =	shalt  }
0x86: {  	_ =	shalt  }
0x87: {  	_ =	shalt  }
.Lfunc_end0:
.L_simem_size_0:
called_computation_lowered:
.L_overlay_start_0:
0x88: {  	s0 =	sld [smem:$0x3FD9]  }
0x89: {  	s1 =	sld [smem:$0x3FFE];
	_ =	sdelay $0x3  }
0x8a: {  	s0 =	sadd.s32 s1, s0  }
0x8b: {  	[smem:$0x3FC5] =	sst s0  }
0x8c: {  	_ = 	snop  }
0x8d: {  	s0 =	sld [smem:$0x3FC9]  }
0x8e: {  	s16 =	sld [smem:$0x3FD0];
	(tm) =	ssettm $0x1  }
0x8f: {  	s2 =	sld [smem:$0x3FFB];
	_ =	sdelay $0x3  }
0x90: {  	_ =	strace s2  }
0x91: {  	s2 =	sld [smem:$0x3FFC];
	_ =	sdelay $0x3  }
0x92: {  	_ =	strace s2  }
0x93: {  	s2 =	sld [smem:$0x3FFD];
	_ =	sdelay $0x3  }
0x94: {  	_ =	strace s2  }
0x95: {  	_ =	strace $0x8FFFFFFF  }
0x96: {  	s17 =	sld [smem:$0x3FDB];
	_ =	sdelay $0x1  }
0x97: {  	s3 =	simm.s32 $_scs_section_size  }
0x98: {  	s4 =	simm.s32 $_size__tile_overlayer_lowered;
	s5 =	simm.s32 $_tile_overlayer_lowered  }
0x99: {  	s20 =	simm.s32 $0x1BFF;
	s19 =	sshll.u32 s5, $0x1;
	s2 =	sadd.s32 s3, s17  }
0x9a: {  	s6 =	simm.s32 $0x0;
	s18 =	sshll.u32 s4, $0x1;
	s4 =	sadd.s32 s19, s2  }
0x9b: {  	[timem:s6], [sflag:s20] =	dma.local [hbm:s4], s18  }
0x9c: {  	_ =	swait.ge [sflag:s20], s18  }
0x9d: {  	s3 =	ssub.s32 $0x0, s18;
	[sflag:s20] =	ssyncset.done $0x0  }
0x9e: {  	[sflag:s20] =	ssyncadd.s32 s3;
	_ =	sdelay $0x1  }
0x9f: {  	s21 =	simm.s32 $0x1B8B  }
0xa0: {  	_ =	swait.ge [sflag:s21], $0x1  }
0xa1: {  	[sflag:s21] =	ssyncset.done $0x0  }
0xa2: {  	s23 =	simm.s32 $0x1B8E;
	s22 =	sld [smem:$0x3FFE];
	[sflag:s21] =	ssyncadd.s32 $0xFFFFFFFF  }
0xa3: {  	s24 =	simm.s32 $execute0_lowered;
	[smem:$0x3FD2] =	sst s23  }
0xa4: {  	s4 =	sshll.u32 s24, $0x1;
	_ =	strace $0x80000046;
	[dreg:$0x1] =	wrdreg $0xFFFFFFFF  }
0xa5: {  	s25 =	simm.s32 $_size_execute0_lowered;
	s2 =	sadd.s32 s2, s4;
	[dreg:$0x0] =	wrdreg $0x0  }
0xa6: {  	s4 =	sshll.u32 s25, $0x1;
	[dreg:$0x2] =	wrdreg s2  }
0xa7: {  	[dreg:$0x3] =	wrdreg s4  }
0xa8: {  	[dreg:$0x4] =	wrdreg $0xC0  }
0xa9: {  	_ =	task [dreg:s6], $0x5FFFF  }
0xaa: {  	[dreg:$0x1] =	wrdreg $0xFFFFFFFF  }
0xab: {  	[dreg:$0x0] =	wrdreg $0x60  }
0xac: {  	[dreg:$0x2] =	wrdreg s0  }
0xad: {  	[dreg:$0x3] =	wrdreg s22  }
0xae: {  	[dreg:$0x4] =	wrdreg s16  }
0xaf: {  	[dreg:$0x5] =	wrdreg $0x9  }
0xb0: {  	_ =	task.clear_ibuf [dreg:s6], $0x6FFFF;
	_ =	strace $0x90000046  }
0xb1: {  	s26 =	simm.s32 $0x9;
	_ =	strace $0x80000048  }
0xb2: {  	_ =	swait.ge [sflag:s26], $0x1  }
0xb3: {  	[sflag:s26] =	ssyncadd.s32 $0xFFFFFFFF  }
0xb4: {  	_ =	strace $0x90000048  }
0xb5: {  	_ =	sfence  }
0xb6: {  	s28 =	sld [smem:$0x0];
	_ =	sdelay $0x1  }
0xb7: {  	s29 =	srdreg.scid  }
0xb8: {  	s30 =	sshll.u32 s29, $0xD;
	s31 =	sshrl.u32 s29, $0x2  }
0xb9: {  	s1 =	sand.u32 $0x1, s29;
	s2 =	sand.u32 $0x4000, s30;
	s0 =	sadd.s32 s31, s28  }
0xba: {  	s1 =	sor.u32 s2, s1;
	s0 =	sshll.u32 s0, $0x11  }
0xbb: {  	s0 =	sor.u32 s0, s1  }
0xbc: {  	s0 =	sadd.s32 $0x8F2B, s0  }
0xbd: {  	[sflag:s0] =	ssyncadd.remote.s32 $0x1  }
0xbe: {  	_ =	sfence.sel $0xFFFF  }
0xbf: {  	[dreg:$0x0] =	wrdreg $0xFFFFFFFF;
	(pc) =	sbr.abs _section_cstart, $3  }
0xc0: {  	[dreg:$0x1] =	wrdreg $0xFFFFFFFF  }
0xc1: {  	_ =	task.clear_ibuf [dreg:s6], $0x2FFFF;
	_ =	strace $0x9FFFFFFF  }
0xc2: {  	(tm) =	ssettm $0x7FFFFFFF  }
0xc3: {  	_ =	shalt  }
tec
execute0_lowered:
.L_overlay_start_1:
0x0: {  	(tag) =	ssettag $0x1  }
0x1: {  	s4 =	rddreg [dreg:$0x0]  }
0x2: {  	s2 =	rddreg [dreg:$0x1]  }
0x3: {  	s5 =	rddreg [dreg:$0x2]  }
0x4: {  	s0 =	rddreg [dreg:$0x3];
	s1 =	stileid.u32;
	s12 =	simm.s32 $0x0  }
0x5: {  	s6 =	sshrl.u32 s1, $0x3;
	s3 =	smul.u32 $0x8C8, s1;
	[smem:$0x7FF] =	sst s12  }
0x6: {  	s7 =	sshll.u32 s1, $0x7;
	p1 =	slt.u32 s1, $0x4;
	s8 =	smul.u32 $0x8400, s6  }
0x7: {  	s16 =	sadd.s32 $0xC00, s2;
	s13 =	sand.u32 $0x380, s7;
	s7 =	smul.u32 $0x8D0, s1  }
0x8: {  	p0 =	sgt.u32 s1, $0x3;
	_ =	strace $0x80000047;
	s6 =	smul.u32 $0x1400, s6  }
0x9: {  	s10 =	simm.s32 @p0 $0x0;
	s18 =	simm.s32 @p0 $0x3;
	s3 =	sadd.s32 $0x20, s3  }
0xa: {  	s8 =	sor.u32 s13, s8;
	s9 =	smov.u32 s3;
	s6 =	sor.u32 s13, s6  }
0xb: {  	s8 =	sshrl.u32 s8, $0x3;
	s9 =	smov.u32 @p1 s7;
	s7 =	sshrl.u32 @!p0 s7, $0x3  }
0xc: {  	s13 =	sshrl.u32 s6, $0x3;
	s17 =	sadd.s32 s8, s2;
	s2 =	simm.s32 $0x8D0  }
0xd: {  	s29 =	sshll.u32 s9, $0x4;
	s8 =	sshrl.u32 @p0 s3, $0x3;
	s7 =	sadd.s32 @!p0 s16, s7  }
0xe: {  	s5 =	sadd.s32 s5, s13;
	s2 =	simm.s32 @!p1 $0x8C8;
	s8 =	sadd.s32 @p0 s16, s8  }
0xf: {  	[tilespmem:s10], [sflag:$0x3] =	stream.linear.gather @p0 [hbm4b:s8+s10], $0x8C8, $0x38;
	[tilespmem:$0x1EC80] =	vst v63  }
0x10: {  	s15 =	sadd.s32 s4, s29;
	s16 =	simm.s32 @!p0 $0x0;
	_ =	swait.ge @p0 [sflag:s18], $0x8C8  }
0x11: {  	s6 =	sadd.s32 $0x6000, s17;
	s14 =	sadd.s32 $0x1C00, s15;
	[sflag:s18] =	ssyncset.done @p0 $0x0  }
0x12: {  	s11 =	sadd.s32 $0x3800, s15;
	s3 =	sadd.s32 $0xFFFFFE40, s2;
	[sflag:s18] =	ssyncadd.s32 @p0 $0xFFFFF738  }
0x13: {  	[tilespmem:s16], [sflag:$0x3] =	stream.linear.gather @!p0 [hbm4b:s7+s16], $0x8D0, $0x38;
	[tilespmem:$0x1EC80] =	vst v63  }
0x14: {  	s10 =	sadd.s32 $0x5400, s15;
	s30 =	sadd.s32 s3, s9;
	s16 =	simm.s32 @!p0 $0x3  }
0x15: {  	s31 =	sadd.s32 $0xFFFFFFFF, s2;
	s8 =	sshll.u32 s30, $0x4;
	_ =	swait.ge @!p0 [sflag:s16], $0x8D0  }
0x16: {  	s9 =	sadd.s32 $0x7000, s15;
	s8 =	sadd.s32 s4, s8;
	[sflag:s16] =	ssyncset.done @!p0 $0x0  }
0x17: {  	s4 =	sadd.s32 $0x3E00, s17;
	s7 =	sand.u32 $0x7F, s31;
	[sflag:s16] =	ssyncadd.s32 @!p0 $0xFFFFF730  }
.LBB2_1:
0x18: {  	s18 =	sadd.s32 $0x0, s2  }
0x19: {  	s17 =	simm.s32 $0xB;
	s13 =	simm.s32 $0x0;
	s16 =	smov.u32 s2  }
.LBB2_2:
0x1a: {  	p0 =	sne.s32 s17, $0x1;
	s18 =	sshrl.u32 s18, $0x1  }
0x1b: {  	v0 =	vld [tilespmem:s18+$0x0];
	s19 =	sadd.s32 $0x1, s18;
	_ =	sdelay $0x4  }
0x1c: {  	(v2sf) =	vpush v0, $0x0;
	_ =	sdelay $0xe  }
0x1d: {  	s20 =	spop (v2sf)  }
0x1e: {  	p1 =	slt.s32 s13, s16;
	p2 =	slt.s32 s20, s12  }
0x1f: {  	p2 =	por !p1, !p2  }
.Ltmp0:
0x20: {  	p2 =	por !p2, !p2;
	(pc) =	sbr.rel @p0 .LBB2_2-.Ltmp0, $4  }
0x21: {  	s13 =	smov.u32 @p2 s19;
	p3 =	por !p2, !p2  }
0x22: {  	p3 =	por @!p1 p2, p2  }
0x23: {  	s16 =	smov.u32 @p3 s18  }
0x24: {  	s17 =	sadd.s32 $0xFFFFFFFF, s17;
	s18 =	sadd.s32 s13, s16  }
0x25: {  	s17 =	sshrl.u32 s18, $0x1  }
0x26: {  	v0 =	vld [tilespmem:s17+$0x0];
	_ =	sdelay $0x4  }
0x27: {  	(v2sf) =	vpush v0, $0x0;
	_ =	sdelay $0xe  }
0x28: {  	s31 =	spop (v2sf)  }
0x29: {  	p0 =	slt.s32 s13, s16;
	p1 =	slt.s32 s31, s12  }
0x2a: {  	p0 =	por !p0, !p1  }
0x2b: {  	s16 =	sadd.s32 $0x1, s17;
	p0 =	por !p0, !p0  }
0x2c: {  	s13 =	smov.u32 @p0 s16  }
0x2d: {  	[smem:s12] =	sst s13;
	s12 =	sadd.s32 $0x1, s12  }
0x2e: {  	p0 =	sne.s32 s12, $0x22  }
.Ltmp1:
0x2f: {  	_ = 	snop;
	(pc) =	sbr.rel @p0 .LBB2_1-.Ltmp1, $1  }
0x30: {  	_ =	sdelay $0x3  }
0x31: {  	s13 =	sld [smem:$0x1]  }
0x32: {  	s16 =	sld [smem:$0x0];
	_ =	sdelay $0x2  }
0x33: {  	s12 =	simm.s32 $0x0;
	s16 =	ssub.s32 s13, s16  }
0x34: {  	s13 =	simm.s32 $0x40;
	s17 =	scvt.s32.f32 s16;
	s16 =	simm.s32 $0x2  }
.LBB2_5:
0x35: {  	s18 =	sld [smem:s16+$0x0]  }
0x36: {  	s19 =	sshra.s32 s12, $0x2;
	s12 =	smov.u32 s13;
	p0 =	sne.s32 s13, $0x800  }
.Ltmp2:
0x37: {  	s13 =	sadd.s32 $0x40, s13;
	s20 =	sld [smem:s16+$0xFFFFFFFF];
	v0 =	vmov s17;
	(pc) =	sbr.rel @p0 .LBB2_5-.Ltmp2, $3  }
0x38: {  	[tilespmem:s19+$0x1EA00] =	vst v0;
	_ =	sdelay $0x1  }
0x39: {  	s17 =	ssub.s32 s18, s20  }
0x3a: {  	s16 =	sadd.s32 $0x1, s16;
	s17 =	scvt.s32.f32 s17  }
0x3b: {  	_ = 	snop  }
0x3c: {  	s12 =	sshra.s32 s12, $0x2;
	v0 =	vmov s17  }
0x3d: {  	v1 =	vimm.f32 $-Inf;
	s13 =	simm.s32 $0x0;
	[tilespmem:s12+$0x1EA00] =	vst v0;
	v0 =	vimm.f32 $0.0e+00;
	s12 =	simm.s32 $0x40  }
.LBB2_7:
0x3e: {  	p0 =	sne.s32 s12, $0x41C0;
	[tilespmem:s13+$0x1C900] =	vst v0;
	s16 =	smov.u32 s12;
	s12 =	sadd.s32 $0x40, s12  }
.Ltmp3:
0x3f: {  	[tilespmem:s13+$0x1D980] =	vst v1;
	(pc) =	sbr.rel @p0 .LBB2_7-.Ltmp3, $2  }
0x40: {  	_ =	sdelay $0x2  }
0x41: {  	s13 =	sshra.s32 s16, $0x2  }
0x42: {  	[tilespmem:s13+$0x1C900] =	vst v0  }
0x43: {  	[tilespmem:s13+$0x1D980] =	vst v1;
	s12 =	simm.s32 $0x0;
	s13 =	simm.s32 $0x900  }
0x44: {  	[tilespmem:s13], [sflag:$0x1] =	stream.linear.gather [hbm4b:s15+s12], $0xE000, $0x38;
	[tilespmem:$0x1EC80] =	vst v63  }
0x45: {  	s30 =	simm.s32 $0xE900;
	s31 =	simm.s32 $0x1  }
0x46: {  	[tilespmem:s30], [sflag:$0x2] =	stream.linear.gather [hbm4b:s14+s12], $0xE000, $0x38;
	[tilespmem:$0x1EC80] =	vst v63  }
0x47: {  	_ =	swait.ge [sflag:s31], $0xE000  }
0x48: {  	[sflag:s31] =	ssyncset.done $0x0  }
0x49: {  	[sflag:s31] =	ssyncadd.s32 $0xFFFF2000  }
0x4a: {  	v62 =	vld [tilespmem:$0x0]  }
0x4b: {  	v63 =	vld [tilespmem:$0x1BF];
	_ =	sdelay $0x3  }
0x4c: {  	(v2sf) =	vpush v62, $0x0  }
0x4d: {  	(v2sf) =	vpush v63, $0x0;
	_ =	sdelay $0xd  }
0x4e: {  	s15 =	spop (v2sf)  }
0x4f: {  	s14 =	spop (v2sf)  }
0x50: {  	s16 =	sadd.s32 $0x1, s14  }
0x51: {  	p0 =	sge.s32 s15, s16  }
.Ltmp4:
0x52: {  	_ = 	snop;
	(pc) =	sbr.rel @!p0 .LBB2_9-.Ltmp4, $1  }
0x53: {  	_ =	sdelay $0x3  }
.LBB2_17:
0x54: {  	[tilespmem:s13], [sflag:$0x1] =	stream.linear.gather [hbm4b:s11+s12], $0xE000, $0x38;
	[tilespmem:$0x1EC80] =	vst v63  }
0x55: {  	s30 =	simm.s32 $0x2  }
0x56: {  	_ =	swait.ge [sflag:s30], $0xE000  }
0x57: {  	[sflag:s30] =	ssyncset.done $0x0  }
0x58: {  	[sflag:s30] =	ssyncadd.s32 $0xFFFF2000  }
0x59: {  	v0 =	vld [tilespmem:$0x1C0]  }
0x5a: {  	v1 =	vld [tilespmem:$0x37F];
	_ =	sdelay $0x3  }
0x5b: {  	(v2sf) =	vpush v0, $0x0  }
0x5c: {  	(v2sf) =	vpush v1, $0x0;
	_ =	sdelay $0xd  }
0x5d: {  	s12 =	spop (v2sf)  }
0x5e: {  	s11 =	spop (v2sf)  }
0x5f: {  	s31 =	sadd.s32 $0x1, s11  }
0x60: {  	p0 =	sge.s32 s12, s31  }
.Ltmp5:
0x61: {  	_ = 	snop;
	(pc) =	sbr.rel @!p0 .LBB2_18-.Ltmp5, $1  }
0x62: {  	_ =	sdelay $0x3  }
.LBB2_26:
0x63: {  	s11 =	simm.s32 $0x0;
	s12 =	simm.s32 $0xE900;
	s31 =	simm.s32 $0x1  }
0x64: {  	[tilespmem:s12], [sflag:$0x2] =	stream.linear.gather [hbm4b:s10+s11], $0xE000, $0x38;
	[tilespmem:$0x1EC80] =	vst v63  }
0x65: {  	_ =	swait.ge [sflag:s31], $0xE000  }
0x66: {  	[sflag:s31] =	ssyncset.done $0x0  }
0x67: {  	[sflag:s31] =	ssyncadd.s32 $0xFFFF2000  }
0x68: {  	v0 =	vld [tilespmem:$0x380]  }
0x69: {  	v1 =	vld [tilespmem:$0x53F];
	_ =	sdelay $0x3  }
0x6a: {  	(v2sf) =	vpush v0, $0x0  }
0x6b: {  	(v2sf) =	vpush v1, $0x0;
	_ =	sdelay $0xd  }
0x6c: {  	s12 =	spop (v2sf)  }
0x6d: {  	s10 =	spop (v2sf)  }
0x6e: {  	s13 =	sadd.s32 $0x1, s10  }
0x6f: {  	p0 =	sge.s32 s12, s13  }
.Ltmp6:
0x70: {  	_ = 	snop;
	(pc) =	sbr.rel @!p0 .LBB2_27-.Ltmp6, $1  }
0x71: {  	_ =	sdelay $0x3  }
.LBB2_35:
0x72: {  	s10 =	simm.s32 $0x900;
	s30 =	simm.s32 $0x2  }
0x73: {  	[tilespmem:s10], [sflag:$0x1] =	stream.linear.gather [hbm4b:s9+s11], $0xE000, $0x38;
	[tilespmem:$0x1EC80] =	vst v63  }
0x74: {  	_ =	swait.ge [sflag:s30], $0xE000  }
0x75: {  	[sflag:s30] =	ssyncset.done $0x0  }
0x76: {  	[sflag:s30] =	ssyncadd.s32 $0xFFFF2000  }
0x77: {  	v0 =	vld [tilespmem:$0x540]  }
0x78: {  	v1 =	vld [tilespmem:$0x6FF];
	_ =	sdelay $0x3  }
0x79: {  	(v2sf) =	vpush v0, $0x0  }
0x7a: {  	(v2sf) =	vpush v1, $0x0;
	_ =	sdelay $0xd  }
0x7b: {  	s10 =	spop (v2sf)  }
0x7c: {  	s9 =	spop (v2sf)  }
0x7d: {  	s31 =	sadd.s32 $0x1, s9  }
0x7e: {  	p0 =	sge.s32 s10, s31  }
.Ltmp7:
0x7f: {  	_ = 	snop;
	(pc) =	sbr.rel @!p0 .LBB2_36-.Ltmp7, $1  }
0x80: {  	_ =	sdelay $0x3  }
.LBB2_44:
0x81: {  	s9 =	simm.s32 $0x0;
	s10 =	simm.s32 $0xE900;
	s30 =	simm.s32 $0x1  }
0x82: {  	[tilespmem:s10], [sflag:$0x2] =	stream.linear.gather [hbm4b:s8+s9], $0xE000, $0x38;
	[tilespmem:$0x1EC80] =	vst v63  }
0x83: {  	_ =	swait.ge [sflag:s30], $0xE000  }
0x84: {  	[sflag:s30] =	ssyncset.done $0x0  }
0x85: {  	[sflag:s30] =	ssyncadd.s32 $0xFFFF2000  }
0x86: {  	v0 =	vld [tilespmem:$0x700]  }
0x87: {  	v1 =	vld [tilespmem:$0x8BF];
	_ =	sdelay $0x3  }
0x88: {  	(v2sf) =	vpush v0, $0x0  }
0x89: {  	(v2sf) =	vpush v1, $0x0;
	_ =	sdelay $0xd  }
0x8a: {  	s9 =	spop (v2sf)  }
0x8b: {  	s8 =	spop (v2sf)  }
0x8c: {  	s31 =	sadd.s32 $0x1, s8  }
0x8d: {  	p0 =	sge.s32 s9, s31  }
.Ltmp8:
0x8e: {  	_ = 	snop;
	(pc) =	sbr.rel @!p0 .LBB2_45-.Ltmp8, $1  }
0x8f: {  	_ =	sdelay $0x3  }
.LBB2_53:
0x90: {  	s8 =	simm.s32 $0x2  }
0x91: {  	_ =	swait.ge [sflag:s8], $0xE000  }
0x92: {  	[sflag:s8] =	ssyncset.done $0x0  }
0x93: {  	[sflag:s8] =	ssyncadd.s32 $0xFFFF2000  }
0x94: {  	v0 =	vld [tilespmem:$0x8C0]  }
0x95: {  	v1 =	vld [tilespmem:s7+$0x880];
	_ =	sdelay $0x3  }
0x96: {  	(v2sf) =	vpush v0, $0x0  }
0x97: {  	(v2sf) =	vpush v1, $0x0;
	_ =	sdelay $0xd  }
0x98: {  	s8 =	spop (v2sf)  }
0x99: {  	s7 =	spop (v2sf)  }
0x9a: {  	s9 =	sadd.s32 $0x1, s7  }
0x9b: {  	p0 =	sge.s32 s8, s9  }
.Ltmp9:
0x9c: {  	_ = 	snop;
	(pc) =	sbr.rel @p0 .LBB2_63-.Ltmp9, $1  }
0x9d: {  	_ =	sdelay $0x3  }
.Ltmp10:
0x9e: {  	(pc) =	sbr.rel .LBB2_55-.Ltmp10, $4  }
0x9f: {  	s9 =	sshll.u32 s2, $0x9  }
0xa0: {  	s9 =	ssub.s32 $0x38000, s9  }
0xa1: {  	s9 =	sshra.s32 s9, $0x2  }
0xa2: {  	s9 =	sadd.s32 $0xE900, s9  }
.LBB2_11:
0xa3: {  	v14 =	vimm.f32 $0.0e+00  }
0xa4: {  	v16 =	vimm.f32 $-Inf;
	v12 =	vimm.f32 $0.0e+00;
	v15 =	vimm.f32 $-Inf  }
0xa5: {  	v10 =	vimm.f32 $0.0e+00;
	v6 =	vimm.f32 $-Inf;
	v22 =	vimm.f32 $0.0e+00  }
0xa6: {  	v21 =	vimm.f32 $-Inf;
	v4 =	vimm.f32 $0.0e+00;
	v2 =	vimm.f32 $-Inf  }
0xa7: {  	v18 =	vimm.f32 $0.0e+00;
	v8 =	vimm.f32 $-Inf;
	v13 =	vimm.f32 $0.0e+00  }
0xa8: {  	v9 =	vimm.f32 $-Inf;
	v11 =	vimm.f32 $0.0e+00;
	v7 =	vimm.f32 $-Inf  }
.LBB2_15:
0xa9: {  	v23 =	vld [tilespmem:s16+$0xFFFFFFD0]  }
0xaa: {  	v24 =	vld [tilespmem:s16+$0xFFFFFFE0]  }
0xab: {  	v25 =	vld [tilespmem:s16+$0xFFFFFFF0]  }
0xac: {  	v26 =	vld [tilespmem:s16+$0x0]  }
0xad: {  	v27 =	vld [tilespmem:s16+$0x10]  }
0xae: {  	v28 =	vld [tilespmem:s16+$0xFFFFFFC0]  }
0xaf: {  	v29 =	vld [tilespmem:s16+$0x20];
	s31 =	sshll.u32 s15, $0x7  }
0xb0: {  	v31 =	vld [tilespmem:s31+$0x1D980]  }
0xb1: {  	v33 =	vld [tilespmem:s31+$0x1D990]  }
0xb2: {  	v22 =	vadd.f32 @p0 v20, v22;
	v43 =	vld [tilespmem:s31+$0x1D9A0]  }
0xb3: {  	v20 =	vmax.f32 @p0 v21, v20;
	v14 =	vadd.f32 @p0 v19, v14;
	v16 =	vmax.f32 @p0 v16, v19;
	v46 =	vld [tilespmem:s31+$0x1D9B0]  }
0xb4: {  	v12 =	vadd.f32 @p0 v17, v12;
	v15 =	vmax.f32 @p0 v15, v17;
	v20 =	vpsel p0, v20, v0;
	v48 =	vld [tilespmem:s31+$0x1D9C0]  }
0xb5: {  	v10 =	vadd.f32 @p0 v5, v10;
	v5 =	vmax.f32 @p0 v6, v5;
	v51 =	vld [tilespmem:s31+$0x1D9D0];
	v44 =	vmax.f32 v20, v28  }
0xb6: {  	v4 =	vadd.f32 v3, v4;
	v54 =	vld [tilespmem:s31+$0x1D9E0];
	v8 =	vmax.f32 v8, v23;
	v19 =	vmax.f32 v31, v44  }
0xb7: {  	v16 =	vpsel p0, v16, v0;
	v57 =	vld [tilespmem:s31+$0x1C970];
	v9 =	vmax.f32 v9, v24;
	v8 =	vmax.f32 v33, v8;
	[tilespmem:s31+$0x1D980] =	vst v19  }
0xb8: {  	v15 =	vpsel p0, v15, v0;
	v59 =	vld [tilespmem:s31+$0x1D9F0];
	v7 =	vmax.f32 v7, v25;
	v9 =	vmax.f32 v43, v9;
	[tilespmem:s31+$0x1D990] =	vst v8  }
0xb9: {  	v30 =	vld [tilespmem:s31+$0x1C900];
	v60 =	vpsel p0, v5, v0;
	v56 =	vmax.f32 v16, v26;
	v7 =	vmax.f32 v46, v7;
	[tilespmem:s31+$0x1D9A0] =	vst v9  }
0xba: {  	v32 =	vld [tilespmem:s31+$0x1C910];
	v55 =	vpsel p0, v10, v1;
	v58 =	vmax.f32 v15, v27;
	v10 =	vmax.f32 v48, v56;
	[tilespmem:s31+$0x1D9B0] =	vst v7  }
0xbb: {  	v42 =	vld [tilespmem:s31+$0x1C920];
	v22 =	vpsel p0, v22, v1;
	v0 =	vmax.f32 v60, v29;
	v61 =	vmax.f32 v51, v58;
	[tilespmem:s31+$0x1D9C0] =	vst v10  }
0xbc: {  	v2 =	vmax.f32 v2, v3;
	v45 =	vld [tilespmem:s31+$0x1C930];
	v22 =	vadd.f32 v28, v22;
	v0 =	vmax.f32 v54, v0;
	[tilespmem:s31+$0x1D9D0] =	vst v61  }
0xbd: {  	v47 =	vld [tilespmem:s31+$0x1C940];
	v18 =	vadd.f32 v23, v18;
	v62 =	vadd.f32 v57, v4;
	v63 =	vmax.f32 v59, v2;
	[tilespmem:s31+$0x1D9E0] =	vst v0  }
0xbe: {  	v49 =	vld [tilespmem:s31+$0x1C950];
	v13 =	vadd.f32 v24, v13;
	v22 =	vadd.f32 v30, v22;
	[tilespmem:s31+$0x1D9F0] =	vst v63  }
0xbf: {  	v52 =	vld [tilespmem:s31+$0x1C960];
	v14 =	vpsel p0, v14, v1;
	v11 =	vadd.f32 v25, v11;
	v18 =	vadd.f32 v32, v18;
	[tilespmem:s31+$0x1C970] =	vst v62  }
0xc0: {  	v12 =	vpsel p0, v12, v1;
	v50 =	vadd.f32 v26, v14;
	v13 =	vadd.f32 v42, v13;
	[tilespmem:s31+$0x1C900] =	vst v22  }
0xc1: {  	v12 =	vadd.f32 v27, v12;
	v11 =	vadd.f32 v45, v11;
	[tilespmem:s31+$0x1C910] =	vst v18  }
0xc2: {  	v1 =	vadd.f32 v29, v55;
	v53 =	vadd.f32 v47, v50;
	[tilespmem:s31+$0x1C920] =	vst v13  }
0xc3: {  	v8 =	vadd.f32 v49, v12;
	[tilespmem:s31+$0x1C930] =	vst v11  }
0xc4: {  	v1 =	vadd.f32 v52, v1;
	[tilespmem:s31+$0x1C940] =	vst v53  }
0xc5: {  	[tilespmem:s31+$0x1C950] =	vst v8  }
0xc6: {  	[tilespmem:s31+$0x1C960] =	vst v1  }
.LBB2_16:
0xc7: {  	p0 =	sne.s32 s15, s14  }
.Ltmp11:
0xc8: {  	_ = 	snop;
	(pc) =	sbr.rel @!p0 .LBB2_17-.Ltmp11, $3  }
0xc9: {  	_ =	sdelay $0x1  }
0xca: {  	s16 =	sadd.s32 $0x1, s15  }
0xcb: {  	s15 =	smov.u32 s16  }
.LBB2_9:
0xcc: {  	s16 =	sld [smem:s15+$0x0]  }
0xcd: {  	s17 =	sld [smem:s15+$0x1];
	_ =	sdelay $0x2  }
0xce: {  	p0 =	sgt.s32 s16, $0x0;
	p1 =	slt.s32 s17, $0x1C0  }
0xcf: {  	s16 =	simm.s32 @!p0 $0x0;
	s17 =	simm.s32 @!p1 $0x1C0  }
0xd0: {  	p0 =	sle.s32 s17, s16  }
.Ltmp12:
0xd1: {  	_ = 	snop;
	(pc) =	sbr.rel @p0 .LBB2_16-.Ltmp12, $1  }
0xd2: {  	_ =	sdelay $0x3  }
0xd3: {  	s17 =	ssub.s32 s17, s16  }
0xd4: {  	p1 =	sne.s32 s17, $0x1  }
.Ltmp13:
0xd5: {  	_ = 	snop;
	(pc) =	sbr.rel @!p1 .LBB2_11-.Ltmp13, $4  }
0xd6: {  	s18 =	sshll.u32 s16, $0x9  }
0xd7: {  	s31 =	sshra.s32 s18, $0x2  }
0xd8: {  	s16 =	sadd.s32 $0x940, s31  }
0xd9: {  	v1 =	vimm.f32 $0.0e+00;
	v0 =	vimm.f32 $-Inf;
	p0 =	por $0x0, $0x0;
	s17 =	sadd.s32 $0xFFFFFFFF, s17;
	v3 =	vld [tilespmem:s16+$0x30]  }
0xda: {  	v5 =	vld [tilespmem:s16+$0xFFFFFFD0]  }
0xdb: {  	v6 =	vld [tilespmem:s16+$0xFFFFFFE0]  }
0xdc: {  	v7 =	vld [tilespmem:s16+$0xFFFFFFF0];
	v14 =	vimm.f32 $0.0e+00;
	p1 =	sne.s32 s17, $0x1  }
.Ltmp14:
0xdd: {  	v19 =	vld [tilespmem:s16+$0x0];
	v16 =	vimm.f32 $-Inf;
	v12 =	vimm.f32 $0.0e+00;
	v15 =	vimm.f32 $-Inf;
	(pc) =	sbr.rel @!p1 .LBB2_13-.Ltmp14, $4  }
0xde: {  	v17 =	vld [tilespmem:s16+$0x10];
	v10 =	vimm.f32 $0.0e+00;
	v22 =	vimm.f32 $0.0e+00;
	v21 =	vimm.f32 $-Inf  }
0xdf: {  	v4 =	vadd.f32 v3, v1;
	v18 =	vadd.f32 v5, v1;
	v8 =	vmax.f32 v0, v5;
	v5 =	vld [tilespmem:s16+$0x20]  }
0xe0: {  	v20 =	vld [tilespmem:s16+$0xFFFFFFC0];
	v2 =	vmax.f32 v0, v3;
	v13 =	vadd.f32 v6, v1;
	v9 =	vmax.f32 v0, v6;
	s16 =	sadd.s32 $0x80, s16  }
0xe1: {  	s17 =	sadd.s32 $0xFFFFFFFF, s17;
	p0 =	por $0x1, $0x1;
	v11 =	vadd.f32 v7, v1;
	v7 =	vmax.f32 v0, v7;
	v6 =	vimm.f32 $-Inf;
	v3 =	vld [tilespmem:s16+$0x30]  }
.LBB2_14:
0xe2: {  	p1 =	sne.s32 s17, $0x1;
	v23 =	vld [tilespmem:s16+$0xFFFFFFD0];
	v14 =	vadd.f32 v19, v14;
	v16 =	vmax.f32 v16, v19  }
0xe3: {  	v12 =	vadd.f32 v17, v12;
	v15 =	vmax.f32 v15, v17;
	v24 =	vld [tilespmem:s16+$0xFFFFFFE0]  }
0xe4: {  	v10 =	vadd.f32 v5, v10;
	v6 =	vmax.f32 v6, v5;
	v25 =	vld [tilespmem:s16+$0xFFFFFFF0]  }
.Ltmp15:
0xe5: {  	v22 =	vadd.f32 v20, v22;
	v21 =	vmax.f32 v21, v20;
	v19 =	vld [tilespmem:s16+$0x0];
	(pc) =	sbr.rel @p1 .LBB2_14-.Ltmp15, $4  }
0xe6: {  	v4 =	vadd.f32 v3, v4;
	v2 =	vmax.f32 v2, v3;
	v17 =	vld [tilespmem:s16+$0x10]  }
0xe7: {  	v5 =	vld [tilespmem:s16+$0x20];
	v18 =	vadd.f32 v23, v18;
	v8 =	vmax.f32 v8, v23  }
0xe8: {  	v20 =	vld [tilespmem:s16+$0xFFFFFFC0];
	v13 =	vadd.f32 v24, v13;
	v9 =	vmax.f32 v9, v24;
	s16 =	sadd.s32 $0x80, s16  }
0xe9: {  	s17 =	sadd.s32 $0xFFFFFFFF, s17;
	v3 =	vld [tilespmem:s16+$0x30];
	v11 =	vadd.f32 v25, v11;
	v7 =	vmax.f32 v7, v25  }
.Ltmp16:
0xea: {  	_ = 	snop;
	(pc) =	sbr.rel .LBB2_15-.Ltmp16, $1  }
0xeb: {  	_ =	sdelay $0x3  }
.LBB2_13:
.Ltmp17:
0xec: {  	(pc) =	sbr.rel .LBB2_15-.Ltmp17, $4  }
0xed: {  	_ = 	snop  }
0xee: {  	v14 =	vimm.f32 $0.0e+00;
	v16 =	vimm.f32 $-Inf  }
0xef: {  	v12 =	vimm.f32 $0.0e+00;
	v15 =	vimm.f32 $-Inf;
	v10 =	vimm.f32 $0.0e+00  }
0xf0: {  	v6 =	vimm.f32 $-Inf;
	v22 =	vimm.f32 $0.0e+00;
	v21 =	vimm.f32 $-Inf  }
.LBB2_20:
0xf1: {  	v14 =	vimm.f32 $0.0e+00  }
0xf2: {  	v16 =	vimm.f32 $-Inf;
	v12 =	vimm.f32 $0.0e+00;
	v15 =	vimm.f32 $-Inf  }
0xf3: {  	v10 =	vimm.f32 $0.0e+00;
	v6 =	vimm.f32 $-Inf;
	v22 =	vimm.f32 $0.0e+00  }
0xf4: {  	v21 =	vimm.f32 $-Inf;
	v4 =	vimm.f32 $0.0e+00;
	v2 =	vimm.f32 $-Inf  }
0xf5: {  	v18 =	vimm.f32 $0.0e+00;
	v8 =	vimm.f32 $-Inf;
	v13 =	vimm.f32 $0.0e+00  }
0xf6: {  	v9 =	vimm.f32 $-Inf;
	v11 =	vimm.f32 $0.0e+00;
	v7 =	vimm.f32 $-Inf  }
.LBB2_24:
0xf7: {  	v23 =	vld [tilespmem:s13+$0x10]  }
0xf8: {  	v24 =	vld [tilespmem:s13+$0x20]  }
0xf9: {  	v25 =	vld [tilespmem:s13+$0x30]  }
0xfa: {  	v26 =	vld [tilespmem:s13+$0x40]  }
0xfb: {  	v27 =	vld [tilespmem:s13+$0x50]  }
0xfc: {  	v28 =	vld [tilespmem:s13+$0x0]  }
0xfd: {  	v29 =	vld [tilespmem:s13+$0x60];
	s31 =	sshll.u32 s12, $0x7  }
0xfe: {  	v31 =	vld [tilespmem:s31+$0x1D980]  }
0xff: {  	v33 =	vld [tilespmem:s31+$0x1D990]  }
0x100: {  	v22 =	vadd.f32 @p0 v20, v22;
	v43 =	vld [tilespmem:s31+$0x1D9A0]  }
0x101: {  	v20 =	vmax.f32 @p0 v21, v20;
	v14 =	vadd.f32 @p0 v19, v14;
	v16 =	vmax.f32 @p0 v16, v19;
	v46 =	vld [tilespmem:s31+$0x1D9B0]  }
0x102: {  	v12 =	vadd.f32 @p0 v17, v12;
	v15 =	vmax.f32 @p0 v15, v17;
	v20 =	vpsel p0, v20, v0;
	v48 =	vld [tilespmem:s31+$0x1D9C0]  }
0x103: {  	v10 =	vadd.f32 @p0 v5, v10;
	v5 =	vmax.f32 @p0 v6, v5;
	v51 =	vld [tilespmem:s31+$0x1D9D0];
	v44 =	vmax.f32 v20, v28  }
0x104: {  	v4 =	vadd.f32 v3, v4;
	v54 =	vld [tilespmem:s31+$0x1D9E0];
	v8 =	vmax.f32 v8, v23;
	v19 =	vmax.f32 v31, v44  }
0x105: {  	v16 =	vpsel p0, v16, v0;
	v57 =	vld [tilespmem:s31+$0x1C970];
	v9 =	vmax.f32 v9, v24;
	v8 =	vmax.f32 v33, v8;
	[tilespmem:s31+$0x1D980] =	vst v19  }
0x106: {  	v15 =	vpsel p0, v15, v0;
	v59 =	vld [tilespmem:s31+$0x1D9F0];
	v7 =	vmax.f32 v7, v25;
	v9 =	vmax.f32 v43, v9;
	[tilespmem:s31+$0x1D990] =	vst v8  }
0x107: {  	v30 =	vld [tilespmem:s31+$0x1C900];
	v60 =	vpsel p0, v5, v0;
	v56 =	vmax.f32 v16, v26;
	v7 =	vmax.f32 v46, v7;
	[tilespmem:s31+$0x1D9A0] =	vst v9  }
0x108: {  	v32 =	vld [tilespmem:s31+$0x1C910];
	v55 =	vpsel p0, v10, v1;
	v58 =	vmax.f32 v15, v27;
	v10 =	vmax.f32 v48, v56;
	[tilespmem:s31+$0x1D9B0] =	vst v7  }
0x109: {  	v42 =	vld [tilespmem:s31+$0x1C920];
	v22 =	vpsel p0, v22, v1;
	v0 =	vmax.f32 v60, v29;
	v61 =	vmax.f32 v51, v58;
	[tilespmem:s31+$0x1D9C0] =	vst v10  }
0x10a: {  	v2 =	vmax.f32 v2, v3;
	v45 =	vld [tilespmem:s31+$0x1C930];
	v22 =	vadd.f32 v28, v22;
	v0 =	vmax.f32 v54, v0;
	[tilespmem:s31+$0x1D9D0] =	vst v61  }
0x10b: {  	v47 =	vld [tilespmem:s31+$0x1C940];
	v18 =	vadd.f32 v23, v18;
	v62 =	vadd.f32 v57, v4;
	v63 =	vmax.f32 v59, v2;
	[tilespmem:s31+$0x1D9E0] =	vst v0  }
0x10c: {  	v49 =	vld [tilespmem:s31+$0x1C950];
	v13 =	vadd.f32 v24, v13;
	v22 =	vadd.f32 v30, v22;
	[tilespmem:s31+$0x1D9F0] =	vst v63  }
0x10d: {  	v52 =	vld [tilespmem:s31+$0x1C960];
	v14 =	vpsel p0, v14, v1;
	v11 =	vadd.f32 v25, v11;
	v18 =	vadd.f32 v32, v18;
	[tilespmem:s31+$0x1C970] =	vst v62  }
0x10e: {  	v12 =	vpsel p0, v12, v1;
	v50 =	vadd.f32 v26, v14;
	v13 =	vadd.f32 v42, v13;
	[tilespmem:s31+$0x1C900] =	vst v22  }
0x10f: {  	v12 =	vadd.f32 v27, v12;
	v11 =	vadd.f32 v45, v11;
	[tilespmem:s31+$0x1C910] =	vst v18  }
0x110: {  	v1 =	vadd.f32 v29, v55;
	v53 =	vadd.f32 v47, v50;
	[tilespmem:s31+$0x1C920] =	vst v13  }
0x111: {  	v8 =	vadd.f32 v49, v12;
	[tilespmem:s31+$0x1C930] =	vst v11  }
0x112: {  	v1 =	vadd.f32 v52, v1;
	[tilespmem:s31+$0x1C940] =	vst v53  }
0x113: {  	[tilespmem:s31+$0x1C950] =	vst v8  }
0x114: {  	[tilespmem:s31+$0x1C960] =	vst v1  }
.LBB2_25:
0x115: {  	p0 =	sne.s32 s12, s11  }
.Ltmp18:
0x116: {  	_ = 	snop;
	(pc) =	sbr.rel @!p0 .LBB2_26-.Ltmp18, $3  }
0x117: {  	_ =	sdelay $0x1  }
0x118: {  	s13 =	sadd.s32 $0x1, s12  }
0x119: {  	s12 =	smov.u32 s13  }
.LBB2_18:
0x11a: {  	s13 =	sld [smem:s12+$0x0]  }
0x11b: {  	s14 =	sld [smem:s12+$0x1];
	_ =	sdelay $0x2  }
0x11c: {  	p0 =	sgt.s32 s13, $0x1C0;
	p1 =	slt.s32 s14, $0x380  }
0x11d: {  	s13 =	simm.s32 @!p0 $0x1C0;
	s14 =	simm.s32 @!p1 $0x380  }
0x11e: {  	s15 =	sadd.s32 $0xFFFFFE40, s13;
	s16 =	sadd.s32 $0xFFFFFE40, s14  }
0x11f: {  	p0 =	sge.s32 s15, s16  }
.Ltmp19:
0x120: {  	_ = 	snop;
	(pc) =	sbr.rel @p0 .LBB2_25-.Ltmp19, $1  }
0x121: {  	_ =	sdelay $0x3  }
0x122: {  	s14 =	ssub.s32 s14, s13  }
0x123: {  	p1 =	sne.s32 s14, $0x1  }
.Ltmp20:
0x124: {  	_ = 	snop;
	(pc) =	sbr.rel @!p1 .LBB2_20-.Ltmp20, $4  }
0x125: {  	s15 =	sshll.u32 s13, $0x9  }
0x126: {  	s31 =	sshra.s32 s15, $0x2  }
0x127: {  	s13 =	sadd.s32 $0x900, s31  }
0x128: {  	v1 =	vimm.f32 $0.0e+00;
	v0 =	vimm.f32 $-Inf;
	p0 =	por $0x0, $0x0;
	s14 =	sadd.s32 $0xFFFFFFFF, s14;
	v3 =	vld [tilespmem:s13+$0x70]  }
0x129: {  	v5 =	vld [tilespmem:s13+$0x10]  }
0x12a: {  	v6 =	vld [tilespmem:s13+$0x20]  }
0x12b: {  	v7 =	vld [tilespmem:s13+$0x30];
	v14 =	vimm.f32 $0.0e+00;
	p1 =	sne.s32 s14, $0x1  }
.Ltmp21:
0x12c: {  	v19 =	vld [tilespmem:s13+$0x40];
	v16 =	vimm.f32 $-Inf;
	v12 =	vimm.f32 $0.0e+00;
	v15 =	vimm.f32 $-Inf;
	(pc) =	sbr.rel @!p1 .LBB2_22-.Ltmp21, $4  }
0x12d: {  	v17 =	vld [tilespmem:s13+$0x50];
	v10 =	vimm.f32 $0.0e+00;
	v22 =	vimm.f32 $0.0e+00;
	v21 =	vimm.f32 $-Inf  }
0x12e: {  	v4 =	vadd.f32 v3, v1;
	v18 =	vadd.f32 v5, v1;
	v8 =	vmax.f32 v0, v5;
	v5 =	vld [tilespmem:s13+$0x60]  }
0x12f: {  	v20 =	vld [tilespmem:s13+$0x0];
	v2 =	vmax.f32 v0, v3;
	v13 =	vadd.f32 v6, v1;
	v9 =	vmax.f32 v0, v6;
	s13 =	sadd.s32 $0x80, s13  }
0x130: {  	s14 =	sadd.s32 $0xFFFFFFFF, s14;
	p0 =	por $0x1, $0x1;
	v11 =	vadd.f32 v7, v1;
	v7 =	vmax.f32 v0, v7;
	v6 =	vimm.f32 $-Inf;
	v3 =	vld [tilespmem:s13+$0x70]  }
.LBB2_23:
0x131: {  	p1 =	sne.s32 s14, $0x1;
	v23 =	vld [tilespmem:s13+$0x10];
	v14 =	vadd.f32 v19, v14;
	v16 =	vmax.f32 v16, v19  }
0x132: {  	v12 =	vadd.f32 v17, v12;
	v15 =	vmax.f32 v15, v17;
	v24 =	vld [tilespmem:s13+$0x20]  }
0x133: {  	v10 =	vadd.f32 v5, v10;
	v6 =	vmax.f32 v6, v5;
	v25 =	vld [tilespmem:s13+$0x30]  }
.Ltmp22:
0x134: {  	v22 =	vadd.f32 v20, v22;
	v21 =	vmax.f32 v21, v20;
	v19 =	vld [tilespmem:s13+$0x40];
	(pc) =	sbr.rel @p1 .LBB2_23-.Ltmp22, $4  }
0x135: {  	v4 =	vadd.f32 v3, v4;
	v2 =	vmax.f32 v2, v3;
	v17 =	vld [tilespmem:s13+$0x50]  }
0x136: {  	v5 =	vld [tilespmem:s13+$0x60];
	v18 =	vadd.f32 v23, v18;
	v8 =	vmax.f32 v8, v23  }
0x137: {  	v20 =	vld [tilespmem:s13+$0x0];
	v13 =	vadd.f32 v24, v13;
	v9 =	vmax.f32 v9, v24;
	s13 =	sadd.s32 $0x80, s13  }
0x138: {  	s14 =	sadd.s32 $0xFFFFFFFF, s14;
	v3 =	vld [tilespmem:s13+$0x70];
	v11 =	vadd.f32 v25, v11;
	v7 =	vmax.f32 v7, v25  }
.Ltmp23:
0x139: {  	_ = 	snop;
	(pc) =	sbr.rel .LBB2_24-.Ltmp23, $1  }
0x13a: {  	_ =	sdelay $0x3  }
.LBB2_22:
.Ltmp24:
0x13b: {  	(pc) =	sbr.rel .LBB2_24-.Ltmp24, $4  }
0x13c: {  	_ = 	snop  }
0x13d: {  	v14 =	vimm.f32 $0.0e+00;
	v16 =	vimm.f32 $-Inf  }
0x13e: {  	v12 =	vimm.f32 $0.0e+00;
	v15 =	vimm.f32 $-Inf;
	v10 =	vimm.f32 $0.0e+00  }
0x13f: {  	v6 =	vimm.f32 $-Inf;
	v22 =	vimm.f32 $0.0e+00;
	v21 =	vimm.f32 $-Inf  }
.LBB2_29:
0x140: {  	v14 =	vimm.f32 $0.0e+00  }
0x141: {  	v16 =	vimm.f32 $-Inf;
	v12 =	vimm.f32 $0.0e+00;
	v15 =	vimm.f32 $-Inf  }
0x142: {  	v10 =	vimm.f32 $0.0e+00;
	v6 =	vimm.f32 $-Inf;
	v22 =	vimm.f32 $0.0e+00  }
0x143: {  	v21 =	vimm.f32 $-Inf;
	v4 =	vimm.f32 $0.0e+00;
	v2 =	vimm.f32 $-Inf  }
0x144: {  	v18 =	vimm.f32 $0.0e+00;
	v8 =	vimm.f32 $-Inf;
	v13 =	vimm.f32 $0.0e+00  }
0x145: {  	v9 =	vimm.f32 $-Inf;
	v11 =	vimm.f32 $0.0e+00;
	v7 =	vimm.f32 $-Inf  }
.LBB2_33:
0x146: {  	v23 =	vld [tilespmem:s13+$0x10]  }
0x147: {  	v24 =	vld [tilespmem:s13+$0x20]  }
0x148: {  	v25 =	vld [tilespmem:s13+$0x30]  }
0x149: {  	v26 =	vld [tilespmem:s13+$0x40]  }
0x14a: {  	v27 =	vld [tilespmem:s13+$0x50]  }
0x14b: {  	v28 =	vld [tilespmem:s13+$0x0]  }
0x14c: {  	v29 =	vld [tilespmem:s13+$0x60];
	s31 =	sshll.u32 s12, $0x7  }
0x14d: {  	v31 =	vld [tilespmem:s31+$0x1D980]  }
0x14e: {  	v33 =	vld [tilespmem:s31+$0x1D990]  }
0x14f: {  	v22 =	vadd.f32 @p0 v20, v22;
	v43 =	vld [tilespmem:s31+$0x1D9A0]  }
0x150: {  	v20 =	vmax.f32 @p0 v21, v20;
	v14 =	vadd.f32 @p0 v19, v14;
	v16 =	vmax.f32 @p0 v16, v19;
	v46 =	vld [tilespmem:s31+$0x1D9B0]  }
0x151: {  	v12 =	vadd.f32 @p0 v17, v12;
	v15 =	vmax.f32 @p0 v15, v17;
	v20 =	vpsel p0, v20, v0;
	v48 =	vld [tilespmem:s31+$0x1D9C0]  }
0x152: {  	v10 =	vadd.f32 @p0 v5, v10;
	v5 =	vmax.f32 @p0 v6, v5;
	v51 =	vld [tilespmem:s31+$0x1D9D0];
	v44 =	vmax.f32 v20, v28  }
0x153: {  	v4 =	vadd.f32 v3, v4;
	v54 =	vld [tilespmem:s31+$0x1D9E0];
	v8 =	vmax.f32 v8, v23;
	v19 =	vmax.f32 v31, v44  }
0x154: {  	v16 =	vpsel p0, v16, v0;
	v57 =	vld [tilespmem:s31+$0x1C970];
	v9 =	vmax.f32 v9, v24;
	v8 =	vmax.f32 v33, v8;
	[tilespmem:s31+$0x1D980] =	vst v19  }
0x155: {  	v15 =	vpsel p0, v15, v0;
	v59 =	vld [tilespmem:s31+$0x1D9F0];
	v7 =	vmax.f32 v7, v25;
	v9 =	vmax.f32 v43, v9;
	[tilespmem:s31+$0x1D990] =	vst v8  }
0x156: {  	v30 =	vld [tilespmem:s31+$0x1C900];
	v60 =	vpsel p0, v5, v0;
	v56 =	vmax.f32 v16, v26;
	v7 =	vmax.f32 v46, v7;
	[tilespmem:s31+$0x1D9A0] =	vst v9  }
0x157: {  	v32 =	vld [tilespmem:s31+$0x1C910];
	v55 =	vpsel p0, v10, v1;
	v58 =	vmax.f32 v15, v27;
	v10 =	vmax.f32 v48, v56;
	[tilespmem:s31+$0x1D9B0] =	vst v7  }
0x158: {  	v42 =	vld [tilespmem:s31+$0x1C920];
	v22 =	vpsel p0, v22, v1;
	v0 =	vmax.f32 v60, v29;
	v61 =	vmax.f32 v51, v58;
	[tilespmem:s31+$0x1D9C0] =	vst v10  }
0x159: {  	v2 =	vmax.f32 v2, v3;
	v45 =	vld [tilespmem:s31+$0x1C930];
	v22 =	vadd.f32 v28, v22;
	v0 =	vmax.f32 v54, v0;
	[tilespmem:s31+$0x1D9D0] =	vst v61  }
0x15a: {  	v47 =	vld [tilespmem:s31+$0x1C940];
	v18 =	vadd.f32 v23, v18;
	v62 =	vadd.f32 v57, v4;
	v63 =	vmax.f32 v59, v2;
	[tilespmem:s31+$0x1D9E0] =	vst v0  }
0x15b: {  	v49 =	vld [tilespmem:s31+$0x1C950];
	v13 =	vadd.f32 v24, v13;
	v22 =	vadd.f32 v30, v22;
	[tilespmem:s31+$0x1D9F0] =	vst v63  }
0x15c: {  	v52 =	vld [tilespmem:s31+$0x1C960];
	v14 =	vpsel p0, v14, v1;
	v11 =	vadd.f32 v25, v11;
	v18 =	vadd.f32 v32, v18;
	[tilespmem:s31+$0x1C970] =	vst v62  }
0x15d: {  	v12 =	vpsel p0, v12, v1;
	v50 =	vadd.f32 v26, v14;
	v13 =	vadd.f32 v42, v13;
	[tilespmem:s31+$0x1C900] =	vst v22  }
0x15e: {  	v12 =	vadd.f32 v27, v12;
	v11 =	vadd.f32 v45, v11;
	[tilespmem:s31+$0x1C910] =	vst v18  }
0x15f: {  	v1 =	vadd.f32 v29, v55;
	v53 =	vadd.f32 v47, v50;
	[tilespmem:s31+$0x1C920] =	vst v13  }
0x160: {  	v8 =	vadd.f32 v49, v12;
	[tilespmem:s31+$0x1C930] =	vst v11  }
0x161: {  	v1 =	vadd.f32 v52, v1;
	[tilespmem:s31+$0x1C940] =	vst v53  }
0x162: {  	[tilespmem:s31+$0x1C950] =	vst v8  }
0x163: {  	[tilespmem:s31+$0x1C960] =	vst v1  }
.LBB2_34:
0x164: {  	p0 =	sne.s32 s12, s10  }
.Ltmp25:
0x165: {  	_ = 	snop;
	(pc) =	sbr.rel @!p0 .LBB2_35-.Ltmp25, $3  }
0x166: {  	_ =	sdelay $0x1  }
0x167: {  	s13 =	sadd.s32 $0x1, s12  }
0x168: {  	s12 =	smov.u32 s13  }
.LBB2_27:
0x169: {  	s13 =	sld [smem:s12+$0x0]  }
0x16a: {  	s14 =	sld [smem:s12+$0x1];
	_ =	sdelay $0x2  }
0x16b: {  	p0 =	sgt.s32 s13, $0x380;
	p1 =	slt.s32 s14, $0x540  }
0x16c: {  	s13 =	simm.s32 @!p0 $0x380;
	s14 =	simm.s32 @!p1 $0x540  }
0x16d: {  	s15 =	sadd.s32 $0xFFFFFC80, s13;
	s16 =	sadd.s32 $0xFFFFFC80, s14  }
0x16e: {  	p0 =	sge.s32 s15, s16  }
.Ltmp26:
0x16f: {  	_ = 	snop;
	(pc) =	sbr.rel @p0 .LBB2_34-.Ltmp26, $1  }
0x170: {  	_ =	sdelay $0x3  }
0x171: {  	s14 =	ssub.s32 s14, s13  }
0x172: {  	p1 =	sne.s32 s14, $0x1  }
.Ltmp27:
0x173: {  	_ = 	snop;
	(pc) =	sbr.rel @!p1 .LBB2_29-.Ltmp27, $4  }
0x174: {  	s15 =	sshll.u32 s13, $0x9  }
0x175: {  	s31 =	sshra.s32 s15, $0x2  }
0x176: {  	s13 =	sadd.s32 $0xFFFE4900, s31  }
0x177: {  	v1 =	vimm.f32 $0.0e+00;
	v0 =	vimm.f32 $-Inf;
	p0 =	por $0x0, $0x0;
	s14 =	sadd.s32 $0xFFFFFFFF, s14;
	v3 =	vld [tilespmem:s13+$0x70]  }
0x178: {  	v5 =	vld [tilespmem:s13+$0x10]  }
0x179: {  	v6 =	vld [tilespmem:s13+$0x20]  }
0x17a: {  	v7 =	vld [tilespmem:s13+$0x30];
	v14 =	vimm.f32 $0.0e+00;
	p1 =	sne.s32 s14, $0x1  }
.Ltmp28:
0x17b: {  	v19 =	vld [tilespmem:s13+$0x40];
	v16 =	vimm.f32 $-Inf;
	v12 =	vimm.f32 $0.0e+00;
	v15 =	vimm.f32 $-Inf;
	(pc) =	sbr.rel @!p1 .LBB2_31-.Ltmp28, $4  }
0x17c: {  	v17 =	vld [tilespmem:s13+$0x50];
	v10 =	vimm.f32 $0.0e+00;
	v22 =	vimm.f32 $0.0e+00;
	v21 =	vimm.f32 $-Inf  }
0x17d: {  	v4 =	vadd.f32 v3, v1;
	v18 =	vadd.f32 v5, v1;
	v8 =	vmax.f32 v0, v5;
	v5 =	vld [tilespmem:s13+$0x60]  }
0x17e: {  	v20 =	vld [tilespmem:s13+$0x0];
	v2 =	vmax.f32 v0, v3;
	v13 =	vadd.f32 v6, v1;
	v9 =	vmax.f32 v0, v6;
	s13 =	sadd.s32 $0x80, s13  }
0x17f: {  	s14 =	sadd.s32 $0xFFFFFFFF, s14;
	p0 =	por $0x1, $0x1;
	v11 =	vadd.f32 v7, v1;
	v7 =	vmax.f32 v0, v7;
	v6 =	vimm.f32 $-Inf;
	v3 =	vld [tilespmem:s13+$0x70]  }
.LBB2_32:
0x180: {  	p1 =	sne.s32 s14, $0x1;
	v23 =	vld [tilespmem:s13+$0x10];
	v14 =	vadd.f32 v19, v14;
	v16 =	vmax.f32 v16, v19  }
0x181: {  	v12 =	vadd.f32 v17, v12;
	v15 =	vmax.f32 v15, v17;
	v24 =	vld [tilespmem:s13+$0x20]  }
0x182: {  	v10 =	vadd.f32 v5, v10;
	v6 =	vmax.f32 v6, v5;
	v25 =	vld [tilespmem:s13+$0x30]  }
.Ltmp29:
0x183: {  	v22 =	vadd.f32 v20, v22;
	v21 =	vmax.f32 v21, v20;
	v19 =	vld [tilespmem:s13+$0x40];
	(pc) =	sbr.rel @p1 .LBB2_32-.Ltmp29, $4  }
0x184: {  	v4 =	vadd.f32 v3, v4;
	v2 =	vmax.f32 v2, v3;
	v17 =	vld [tilespmem:s13+$0x50]  }
0x185: {  	v5 =	vld [tilespmem:s13+$0x60];
	v18 =	vadd.f32 v23, v18;
	v8 =	vmax.f32 v8, v23  }
0x186: {  	v20 =	vld [tilespmem:s13+$0x0];
	v13 =	vadd.f32 v24, v13;
	v9 =	vmax.f32 v9, v24;
	s13 =	sadd.s32 $0x80, s13  }
0x187: {  	s14 =	sadd.s32 $0xFFFFFFFF, s14;
	v3 =	vld [tilespmem:s13+$0x70];
	v11 =	vadd.f32 v25, v11;
	v7 =	vmax.f32 v7, v25  }
.Ltmp30:
0x188: {  	_ = 	snop;
	(pc) =	sbr.rel .LBB2_33-.Ltmp30, $1  }
0x189: {  	_ =	sdelay $0x3  }
.LBB2_31:
.Ltmp31:
0x18a: {  	(pc) =	sbr.rel .LBB2_33-.Ltmp31, $4  }
0x18b: {  	_ = 	snop  }
0x18c: {  	v14 =	vimm.f32 $0.0e+00;
	v16 =	vimm.f32 $-Inf  }
0x18d: {  	v12 =	vimm.f32 $0.0e+00;
	v15 =	vimm.f32 $-Inf;
	v10 =	vimm.f32 $0.0e+00  }
0x18e: {  	v6 =	vimm.f32 $-Inf;
	v22 =	vimm.f32 $0.0e+00;
	v21 =	vimm.f32 $-Inf  }
.LBB2_38:
0x18f: {  	v14 =	vimm.f32 $0.0e+00  }
0x190: {  	v16 =	vimm.f32 $-Inf;
	v12 =	vimm.f32 $0.0e+00;
	v15 =	vimm.f32 $-Inf  }
0x191: {  	v10 =	vimm.f32 $0.0e+00;
	v6 =	vimm.f32 $-Inf;
	v22 =	vimm.f32 $0.0e+00  }
0x192: {  	v21 =	vimm.f32 $-Inf;
	v4 =	vimm.f32 $0.0e+00;
	v2 =	vimm.f32 $-Inf  }
0x193: {  	v18 =	vimm.f32 $0.0e+00;
	v8 =	vimm.f32 $-Inf;
	v13 =	vimm.f32 $0.0e+00  }
0x194: {  	v9 =	vimm.f32 $-Inf;
	v11 =	vimm.f32 $0.0e+00;
	v7 =	vimm.f32 $-Inf  }
.LBB2_42:
0x195: {  	v23 =	vld [tilespmem:s11+$0x10]  }
0x196: {  	v24 =	vld [tilespmem:s11+$0x20]  }
0x197: {  	v25 =	vld [tilespmem:s11+$0x30]  }
0x198: {  	v26 =	vld [tilespmem:s11+$0x40]  }
0x199: {  	v27 =	vld [tilespmem:s11+$0x50]  }
0x19a: {  	v28 =	vld [tilespmem:s11+$0x0]  }
0x19b: {  	v29 =	vld [tilespmem:s11+$0x60];
	s31 =	sshll.u32 s10, $0x7  }
0x19c: {  	v31 =	vld [tilespmem:s31+$0x1D980]  }
0x19d: {  	v33 =	vld [tilespmem:s31+$0x1D990]  }
0x19e: {  	v22 =	vadd.f32 @p0 v20, v22;
	v43 =	vld [tilespmem:s31+$0x1D9A0]  }
0x19f: {  	v20 =	vmax.f32 @p0 v21, v20;
	v14 =	vadd.f32 @p0 v19, v14;
	v16 =	vmax.f32 @p0 v16, v19;
	v46 =	vld [tilespmem:s31+$0x1D9B0]  }
0x1a0: {  	v12 =	vadd.f32 @p0 v17, v12;
	v15 =	vmax.f32 @p0 v15, v17;
	v20 =	vpsel p0, v20, v0;
	v48 =	vld [tilespmem:s31+$0x1D9C0]  }
0x1a1: {  	v10 =	vadd.f32 @p0 v5, v10;
	v5 =	vmax.f32 @p0 v6, v5;
	v51 =	vld [tilespmem:s31+$0x1D9D0];
	v44 =	vmax.f32 v20, v28  }
0x1a2: {  	v4 =	vadd.f32 v3, v4;
	v54 =	vld [tilespmem:s31+$0x1D9E0];
	v8 =	vmax.f32 v8, v23;
	v19 =	vmax.f32 v31, v44  }
0x1a3: {  	v16 =	vpsel p0, v16, v0;
	v57 =	vld [tilespmem:s31+$0x1C970];
	v9 =	vmax.f32 v9, v24;
	v8 =	vmax.f32 v33, v8;
	[tilespmem:s31+$0x1D980] =	vst v19  }
0x1a4: {  	v15 =	vpsel p0, v15, v0;
	v59 =	vld [tilespmem:s31+$0x1D9F0];
	v7 =	vmax.f32 v7, v25;
	v9 =	vmax.f32 v43, v9;
	[tilespmem:s31+$0x1D990] =	vst v8  }
0x1a5: {  	v30 =	vld [tilespmem:s31+$0x1C900];
	v60 =	vpsel p0, v5, v0;
	v56 =	vmax.f32 v16, v26;
	v7 =	vmax.f32 v46, v7;
	[tilespmem:s31+$0x1D9A0] =	vst v9  }
0x1a6: {  	v32 =	vld [tilespmem:s31+$0x1C910];
	v55 =	vpsel p0, v10, v1;
	v58 =	vmax.f32 v15, v27;
	v10 =	vmax.f32 v48, v56;
	[tilespmem:s31+$0x1D9B0] =	vst v7  }
0x1a7: {  	v42 =	vld [tilespmem:s31+$0x1C920];
	v22 =	vpsel p0, v22, v1;
	v0 =	vmax.f32 v60, v29;
	v61 =	vmax.f32 v51, v58;
	[tilespmem:s31+$0x1D9C0] =	vst v10  }
0x1a8: {  	v2 =	vmax.f32 v2, v3;
	v45 =	vld [tilespmem:s31+$0x1C930];
	v22 =	vadd.f32 v28, v22;
	v0 =	vmax.f32 v54, v0;
	[tilespmem:s31+$0x1D9D0] =	vst v61  }
0x1a9: {  	v47 =	vld [tilespmem:s31+$0x1C940];
	v18 =	vadd.f32 v23, v18;
	v62 =	vadd.f32 v57, v4;
	v63 =	vmax.f32 v59, v2;
	[tilespmem:s31+$0x1D9E0] =	vst v0  }
0x1aa: {  	v49 =	vld [tilespmem:s31+$0x1C950];
	v13 =	vadd.f32 v24, v13;
	v22 =	vadd.f32 v30, v22;
	[tilespmem:s31+$0x1D9F0] =	vst v63  }
0x1ab: {  	v52 =	vld [tilespmem:s31+$0x1C960];
	v14 =	vpsel p0, v14, v1;
	v11 =	vadd.f32 v25, v11;
	v18 =	vadd.f32 v32, v18;
	[tilespmem:s31+$0x1C970] =	vst v62  }
0x1ac: {  	v12 =	vpsel p0, v12, v1;
	v50 =	vadd.f32 v26, v14;
	v13 =	vadd.f32 v42, v13;
	[tilespmem:s31+$0x1C900] =	vst v22  }
0x1ad: {  	v12 =	vadd.f32 v27, v12;
	v11 =	vadd.f32 v45, v11;
	[tilespmem:s31+$0x1C910] =	vst v18  }
0x1ae: {  	v1 =	vadd.f32 v29, v55;
	v53 =	vadd.f32 v47, v50;
	[tilespmem:s31+$0x1C920] =	vst v13  }
0x1af: {  	v8 =	vadd.f32 v49, v12;
	[tilespmem:s31+$0x1C930] =	vst v11  }
0x1b0: {  	v1 =	vadd.f32 v52, v1;
	[tilespmem:s31+$0x1C940] =	vst v53  }
0x1b1: {  	[tilespmem:s31+$0x1C950] =	vst v8  }
0x1b2: {  	[tilespmem:s31+$0x1C960] =	vst v1  }
.LBB2_43:
0x1b3: {  	p0 =	sne.s32 s10, s9  }
.Ltmp32:
0x1b4: {  	_ = 	snop;
	(pc) =	sbr.rel @!p0 .LBB2_44-.Ltmp32, $3  }
0x1b5: {  	_ =	sdelay $0x1  }
0x1b6: {  	s11 =	sadd.s32 $0x1, s10  }
0x1b7: {  	s10 =	smov.u32 s11  }
.LBB2_36:
0x1b8: {  	s11 =	sld [smem:s10+$0x0]  }
0x1b9: {  	s12 =	sld [smem:s10+$0x1];
	_ =	sdelay $0x2  }
0x1ba: {  	p0 =	sgt.s32 s11, $0x540;
	p1 =	slt.s32 s12, $0x700  }
0x1bb: {  	s11 =	simm.s32 @!p0 $0x540;
	s12 =	simm.s32 @!p1 $0x700  }
0x1bc: {  	s13 =	sadd.s32 $0xFFFFFAC0, s11;
	s14 =	sadd.s32 $0xFFFFFAC0, s12  }
0x1bd: {  	p0 =	sge.s32 s13, s14  }
.Ltmp33:
0x1be: {  	_ = 	snop;
	(pc) =	sbr.rel @p0 .LBB2_43-.Ltmp33, $1  }
0x1bf: {  	_ =	sdelay $0x3  }
0x1c0: {  	s12 =	ssub.s32 s12, s11  }
0x1c1: {  	p1 =	sne.s32 s12, $0x1  }
.Ltmp34:
0x1c2: {  	_ = 	snop;
	(pc) =	sbr.rel @!p1 .LBB2_38-.Ltmp34, $4  }
0x1c3: {  	s13 =	sshll.u32 s11, $0x9  }
0x1c4: {  	s31 =	sshra.s32 s13, $0x2  }
0x1c5: {  	s11 =	sadd.s32 $0xFFFE4900, s31  }
0x1c6: {  	v1 =	vimm.f32 $0.0e+00;
	v0 =	vimm.f32 $-Inf;
	p0 =	por $0x0, $0x0;
	s12 =	sadd.s32 $0xFFFFFFFF, s12;
	v3 =	vld [tilespmem:s11+$0x70]  }
0x1c7: {  	v5 =	vld [tilespmem:s11+$0x10]  }
0x1c8: {  	v6 =	vld [tilespmem:s11+$0x20]  }
0x1c9: {  	v7 =	vld [tilespmem:s11+$0x30];
	v14 =	vimm.f32 $0.0e+00;
	p1 =	sne.s32 s12, $0x1  }
.Ltmp35:
0x1ca: {  	v19 =	vld [tilespmem:s11+$0x40];
	v16 =	vimm.f32 $-Inf;
	v12 =	vimm.f32 $0.0e+00;
	v15 =	vimm.f32 $-Inf;
	(pc) =	sbr.rel @!p1 .LBB2_40-.Ltmp35, $4  }
0x1cb: {  	v17 =	vld [tilespmem:s11+$0x50];
	v10 =	vimm.f32 $0.0e+00;
	v22 =	vimm.f32 $0.0e+00;
	v21 =	vimm.f32 $-Inf  }
0x1cc: {  	v4 =	vadd.f32 v3, v1;
	v18 =	vadd.f32 v5, v1;
	v8 =	vmax.f32 v0, v5;
	v5 =	vld [tilespmem:s11+$0x60]  }
0x1cd: {  	v20 =	vld [tilespmem:s11+$0x0];
	v2 =	vmax.f32 v0, v3;
	v13 =	vadd.f32 v6, v1;
	v9 =	vmax.f32 v0, v6;
	s11 =	sadd.s32 $0x80, s11  }
0x1ce: {  	s12 =	sadd.s32 $0xFFFFFFFF, s12;
	p0 =	por $0x1, $0x1;
	v11 =	vadd.f32 v7, v1;
	v7 =	vmax.f32 v0, v7;
	v6 =	vimm.f32 $-Inf;
	v3 =	vld [tilespmem:s11+$0x70]  }
.LBB2_41:
0x1cf: {  	p1 =	sne.s32 s12, $0x1;
	v23 =	vld [tilespmem:s11+$0x10];
	v14 =	vadd.f32 v19, v14;
	v16 =	vmax.f32 v16, v19  }
0x1d0: {  	v12 =	vadd.f32 v17, v12;
	v15 =	vmax.f32 v15, v17;
	v24 =	vld [tilespmem:s11+$0x20]  }
0x1d1: {  	v10 =	vadd.f32 v5, v10;
	v6 =	vmax.f32 v6, v5;
	v25 =	vld [tilespmem:s11+$0x30]  }
.Ltmp36:
0x1d2: {  	v22 =	vadd.f32 v20, v22;
	v21 =	vmax.f32 v21, v20;
	v19 =	vld [tilespmem:s11+$0x40];
	(pc) =	sbr.rel @p1 .LBB2_41-.Ltmp36, $4  }
0x1d3: {  	v4 =	vadd.f32 v3, v4;
	v2 =	vmax.f32 v2, v3;
	v17 =	vld [tilespmem:s11+$0x50]  }
0x1d4: {  	v5 =	vld [tilespmem:s11+$0x60];
	v18 =	vadd.f32 v23, v18;
	v8 =	vmax.f32 v8, v23  }
0x1d5: {  	v20 =	vld [tilespmem:s11+$0x0];
	v13 =	vadd.f32 v24, v13;
	v9 =	vmax.f32 v9, v24;
	s11 =	sadd.s32 $0x80, s11  }
0x1d6: {  	s12 =	sadd.s32 $0xFFFFFFFF, s12;
	v3 =	vld [tilespmem:s11+$0x70];
	v11 =	vadd.f32 v25, v11;
	v7 =	vmax.f32 v7, v25  }
.Ltmp37:
0x1d7: {  	_ = 	snop;
	(pc) =	sbr.rel .LBB2_42-.Ltmp37, $1  }
0x1d8: {  	_ =	sdelay $0x3  }
.LBB2_40:
.Ltmp38:
0x1d9: {  	(pc) =	sbr.rel .LBB2_42-.Ltmp38, $4  }
0x1da: {  	_ = 	snop  }
0x1db: {  	v14 =	vimm.f32 $0.0e+00;
	v16 =	vimm.f32 $-Inf  }
0x1dc: {  	v12 =	vimm.f32 $0.0e+00;
	v15 =	vimm.f32 $-Inf;
	v10 =	vimm.f32 $0.0e+00  }
0x1dd: {  	v6 =	vimm.f32 $-Inf;
	v22 =	vimm.f32 $0.0e+00;
	v21 =	vimm.f32 $-Inf  }
.LBB2_47:
0x1de: {  	v14 =	vimm.f32 $0.0e+00  }
0x1df: {  	v16 =	vimm.f32 $-Inf;
	v12 =	vimm.f32 $0.0e+00;
	v15 =	vimm.f32 $-Inf  }
0x1e0: {  	v10 =	vimm.f32 $0.0e+00;
	v6 =	vimm.f32 $-Inf;
	v22 =	vimm.f32 $0.0e+00  }
0x1e1: {  	v21 =	vimm.f32 $-Inf;
	v4 =	vimm.f32 $0.0e+00;
	v2 =	vimm.f32 $-Inf  }
0x1e2: {  	v18 =	vimm.f32 $0.0e+00;
	v8 =	vimm.f32 $-Inf;
	v13 =	vimm.f32 $0.0e+00  }
0x1e3: {  	v9 =	vimm.f32 $-Inf;
	v11 =	vimm.f32 $0.0e+00;
	v7 =	vimm.f32 $-Inf  }
.LBB2_51:
0x1e4: {  	v23 =	vld [tilespmem:s10+$0x10]  }
0x1e5: {  	v24 =	vld [tilespmem:s10+$0x20]  }
0x1e6: {  	v25 =	vld [tilespmem:s10+$0x30]  }
0x1e7: {  	v26 =	vld [tilespmem:s10+$0x40]  }
0x1e8: {  	v27 =	vld [tilespmem:s10+$0x50]  }
0x1e9: {  	v28 =	vld [tilespmem:s10+$0x0]  }
0x1ea: {  	v29 =	vld [tilespmem:s10+$0x60];
	s31 =	sshll.u32 s9, $0x7  }
0x1eb: {  	v31 =	vld [tilespmem:s31+$0x1D980]  }
0x1ec: {  	v33 =	vld [tilespmem:s31+$0x1D990]  }
0x1ed: {  	v22 =	vadd.f32 @p0 v20, v22;
	v43 =	vld [tilespmem:s31+$0x1D9A0]  }
0x1ee: {  	v20 =	vmax.f32 @p0 v21, v20;
	v14 =	vadd.f32 @p0 v19, v14;
	v16 =	vmax.f32 @p0 v16, v19;
	v46 =	vld [tilespmem:s31+$0x1D9B0]  }
0x1ef: {  	v12 =	vadd.f32 @p0 v17, v12;
	v15 =	vmax.f32 @p0 v15, v17;
	v20 =	vpsel p0, v20, v0;
	v48 =	vld [tilespmem:s31+$0x1D9C0]  }
0x1f0: {  	v10 =	vadd.f32 @p0 v5, v10;
	v5 =	vmax.f32 @p0 v6, v5;
	v51 =	vld [tilespmem:s31+$0x1D9D0];
	v44 =	vmax.f32 v20, v28  }
0x1f1: {  	v4 =	vadd.f32 v3, v4;
	v54 =	vld [tilespmem:s31+$0x1D9E0];
	v8 =	vmax.f32 v8, v23;
	v19 =	vmax.f32 v31, v44  }
0x1f2: {  	v16 =	vpsel p0, v16, v0;
	v57 =	vld [tilespmem:s31+$0x1C970];
	v9 =	vmax.f32 v9, v24;
	v8 =	vmax.f32 v33, v8;
	[tilespmem:s31+$0x1D980] =	vst v19  }
0x1f3: {  	v15 =	vpsel p0, v15, v0;
	v59 =	vld [tilespmem:s31+$0x1D9F0];
	v7 =	vmax.f32 v7, v25;
	v9 =	vmax.f32 v43, v9;
	[tilespmem:s31+$0x1D990] =	vst v8  }
0x1f4: {  	v30 =	vld [tilespmem:s31+$0x1C900];
	v60 =	vpsel p0, v5, v0;
	v56 =	vmax.f32 v16, v26;
	v7 =	vmax.f32 v46, v7;
	[tilespmem:s31+$0x1D9A0] =	vst v9  }
0x1f5: {  	v32 =	vld [tilespmem:s31+$0x1C910];
	v55 =	vpsel p0, v10, v1;
	v58 =	vmax.f32 v15, v27;
	v10 =	vmax.f32 v48, v56;
	[tilespmem:s31+$0x1D9B0] =	vst v7  }
0x1f6: {  	v42 =	vld [tilespmem:s31+$0x1C920];
	v22 =	vpsel p0, v22, v1;
	v0 =	vmax.f32 v60, v29;
	v61 =	vmax.f32 v51, v58;
	[tilespmem:s31+$0x1D9C0] =	vst v10  }
0x1f7: {  	v2 =	vmax.f32 v2, v3;
	v45 =	vld [tilespmem:s31+$0x1C930];
	v22 =	vadd.f32 v28, v22;
	v0 =	vmax.f32 v54, v0;
	[tilespmem:s31+$0x1D9D0] =	vst v61  }
0x1f8: {  	v47 =	vld [tilespmem:s31+$0x1C940];
	v18 =	vadd.f32 v23, v18;
	v62 =	vadd.f32 v57, v4;
	v63 =	vmax.f32 v59, v2;
	[tilespmem:s31+$0x1D9E0] =	vst v0  }
0x1f9: {  	v49 =	vld [tilespmem:s31+$0x1C950];
	v13 =	vadd.f32 v24, v13;
	v22 =	vadd.f32 v30, v22;
	[tilespmem:s31+$0x1D9F0] =	vst v63  }
0x1fa: {  	v52 =	vld [tilespmem:s31+$0x1C960];
	v14 =	vpsel p0, v14, v1;
	v11 =	vadd.f32 v25, v11;
	v18 =	vadd.f32 v32, v18;
	[tilespmem:s31+$0x1C970] =	vst v62  }
0x1fb: {  	v12 =	vpsel p0, v12, v1;
	v50 =	vadd.f32 v26, v14;
	v13 =	vadd.f32 v42, v13;
	[tilespmem:s31+$0x1C900] =	vst v22  }
0x1fc: {  	v12 =	vadd.f32 v27, v12;
	v11 =	vadd.f32 v45, v11;
	[tilespmem:s31+$0x1C910] =	vst v18  }
0x1fd: {  	v1 =	vadd.f32 v29, v55;
	v53 =	vadd.f32 v47, v50;
	[tilespmem:s31+$0x1C920] =	vst v13  }
0x1fe: {  	v8 =	vadd.f32 v49, v12;
	[tilespmem:s31+$0x1C930] =	vst v11  }
0x1ff: {  	v1 =	vadd.f32 v52, v1;
	[tilespmem:s31+$0x1C940] =	vst v53  }
0x200: {  	[tilespmem:s31+$0x1C950] =	vst v8  }
0x201: {  	[tilespmem:s31+$0x1C960] =	vst v1  }
.LBB2_52:
0x202: {  	p0 =	sne.s32 s9, s8  }
.Ltmp39:
0x203: {  	_ = 	snop;
	(pc) =	sbr.rel @!p0 .LBB2_53-.Ltmp39, $3  }
0x204: {  	_ =	sdelay $0x1  }
0x205: {  	s10 =	sadd.s32 $0x1, s9  }
0x206: {  	s9 =	smov.u32 s10  }
.LBB2_45:
0x207: {  	s10 =	sld [smem:s9+$0x0]  }
0x208: {  	s11 =	sld [smem:s9+$0x1];
	_ =	sdelay $0x2  }
0x209: {  	p0 =	sgt.s32 s10, $0x700;
	p1 =	slt.s32 s11, $0x8C0  }
0x20a: {  	s10 =	simm.s32 @!p0 $0x700;
	s11 =	simm.s32 @!p1 $0x8C0  }
0x20b: {  	s12 =	sadd.s32 $0xFFFFF900, s10;
	s13 =	sadd.s32 $0xFFFFF900, s11  }
0x20c: {  	p0 =	sge.s32 s12, s13  }
.Ltmp40:
0x20d: {  	_ = 	snop;
	(pc) =	sbr.rel @p0 .LBB2_52-.Ltmp40, $1  }
0x20e: {  	_ =	sdelay $0x3  }
0x20f: {  	s11 =	ssub.s32 s11, s10  }
0x210: {  	p1 =	sne.s32 s11, $0x1  }
.Ltmp41:
0x211: {  	_ = 	snop;
	(pc) =	sbr.rel @!p1 .LBB2_47-.Ltmp41, $4  }
0x212: {  	s12 =	sshll.u32 s10, $0x9  }
0x213: {  	s31 =	sshra.s32 s12, $0x2  }
0x214: {  	s10 =	sadd.s32 $0xFFFC8900, s31  }
0x215: {  	v1 =	vimm.f32 $0.0e+00;
	v0 =	vimm.f32 $-Inf;
	p0 =	por $0x0, $0x0;
	s11 =	sadd.s32 $0xFFFFFFFF, s11;
	v3 =	vld [tilespmem:s10+$0x70]  }
0x216: {  	v5 =	vld [tilespmem:s10+$0x10]  }
0x217: {  	v6 =	vld [tilespmem:s10+$0x20]  }
0x218: {  	v7 =	vld [tilespmem:s10+$0x30];
	v14 =	vimm.f32 $0.0e+00;
	p1 =	sne.s32 s11, $0x1  }
.Ltmp42:
0x219: {  	v19 =	vld [tilespmem:s10+$0x40];
	v16 =	vimm.f32 $-Inf;
	v12 =	vimm.f32 $0.0e+00;
	v15 =	vimm.f32 $-Inf;
	(pc) =	sbr.rel @!p1 .LBB2_49-.Ltmp42, $4  }
0x21a: {  	v17 =	vld [tilespmem:s10+$0x50];
	v10 =	vimm.f32 $0.0e+00;
	v22 =	vimm.f32 $0.0e+00;
	v21 =	vimm.f32 $-Inf  }
0x21b: {  	v4 =	vadd.f32 v3, v1;
	v18 =	vadd.f32 v5, v1;
	v8 =	vmax.f32 v0, v5;
	v5 =	vld [tilespmem:s10+$0x60]  }
0x21c: {  	v20 =	vld [tilespmem:s10+$0x0];
	v2 =	vmax.f32 v0, v3;
	v13 =	vadd.f32 v6, v1;
	v9 =	vmax.f32 v0, v6;
	s10 =	sadd.s32 $0x80, s10  }
0x21d: {  	s11 =	sadd.s32 $0xFFFFFFFF, s11;
	p0 =	por $0x1, $0x1;
	v11 =	vadd.f32 v7, v1;
	v7 =	vmax.f32 v0, v7;
	v6 =	vimm.f32 $-Inf;
	v3 =	vld [tilespmem:s10+$0x70]  }
.LBB2_50:
0x21e: {  	p1 =	sne.s32 s11, $0x1;
	v23 =	vld [tilespmem:s10+$0x10];
	v14 =	vadd.f32 v19, v14;
	v16 =	vmax.f32 v16, v19  }
0x21f: {  	v12 =	vadd.f32 v17, v12;
	v15 =	vmax.f32 v15, v17;
	v24 =	vld [tilespmem:s10+$0x20]  }
0x220: {  	v10 =	vadd.f32 v5, v10;
	v6 =	vmax.f32 v6, v5;
	v25 =	vld [tilespmem:s10+$0x30]  }
.Ltmp43:
0x221: {  	v22 =	vadd.f32 v20, v22;
	v21 =	vmax.f32 v21, v20;
	v19 =	vld [tilespmem:s10+$0x40];
	(pc) =	sbr.rel @p1 .LBB2_50-.Ltmp43, $4  }
0x222: {  	v4 =	vadd.f32 v3, v4;
	v2 =	vmax.f32 v2, v3;
	v17 =	vld [tilespmem:s10+$0x50]  }
0x223: {  	v5 =	vld [tilespmem:s10+$0x60];
	v18 =	vadd.f32 v23, v18;
	v8 =	vmax.f32 v8, v23  }
0x224: {  	v20 =	vld [tilespmem:s10+$0x0];
	v13 =	vadd.f32 v24, v13;
	v9 =	vmax.f32 v9, v24;
	s10 =	sadd.s32 $0x80, s10  }
0x225: {  	s11 =	sadd.s32 $0xFFFFFFFF, s11;
	v3 =	vld [tilespmem:s10+$0x70];
	v11 =	vadd.f32 v25, v11;
	v7 =	vmax.f32 v7, v25  }
.Ltmp44:
0x226: {  	_ = 	snop;
	(pc) =	sbr.rel .LBB2_51-.Ltmp44, $1  }
0x227: {  	_ =	sdelay $0x3  }
.LBB2_49:
.Ltmp45:
0x228: {  	(pc) =	sbr.rel .LBB2_51-.Ltmp45, $4  }
0x229: {  	_ = 	snop  }
0x22a: {  	v14 =	vimm.f32 $0.0e+00;
	v16 =	vimm.f32 $-Inf  }
0x22b: {  	v12 =	vimm.f32 $0.0e+00;
	v15 =	vimm.f32 $-Inf;
	v10 =	vimm.f32 $0.0e+00  }
0x22c: {  	v6 =	vimm.f32 $-Inf;
	v22 =	vimm.f32 $0.0e+00;
	v21 =	vimm.f32 $-Inf  }
.LBB2_57:
0x22d: {  	v14 =	vimm.f32 $0.0e+00  }
0x22e: {  	v16 =	vimm.f32 $-Inf;
	v12 =	vimm.f32 $0.0e+00;
	v15 =	vimm.f32 $-Inf  }
0x22f: {  	v10 =	vimm.f32 $0.0e+00;
	v6 =	vimm.f32 $-Inf;
	v22 =	vimm.f32 $0.0e+00  }
0x230: {  	v21 =	vimm.f32 $-Inf;
	v4 =	vimm.f32 $0.0e+00;
	v2 =	vimm.f32 $-Inf  }
0x231: {  	v18 =	vimm.f32 $0.0e+00;
	v8 =	vimm.f32 $-Inf;
	v13 =	vimm.f32 $0.0e+00  }
0x232: {  	v9 =	vimm.f32 $-Inf;
	v11 =	vimm.f32 $0.0e+00;
	v7 =	vimm.f32 $-Inf  }
.LBB2_61:
0x233: {  	v23 =	vld [tilespmem:s10+$0x10]  }
0x234: {  	v24 =	vld [tilespmem:s10+$0x20]  }
0x235: {  	v25 =	vld [tilespmem:s10+$0x30]  }
0x236: {  	v26 =	vld [tilespmem:s10+$0x40]  }
0x237: {  	v27 =	vld [tilespmem:s10+$0x50]  }
0x238: {  	v28 =	vld [tilespmem:s10+$0x0]  }
0x239: {  	v29 =	vld [tilespmem:s10+$0x60];
	s31 =	sshll.u32 s8, $0x7  }
0x23a: {  	v31 =	vld [tilespmem:s31+$0x1D980]  }
0x23b: {  	v33 =	vld [tilespmem:s31+$0x1D990]  }
0x23c: {  	v22 =	vadd.f32 @p0 v20, v22;
	v43 =	vld [tilespmem:s31+$0x1D9A0]  }
0x23d: {  	v20 =	vmax.f32 @p0 v21, v20;
	v14 =	vadd.f32 @p0 v19, v14;
	v16 =	vmax.f32 @p0 v16, v19;
	v46 =	vld [tilespmem:s31+$0x1D9B0]  }
0x23e: {  	v12 =	vadd.f32 @p0 v17, v12;
	v15 =	vmax.f32 @p0 v15, v17;
	v20 =	vpsel p0, v20, v0;
	v48 =	vld [tilespmem:s31+$0x1D9C0]  }
0x23f: {  	v10 =	vadd.f32 @p0 v5, v10;
	v5 =	vmax.f32 @p0 v6, v5;
	v51 =	vld [tilespmem:s31+$0x1D9D0];
	v44 =	vmax.f32 v20, v28  }
0x240: {  	v4 =	vadd.f32 v3, v4;
	v54 =	vld [tilespmem:s31+$0x1D9E0];
	v8 =	vmax.f32 v8, v23;
	v19 =	vmax.f32 v31, v44  }
0x241: {  	v16 =	vpsel p0, v16, v0;
	v57 =	vld [tilespmem:s31+$0x1C970];
	v9 =	vmax.f32 v9, v24;
	v8 =	vmax.f32 v33, v8;
	[tilespmem:s31+$0x1D980] =	vst v19  }
0x242: {  	v15 =	vpsel p0, v15, v0;
	v59 =	vld [tilespmem:s31+$0x1D9F0];
	v7 =	vmax.f32 v7, v25;
	v9 =	vmax.f32 v43, v9;
	[tilespmem:s31+$0x1D990] =	vst v8  }
0x243: {  	v30 =	vld [tilespmem:s31+$0x1C900];
	v60 =	vpsel p0, v5, v0;
	v56 =	vmax.f32 v16, v26;
	v7 =	vmax.f32 v46, v7;
	[tilespmem:s31+$0x1D9A0] =	vst v9  }
0x244: {  	v32 =	vld [tilespmem:s31+$0x1C910];
	v55 =	vpsel p0, v10, v1;
	v58 =	vmax.f32 v15, v27;
	v10 =	vmax.f32 v48, v56;
	[tilespmem:s31+$0x1D9B0] =	vst v7  }
0x245: {  	v42 =	vld [tilespmem:s31+$0x1C920];
	v22 =	vpsel p0, v22, v1;
	v0 =	vmax.f32 v60, v29;
	v61 =	vmax.f32 v51, v58;
	[tilespmem:s31+$0x1D9C0] =	vst v10  }
0x246: {  	v2 =	vmax.f32 v2, v3;
	v45 =	vld [tilespmem:s31+$0x1C930];
	v22 =	vadd.f32 v28, v22;
	v0 =	vmax.f32 v54, v0;
	[tilespmem:s31+$0x1D9D0] =	vst v61  }
0x247: {  	v47 =	vld [tilespmem:s31+$0x1C940];
	v18 =	vadd.f32 v23, v18;
	v62 =	vadd.f32 v57, v4;
	v63 =	vmax.f32 v59, v2;
	[tilespmem:s31+$0x1D9E0] =	vst v0  }
0x248: {  	v49 =	vld [tilespmem:s31+$0x1C950];
	v13 =	vadd.f32 v24, v13;
	v22 =	vadd.f32 v30, v22;
	[tilespmem:s31+$0x1D9F0] =	vst v63  }
0x249: {  	v52 =	vld [tilespmem:s31+$0x1C960];
	v14 =	vpsel p0, v14, v1;
	v11 =	vadd.f32 v25, v11;
	v18 =	vadd.f32 v32, v18;
	[tilespmem:s31+$0x1C970] =	vst v62  }
0x24a: {  	v12 =	vpsel p0, v12, v1;
	v50 =	vadd.f32 v26, v14;
	v13 =	vadd.f32 v42, v13;
	[tilespmem:s31+$0x1C900] =	vst v22  }
0x24b: {  	v12 =	vadd.f32 v27, v12;
	v11 =	vadd.f32 v45, v11;
	[tilespmem:s31+$0x1C910] =	vst v18  }
0x24c: {  	v1 =	vadd.f32 v29, v55;
	v53 =	vadd.f32 v47, v50;
	[tilespmem:s31+$0x1C920] =	vst v13  }
0x24d: {  	v8 =	vadd.f32 v49, v12;
	[tilespmem:s31+$0x1C930] =	vst v11  }
0x24e: {  	v1 =	vadd.f32 v52, v1;
	[tilespmem:s31+$0x1C940] =	vst v53  }
0x24f: {  	[tilespmem:s31+$0x1C950] =	vst v8  }
0x250: {  	[tilespmem:s31+$0x1C960] =	vst v1  }
.LBB2_62:
0x251: {  	p0 =	sne.s32 s8, s7  }
.Ltmp46:
0x252: {  	_ = 	snop;
	(pc) =	sbr.rel @!p0 .LBB2_63-.Ltmp46, $3  }
0x253: {  	_ =	sdelay $0x1  }
0x254: {  	s10 =	sadd.s32 $0x1, s8  }
0x255: {  	s8 =	smov.u32 s10  }
.LBB2_55:
0x256: {  	s10 =	sld [smem:s8+$0x0]  }
0x257: {  	s12 =	sld [smem:s8+$0x1];
	_ =	sdelay $0x2  }
0x258: {  	s11 =	smov.u32 s2;
	p0 =	sgt.s32 s10, $0x8C0;
	p1 =	slt.s32 s12, s2  }
0x259: {  	s10 =	simm.s32 @!p0 $0x8C0;
	s11 =	smov.u32 @p1 s12  }
0x25a: {  	s31 =	ssub.s32 s10, s3;
	s13 =	ssub.s32 s11, s3  }
0x25b: {  	p0 =	sge.s32 s31, s13  }
.Ltmp47:
0x25c: {  	_ = 	snop;
	(pc) =	sbr.rel @p0 .LBB2_62-.Ltmp47, $1  }
0x25d: {  	_ =	sdelay $0x3  }
0x25e: {  	s11 =	ssub.s32 s11, s10  }
0x25f: {  	p1 =	sne.s32 s11, $0x1  }
.Ltmp48:
0x260: {  	_ = 	snop;
	(pc) =	sbr.rel @!p1 .LBB2_57-.Ltmp48, $4  }
0x261: {  	s12 =	sshll.u32 s10, $0x9  }
0x262: {  	s31 =	sshra.s32 s12, $0x2  }
0x263: {  	s10 =	sadd.s32 s31, s9  }
0x264: {  	v1 =	vimm.f32 $0.0e+00;
	v0 =	vimm.f32 $-Inf;
	p0 =	por $0x0, $0x0;
	s11 =	sadd.s32 $0xFFFFFFFF, s11;
	v3 =	vld [tilespmem:s10+$0x70]  }
0x265: {  	v5 =	vld [tilespmem:s10+$0x10]  }
0x266: {  	v6 =	vld [tilespmem:s10+$0x20]  }
0x267: {  	v7 =	vld [tilespmem:s10+$0x30];
	v14 =	vimm.f32 $0.0e+00;
	p1 =	sne.s32 s11, $0x1  }
.Ltmp49:
0x268: {  	v19 =	vld [tilespmem:s10+$0x40];
	v16 =	vimm.f32 $-Inf;
	v12 =	vimm.f32 $0.0e+00;
	v15 =	vimm.f32 $-Inf;
	(pc) =	sbr.rel @!p1 .LBB2_59-.Ltmp49, $4  }
0x269: {  	v17 =	vld [tilespmem:s10+$0x50];
	v10 =	vimm.f32 $0.0e+00;
	v22 =	vimm.f32 $0.0e+00;
	v21 =	vimm.f32 $-Inf  }
0x26a: {  	v4 =	vadd.f32 v3, v1;
	v18 =	vadd.f32 v5, v1;
	v8 =	vmax.f32 v0, v5;
	v5 =	vld [tilespmem:s10+$0x60]  }
0x26b: {  	v20 =	vld [tilespmem:s10+$0x0];
	v2 =	vmax.f32 v0, v3;
	v13 =	vadd.f32 v6, v1;
	v9 =	vmax.f32 v0, v6;
	s10 =	sadd.s32 $0x80, s10  }
0x26c: {  	s11 =	sadd.s32 $0xFFFFFFFF, s11;
	p0 =	por $0x1, $0x1;
	v11 =	vadd.f32 v7, v1;
	v7 =	vmax.f32 v0, v7;
	v6 =	vimm.f32 $-Inf;
	v3 =	vld [tilespmem:s10+$0x70]  }
.LBB2_60:
0x26d: {  	p1 =	sne.s32 s11, $0x1;
	v23 =	vld [tilespmem:s10+$0x10];
	v14 =	vadd.f32 v19, v14;
	v16 =	vmax.f32 v16, v19  }
0x26e: {  	v12 =	vadd.f32 v17, v12;
	v15 =	vmax.f32 v15, v17;
	v24 =	vld [tilespmem:s10+$0x20]  }
0x26f: {  	v10 =	vadd.f32 v5, v10;
	v6 =	vmax.f32 v6, v5;
	v25 =	vld [tilespmem:s10+$0x30]  }
.Ltmp50:
0x270: {  	v22 =	vadd.f32 v20, v22;
	v21 =	vmax.f32 v21, v20;
	v19 =	vld [tilespmem:s10+$0x40];
	(pc) =	sbr.rel @p1 .LBB2_60-.Ltmp50, $4  }
0x271: {  	v4 =	vadd.f32 v3, v4;
	v2 =	vmax.f32 v2, v3;
	v17 =	vld [tilespmem:s10+$0x50]  }
0x272: {  	v5 =	vld [tilespmem:s10+$0x60];
	v18 =	vadd.f32 v23, v18;
	v8 =	vmax.f32 v8, v23  }
0x273: {  	v20 =	vld [tilespmem:s10+$0x0];
	v13 =	vadd.f32 v24, v13;
	v9 =	vmax.f32 v9, v24;
	s10 =	sadd.s32 $0x80, s10  }
0x274: {  	s11 =	sadd.s32 $0xFFFFFFFF, s11;
	v3 =	vld [tilespmem:s10+$0x70];
	v11 =	vadd.f32 v25, v11;
	v7 =	vmax.f32 v7, v25  }
.Ltmp51:
0x275: {  	_ = 	snop;
	(pc) =	sbr.rel .LBB2_61-.Ltmp51, $1  }
0x276: {  	_ =	sdelay $0x3  }
.LBB2_59:
.Ltmp52:
0x277: {  	(pc) =	sbr.rel .LBB2_61-.Ltmp52, $4  }
0x278: {  	_ = 	snop  }
0x279: {  	v14 =	vimm.f32 $0.0e+00;
	v16 =	vimm.f32 $-Inf  }
0x27a: {  	v12 =	vimm.f32 $0.0e+00;
	v15 =	vimm.f32 $-Inf;
	v10 =	vimm.f32 $0.0e+00  }
0x27b: {  	v6 =	vimm.f32 $-Inf;
	v22 =	vimm.f32 $0.0e+00;
	v21 =	vimm.f32 $-Inf  }
.LBB2_63:
0x27c: {  	s2 =	simm.s32 $0x80;
	s3 =	simm.s32 $0x400;
	s7 =	simm.s32 $0x1C900  }
0x27d: {  	[hbm4b:s4+s2] =	stream.strided.scatter [tilespmem:s7], [sflag:$0x1], $0x1080, s3, s2, $0x38;
	[tilespmem:$0x1EC80] =	vst v63  }
0x27e: {  	s29 =	simm.s32 $0x1D980  }
0x27f: {  	[hbm4b:s6+s2] =	stream.strided.scatter [tilespmem:s29], [sflag:$0x1], $0x1080, s3, s2, $0x38;
	[tilespmem:$0x1EC80] =	vst v63  }
0x280: {  	s30 =	simm.s32 $0x1EA00;
	s31 =	simm.s32 $0x1  }
0x281: {  	[hbm4b:s5+s2] =	stream.strided.scatter [tilespmem:s30], [sflag:$0x1], $0x280, s3, s2, $0x38;
	[tilespmem:$0x1EC80] =	vst v63  }
0x282: {  	_ =	swait.ge [sflag:s31], $0x1080  }
0x283: {  	[sflag:s31] =	ssyncset.done $0x0  }
0x284: {  	[sflag:s31] =	ssyncadd.s32 $0xFFFFEF80  }
0x285: {  	_ =	swait.ge [sflag:s31], $0x1080  }
0x286: {  	[sflag:s31] =	ssyncset.done $0x0  }
0x287: {  	[sflag:s31] =	ssyncadd.s32 $0xFFFFEF80  }
0x288: {  	_ =	swait.ge [sflag:s31], $0x280  }
0x289: {  	[sflag:s31] =	ssyncset.done $0x0  }
0x28a: {  	[sflag:s31] =	ssyncadd.s32 $0xFFFFFD80  }
0x28b: {  	_ =	sfence.sel $0x180000  }
0x28c: {  	[bflag:$0x0] =	sbarrier.arrive $0xFFFF  }
0x28d: {  	p0 =	sne.s32 s1, $0x0;
	_ =	strace $0x90000047  }
0x28e: {  	s0 =	sadd.s32 @!p0 $0x100000, s0;
	[bflag:$0x2] =	sbarrier.arrive $0xFFFF  }
0x28f: {  	[sflag:s0] =	ssyncadd.tile.s32 @!p0 $0x1;
	_ =	shalt  }
.Lfunc_end2:
_tile_overlayer_lowered:
.L_overlay_start_2:
0x290: {  	(tag) =	ssettag $0x2  }
0x291: {  	s0 =	rddreg [dreg:$0x0];
	s2 =	stileid.u32  }
0x292: {  	s1 =	rddreg [dreg:$0x1];
	p0 =	sne.s32 s2, $0x0  }
0x293: {  	s3 =	rddreg [dreg:$0x2];
	[bflag:$0x3] =	sbarrier.arrive $0xFFFF;
	s2 =	simm.s32 @!p0 $0x1C03  }
0x294: {  	[timem:s3], [sflag:s2] =	dma.local @!p0 [hbm:s0], s1  }
0x295: {  	s0 =	simm.s32 @!p0 $0x3  }
0x296: {  	_ =	swait.ge @!p0 [sflag:s0], s1  }
0x297: {  	s1 =	ssub.s32 @!p0 $0x0, s1;
	[sflag:s0] =	ssyncset.done @!p0 $0x0  }
0x298: {  	[sflag:s0] =	ssyncadd.s32 @!p0 s1  }
0x299: {  	[bflag:$0x3] =	sbarrier.arrive $0xFFFF  }
0x29a: {  	_ =	shalt  }

</sc_bundles>
